<compile_context>
chip_gen: v7x
topology: tpu7x:2x2x1
jax: 0.10.2.dev20260603
libtpu: 0.0.44.dev20260713+nightly
codegen_flags: <defaults>
</compile_context>

<pallas_src>
import functools

import jax
import jax.numpy as jnp
from jax import lax
from jax.experimental import pallas as pl
from jax.experimental.pallas import tpu as pltpu
from jax.experimental.pallas import tpu_sc as plsc

N = 10000
E = 320000
NC, NS = 2, 16
NW = NC * NS
E_PER_TILE = E // NW
E_PAD_TILE = 10240
ACC_ROWS = N + 16
ROWS_PER_TILE = 624
TAIL_ROWS = N - NS * ROWS_PER_TILE

_SELU_ALPHA = 1.6732632423543772
_SELU_SCALE = 1.0507009873554805


def _mesh():
    return plsc.VectorSubcoreMesh(core_axis_name="c", subcore_axis_name="s")


@functools.partial(
    pl.kernel,
    out_type=(jax.ShapeDtypeStruct((NW, N), jnp.float32),
              jax.ShapeDtypeStruct((NW, N), jnp.float32)),
    mesh=_mesh(),
    scratch_types=[
        pltpu.VMEM((E_PER_TILE,), jnp.int32),
        pltpu.VMEM((E_PER_TILE,), jnp.int32),
        pltpu.VMEM((N,), jnp.float32),
        pltpu.VMEM((N,), jnp.float32),
    ],
    compiler_params=pltpu.CompilerParams(needs_layout_passes=False),
)
def _sc_degrees(src_hbm, dst_hbm, degs_out, degd_out, sidx, didx, hs, hd):
    wid = lax.axis_index("s") * NC + lax.axis_index("c")
    base = wid * E_PER_TILE
    pltpu.sync_copy(src_hbm.at[pl.ds(base, E_PER_TILE)], sidx)
    pltpu.sync_copy(dst_hbm.at[pl.ds(base, E_PER_TILE)], didx)
    zeros16 = jnp.zeros((16,), jnp.float32)

    @pl.loop(0, N // 16)
    def _zero(i):
        hs[pl.ds(i * 16, 16)] = zeros16
        hd[pl.ds(i * 16, 16)] = zeros16

    @pl.loop(0, E_PER_TILE // 16)
    def _acc(g):
        si = sidx[pl.ds(g * 16, 16)]
        cnt_s, last_s = plsc.scan_count(si)
        plsc.addupdate_scatter(hs, [si], cnt_s.astype(jnp.float32),
                               mask=last_s)
        di = didx[pl.ds(g * 16, 16)]
        cnt_d, last_d = plsc.scan_count(di)
        plsc.addupdate_scatter(hd, [di], cnt_d.astype(jnp.float32),
                               mask=last_d)

    pltpu.sync_copy(hs, degs_out.at[wid])
    pltpu.sync_copy(hd, degd_out.at[wid])




def _make_sc_aggregate(D, chunk, nbuf, zrows, spmem_src=False):
    n_chunks = E_PAD_TILE // chunk

    @functools.partial(
        pl.kernel,
        out_type=jax.ShapeDtypeStruct((NC, N, D), jnp.float32),
        mesh=_mesh(),
        compiler_params=(None if D == 128 else
                         pltpu.CompilerParams(use_tc_tiling_on_sc=False)),
        scratch_types=[
            pltpu.VMEM((E_PAD_TILE,), jnp.int32),
            [pltpu.VMEM((chunk,), jnp.int32) for _ in range(nbuf)],
            [pltpu.VMEM((chunk, D), jnp.float32) for _ in range(nbuf)],
            pltpu.VMEM((zrows, D), jnp.float32),
            pltpu.VMEM_SHARED((ACC_ROWS, D), jnp.float32),
            (pltpu.VMEM_SHARED((ACC_ROWS, D), jnp.float32) if spmem_src
             else pltpu.VMEM((8,), jnp.float32)),
            [pltpu.SemaphoreType.DMA for _ in range(nbuf)],
            [pltpu.SemaphoreType.DMA for _ in range(nbuf)],
            pltpu.SemaphoreType.DMA,
        ],
    )
    def agg(h_hbm, src_hbm, dst_hbm, out_hbm,
            sidx, didx, rows, stage, acc, h_sp, gsem, dsem, ssem):
        c = lax.axis_index("c")
        s = lax.axis_index("s")
        wid = s * NC + c
        zeros16 = jnp.zeros((16,), jnp.float32)
        h_src = h_sp if spmem_src else h_hbm

        ebase = wid * E_PAD_TILE
        pltpu.sync_copy(src_hbm.at[pl.ds(ebase, E_PAD_TILE)], sidx)

        for b in range(nbuf):
            if not spmem_src:
                pltpu.async_copy(h_hbm.at[sidx.at[pl.ds(b * chunk, chunk)]],
                                 rows[b], gsem[b])
            pltpu.async_copy(dst_hbm.at[pl.ds(ebase + b * chunk, chunk)],
                             didx[b], dsem[b])

        @pl.loop(0, zrows)
        def _zstage(r):
            for j in range(D // 16):
                stage[r, pl.ds(j * 16, 16)] = zeros16

        row0 = s * ROWS_PER_TILE
        for i in range(ROWS_PER_TILE // zrows):
            pltpu.sync_copy(stage, acc.at[pl.ds(row0 + i * zrows, zrows)])

        @pl.when(s == NS - 1)
        def _ztail():
            pltpu.sync_copy(stage.at[pl.ds(0, TAIL_ROWS)],
                            acc.at[pl.ds(NS * ROWS_PER_TILE, TAIL_ROWS)])

        if spmem_src:
            for i in range(ROWS_PER_TILE // zrows):
                r = row0 + i * zrows
                pltpu.sync_copy(h_hbm.at[pl.ds(r, zrows)],
                                h_sp.at[pl.ds(r, zrows)])

            @pl.when(s == NS - 1)
            def _htail():
                r = NS * ROWS_PER_TILE
                pltpu.sync_copy(h_hbm.at[pl.ds(r, TAIL_ROWS)],
                                h_sp.at[pl.ds(r, TAIL_ROWS)])

        plsc.subcore_barrier()

        if spmem_src:
            for b in range(nbuf):
                pltpu.async_copy(h_sp.at[sidx.at[pl.ds(b * chunk, chunk)]],
                                 rows[b], gsem[b])

        @pl.loop(0, n_chunks // nbuf)
        def _main(g):
            for b in range(nbuf):
                i = g * nbuf + b
                pltpu.make_async_copy(
                    h_src.at[sidx.at[pl.ds(0, chunk)]], rows[b],
                    gsem[b]).wait()
                pltpu.make_async_copy(dst_hbm.at[pl.ds(0, chunk)], didx[b],
                                      dsem[b]).wait()
                pltpu.async_copy(rows[b], acc.at[didx[b]], ssem,
                                 add=True).wait()
                j = lax.rem(i + nbuf, n_chunks)
                pltpu.async_copy(
                    h_src.at[sidx.at[pl.ds(j * chunk, chunk)]],
                    rows[b], gsem[b])
                pltpu.async_copy(dst_hbm.at[pl.ds(ebase + j * chunk, chunk)],
                                 didx[b], dsem[b])

        for b in range(nbuf):
            pltpu.make_async_copy(h_src.at[sidx.at[pl.ds(0, chunk)]],
                                  rows[b], gsem[b]).wait()
            pltpu.make_async_copy(dst_hbm.at[pl.ds(0, chunk)], didx[b],
                                  dsem[b]).wait()

        plsc.subcore_barrier()
        for i in range(ROWS_PER_TILE // zrows):
            r = row0 + i * zrows
            pltpu.sync_copy(acc.at[pl.ds(r, zrows)], stage)
            pltpu.sync_copy(stage, out_hbm.at[c, pl.ds(r, zrows)])

        @pl.when(s == NS - 1)
        def _wtail():
            r = NS * ROWS_PER_TILE
            pltpu.sync_copy(acc.at[pl.ds(r, TAIL_ROWS)],
                            stage.at[pl.ds(0, TAIL_ROWS)])
            pltpu.sync_copy(stage.at[pl.ds(0, TAIL_ROWS)],
                            out_hbm.at[c, pl.ds(r, TAIL_ROWS)])

    return agg


_sc_agg64 = _make_sc_aggregate(64, chunk=256, nbuf=2, zrows=104,
                               spmem_src=True)


def _tc_mm_scale(x, W1, degs_pt, degd_pt):
    def body(x_ref, w_ref, ds_ref, dd_ref,
             ylo_ref, yhi_ref, no_ref, ni_ref):
        deg_o = jnp.sum(ds_ref[...], axis=1, keepdims=True)
        deg_i = jnp.sum(dd_ref[...], axis=1, keepdims=True)
        no = lax.rsqrt(jnp.maximum(deg_o, 1.0))
        ni = lax.rsqrt(jnp.maximum(deg_i, 1.0))
        xw = jnp.dot(x_ref[...], w_ref[...],
                     preferred_element_type=jnp.float32)
        ylo_ref[...] = xw[:, :64] * no
        yhi_ref[...] = xw[:, 64:] * no
        no_ref[...] = no
        ni_ref[...] = ni

    nb = N // 10
    return pl.pallas_call(
        body,
        out_shape=(jax.ShapeDtypeStruct((N, 64), jnp.float32),
                   jax.ShapeDtypeStruct((N, 64), jnp.float32),
                   jax.ShapeDtypeStruct((N, 1), jnp.float32),
                   jax.ShapeDtypeStruct((N, 1), jnp.float32)),
        grid=(10,),
        in_specs=[pl.BlockSpec((nb, 128), lambda i: (i, 0)),
                  pl.BlockSpec((128, 128), lambda i: (0, 0)),
                  pl.BlockSpec((nb, NW), lambda i: (i, 0)),
                  pl.BlockSpec((nb, NW), lambda i: (i, 0))],
        out_specs=(pl.BlockSpec((nb, 64), lambda i: (i, 0)),
                   pl.BlockSpec((nb, 64), lambda i: (i, 0)),
                   pl.BlockSpec((nb, 1), lambda i: (i, 0)),
                   pl.BlockSpec((nb, 1), lambda i: (i, 0))),
    )(x, W1, degs_pt, degd_pt)


def _tc_mid(lo0, lo1, hi0, hi1, ni, no, b1, W2):
    def body(a_ref, b_ref, c_ref, d_ref, ni_ref, no_ref, b1_ref, w2_ref,
             o_ref):
        h = jnp.concatenate([a_ref[...] + b_ref[...],
                             c_ref[...] + d_ref[...]], axis=1)
        h = h * ni_ref[...] + b1_ref[...]
        h = _SELU_SCALE * jnp.where(h > 0, h, _SELU_ALPHA * (jnp.exp(h) - 1.0))
        y2 = h * no_ref[...]
        o_ref[...] = jnp.dot(y2, w2_ref[...],
                             preferred_element_type=jnp.float32)

    return pl.pallas_call(
        body,
        out_shape=jax.ShapeDtypeStruct((N, W2.shape[1]), jnp.float32),
    )(lo0, lo1, hi0, hi1, ni, no, b1, W2)


def _tc_final(p0, p1, ni, b2):
    def body(a_ref, b_ref, ni_ref, b2_ref, o_ref):
        h = (a_ref[...] + b_ref[...]) * ni_ref[...] + b2_ref[...]
        m = jnp.max(h, axis=1, keepdims=True)
        lse = jnp.log(jnp.sum(jnp.exp(h - m), axis=1, keepdims=True)) + m
        o_ref[...] = h - lse

    return pl.pallas_call(
        body,
        out_shape=jax.ShapeDtypeStruct((N, b2.shape[0]), jnp.float32),
    )(p0, p1, ni, b2)


def kernel(x, edge_index, W1, b1, W2, b2):
    src = edge_index[0].astype(jnp.int32)
    dst = edge_index[1].astype(jnp.int32)

    pad = E_PAD_TILE - E_PER_TILE
    src_p = jnp.pad(src.reshape(NW, E_PER_TILE),
                    ((0, 0), (0, pad))).reshape(-1)
    dst_p = jnp.pad(dst.reshape(NW, E_PER_TILE), ((0, 0), (0, pad)),
                    constant_values=N).reshape(-1)

    degs_p, degd_p = _sc_degrees(src, dst)
    ylo, yhi, no, ni = _tc_mm_scale(x, W1, degs_p.T, degd_p.T)

    agg_lo = _sc_agg64(ylo, src_p, dst_p)
    agg_hi = _sc_agg64(yhi, src_p, dst_p)
    h2 = _tc_mid(agg_lo[0], agg_lo[1], agg_hi[0], agg_hi[1], ni, no, b1, W2)

    agg2 = _sc_agg64(h2, src_p, dst_p)
    return _tc_final(agg2[0], agg2[1], ni, b2)

# --- scband reference (transcript-rebuilt; emitter-appended) ---
"""Pipeline reference for scband-node-classifier-86414741995983 (READ-ONLY COPY).

The authoritative reference and input builder live on the scoring server;
editing this copy changes nothing except your own understanding.
"""

import jax, jax.numpy as jnp
import numpy as np

N_NODES = 10000
N_EDGES = 320000
D_IN = 128
D_HID = 128
D_OUT = 64


def gcn_layer(x, src, dst, W, b):
    # DGL GraphConv with norm='both': D_out^{-1/2} on src, sum-aggregate, D_in^{-1/2} on dst
    n = x.shape[0]
    deg_out = jnp.zeros((n,), jnp.float32).at[src].add(1.0)
    deg_in = jnp.zeros((n,), jnp.float32).at[dst].add(1.0)
    norm_out = jnp.power(jnp.clip(deg_out, 1.0, None), -0.5)
    norm_in = jnp.power(jnp.clip(deg_in, 1.0, None), -0.5)
    h = (x * norm_out[:, None]) @ W
    agg = jnp.zeros((n, W.shape[1]), x.dtype).at[dst].add(h[src])
    return agg * norm_in[:, None] + b


def setup_inputs(seed: int = 0) -> dict:
    key = jax.random.key(seed)
    k1, k2, k3, k4, k5, k6 = jax.random.split(key, 6)
    x = jax.random.normal(k1, (N_NODES, D_IN), jnp.float32)
    edge_index = jax.random.randint(k2, (2, N_EDGES), 0, N_NODES)
    W1 = jax.random.normal(k3, (D_IN, D_HID), jnp.float32) * (1.0 / np.sqrt(D_IN))
    b1 = jnp.zeros((D_HID,), jnp.float32)
    W2 = jax.random.normal(k4, (D_HID, D_OUT), jnp.float32) * (1.0 / np.sqrt(D_HID))
    b2 = jnp.zeros((D_OUT,), jnp.float32)
    return {"x": x, "edge_index": edge_index, "W1": W1, "b1": b1, "W2": W2, "b2": b2}


def reference(x, edge_index, W1, b1, W2, b2):
    src = edge_index[0]
    dst = edge_index[1]
    h = gcn_layer(x, src, dst, W1, b1)
    h = jax.nn.selu(h)
    # dropout p=0.0 -> identity
    h = gcn_layer(h, src, dst, W2, b2)
    return jax.nn.log_softmax(h, axis=1)

if __name__ == "__main__":
    import jax
    _d = setup_inputs()
    print(jax.jit(kernel)(*tuple(_d.values())))

</pallas_src>

<mosaic_0001>
#map = affine_map<(d0, d1) -> (0, 0)>
#map1 = affine_map<(d0, d1) -> (0)>
#map2 = affine_map<(d0, d1) -> (0, 0, 0)>
module attributes {stable_mosaic.version = 14 : i64} {
  func.func @agg(%arg0: i32, %arg1: i32, %arg2: memref<10000x64xf32, #tpu.memory_space<hbm>>, %arg3: memref<327680xi32, #tpu.memory_space<hbm>>, %arg4: memref<327680xi32, #tpu.memory_space<hbm>>, %arg5: memref<2x10000x64xf32, #tpu.memory_space<hbm>>, %arg6: memref<10240xi32, #tpu.memory_space<vmem>>, %arg7: memref<256xi32, #tpu.memory_space<vmem>>, %arg8: memref<256xi32, #tpu.memory_space<vmem>>, %arg9: memref<256x64xf32, #tpu.memory_space<vmem>>, %arg10: memref<256x64xf32, #tpu.memory_space<vmem>>, %arg11: memref<104x64xf32, #tpu.memory_space<vmem>>, %arg12: memref<10016x64xf32, #tpu.memory_space<vmem_shared>>, %arg13: memref<10016x64xf32, #tpu.memory_space<vmem_shared>>, %arg14: memref<!tpu.dma_semaphore, #tpu.memory_space<semaphore_mem>>, %arg15: memref<!tpu.dma_semaphore, #tpu.memory_space<semaphore_mem>>, %arg16: memref<!tpu.dma_semaphore, #tpu.memory_space<semaphore_mem>>, %arg17: memref<!tpu.dma_semaphore, #tpu.memory_space<semaphore_mem>>, %arg18: memref<!tpu.dma_semaphore, #tpu.memory_space<semaphore_mem>>) attributes {dimension_semantics = [#tpu.dimension_semantics<core_parallel>, #tpu.dimension_semantics<subcore_parallel>], iteration_bounds = array<i64: 2, 16>, scalar_prefetch = 0 : i64, scratch_operands = 13 : i64, tpu.core_type = #tpu.core_type<sc_vector_subcore>, window_params = [{transform_indices = #map}, {transform_indices = #map1}, {transform_indices = #map1}, {transform_indices = #map2}]} {
    %mul3A = arith.constant 2 : i32
    %mul3A_0 = arith.muli %arg1, %mul3A : i32
    %add3A = arith.addi %mul3A_0, %arg0 : i32
    %broadcast_in_dim3A = arith.constant 0.000000e+00 : f32
    %broadcast_in_dim3A_1 = vector.broadcast %broadcast_in_dim3A : f32 to vector<16xf32>
    %mul3A_2 = arith.constant 10240 : i32
    %mul3A_3 = arith.muli %add3A, %mul3A_2 : i32
    "tpu.region"() ({
      %run_scoped3A = tpu.sem_alloc : memref<!tpu.dma_semaphore, #tpu.memory_space<semaphore_mem>>
      %dma_start3A_98 = tpu.memref_slice %arg3[%mul3A_3] : memref<327680xi32, #tpu.memory_space<hbm>> -> memref<10240xi32, #tpu.memory_space<hbm>>
      %dma_start3A_99 = tpu.memref_slice %arg3[%mul3A_3] : memref<327680xi32, #tpu.memory_space<hbm>> -> memref<10240xi32, #tpu.memory_space<hbm>>
      tpu.enqueue_dma source(%dma_start3A_99 : memref<10240xi32, #tpu.memory_space<hbm>>) target(%arg6 : memref<10240xi32, #tpu.memory_space<vmem>>) target_semaphore(%run_scoped3A : memref<!tpu.dma_semaphore, #tpu.memory_space<semaphore_mem>>)
      %dma_wait3A_100 = tpu.memref_slice %arg3[%mul3A_3] : memref<327680xi32, #tpu.memory_space<hbm>> -> memref<10240xi32, #tpu.memory_space<hbm>>
      %dma_wait3A_101 = tpu.memref_slice %arg3[%mul3A_3] : memref<327680xi32, #tpu.memory_space<hbm>> -> memref<10240xi32, #tpu.memory_space<hbm>>
      tpu.wait_dma2 semaphore(%run_scoped3A : memref<!tpu.dma_semaphore, #tpu.memory_space<semaphore_mem>>) src(%dma_wait3A_101 : memref<10240xi32, #tpu.memory_space<hbm>>) dst(%arg6 : memref<10240xi32, #tpu.memory_space<vmem>>)
      tpu.yield
    }) : () -> ()
    %add3A_4 = arith.constant 0 : i32
    %add3A_5 = arith.addi %mul3A_3, %add3A_4 : i32
    %dma_start3A = tpu.memref_slice %arg4[%add3A_5] : memref<327680xi32, #tpu.memory_space<hbm>> -> memref<256xi32, #tpu.memory_space<hbm>>
    %dma_start3A_6 = tpu.memref_slice %arg4[%add3A_5] : memref<327680xi32, #tpu.memory_space<hbm>> -> memref<256xi32, #tpu.memory_space<hbm>>
    tpu.enqueue_dma source(%dma_start3A_6 : memref<256xi32, #tpu.memory_space<hbm>>) target(%arg7 : memref<256xi32, #tpu.memory_space<vmem>>) target_semaphore(%arg16 : memref<!tpu.dma_semaphore, #tpu.memory_space<semaphore_mem>>)
    %add3A_7 = arith.constant 256 : i32
    %add3A_8 = arith.addi %mul3A_3, %add3A_7 : i32
    %dma_start3A_9 = tpu.memref_slice %arg4[%add3A_8] : memref<327680xi32, #tpu.memory_space<hbm>> -> memref<256xi32, #tpu.memory_space<hbm>>
    %dma_start3A_10 = tpu.memref_slice %arg4[%add3A_8] : memref<327680xi32, #tpu.memory_space<hbm>> -> memref<256xi32, #tpu.memory_space<hbm>>
    tpu.enqueue_dma source(%dma_start3A_10 : memref<256xi32, #tpu.memory_space<hbm>>) target(%arg8 : memref<256xi32, #tpu.memory_space<vmem>>) target_semaphore(%arg17 : memref<!tpu.dma_semaphore, #tpu.memory_space<semaphore_mem>>)
    %scan3A = arith.constant 0 : i32
    %scan3A_11 = arith.constant 104 : i32
    %scan3A_12 = arith.addi %scan3A, %scan3A_11 : i32
    %scan3A_13 = arith.constant 1 : i32
    scf.for %scan3A_98 = %scan3A to %scan3A_12 step %scan3A_13  : i32 {
      %mul3A_99 = arith.constant 1 : i32
      %mul3A_100 = arith.muli %scan3A_98, %mul3A_99 : i32
      %add3A_101 = arith.constant 0 : i32
      %add3A_102 = arith.addi %add3A_101, %mul3A_100 : i32
      %swap3A = arith.index_cast %add3A_102 : i32 to index
      %swap3A_103 = arith.constant 0 : index
      %swap3A_104 = tpu.vector_load %arg11[%swap3A, %swap3A_103] {strides = array<i32>} : memref<104x64xf32, #tpu.memory_space<vmem>>, vector<1x16xf32>,
      %swap3A_105 = vector.shape_cast %swap3A_104 : vector<1x16xf32> to vector<16xf32>
      %swap3A_106 = vector.shape_cast %broadcast_in_dim3A_1 : vector<16xf32> to vector<1x16xf32>
      tpu.vector_store %arg11[%swap3A, %swap3A_103], %swap3A_106 {strides = array<i32>} : memref<104x64xf32, #tpu.memory_space<vmem>>, vector<1x16xf32>,
      %swap3A_107 = arith.index_cast %add3A_102 : i32 to index
      %swap3A_108 = arith.constant 16 : index
      %swap3A_109 = tpu.vector_load %arg11[%swap3A_107, %swap3A_108] {strides = array<i32>} : memref<104x64xf32, #tpu.memory_space<vmem>>, vector<1x16xf32>,
      %swap3A_110 = vector.shape_cast %swap3A_109 : vector<1x16xf32> to vector<16xf32>
      %swap3A_111 = vector.shape_cast %broadcast_in_dim3A_1 : vector<16xf32> to vector<1x16xf32>
      tpu.vector_store %arg11[%swap3A_107, %swap3A_108], %swap3A_111 {strides = array<i32>} : memref<104x64xf32, #tpu.memory_space<vmem>>, vector<1x16xf32>,
      %swap3A_112 = arith.index_cast %add3A_102 : i32 to index
      %swap3A_113 = arith.constant 32 : index
      %swap3A_114 = tpu.vector_load %arg11[%swap3A_112, %swap3A_113] {strides = array<i32>} : memref<104x64xf32, #tpu.memory_space<vmem>>, vector<1x16xf32>,
      %swap3A_115 = vector.shape_cast %swap3A_114 : vector<1x16xf32> to vector<16xf32>
      %swap3A_116 = vector.shape_cast %broadcast_in_dim3A_1 : vector<16xf32> to vector<1x16xf32>
      tpu.vector_store %arg11[%swap3A_112, %swap3A_113], %swap3A_116 {strides = array<i32>} : memref<104x64xf32, #tpu.memory_space<vmem>>, vector<1x16xf32>,
      %swap3A_117 = arith.index_cast %add3A_102 : i32 to index
      %swap3A_118 = arith.constant 48 : index
      %swap3A_119 = tpu.vector_load %arg11[%swap3A_117, %swap3A_118] {strides = array<i32>} : memref<104x64xf32, #tpu.memory_space<vmem>>, vector<1x16xf32>,
      %swap3A_120 = vector.shape_cast %swap3A_119 : vector<1x16xf32> to vector<16xf32>
      %swap3A_121 = vector.shape_cast %broadcast_in_dim3A_1 : vector<16xf32> to vector<1x16xf32>
      tpu.vector_store %arg11[%swap3A_117, %swap3A_118], %swap3A_121 {strides = array<i32>} : memref<104x64xf32, #tpu.memory_space<vmem>>, vector<1x16xf32>,
    }
    %scan3A_14 = arith.constant 104 : i32
    %mul3A_15 = arith.constant 624 : i32
    %mul3A_16 = arith.muli %arg1, %mul3A_15 : i32
    %add3A_17 = arith.constant 0 : i32
    %add3A_18 = arith.addi %mul3A_16, %add3A_17 : i32
    "tpu.region"() ({
      %run_scoped3A = tpu.sem_alloc : memref<!tpu.dma_semaphore, #tpu.memory_space<semaphore_mem>>
      %dma_start3A_98 = arith.constant 0 : i32
      %dma_start3A_99 = tpu.memref_slice %arg12[%add3A_18, %dma_start3A_98] : memref<10016x64xf32, #tpu.memory_space<vmem_shared>> -> memref<104x64xf32, #tpu.memory_space<vmem_shared>>
      %dma_start3A_100 = arith.constant 0 : i32
      %dma_start3A_101 = tpu.memref_slice %arg12[%add3A_18, %dma_start3A_100] : memref<10016x64xf32, #tpu.memory_space<vmem_shared>> -> memref<104x64xf32, #tpu.memory_space<vmem_shared>>
      tpu.enqueue_dma source(%arg11 : memref<104x64xf32, #tpu.memory_space<vmem>>) target(%dma_start3A_101 : memref<104x64xf32, #tpu.memory_space<vmem_shared>>) target_semaphore(%run_scoped3A : memref<!tpu.dma_semaphore, #tpu.memory_space<semaphore_mem>>)
      %dma_wait3A_102 = arith.constant 0 : i32
      %dma_wait3A_103 = tpu.memref_slice %arg12[%add3A_18, %dma_wait3A_102] : memref<10016x64xf32, #tpu.memory_space<vmem_shared>> -> memref<104x64xf32, #tpu.memory_space<vmem_shared>>
      %dma_wait3A_104 = arith.constant 0 : i32
      %dma_wait3A_105 = tpu.memref_slice %arg12[%add3A_18, %dma_wait3A_104] : memref<10016x64xf32, #tpu.memory_space<vmem_shared>> -> memref<104x64xf32, #tpu.memory_space<vmem_shared>>
      tpu.wait_dma2 semaphore(%run_scoped3A : memref<!tpu.dma_semaphore, #tpu.memory_space<semaphore_mem>>) src(%arg11 : memref<104x64xf32, #tpu.memory_space<vmem>>) dst(%dma_wait3A_105 : memref<104x64xf32, #tpu.memory_space<vmem_shared>>)
      tpu.yield
    }) : () -> ()
    %add3A_19 = arith.constant 104 : i32
    %add3A_20 = arith.addi %mul3A_16, %add3A_19 : i32
    "tpu.region"() ({
      %run_scoped3A = tpu.sem_alloc : memref<!tpu.dma_semaphore, #tpu.memory_space<semaphore_mem>>
      %dma_start3A_98 = arith.constant 0 : i32
      %dma_start3A_99 = tpu.memref_slice %arg12[%add3A_20, %dma_start3A_98] : memref<10016x64xf32, #tpu.memory_space<vmem_shared>> -> memref<104x64xf32, #tpu.memory_space<vmem_shared>>
      %dma_start3A_100 = arith.constant 0 : i32
      %dma_start3A_101 = tpu.memref_slice %arg12[%add3A_20, %dma_start3A_100] : memref<10016x64xf32, #tpu.memory_space<vmem_shared>> -> memref<104x64xf32, #tpu.memory_space<vmem_shared>>
      tpu.enqueue_dma source(%arg11 : memref<104x64xf32, #tpu.memory_space<vmem>>) target(%dma_start3A_101 : memref<104x64xf32, #tpu.memory_space<vmem_shared>>) target_semaphore(%run_scoped3A : memref<!tpu.dma_semaphore, #tpu.memory_space<semaphore_mem>>)
      %dma_wait3A_102 = arith.constant 0 : i32
      %dma_wait3A_103 = tpu.memref_slice %arg12[%add3A_20, %dma_wait3A_102] : memref<10016x64xf32, #tpu.memory_space<vmem_shared>> -> memref<104x64xf32, #tpu.memory_space<vmem_shared>>
      %dma_wait3A_104 = arith.constant 0 : i32
      %dma_wait3A_105 = tpu.memref_slice %arg12[%add3A_20, %dma_wait3A_104] : memref<10016x64xf32, #tpu.memory_space<vmem_shared>> -> memref<104x64xf32, #tpu.memory_space<vmem_shared>>
      tpu.wait_dma2 semaphore(%run_scoped3A : memref<!tpu.dma_semaphore, #tpu.memory_space<semaphore_mem>>) src(%arg11 : memref<104x64xf32, #tpu.memory_space<vmem>>) dst(%dma_wait3A_105 : memref<104x64xf32, #tpu.memory_space<vmem_shared>>)
      tpu.yield
    }) : () -> ()
    %add3A_21 = arith.constant 208 : i32
    %add3A_22 = arith.addi %mul3A_16, %add3A_21 : i32
    "tpu.region"() ({
      %run_scoped3A = tpu.sem_alloc : memref<!tpu.dma_semaphore, #tpu.memory_space<semaphore_mem>>
      %dma_start3A_98 = arith.constant 0 : i32
      %dma_start3A_99 = tpu.memref_slice %arg12[%add3A_22, %dma_start3A_98] : memref<10016x64xf32, #tpu.memory_space<vmem_shared>> -> memref<104x64xf32, #tpu.memory_space<vmem_shared>>
      %dma_start3A_100 = arith.constant 0 : i32
      %dma_start3A_101 = tpu.memref_slice %arg12[%add3A_22, %dma_start3A_100] : memref<10016x64xf32, #tpu.memory_space<vmem_shared>> -> memref<104x64xf32, #tpu.memory_space<vmem_shared>>
      tpu.enqueue_dma source(%arg11 : memref<104x64xf32, #tpu.memory_space<vmem>>) target(%dma_start3A_101 : memref<104x64xf32, #tpu.memory_space<vmem_shared>>) target_semaphore(%run_scoped3A : memref<!tpu.dma_semaphore, #tpu.memory_space<semaphore_mem>>)
      %dma_wait3A_102 = arith.constant 0 : i32
      %dma_wait3A_103 = tpu.memref_slice %arg12[%add3A_22, %dma_wait3A_102] : memref<10016x64xf32, #tpu.memory_space<vmem_shared>> -> memref<104x64xf32, #tpu.memory_space<vmem_shared>>
      %dma_wait3A_104 = arith.constant 0 : i32
      %dma_wait3A_105 = tpu.memref_slice %arg12[%add3A_22, %dma_wait3A_104] : memref<10016x64xf32, #tpu.memory_space<vmem_shared>> -> memref<104x64xf32, #tpu.memory_space<vmem_shared>>
      tpu.wait_dma2 semaphore(%run_scoped3A : memref<!tpu.dma_semaphore, #tpu.memory_space<semaphore_mem>>) src(%arg11 : memref<104x64xf32, #tpu.memory_space<vmem>>) dst(%dma_wait3A_105 : memref<104x64xf32, #tpu.memory_space<vmem_shared>>)
      tpu.yield
    }) : () -> ()
    %add3A_23 = arith.constant 312 : i32
    %add3A_24 = arith.addi %mul3A_16, %add3A_23 : i32
    "tpu.region"() ({
      %run_scoped3A = tpu.sem_alloc : memref<!tpu.dma_semaphore, #tpu.memory_space<semaphore_mem>>
      %dma_start3A_98 = arith.constant 0 : i32
      %dma_start3A_99 = tpu.memref_slice %arg12[%add3A_24, %dma_start3A_98] : memref<10016x64xf32, #tpu.memory_space<vmem_shared>> -> memref<104x64xf32, #tpu.memory_space<vmem_shared>>
      %dma_start3A_100 = arith.constant 0 : i32
      %dma_start3A_101 = tpu.memref_slice %arg12[%add3A_24, %dma_start3A_100] : memref<10016x64xf32, #tpu.memory_space<vmem_shared>> -> memref<104x64xf32, #tpu.memory_space<vmem_shared>>
      tpu.enqueue_dma source(%arg11 : memref<104x64xf32, #tpu.memory_space<vmem>>) target(%dma_start3A_101 : memref<104x64xf32, #tpu.memory_space<vmem_shared>>) target_semaphore(%run_scoped3A : memref<!tpu.dma_semaphore, #tpu.memory_space<semaphore_mem>>)
      %dma_wait3A_102 = arith.constant 0 : i32
      %dma_wait3A_103 = tpu.memref_slice %arg12[%add3A_24, %dma_wait3A_102] : memref<10016x64xf32, #tpu.memory_space<vmem_shared>> -> memref<104x64xf32, #tpu.memory_space<vmem_shared>>
      %dma_wait3A_104 = arith.constant 0 : i32
      %dma_wait3A_105 = tpu.memref_slice %arg12[%add3A_24, %dma_wait3A_104] : memref<10016x64xf32, #tpu.memory_space<vmem_shared>> -> memref<104x64xf32, #tpu.memory_space<vmem_shared>>
      tpu.wait_dma2 semaphore(%run_scoped3A : memref<!tpu.dma_semaphore, #tpu.memory_space<semaphore_mem>>) src(%arg11 : memref<104x64xf32, #tpu.memory_space<vmem>>) dst(%dma_wait3A_105 : memref<104x64xf32, #tpu.memory_space<vmem_shared>>)
      tpu.yield
    }) : () -> ()
    %add3A_25 = arith.constant 416 : i32
    %add3A_26 = arith.addi %mul3A_16, %add3A_25 : i32
    "tpu.region"() ({
      %run_scoped3A = tpu.sem_alloc : memref<!tpu.dma_semaphore, #tpu.memory_space<semaphore_mem>>
      %dma_start3A_98 = arith.constant 0 : i32
      %dma_start3A_99 = tpu.memref_slice %arg12[%add3A_26, %dma_start3A_98] : memref<10016x64xf32, #tpu.memory_space<vmem_shared>> -> memref<104x64xf32, #tpu.memory_space<vmem_shared>>
      %dma_start3A_100 = arith.constant 0 : i32
      %dma_start3A_101 = tpu.memref_slice %arg12[%add3A_26, %dma_start3A_100] : memref<10016x64xf32, #tpu.memory_space<vmem_shared>> -> memref<104x64xf32, #tpu.memory_space<vmem_shared>>
      tpu.enqueue_dma source(%arg11 : memref<104x64xf32, #tpu.memory_space<vmem>>) target(%dma_start3A_101 : memref<104x64xf32, #tpu.memory_space<vmem_shared>>) target_semaphore(%run_scoped3A : memref<!tpu.dma_semaphore, #tpu.memory_space<semaphore_mem>>)
      %dma_wait3A_102 = arith.constant 0 : i32
      %dma_wait3A_103 = tpu.memref_slice %arg12[%add3A_26, %dma_wait3A_102] : memref<10016x64xf32, #tpu.memory_space<vmem_shared>> -> memref<104x64xf32, #tpu.memory_space<vmem_shared>>
      %dma_wait3A_104 = arith.constant 0 : i32
      %dma_wait3A_105 = tpu.memref_slice %arg12[%add3A_26, %dma_wait3A_104] : memref<10016x64xf32, #tpu.memory_space<vmem_shared>> -> memref<104x64xf32, #tpu.memory_space<vmem_shared>>
      tpu.wait_dma2 semaphore(%run_scoped3A : memref<!tpu.dma_semaphore, #tpu.memory_space<semaphore_mem>>) src(%arg11 : memref<104x64xf32, #tpu.memory_space<vmem>>) dst(%dma_wait3A_105 : memref<104x64xf32, #tpu.memory_space<vmem_shared>>)
      tpu.yield
    }) : () -> ()
    %add3A_27 = arith.constant 520 : i32
    %add3A_28 = arith.addi %mul3A_16, %add3A_27 : i32
    "tpu.region"() ({
      %run_scoped3A = tpu.sem_alloc : memref<!tpu.dma_semaphore, #tpu.memory_space<semaphore_mem>>
      %dma_start3A_98 = arith.constant 0 : i32
      %dma_start3A_99 = tpu.memref_slice %arg12[%add3A_28, %dma_start3A_98] : memref<10016x64xf32, #tpu.memory_space<vmem_shared>> -> memref<104x64xf32, #tpu.memory_space<vmem_shared>>
      %dma_start3A_100 = arith.constant 0 : i32
      %dma_start3A_101 = tpu.memref_slice %arg12[%add3A_28, %dma_start3A_100] : memref<10016x64xf32, #tpu.memory_space<vmem_shared>> -> memref<104x64xf32, #tpu.memory_space<vmem_shared>>
      tpu.enqueue_dma source(%arg11 : memref<104x64xf32, #tpu.memory_space<vmem>>) target(%dma_start3A_101 : memref<104x64xf32, #tpu.memory_space<vmem_shared>>) target_semaphore(%run_scoped3A : memref<!tpu.dma_semaphore, #tpu.memory_space<semaphore_mem>>)
      %dma_wait3A_102 = arith.constant 0 : i32
      %dma_wait3A_103 = tpu.memref_slice %arg12[%add3A_28, %dma_wait3A_102] : memref<10016x64xf32, #tpu.memory_space<vmem_shared>> -> memref<104x64xf32, #tpu.memory_space<vmem_shared>>
      %dma_wait3A_104 = arith.constant 0 : i32
      %dma_wait3A_105 = tpu.memref_slice %arg12[%add3A_28, %dma_wait3A_104] : memref<10016x64xf32, #tpu.memory_space<vmem_shared>> -> memref<104x64xf32, #tpu.memory_space<vmem_shared>>
      tpu.wait_dma2 semaphore(%run_scoped3A : memref<!tpu.dma_semaphore, #tpu.memory_space<semaphore_mem>>) src(%arg11 : memref<104x64xf32, #tpu.memory_space<vmem>>) dst(%dma_wait3A_105 : memref<104x64xf32, #tpu.memory_space<vmem_shared>>)
      tpu.yield
    }) : () -> ()
    %eq3A = arith.constant 15 : i32
    %eq3A_29 = arith.cmpi eq, %arg1, %eq3A : i32
    %convert_element_type3A = arith.extui %eq3A_29 : i1 to i32
    %cond3A = arith.constant 0 : i32
    %cond3A_30 = arith.cmpi ne, %convert_element_type3A, %cond3A : i32
    scf.if %cond3A_30 {
      "tpu.region"() ({
        %run_scoped3A = tpu.sem_alloc : memref<!tpu.dma_semaphore, #tpu.memory_space<semaphore_mem>>
        %dma_start3A_98 = arith.constant 0 : i32
        %dma_start3A_99 = arith.constant 0 : i32
        %dma_start3A_100 = tpu.memref_slice %arg11[%dma_start3A_98, %dma_start3A_99] : memref<104x64xf32, #tpu.memory_space<vmem>> -> memref<16x64xf32, #tpu.memory_space<vmem>>
        %dma_start3A_101 = arith.constant 9984 : i32
        %dma_start3A_102 = arith.constant 0 : i32
        %dma_start3A_103 = tpu.memref_slice %arg12[%dma_start3A_101, %dma_start3A_102] : memref<10016x64xf32, #tpu.memory_space<vmem_shared>> -> memref<16x64xf32, #tpu.memory_space<vmem_shared>>
        %dma_start3A_104 = arith.constant 9984 : i32
        %dma_start3A_105 = arith.constant 0 : i32
        %dma_start3A_106 = tpu.memref_slice %arg12[%dma_start3A_104, %dma_start3A_105] : memref<10016x64xf32, #tpu.memory_space<vmem_shared>> -> memref<16x64xf32, #tpu.memory_space<vmem_shared>>
        %dma_start3A_107 = arith.constant 0 : i32
        %dma_start3A_108 = arith.constant 0 : i32
        %dma_start3A_109 = tpu.memref_slice %arg11[%dma_start3A_107, %dma_start3A_108] : memref<104x64xf32, #tpu.memory_space<vmem>> -> memref<16x64xf32, #tpu.memory_space<vmem>>
        tpu.enqueue_dma source(%dma_start3A_109 : memref<16x64xf32, #tpu.memory_space<vmem>>) target(%dma_start3A_106 : memref<16x64xf32, #tpu.memory_space<vmem_shared>>) target_semaphore(%run_scoped3A : memref<!tpu.dma_semaphore, #tpu.memory_space<semaphore_mem>>)
        %dma_wait3A_110 = arith.constant 0 : i32
        %dma_wait3A_111 = arith.constant 0 : i32
        %dma_wait3A_112 = tpu.memref_slice %arg11[%dma_wait3A_110, %dma_wait3A_111] : memref<104x64xf32, #tpu.memory_space<vmem>> -> memref<16x64xf32, #tpu.memory_space<vmem>>
        %dma_wait3A_113 = arith.constant 9984 : i32
        %dma_wait3A_114 = arith.constant 0 : i32
        %dma_wait3A_115 = tpu.memref_slice %arg12[%dma_wait3A_113, %dma_wait3A_114] : memref<10016x64xf32, #tpu.memory_space<vmem_shared>> -> memref<16x64xf32, #tpu.memory_space<vmem_shared>>
        %dma_wait3A_116 = arith.constant 9984 : i32
        %dma_wait3A_117 = arith.constant 0 : i32
        %dma_wait3A_118 = tpu.memref_slice %arg12[%dma_wait3A_116, %dma_wait3A_117] : memref<10016x64xf32, #tpu.memory_space<vmem_shared>> -> memref<16x64xf32, #tpu.memory_space<vmem_shared>>
        %dma_wait3A_119 = arith.constant 0 : i32
        %dma_wait3A_120 = arith.constant 0 : i32
        %dma_wait3A_121 = tpu.memref_slice %arg11[%dma_wait3A_119, %dma_wait3A_120] : memref<104x64xf32, #tpu.memory_space<vmem>> -> memref<16x64xf32, #tpu.memory_space<vmem>>
        tpu.wait_dma2 semaphore(%run_scoped3A : memref<!tpu.dma_semaphore, #tpu.memory_space<semaphore_mem>>) src(%dma_wait3A_121 : memref<16x64xf32, #tpu.memory_space<vmem>>) dst(%dma_wait3A_118 : memref<16x64xf32, #tpu.memory_space<vmem_shared>>)
        tpu.yield
      }) : () -> ()
    } else {
    }
    %add3A_31 = arith.constant 0 : i32
    %add3A_32 = arith.addi %mul3A_16, %add3A_31 : i32
    "tpu.region"() ({
      %run_scoped3A = tpu.sem_alloc : memref<!tpu.dma_semaphore, #tpu.memory_space<semaphore_mem>>
      %dma_start3A_98 = arith.constant 0 : i32
      %dma_start3A_99 = tpu.memref_slice %arg13[%add3A_32, %dma_start3A_98] : memref<10016x64xf32, #tpu.memory_space<vmem_shared>> -> memref<104x64xf32, #tpu.memory_space<vmem_shared>>
      %dma_start3A_100 = arith.constant 0 : i32
      %dma_start3A_101 = tpu.memref_slice %arg2[%add3A_32, %dma_start3A_100] : memref<10000x64xf32, #tpu.memory_space<hbm>> -> memref<104x64xf32, #tpu.memory_space<hbm>>
      tpu.enqueue_dma source(%dma_start3A_101 : memref<104x64xf32, #tpu.memory_space<hbm>>) target(%dma_start3A_99 : memref<104x64xf32, #tpu.memory_space<vmem_shared>>) target_semaphore(%run_scoped3A : memref<!tpu.dma_semaphore, #tpu.memory_space<semaphore_mem>>)
      %dma_wait3A_102 = arith.constant 0 : i32
      %dma_wait3A_103 = tpu.memref_slice %arg13[%add3A_32, %dma_wait3A_102] : memref<10016x64xf32, #tpu.memory_space<vmem_shared>> -> memref<104x64xf32, #tpu.memory_space<vmem_shared>>
      %dma_wait3A_104 = arith.constant 0 : i32
      %dma_wait3A_105 = tpu.memref_slice %arg2[%add3A_32, %dma_wait3A_104] : memref<10000x64xf32, #tpu.memory_space<hbm>> -> memref<104x64xf32, #tpu.memory_space<hbm>>
      tpu.wait_dma2 semaphore(%run_scoped3A : memref<!tpu.dma_semaphore, #tpu.memory_space<semaphore_mem>>) src(%dma_wait3A_105 : memref<104x64xf32, #tpu.memory_space<hbm>>) dst(%dma_wait3A_103 : memref<104x64xf32, #tpu.memory_space<vmem_shared>>)
      tpu.yield
    }) : () -> ()
    %add3A_33 = arith.constant 104 : i32
    %add3A_34 = arith.addi %mul3A_16, %add3A_33 : i32
    "tpu.region"() ({
      %run_scoped3A = tpu.sem_alloc : memref<!tpu.dma_semaphore, #tpu.memory_space<semaphore_mem>>
      %dma_start3A_98 = arith.constant 0 : i32
      %dma_start3A_99 = tpu.memref_slice %arg13[%add3A_34, %dma_start3A_98] : memref<10016x64xf32, #tpu.memory_space<vmem_shared>> -> memref<104x64xf32, #tpu.memory_space<vmem_shared>>
      %dma_start3A_100 = arith.constant 0 : i32
      %dma_start3A_101 = tpu.memref_slice %arg2[%add3A_34, %dma_start3A_100] : memref<10000x64xf32, #tpu.memory_space<hbm>> -> memref<104x64xf32, #tpu.memory_space<hbm>>
      tpu.enqueue_dma source(%dma_start3A_101 : memref<104x64xf32, #tpu.memory_space<hbm>>) target(%dma_start3A_99 : memref<104x64xf32, #tpu.memory_space<vmem_shared>>) target_semaphore(%run_scoped3A : memref<!tpu.dma_semaphore, #tpu.memory_space<semaphore_mem>>)
      %dma_wait3A_102 = arith.constant 0 : i32
      %dma_wait3A_103 = tpu.memref_slice %arg13[%add3A_34, %dma_wait3A_102] : memref<10016x64xf32, #tpu.memory_space<vmem_shared>> -> memref<104x64xf32, #tpu.memory_space<vmem_shared>>
      %dma_wait3A_104 = arith.constant 0 : i32
      %dma_wait3A_105 = tpu.memref_slice %arg2[%add3A_34, %dma_wait3A_104] : memref<10000x64xf32, #tpu.memory_space<hbm>> -> memref<104x64xf32, #tpu.memory_space<hbm>>
      tpu.wait_dma2 semaphore(%run_scoped3A : memref<!tpu.dma_semaphore, #tpu.memory_space<semaphore_mem>>) src(%dma_wait3A_105 : memref<104x64xf32, #tpu.memory_space<hbm>>) dst(%dma_wait3A_103 : memref<104x64xf32, #tpu.memory_space<vmem_shared>>)
      tpu.yield
    }) : () -> ()
    %add3A_35 = arith.constant 208 : i32
    %add3A_36 = arith.addi %mul3A_16, %add3A_35 : i32
    "tpu.region"() ({
      %run_scoped3A = tpu.sem_alloc : memref<!tpu.dma_semaphore, #tpu.memory_space<semaphore_mem>>
      %dma_start3A_98 = arith.constant 0 : i32
      %dma_start3A_99 = tpu.memref_slice %arg13[%add3A_36, %dma_start3A_98] : memref<10016x64xf32, #tpu.memory_space<vmem_shared>> -> memref<104x64xf32, #tpu.memory_space<vmem_shared>>
      %dma_start3A_100 = arith.constant 0 : i32
      %dma_start3A_101 = tpu.memref_slice %arg2[%add3A_36, %dma_start3A_100] : memref<10000x64xf32, #tpu.memory_space<hbm>> -> memref<104x64xf32, #tpu.memory_space<hbm>>
      tpu.enqueue_dma source(%dma_start3A_101 : memref<104x64xf32, #tpu.memory_space<hbm>>) target(%dma_start3A_99 : memref<104x64xf32, #tpu.memory_space<vmem_shared>>) target_semaphore(%run_scoped3A : memref<!tpu.dma_semaphore, #tpu.memory_space<semaphore_mem>>)
      %dma_wait3A_102 = arith.constant 0 : i32
      %dma_wait3A_103 = tpu.memref_slice %arg13[%add3A_36, %dma_wait3A_102] : memref<10016x64xf32, #tpu.memory_space<vmem_shared>> -> memref<104x64xf32, #tpu.memory_space<vmem_shared>>
      %dma_wait3A_104 = arith.constant 0 : i32
      %dma_wait3A_105 = tpu.memref_slice %arg2[%add3A_36, %dma_wait3A_104] : memref<10000x64xf32, #tpu.memory_space<hbm>> -> memref<104x64xf32, #tpu.memory_space<hbm>>
      tpu.wait_dma2 semaphore(%run_scoped3A : memref<!tpu.dma_semaphore, #tpu.memory_space<semaphore_mem>>) src(%dma_wait3A_105 : memref<104x64xf32, #tpu.memory_space<hbm>>) dst(%dma_wait3A_103 : memref<104x64xf32, #tpu.memory_space<vmem_shared>>)
      tpu.yield
    }) : () -> ()
    %add3A_37 = arith.constant 312 : i32
    %add3A_38 = arith.addi %mul3A_16, %add3A_37 : i32
    "tpu.region"() ({
      %run_scoped3A = tpu.sem_alloc : memref<!tpu.dma_semaphore, #tpu.memory_space<semaphore_mem>>
      %dma_start3A_98 = arith.constant 0 : i32
      %dma_start3A_99 = tpu.memref_slice %arg13[%add3A_38, %dma_start3A_98] : memref<10016x64xf32, #tpu.memory_space<vmem_shared>> -> memref<104x64xf32, #tpu.memory_space<vmem_shared>>
      %dma_start3A_100 = arith.constant 0 : i32
      %dma_start3A_101 = tpu.memref_slice %arg2[%add3A_38, %dma_start3A_100] : memref<10000x64xf32, #tpu.memory_space<hbm>> -> memref<104x64xf32, #tpu.memory_space<hbm>>
      tpu.enqueue_dma source(%dma_start3A_101 : memref<104x64xf32, #tpu.memory_space<hbm>>) target(%dma_start3A_99 : memref<104x64xf32, #tpu.memory_space<vmem_shared>>) target_semaphore(%run_scoped3A : memref<!tpu.dma_semaphore, #tpu.memory_space<semaphore_mem>>)
      %dma_wait3A_102 = arith.constant 0 : i32
      %dma_wait3A_103 = tpu.memref_slice %arg13[%add3A_38, %dma_wait3A_102] : memref<10016x64xf32, #tpu.memory_space<vmem_shared>> -> memref<104x64xf32, #tpu.memory_space<vmem_shared>>
      %dma_wait3A_104 = arith.constant 0 : i32
      %dma_wait3A_105 = tpu.memref_slice %arg2[%add3A_38, %dma_wait3A_104] : memref<10000x64xf32, #tpu.memory_space<hbm>> -> memref<104x64xf32, #tpu.memory_space<hbm>>
      tpu.wait_dma2 semaphore(%run_scoped3A : memref<!tpu.dma_semaphore, #tpu.memory_space<semaphore_mem>>) src(%dma_wait3A_105 : memref<104x64xf32, #tpu.memory_space<hbm>>) dst(%dma_wait3A_103 : memref<104x64xf32, #tpu.memory_space<vmem_shared>>)
      tpu.yield
    }) : () -> ()
    %add3A_39 = arith.constant 416 : i32
    %add3A_40 = arith.addi %mul3A_16, %add3A_39 : i32
    "tpu.region"() ({
      %run_scoped3A = tpu.sem_alloc : memref<!tpu.dma_semaphore, #tpu.memory_space<semaphore_mem>>
      %dma_start3A_98 = arith.constant 0 : i32
      %dma_start3A_99 = tpu.memref_slice %arg13[%add3A_40, %dma_start3A_98] : memref<10016x64xf32, #tpu.memory_space<vmem_shared>> -> memref<104x64xf32, #tpu.memory_space<vmem_shared>>
      %dma_start3A_100 = arith.constant 0 : i32
      %dma_start3A_101 = tpu.memref_slice %arg2[%add3A_40, %dma_start3A_100] : memref<10000x64xf32, #tpu.memory_space<hbm>> -> memref<104x64xf32, #tpu.memory_space<hbm>>
      tpu.enqueue_dma source(%dma_start3A_101 : memref<104x64xf32, #tpu.memory_space<hbm>>) target(%dma_start3A_99 : memref<104x64xf32, #tpu.memory_space<vmem_shared>>) target_semaphore(%run_scoped3A : memref<!tpu.dma_semaphore, #tpu.memory_space<semaphore_mem>>)
      %dma_wait3A_102 = arith.constant 0 : i32
      %dma_wait3A_103 = tpu.memref_slice %arg13[%add3A_40, %dma_wait3A_102] : memref<10016x64xf32, #tpu.memory_space<vmem_shared>> -> memref<104x64xf32, #tpu.memory_space<vmem_shared>>
      %dma_wait3A_104 = arith.constant 0 : i32
      %dma_wait3A_105 = tpu.memref_slice %arg2[%add3A_40, %dma_wait3A_104] : memref<10000x64xf32, #tpu.memory_space<hbm>> -> memref<104x64xf32, #tpu.memory_space<hbm>>
      tpu.wait_dma2 semaphore(%run_scoped3A : memref<!tpu.dma_semaphore, #tpu.memory_space<semaphore_mem>>) src(%dma_wait3A_105 : memref<104x64xf32, #tpu.memory_space<hbm>>) dst(%dma_wait3A_103 : memref<104x64xf32, #tpu.memory_space<vmem_shared>>)
      tpu.yield
    }) : () -> ()
    %add3A_41 = arith.constant 520 : i32
    %add3A_42 = arith.addi %mul3A_16, %add3A_41 : i32
    "tpu.region"() ({
      %run_scoped3A = tpu.sem_alloc : memref<!tpu.dma_semaphore, #tpu.memory_space<semaphore_mem>>
      %dma_start3A_98 = arith.constant 0 : i32
      %dma_start3A_99 = tpu.memref_slice %arg13[%add3A_42, %dma_start3A_98] : memref<10016x64xf32, #tpu.memory_space<vmem_shared>> -> memref<104x64xf32, #tpu.memory_space<vmem_shared>>
      %dma_start3A_100 = arith.constant 0 : i32
      %dma_start3A_101 = tpu.memref_slice %arg2[%add3A_42, %dma_start3A_100] : memref<10000x64xf32, #tpu.memory_space<hbm>> -> memref<104x64xf32, #tpu.memory_space<hbm>>
      tpu.enqueue_dma source(%dma_start3A_101 : memref<104x64xf32, #tpu.memory_space<hbm>>) target(%dma_start3A_99 : memref<104x64xf32, #tpu.memory_space<vmem_shared>>) target_semaphore(%run_scoped3A : memref<!tpu.dma_semaphore, #tpu.memory_space<semaphore_mem>>)
      %dma_wait3A_102 = arith.constant 0 : i32
      %dma_wait3A_103 = tpu.memref_slice %arg13[%add3A_42, %dma_wait3A_102] : memref<10016x64xf32, #tpu.memory_space<vmem_shared>> -> memref<104x64xf32, #tpu.memory_space<vmem_shared>>
      %dma_wait3A_104 = arith.constant 0 : i32
      %dma_wait3A_105 = tpu.memref_slice %arg2[%add3A_42, %dma_wait3A_104] : memref<10000x64xf32, #tpu.memory_space<hbm>> -> memref<104x64xf32, #tpu.memory_space<hbm>>
      tpu.wait_dma2 semaphore(%run_scoped3A : memref<!tpu.dma_semaphore, #tpu.memory_space<semaphore_mem>>) src(%dma_wait3A_105 : memref<104x64xf32, #tpu.memory_space<hbm>>) dst(%dma_wait3A_103 : memref<104x64xf32, #tpu.memory_space<vmem_shared>>)
      tpu.yield
    }) : () -> ()
    %eq3A_43 = arith.constant 15 : i32
    %eq3A_44 = arith.cmpi eq, %arg1, %eq3A_43 : i32
    %convert_element_type3A_45 = arith.extui %eq3A_44 : i1 to i32
    %cond3A_46 = arith.constant 0 : i32
    %cond3A_47 = arith.cmpi ne, %convert_element_type3A_45, %cond3A_46 : i32
    scf.if %cond3A_47 {
      "tpu.region"() ({
        %run_scoped3A = tpu.sem_alloc : memref<!tpu.dma_semaphore, #tpu.memory_space<semaphore_mem>>
        %dma_start3A_98 = arith.constant 9984 : i32
        %dma_start3A_99 = arith.constant 0 : i32
        %dma_start3A_100 = tpu.memref_slice %arg13[%dma_start3A_98, %dma_start3A_99] : memref<10016x64xf32, #tpu.memory_space<vmem_shared>> -> memref<16x64xf32, #tpu.memory_space<vmem_shared>>
        %dma_start3A_101 = arith.constant 9984 : i32
        %dma_start3A_102 = arith.constant 0 : i32
        %dma_start3A_103 = tpu.memref_slice %arg2[%dma_start3A_101, %dma_start3A_102] : memref<10000x64xf32, #tpu.memory_space<hbm>> -> memref<16x64xf32, #tpu.memory_space<hbm>>
        tpu.enqueue_dma source(%dma_start3A_103 : memref<16x64xf32, #tpu.memory_space<hbm>>) target(%dma_start3A_100 : memref<16x64xf32, #tpu.memory_space<vmem_shared>>) target_semaphore(%run_scoped3A : memref<!tpu.dma_semaphore, #tpu.memory_space<semaphore_mem>>)
        %dma_wait3A_104 = arith.constant 9984 : i32
        %dma_wait3A_105 = arith.constant 0 : i32
        %dma_wait3A_106 = tpu.memref_slice %arg13[%dma_wait3A_104, %dma_wait3A_105] : memref<10016x64xf32, #tpu.memory_space<vmem_shared>> -> memref<16x64xf32, #tpu.memory_space<vmem_shared>>
        %dma_wait3A_107 = arith.constant 9984 : i32
        %dma_wait3A_108 = arith.constant 0 : i32
        %dma_wait3A_109 = tpu.memref_slice %arg2[%dma_wait3A_107, %dma_wait3A_108] : memref<10000x64xf32, #tpu.memory_space<hbm>> -> memref<16x64xf32, #tpu.memory_space<hbm>>
        tpu.wait_dma2 semaphore(%run_scoped3A : memref<!tpu.dma_semaphore, #tpu.memory_space<semaphore_mem>>) src(%dma_wait3A_109 : memref<16x64xf32, #tpu.memory_space<hbm>>) dst(%dma_wait3A_106 : memref<16x64xf32, #tpu.memory_space<vmem_shared>>)
        tpu.yield
      }) : () -> ()
    } else {
    }
    %barrier3A = arith.constant 0 : index
    tpu.barrier barrier_id(%barrier3A)
    %dma_start3A_48 = arith.constant 0 : i32
    %dma_start3A_49 = tpu.memref_slice %arg6[%dma_start3A_48] : memref<10240xi32, #tpu.memory_space<vmem>> -> memref<256xi32, #tpu.memory_space<vmem>>
    %dma_start3A_50 = arith.constant 0 : i32
    %dma_start3A_51 = arith.constant 0 : i32
    %dma_start3A_52 = tpu.memref_slice %arg13[%dma_start3A_50, %dma_start3A_51] : memref<10016x64xf32, #tpu.memory_space<vmem_shared>> -> memref<10016x64xf32, #tpu.memory_space<vmem_shared>>
    tpu.enqueue_indirect_dma source(%dma_start3A_52 : memref<10016x64xf32, #tpu.memory_space<vmem_shared>>) target(%arg9 : memref<256x64xf32, #tpu.memory_space<vmem>>) offsets(%dma_start3A_49 : memref<256xi32, #tpu.memory_space<vmem>>) semaphore(%arg14 : memref<!tpu.dma_semaphore, #tpu.memory_space<semaphore_mem>>)
    %dma_start3A_53 = arith.constant 256 : i32
    %dma_start3A_54 = tpu.memref_slice %arg6[%dma_start3A_53] : memref<10240xi32, #tpu.memory_space<vmem>> -> memref<256xi32, #tpu.memory_space<vmem>>
    %dma_start3A_55 = arith.constant 0 : i32
    %dma_start3A_56 = arith.constant 0 : i32
    %dma_start3A_57 = tpu.memref_slice %arg13[%dma_start3A_55, %dma_start3A_56] : memref<10016x64xf32, #tpu.memory_space<vmem_shared>> -> memref<10016x64xf32, #tpu.memory_space<vmem_shared>>
    tpu.enqueue_indirect_dma source(%dma_start3A_57 : memref<10016x64xf32, #tpu.memory_space<vmem_shared>>) target(%arg10 : memref<256x64xf32, #tpu.memory_space<vmem>>) offsets(%dma_start3A_54 : memref<256xi32, #tpu.memory_space<vmem>>) semaphore(%arg15 : memref<!tpu.dma_semaphore, #tpu.memory_space<semaphore_mem>>)
    %scan3A_58 = arith.constant 0 : i32
    %scan3A_59 = arith.constant 20 : i32
    %scan3A_60 = arith.addi %scan3A_58, %scan3A_59 : i32
    %scan3A_61 = arith.constant 1 : i32
    scf.for %scan3A_98 = %scan3A_58 to %scan3A_60 step %scan3A_61  : i32 {
      %mul3A_99 = arith.constant 1 : i32
      %mul3A_100 = arith.muli %scan3A_98, %mul3A_99 : i32
      %add3A_101 = arith.constant 0 : i32
      %add3A_102 = arith.addi %add3A_101, %mul3A_100 : i32
      %mul3A_103 = arith.constant 2 : i32
      %mul3A_104 = arith.muli %add3A_102, %mul3A_103 : i32
      %add3A_105 = arith.constant 0 : i32
      %add3A_106 = arith.addi %mul3A_104, %add3A_105 : i32
      %dma_wait3A_107 = arith.constant 0 : i32
      %dma_wait3A_108 = tpu.memref_slice %arg6[%dma_wait3A_107] : memref<10240xi32, #tpu.memory_space<vmem>> -> memref<256xi32, #tpu.memory_space<vmem>>
      %dma_wait3A_109 = arith.constant 0 : i32
      %dma_wait3A_110 = arith.constant 0 : i32
      %dma_wait3A_111 = tpu.memref_slice %arg13[%dma_wait3A_109, %dma_wait3A_110] : memref<10016x64xf32, #tpu.memory_space<vmem_shared>> -> memref<10016x64xf32, #tpu.memory_space<vmem_shared>>
      tpu.wait_indirect_dma semaphore(%arg14 : memref<!tpu.dma_semaphore, #tpu.memory_space<semaphore_mem>>) src(%dma_wait3A_111 : memref<10016x64xf32, #tpu.memory_space<vmem_shared>>) dst(%arg9 : memref<256x64xf32, #tpu.memory_space<vmem>>)
      %dma_wait3A_112 = arith.constant 0 : i32
      %dma_wait3A_113 = tpu.memref_slice %arg4[%dma_wait3A_112] : memref<327680xi32, #tpu.memory_space<hbm>> -> memref<256xi32, #tpu.memory_space<hbm>>
      %dma_wait3A_114 = arith.constant 0 : i32
      %dma_wait3A_115 = tpu.memref_slice %arg4[%dma_wait3A_114] : memref<327680xi32, #tpu.memory_space<hbm>> -> memref<256xi32, #tpu.memory_space<hbm>>
      tpu.wait_dma2 semaphore(%arg16 : memref<!tpu.dma_semaphore, #tpu.memory_space<semaphore_mem>>) src(%dma_wait3A_115 : memref<256xi32, #tpu.memory_space<hbm>>) dst(%arg7 : memref<256xi32, #tpu.memory_space<vmem>>)
      %dma_start3A_116 = arith.constant 0 : i32
      %dma_start3A_117 = arith.constant 0 : i32
      %dma_start3A_118 = tpu.memref_slice %arg12[%dma_start3A_116, %dma_start3A_117] : memref<10016x64xf32, #tpu.memory_space<vmem_shared>> -> memref<10016x64xf32, #tpu.memory_space<vmem_shared>>
      tpu.enqueue_indirect_dma source(%arg9 : memref<256x64xf32, #tpu.memory_space<vmem>>) target(%dma_start3A_118 : memref<10016x64xf32, #tpu.memory_space<vmem_shared>>) offsets(%arg7 : memref<256xi32, #tpu.memory_space<vmem>>) semaphore(%arg18 : memref<!tpu.dma_semaphore, #tpu.memory_space<semaphore_mem>>) {add = true}
      %dma_wait3A_119 = arith.constant 0 : i32
      %dma_wait3A_120 = arith.constant 0 : i32
      %dma_wait3A_121 = tpu.memref_slice %arg12[%dma_wait3A_119, %dma_wait3A_120] : memref<10016x64xf32, #tpu.memory_space<vmem_shared>> -> memref<10016x64xf32, #tpu.memory_space<vmem_shared>>
      tpu.wait_indirect_dma semaphore(%arg18 : memref<!tpu.dma_semaphore, #tpu.memory_space<semaphore_mem>>) src(%arg9 : memref<256x64xf32, #tpu.memory_space<vmem>>) dst(%dma_wait3A_121 : memref<10016x64xf32, #tpu.memory_space<vmem_shared>>)
      %add3A_122 = arith.constant 2 : i32
      %add3A_123 = arith.addi %add3A_106, %add3A_122 : i32
      %rem3A = arith.constant 40 : i32
      %rem3A_124 = arith.remsi %add3A_123, %rem3A : i32
      %mul3A_125 = arith.constant 256 : i32
      %mul3A_126 = arith.muli %rem3A_124, %mul3A_125 : i32
      %dma_start3A_127 = tpu.memref_slice %arg6[%mul3A_126] : memref<10240xi32, #tpu.memory_space<vmem>> -> memref<256xi32, #tpu.memory_space<vmem>>
      %dma_start3A_128 = arith.constant 0 : i32
      %dma_start3A_129 = arith.constant 0 : i32
      %dma_start3A_130 = tpu.memref_slice %arg13[%dma_start3A_128, %dma_start3A_129] : memref<10016x64xf32, #tpu.memory_space<vmem_shared>> -> memref<10016x64xf32, #tpu.memory_space<vmem_shared>>
      tpu.enqueue_indirect_dma source(%dma_start3A_130 : memref<10016x64xf32, #tpu.memory_space<vmem_shared>>) target(%arg9 : memref<256x64xf32, #tpu.memory_space<vmem>>) offsets(%dma_start3A_127 : memref<256xi32, #tpu.memory_space<vmem>>) semaphore(%arg14 : memref<!tpu.dma_semaphore, #tpu.memory_space<semaphore_mem>>)
      %mul3A_131 = arith.constant 256 : i32
      %mul3A_132 = arith.muli %rem3A_124, %mul3A_131 : i32
      %add3A_133 = arith.addi %mul3A_3, %mul3A_132 : i32
      %dma_start3A_134 = tpu.memref_slice %arg4[%add3A_133] : memref<327680xi32, #tpu.memory_space<hbm>> -> memref<256xi32, #tpu.memory_space<hbm>>
      %dma_start3A_135 = tpu.memref_slice %arg4[%add3A_133] : memref<327680xi32, #tpu.memory_space<hbm>> -> memref<256xi32, #tpu.memory_space<hbm>>
      tpu.enqueue_dma source(%dma_start3A_135 : memref<256xi32, #tpu.memory_space<hbm>>) target(%arg7 : memref<256xi32, #tpu.memory_space<vmem>>) target_semaphore(%arg16 : memref<!tpu.dma_semaphore, #tpu.memory_space<semaphore_mem>>)
      %mul3A_136 = arith.constant 2 : i32
      %mul3A_137 = arith.muli %add3A_102, %mul3A_136 : i32
      %add3A_138 = arith.constant 1 : i32
      %add3A_139 = arith.addi %mul3A_137, %add3A_138 : i32
      %dma_wait3A_140 = arith.constant 0 : i32
      %dma_wait3A_141 = tpu.memref_slice %arg6[%dma_wait3A_140] : memref<10240xi32, #tpu.memory_space<vmem>> -> memref<256xi32, #tpu.memory_space<vmem>>
      %dma_wait3A_142 = arith.constant 0 : i32
      %dma_wait3A_143 = arith.constant 0 : i32
      %dma_wait3A_144 = tpu.memref_slice %arg13[%dma_wait3A_142, %dma_wait3A_143] : memref<10016x64xf32, #tpu.memory_space<vmem_shared>> -> memref<10016x64xf32, #tpu.memory_space<vmem_shared>>
      tpu.wait_indirect_dma semaphore(%arg15 : memref<!tpu.dma_semaphore, #tpu.memory_space<semaphore_mem>>) src(%dma_wait3A_144 : memref<10016x64xf32, #tpu.memory_space<vmem_shared>>) dst(%arg10 : memref<256x64xf32, #tpu.memory_space<vmem>>)
      %dma_wait3A_145 = arith.constant 0 : i32
      %dma_wait3A_146 = tpu.memref_slice %arg4[%dma_wait3A_145] : memref<327680xi32, #tpu.memory_space<hbm>> -> memref<256xi32, #tpu.memory_space<hbm>>
      %dma_wait3A_147 = arith.constant 0 : i32
      %dma_wait3A_148 = tpu.memref_slice %arg4[%dma_wait3A_147] : memref<327680xi32, #tpu.memory_space<hbm>> -> memref<256xi32, #tpu.memory_space<hbm>>
      tpu.wait_dma2 semaphore(%arg17 : memref<!tpu.dma_semaphore, #tpu.memory_space<semaphore_mem>>) src(%dma_wait3A_148 : memref<256xi32, #tpu.memory_space<hbm>>) dst(%arg8 : memref<256xi32, #tpu.memory_space<vmem>>)
      %dma_start3A_149 = arith.constant 0 : i32
      %dma_start3A_150 = arith.constant 0 : i32
      %dma_start3A_151 = tpu.memref_slice %arg12[%dma_start3A_149, %dma_start3A_150] : memref<10016x64xf32, #tpu.memory_space<vmem_shared>> -> memref<10016x64xf32, #tpu.memory_space<vmem_shared>>
      tpu.enqueue_indirect_dma source(%arg10 : memref<256x64xf32, #tpu.memory_space<vmem>>) target(%dma_start3A_151 : memref<10016x64xf32, #tpu.memory_space<vmem_shared>>) offsets(%arg8 : memref<256xi32, #tpu.memory_space<vmem>>) semaphore(%arg18 : memref<!tpu.dma_semaphore, #tpu.memory_space<semaphore_mem>>) {add = true}
      %dma_wait3A_152 = arith.constant 0 : i32
      %dma_wait3A_153 = arith.constant 0 : i32
      %dma_wait3A_154 = tpu.memref_slice %arg12[%dma_wait3A_152, %dma_wait3A_153] : memref<10016x64xf32, #tpu.memory_space<vmem_shared>> -> memref<10016x64xf32, #tpu.memory_space<vmem_shared>>
      tpu.wait_indirect_dma semaphore(%arg18 : memref<!tpu.dma_semaphore, #tpu.memory_space<semaphore_mem>>) src(%arg10 : memref<256x64xf32, #tpu.memory_space<vmem>>) dst(%dma_wait3A_154 : memref<10016x64xf32, #tpu.memory_space<vmem_shared>>)
      %add3A_155 = arith.constant 2 : i32
      %add3A_156 = arith.addi %add3A_139, %add3A_155 : i32
      %rem3A_157 = arith.constant 40 : i32
      %rem3A_158 = arith.remsi %add3A_156, %rem3A_157 : i32
      %mul3A_159 = arith.constant 256 : i32
      %mul3A_160 = arith.muli %rem3A_158, %mul3A_159 : i32
      %dma_start3A_161 = tpu.memref_slice %arg6[%mul3A_160] : memref<10240xi32, #tpu.memory_space<vmem>> -> memref<256xi32, #tpu.memory_space<vmem>>
      %dma_start3A_162 = arith.constant 0 : i32
      %dma_start3A_163 = arith.constant 0 : i32
      %dma_start3A_164 = tpu.memref_slice %arg13[%dma_start3A_162, %dma_start3A_163] : memref<10016x64xf32, #tpu.memory_space<vmem_shared>> -> memref<10016x64xf32, #tpu.memory_space<vmem_shared>>
      tpu.enqueue_indirect_dma source(%dma_start3A_164 : memref<10016x64xf32, #tpu.memory_space<vmem_shared>>) target(%arg10 : memref<256x64xf32, #tpu.memory_space<vmem>>) offsets(%dma_start3A_161 : memref<256xi32, #tpu.memory_space<vmem>>) semaphore(%arg15 : memref<!tpu.dma_semaphore, #tpu.memory_space<semaphore_mem>>)
      %mul3A_165 = arith.constant 256 : i32
      %mul3A_166 = arith.muli %rem3A_158, %mul3A_165 : i32
      %add3A_167 = arith.addi %mul3A_3, %mul3A_166 : i32
      %dma_start3A_168 = tpu.memref_slice %arg4[%add3A_167] : memref<327680xi32, #tpu.memory_space<hbm>> -> memref<256xi32, #tpu.memory_space<hbm>>
      %dma_start3A_169 = tpu.memref_slice %arg4[%add3A_167] : memref<327680xi32, #tpu.memory_space<hbm>> -> memref<256xi32, #tpu.memory_space<hbm>>
      tpu.enqueue_dma source(%dma_start3A_169 : memref<256xi32, #tpu.memory_space<hbm>>) target(%arg8 : memref<256xi32, #tpu.memory_space<vmem>>) target_semaphore(%arg17 : memref<!tpu.dma_semaphore, #tpu.memory_space<semaphore_mem>>)
    }
    %scan3A_62 = arith.constant 20 : i32
    %dma_wait3A = arith.constant 0 : i32
    %dma_wait3A_63 = tpu.memref_slice %arg6[%dma_wait3A] : memref<10240xi32, #tpu.memory_space<vmem>> -> memref<256xi32, #tpu.memory_space<vmem>>
    %dma_wait3A_64 = arith.constant 0 : i32
    %dma_wait3A_65 = arith.constant 0 : i32
    %dma_wait3A_66 = tpu.memref_slice %arg13[%dma_wait3A_64, %dma_wait3A_65] : memref<10016x64xf32, #tpu.memory_space<vmem_shared>> -> memref<10016x64xf32, #tpu.memory_space<vmem_shared>>
    tpu.wait_indirect_dma semaphore(%arg14 : memref<!tpu.dma_semaphore, #tpu.memory_space<semaphore_mem>>) src(%dma_wait3A_66 : memref<10016x64xf32, #tpu.memory_space<vmem_shared>>) dst(%arg9 : memref<256x64xf32, #tpu.memory_space<vmem>>)
    %dma_wait3A_67 = arith.constant 0 : i32
    %dma_wait3A_68 = tpu.memref_slice %arg4[%dma_wait3A_67] : memref<327680xi32, #tpu.memory_space<hbm>> -> memref<256xi32, #tpu.memory_space<hbm>>
    %dma_wait3A_69 = arith.constant 0 : i32
    %dma_wait3A_70 = tpu.memref_slice %arg4[%dma_wait3A_69] : memref<327680xi32, #tpu.memory_space<hbm>> -> memref<256xi32, #tpu.memory_space<hbm>>
    tpu.wait_dma2 semaphore(%arg16 : memref<!tpu.dma_semaphore, #tpu.memory_space<semaphore_mem>>) src(%dma_wait3A_70 : memref<256xi32, #tpu.memory_space<hbm>>) dst(%arg7 : memref<256xi32, #tpu.memory_space<vmem>>)
    %dma_wait3A_71 = arith.constant 0 : i32
    %dma_wait3A_72 = tpu.memref_slice %arg6[%dma_wait3A_71] : memref<10240xi32, #tpu.memory_space<vmem>> -> memref<256xi32, #tpu.memory_space<vmem>>
    %dma_wait3A_73 = arith.constant 0 : i32
    %dma_wait3A_74 = arith.constant 0 : i32
    %dma_wait3A_75 = tpu.memref_slice %arg13[%dma_wait3A_73, %dma_wait3A_74] : memref<10016x64xf32, #tpu.memory_space<vmem_shared>> -> memref<10016x64xf32, #tpu.memory_space<vmem_shared>>
    tpu.wait_indirect_dma semaphore(%arg15 : memref<!tpu.dma_semaphore, #tpu.memory_space<semaphore_mem>>) src(%dma_wait3A_75 : memref<10016x64xf32, #tpu.memory_space<vmem_shared>>) dst(%arg10 : memref<256x64xf32, #tpu.memory_space<vmem>>)
    %dma_wait3A_76 = arith.constant 0 : i32
    %dma_wait3A_77 = tpu.memref_slice %arg4[%dma_wait3A_76] : memref<327680xi32, #tpu.memory_space<hbm>> -> memref<256xi32, #tpu.memory_space<hbm>>
    %dma_wait3A_78 = arith.constant 0 : i32
    %dma_wait3A_79 = tpu.memref_slice %arg4[%dma_wait3A_78] : memref<327680xi32, #tpu.memory_space<hbm>> -> memref<256xi32, #tpu.memory_space<hbm>>
    tpu.wait_dma2 semaphore(%arg17 : memref<!tpu.dma_semaphore, #tpu.memory_space<semaphore_mem>>) src(%dma_wait3A_79 : memref<256xi32, #tpu.memory_space<hbm>>) dst(%arg8 : memref<256xi32, #tpu.memory_space<vmem>>)
    %barrier3A_80 = arith.constant 0 : index
    tpu.barrier barrier_id(%barrier3A_80)
    %add3A_81 = arith.constant 0 : i32
    %add3A_82 = arith.addi %mul3A_16, %add3A_81 : i32
    "tpu.region"() ({
      %run_scoped3A = tpu.sem_alloc : memref<!tpu.dma_semaphore, #tpu.memory_space<semaphore_mem>>
      %dma_start3A_98 = arith.constant 0 : i32
      %dma_start3A_99 = tpu.memref_slice %arg12[%add3A_82, %dma_start3A_98] : memref<10016x64xf32, #tpu.memory_space<vmem_shared>> -> memref<104x64xf32, #tpu.memory_space<vmem_shared>>
      %dma_start3A_100 = arith.constant 0 : i32
      %dma_start3A_101 = tpu.memref_slice %arg12[%add3A_82, %dma_start3A_100] : memref<10016x64xf32, #tpu.memory_space<vmem_shared>> -> memref<104x64xf32, #tpu.memory_space<vmem_shared>>
      tpu.enqueue_dma source(%dma_start3A_101 : memref<104x64xf32, #tpu.memory_space<vmem_shared>>) target(%arg11 : memref<104x64xf32, #tpu.memory_space<vmem>>) target_semaphore(%run_scoped3A : memref<!tpu.dma_semaphore, #tpu.memory_space<semaphore_mem>>)
      %dma_wait3A_102 = arith.constant 0 : i32
      %dma_wait3A_103 = tpu.memref_slice %arg12[%add3A_82, %dma_wait3A_102] : memref<10016x64xf32, #tpu.memory_space<vmem_shared>> -> memref<104x64xf32, #tpu.memory_space<vmem_shared>>
      %dma_wait3A_104 = arith.constant 0 : i32
      %dma_wait3A_105 = tpu.memref_slice %arg12[%add3A_82, %dma_wait3A_104] : memref<10016x64xf32, #tpu.memory_space<vmem_shared>> -> memref<104x64xf32, #tpu.memory_space<vmem_shared>>
      tpu.wait_dma2 semaphore(%run_scoped3A : memref<!tpu.dma_semaphore, #tpu.memory_space<semaphore_mem>>) src(%dma_wait3A_105 : memref<104x64xf32, #tpu.memory_space<vmem_shared>>) dst(%arg11 : memref<104x64xf32, #tpu.memory_space<vmem>>)
      tpu.yield
    }) : () -> ()
    "tpu.region"() ({
      %run_scoped3A = tpu.sem_alloc : memref<!tpu.dma_semaphore, #tpu.memory_space<semaphore_mem>>
      %dma_start3A_98 = arith.constant 0 : i32
      %dma_start3A_99 = tpu.memref_slice %arg5[%arg0, %add3A_82, %dma_start3A_98] : memref<2x10000x64xf32, #tpu.memory_space<hbm>> -> memref<1x104x64xf32, #tpu.memory_space<hbm>>
      %dma_start3A_100 = tpu.memref_squeeze %dma_start3A_99 : memref<1x104x64xf32, #tpu.memory_space<hbm>> -> memref<104x64xf32, #tpu.memory_space<hbm>>
      %dma_start3A_101 = arith.constant 0 : i32
      %dma_start3A_102 = tpu.memref_slice %arg5[%arg0, %add3A_82, %dma_start3A_101] : memref<2x10000x64xf32, #tpu.memory_space<hbm>> -> memref<1x104x64xf32, #tpu.memory_space<hbm>>
      %dma_start3A_103 = tpu.memref_squeeze %dma_start3A_102 : memref<1x104x64xf32, #tpu.memory_space<hbm>> -> memref<104x64xf32, #tpu.memory_space<hbm>>
      tpu.enqueue_dma source(%arg11 : memref<104x64xf32, #tpu.memory_space<vmem>>) target(%dma_start3A_103 : memref<104x64xf32, #tpu.memory_space<hbm>>) target_semaphore(%run_scoped3A : memref<!tpu.dma_semaphore, #tpu.memory_space<semaphore_mem>>)
      %dma_wait3A_104 = arith.constant 0 : i32
      %dma_wait3A_105 = tpu.memref_slice %arg5[%arg0, %add3A_82, %dma_wait3A_104] : memref<2x10000x64xf32, #tpu.memory_space<hbm>> -> memref<1x104x64xf32, #tpu.memory_space<hbm>>
      %dma_wait3A_106 = tpu.memref_squeeze %dma_wait3A_105 : memref<1x104x64xf32, #tpu.memory_space<hbm>> -> memref<104x64xf32, #tpu.memory_space<hbm>>
      %dma_wait3A_107 = arith.constant 0 : i32
      %dma_wait3A_108 = tpu.memref_slice %arg5[%arg0, %add3A_82, %dma_wait3A_107] : memref<2x10000x64xf32, #tpu.memory_space<hbm>> -> memref<1x104x64xf32, #tpu.memory_space<hbm>>
      %dma_wait3A_109 = tpu.memref_squeeze %dma_wait3A_108 : memref<1x104x64xf32, #tpu.memory_space<hbm>> -> memref<104x64xf32, #tpu.memory_space<hbm>>
      tpu.wait_dma2 semaphore(%run_scoped3A : memref<!tpu.dma_semaphore, #tpu.memory_space<semaphore_mem>>) src(%arg11 : memref<104x64xf32, #tpu.memory_space<vmem>>) dst(%dma_wait3A_109 : memref<104x64xf32, #tpu.memory_space<hbm>>)
      tpu.yield
    }) : () -> ()
    %add3A_83 = arith.constant 104 : i32
    %add3A_84 = arith.addi %mul3A_16, %add3A_83 : i32
    "tpu.region"() ({
      %run_scoped3A = tpu.sem_alloc : memref<!tpu.dma_semaphore, #tpu.memory_space<semaphore_mem>>
      %dma_start3A_98 = arith.constant 0 : i32
      %dma_start3A_99 = tpu.memref_slice %arg12[%add3A_84, %dma_start3A_98] : memref<10016x64xf32, #tpu.memory_space<vmem_shared>> -> memref<104x64xf32, #tpu.memory_space<vmem_shared>>
      %dma_start3A_100 = arith.constant 0 : i32
      %dma_start3A_101 = tpu.memref_slice %arg12[%add3A_84, %dma_start3A_100] : memref<10016x64xf32, #tpu.memory_space<vmem_shared>> -> memref<104x64xf32, #tpu.memory_space<vmem_shared>>
      tpu.enqueue_dma source(%dma_start3A_101 : memref<104x64xf32, #tpu.memory_space<vmem_shared>>) target(%arg11 : memref<104x64xf32, #tpu.memory_space<vmem>>) target_semaphore(%run_scoped3A : memref<!tpu.dma_semaphore, #tpu.memory_space<semaphore_mem>>)
      %dma_wait3A_102 = arith.constant 0 : i32
      %dma_wait3A_103 = tpu.memref_slice %arg12[%add3A_84, %dma_wait3A_102] : memref<10016x64xf32, #tpu.memory_space<vmem_shared>> -> memref<104x64xf32, #tpu.memory_space<vmem_shared>>
      %dma_wait3A_104 = arith.constant 0 : i32
      %dma_wait3A_105 = tpu.memref_slice %arg12[%add3A_84, %dma_wait3A_104] : memref<10016x64xf32, #tpu.memory_space<vmem_shared>> -> memref<104x64xf32, #tpu.memory_space<vmem_shared>>
      tpu.wait_dma2 semaphore(%run_scoped3A : memref<!tpu.dma_semaphore, #tpu.memory_space<semaphore_mem>>) src(%dma_wait3A_105 : memref<104x64xf32, #tpu.memory_space<vmem_shared>>) dst(%arg11 : memref<104x64xf32, #tpu.memory_space<vmem>>)
      tpu.yield
    }) : () -> ()
    "tpu.region"() ({
      %run_scoped3A = tpu.sem_alloc : memref<!tpu.dma_semaphore, #tpu.memory_space<semaphore_mem>>
      %dma_start3A_98 = arith.constant 0 : i32
      %dma_start3A_99 = tpu.memref_slice %arg5[%arg0, %add3A_84, %dma_start3A_98] : memref<2x10000x64xf32, #tpu.memory_space<hbm>> -> memref<1x104x64xf32, #tpu.memory_space<hbm>>
      %dma_start3A_100 = tpu.memref_squeeze %dma_start3A_99 : memref<1x104x64xf32, #tpu.memory_space<hbm>> -> memref<104x64xf32, #tpu.memory_space<hbm>>
      %dma_start3A_101 = arith.constant 0 : i32
      %dma_start3A_102 = tpu.memref_slice %arg5[%arg0, %add3A_84, %dma_start3A_101] : memref<2x10000x64xf32, #tpu.memory_space<hbm>> -> memref<1x104x64xf32, #tpu.memory_space<hbm>>
      %dma_start3A_103 = tpu.memref_squeeze %dma_start3A_102 : memref<1x104x64xf32, #tpu.memory_space<hbm>> -> memref<104x64xf32, #tpu.memory_space<hbm>>
      tpu.enqueue_dma source(%arg11 : memref<104x64xf32, #tpu.memory_space<vmem>>) target(%dma_start3A_103 : memref<104x64xf32, #tpu.memory_space<hbm>>) target_semaphore(%run_scoped3A : memref<!tpu.dma_semaphore, #tpu.memory_space<semaphore_mem>>)
      %dma_wait3A_104 = arith.constant 0 : i32
      %dma_wait3A_105 = tpu.memref_slice %arg5[%arg0, %add3A_84, %dma_wait3A_104] : memref<2x10000x64xf32, #tpu.memory_space<hbm>> -> memref<1x104x64xf32, #tpu.memory_space<hbm>>
      %dma_wait3A_106 = tpu.memref_squeeze %dma_wait3A_105 : memref<1x104x64xf32, #tpu.memory_space<hbm>> -> memref<104x64xf32, #tpu.memory_space<hbm>>
      %dma_wait3A_107 = arith.constant 0 : i32
      %dma_wait3A_108 = tpu.memref_slice %arg5[%arg0, %add3A_84, %dma_wait3A_107] : memref<2x10000x64xf32, #tpu.memory_space<hbm>> -> memref<1x104x64xf32, #tpu.memory_space<hbm>>
      %dma_wait3A_109 = tpu.memref_squeeze %dma_wait3A_108 : memref<1x104x64xf32, #tpu.memory_space<hbm>> -> memref<104x64xf32, #tpu.memory_space<hbm>>
      tpu.wait_dma2 semaphore(%run_scoped3A : memref<!tpu.dma_semaphore, #tpu.memory_space<semaphore_mem>>) src(%arg11 : memref<104x64xf32, #tpu.memory_space<vmem>>) dst(%dma_wait3A_109 : memref<104x64xf32, #tpu.memory_space<hbm>>)
      tpu.yield
    }) : () -> ()
    %add3A_85 = arith.constant 208 : i32
    %add3A_86 = arith.addi %mul3A_16, %add3A_85 : i32
    "tpu.region"() ({
      %run_scoped3A = tpu.sem_alloc : memref<!tpu.dma_semaphore, #tpu.memory_space<semaphore_mem>>
      %dma_start3A_98 = arith.constant 0 : i32
      %dma_start3A_99 = tpu.memref_slice %arg12[%add3A_86, %dma_start3A_98] : memref<10016x64xf32, #tpu.memory_space<vmem_shared>> -> memref<104x64xf32, #tpu.memory_space<vmem_shared>>
      %dma_start3A_100 = arith.constant 0 : i32
      %dma_start3A_101 = tpu.memref_slice %arg12[%add3A_86, %dma_start3A_100] : memref<10016x64xf32, #tpu.memory_space<vmem_shared>> -> memref<104x64xf32, #tpu.memory_space<vmem_shared>>
      tpu.enqueue_dma source(%dma_start3A_101 : memref<104x64xf32, #tpu.memory_space<vmem_shared>>) target(%arg11 : memref<104x64xf32, #tpu.memory_space<vmem>>) target_semaphore(%run_scoped3A : memref<!tpu.dma_semaphore, #tpu.memory_space<semaphore_mem>>)
      %dma_wait3A_102 = arith.constant 0 : i32
      %dma_wait3A_103 = tpu.memref_slice %arg12[%add3A_86, %dma_wait3A_102] : memref<10016x64xf32, #tpu.memory_space<vmem_shared>> -> memref<104x64xf32, #tpu.memory_space<vmem_shared>>
      %dma_wait3A_104 = arith.constant 0 : i32
      %dma_wait3A_105 = tpu.memref_slice %arg12[%add3A_86, %dma_wait3A_104] : memref<10016x64xf32, #tpu.memory_space<vmem_shared>> -> memref<104x64xf32, #tpu.memory_space<vmem_shared>>
      tpu.wait_dma2 semaphore(%run_scoped3A : memref<!tpu.dma_semaphore, #tpu.memory_space<semaphore_mem>>) src(%dma_wait3A_105 : memref<104x64xf32, #tpu.memory_space<vmem_shared>>) dst(%arg11 : memref<104x64xf32, #tpu.memory_space<vmem>>)
      tpu.yield
    }) : () -> ()
    "tpu.region"() ({
      %run_scoped3A = tpu.sem_alloc : memref<!tpu.dma_semaphore, #tpu.memory_space<semaphore_mem>>
      %dma_start3A_98 = arith.constant 0 : i32
      %dma_start3A_99 = tpu.memref_slice %arg5[%arg0, %add3A_86, %dma_start3A_98] : memref<2x10000x64xf32, #tpu.memory_space<hbm>> -> memref<1x104x64xf32, #tpu.memory_space<hbm>>
      %dma_start3A_100 = tpu.memref_squeeze %dma_start3A_99 : memref<1x104x64xf32, #tpu.memory_space<hbm>> -> memref<104x64xf32, #tpu.memory_space<hbm>>
      %dma_start3A_101 = arith.constant 0 : i32
      %dma_start3A_102 = tpu.memref_slice %arg5[%arg0, %add3A_86, %dma_start3A_101] : memref<2x10000x64xf32, #tpu.memory_space<hbm>> -> memref<1x104x64xf32, #tpu.memory_space<hbm>>
      %dma_start3A_103 = tpu.memref_squeeze %dma_start3A_102 : memref<1x104x64xf32, #tpu.memory_space<hbm>> -> memref<104x64xf32, #tpu.memory_space<hbm>>
      tpu.enqueue_dma source(%arg11 : memref<104x64xf32, #tpu.memory_space<vmem>>) target(%dma_start3A_103 : memref<104x64xf32, #tpu.memory_space<hbm>>) target_semaphore(%run_scoped3A : memref<!tpu.dma_semaphore, #tpu.memory_space<semaphore_mem>>)
      %dma_wait3A_104 = arith.constant 0 : i32
      %dma_wait3A_105 = tpu.memref_slice %arg5[%arg0, %add3A_86, %dma_wait3A_104] : memref<2x10000x64xf32, #tpu.memory_space<hbm>> -> memref<1x104x64xf32, #tpu.memory_space<hbm>>
      %dma_wait3A_106 = tpu.memref_squeeze %dma_wait3A_105 : memref<1x104x64xf32, #tpu.memory_space<hbm>> -> memref<104x64xf32, #tpu.memory_space<hbm>>
      %dma_wait3A_107 = arith.constant 0 : i32
      %dma_wait3A_108 = tpu.memref_slice %arg5[%arg0, %add3A_86, %dma_wait3A_107] : memref<2x10000x64xf32, #tpu.memory_space<hbm>> -> memref<1x104x64xf32, #tpu.memory_space<hbm>>
      %dma_wait3A_109 = tpu.memref_squeeze %dma_wait3A_108 : memref<1x104x64xf32, #tpu.memory_space<hbm>> -> memref<104x64xf32, #tpu.memory_space<hbm>>
      tpu.wait_dma2 semaphore(%run_scoped3A : memref<!tpu.dma_semaphore, #tpu.memory_space<semaphore_mem>>) src(%arg11 : memref<104x64xf32, #tpu.memory_space<vmem>>) dst(%dma_wait3A_109 : memref<104x64xf32, #tpu.memory_space<hbm>>)
      tpu.yield
    }) : () -> ()
    %add3A_87 = arith.constant 312 : i32
    %add3A_88 = arith.addi %mul3A_16, %add3A_87 : i32
    "tpu.region"() ({
      %run_scoped3A = tpu.sem_alloc : memref<!tpu.dma_semaphore, #tpu.memory_space<semaphore_mem>>
      %dma_start3A_98 = arith.constant 0 : i32
      %dma_start3A_99 = tpu.memref_slice %arg12[%add3A_88, %dma_start3A_98] : memref<10016x64xf32, #tpu.memory_space<vmem_shared>> -> memref<104x64xf32, #tpu.memory_space<vmem_shared>>
      %dma_start3A_100 = arith.constant 0 : i32
      %dma_start3A_101 = tpu.memref_slice %arg12[%add3A_88, %dma_start3A_100] : memref<10016x64xf32, #tpu.memory_space<vmem_shared>> -> memref<104x64xf32, #tpu.memory_space<vmem_shared>>
      tpu.enqueue_dma source(%dma_start3A_101 : memref<104x64xf32, #tpu.memory_space<vmem_shared>>) target(%arg11 : memref<104x64xf32, #tpu.memory_space<vmem>>) target_semaphore(%run_scoped3A : memref<!tpu.dma_semaphore, #tpu.memory_space<semaphore_mem>>)
      %dma_wait3A_102 = arith.constant 0 : i32
      %dma_wait3A_103 = tpu.memref_slice %arg12[%add3A_88, %dma_wait3A_102] : memref<10016x64xf32, #tpu.memory_space<vmem_shared>> -> memref<104x64xf32, #tpu.memory_space<vmem_shared>>
      %dma_wait3A_104 = arith.constant 0 : i32
      %dma_wait3A_105 = tpu.memref_slice %arg12[%add3A_88, %dma_wait3A_104] : memref<10016x64xf32, #tpu.memory_space<vmem_shared>> -> memref<104x64xf32, #tpu.memory_space<vmem_shared>>
      tpu.wait_dma2 semaphore(%run_scoped3A : memref<!tpu.dma_semaphore, #tpu.memory_space<semaphore_mem>>) src(%dma_wait3A_105 : memref<104x64xf32, #tpu.memory_space<vmem_shared>>) dst(%arg11 : memref<104x64xf32, #tpu.memory_space<vmem>>)
      tpu.yield
    }) : () -> ()
    "tpu.region"() ({
      %run_scoped3A = tpu.sem_alloc : memref<!tpu.dma_semaphore, #tpu.memory_space<semaphore_mem>>
      %dma_start3A_98 = arith.constant 0 : i32
      %dma_start3A_99 = tpu.memref_slice %arg5[%arg0, %add3A_88, %dma_start3A_98] : memref<2x10000x64xf32, #tpu.memory_space<hbm>> -> memref<1x104x64xf32, #tpu.memory_space<hbm>>
      %dma_start3A_100 = tpu.memref_squeeze %dma_start3A_99 : memref<1x104x64xf32, #tpu.memory_space<hbm>> -> memref<104x64xf32, #tpu.memory_space<hbm>>
      %dma_start3A_101 = arith.constant 0 : i32
      %dma_start3A_102 = tpu.memref_slice %arg5[%arg0, %add3A_88, %dma_start3A_101] : memref<2x10000x64xf32, #tpu.memory_space<hbm>> -> memref<1x104x64xf32, #tpu.memory_space<hbm>>
      %dma_start3A_103 = tpu.memref_squeeze %dma_start3A_102 : memref<1x104x64xf32, #tpu.memory_space<hbm>> -> memref<104x64xf32, #tpu.memory_space<hbm>>
      tpu.enqueue_dma source(%arg11 : memref<104x64xf32, #tpu.memory_space<vmem>>) target(%dma_start3A_103 : memref<104x64xf32, #tpu.memory_space<hbm>>) target_semaphore(%run_scoped3A : memref<!tpu.dma_semaphore, #tpu.memory_space<semaphore_mem>>)
      %dma_wait3A_104 = arith.constant 0 : i32
      %dma_wait3A_105 = tpu.memref_slice %arg5[%arg0, %add3A_88, %dma_wait3A_104] : memref<2x10000x64xf32, #tpu.memory_space<hbm>> -> memref<1x104x64xf32, #tpu.memory_space<hbm>>
      %dma_wait3A_106 = tpu.memref_squeeze %dma_wait3A_105 : memref<1x104x64xf32, #tpu.memory_space<hbm>> -> memref<104x64xf32, #tpu.memory_space<hbm>>
      %dma_wait3A_107 = arith.constant 0 : i32
      %dma_wait3A_108 = tpu.memref_slice %arg5[%arg0, %add3A_88, %dma_wait3A_107] : memref<2x10000x64xf32, #tpu.memory_space<hbm>> -> memref<1x104x64xf32, #tpu.memory_space<hbm>>
      %dma_wait3A_109 = tpu.memref_squeeze %dma_wait3A_108 : memref<1x104x64xf32, #tpu.memory_space<hbm>> -> memref<104x64xf32, #tpu.memory_space<hbm>>
      tpu.wait_dma2 semaphore(%run_scoped3A : memref<!tpu.dma_semaphore, #tpu.memory_space<semaphore_mem>>) src(%arg11 : memref<104x64xf32, #tpu.memory_space<vmem>>) dst(%dma_wait3A_109 : memref<104x64xf32, #tpu.memory_space<hbm>>)
      tpu.yield
    }) : () -> ()
    %add3A_89 = arith.constant 416 : i32
    %add3A_90 = arith.addi %mul3A_16, %add3A_89 : i32
    "tpu.region"() ({
      %run_scoped3A = tpu.sem_alloc : memref<!tpu.dma_semaphore, #tpu.memory_space<semaphore_mem>>
      %dma_start3A_98 = arith.constant 0 : i32
      %dma_start3A_99 = tpu.memref_slice %arg12[%add3A_90, %dma_start3A_98] : memref<10016x64xf32, #tpu.memory_space<vmem_shared>> -> memref<104x64xf32, #tpu.memory_space<vmem_shared>>
      %dma_start3A_100 = arith.constant 0 : i32
      %dma_start3A_101 = tpu.memref_slice %arg12[%add3A_90, %dma_start3A_100] : memref<10016x64xf32, #tpu.memory_space<vmem_shared>> -> memref<104x64xf32, #tpu.memory_space<vmem_shared>>
      tpu.enqueue_dma source(%dma_start3A_101 : memref<104x64xf32, #tpu.memory_space<vmem_shared>>) target(%arg11 : memref<104x64xf32, #tpu.memory_space<vmem>>) target_semaphore(%run_scoped3A : memref<!tpu.dma_semaphore, #tpu.memory_space<semaphore_mem>>)
      %dma_wait3A_102 = arith.constant 0 : i32
      %dma_wait3A_103 = tpu.memref_slice %arg12[%add3A_90, %dma_wait3A_102] : memref<10016x64xf32, #tpu.memory_space<vmem_shared>> -> memref<104x64xf32, #tpu.memory_space<vmem_shared>>
      %dma_wait3A_104 = arith.constant 0 : i32
      %dma_wait3A_105 = tpu.memref_slice %arg12[%add3A_90, %dma_wait3A_104] : memref<10016x64xf32, #tpu.memory_space<vmem_shared>> -> memref<104x64xf32, #tpu.memory_space<vmem_shared>>
      tpu.wait_dma2 semaphore(%run_scoped3A : memref<!tpu.dma_semaphore, #tpu.memory_space<semaphore_mem>>) src(%dma_wait3A_105 : memref<104x64xf32, #tpu.memory_space<vmem_shared>>) dst(%arg11 : memref<104x64xf32, #tpu.memory_space<vmem>>)
      tpu.yield
    }) : () -> ()
    "tpu.region"() ({
      %run_scoped3A = tpu.sem_alloc : memref<!tpu.dma_semaphore, #tpu.memory_space<semaphore_mem>>
      %dma_start3A_98 = arith.constant 0 : i32
      %dma_start3A_99 = tpu.memref_slice %arg5[%arg0, %add3A_90, %dma_start3A_98] : memref<2x10000x64xf32, #tpu.memory_space<hbm>> -> memref<1x104x64xf32, #tpu.memory_space<hbm>>
      %dma_start3A_100 = tpu.memref_squeeze %dma_start3A_99 : memref<1x104x64xf32, #tpu.memory_space<hbm>> -> memref<104x64xf32, #tpu.memory_space<hbm>>
      %dma_start3A_101 = arith.constant 0 : i32
      %dma_start3A_102 = tpu.memref_slice %arg5[%arg0, %add3A_90, %dma_start3A_101] : memref<2x10000x64xf32, #tpu.memory_space<hbm>> -> memref<1x104x64xf32, #tpu.memory_space<hbm>>
      %dma_start3A_103 = tpu.memref_squeeze %dma_start3A_102 : memref<1x104x64xf32, #tpu.memory_space<hbm>> -> memref<104x64xf32, #tpu.memory_space<hbm>>
      tpu.enqueue_dma source(%arg11 : memref<104x64xf32, #tpu.memory_space<vmem>>) target(%dma_start3A_103 : memref<104x64xf32, #tpu.memory_space<hbm>>) target_semaphore(%run_scoped3A : memref<!tpu.dma_semaphore, #tpu.memory_space<semaphore_mem>>)
      %dma_wait3A_104 = arith.constant 0 : i32
      %dma_wait3A_105 = tpu.memref_slice %arg5[%arg0, %add3A_90, %dma_wait3A_104] : memref<2x10000x64xf32, #tpu.memory_space<hbm>> -> memref<1x104x64xf32, #tpu.memory_space<hbm>>
      %dma_wait3A_106 = tpu.memref_squeeze %dma_wait3A_105 : memref<1x104x64xf32, #tpu.memory_space<hbm>> -> memref<104x64xf32, #tpu.memory_space<hbm>>
      %dma_wait3A_107 = arith.constant 0 : i32
      %dma_wait3A_108 = tpu.memref_slice %arg5[%arg0, %add3A_90, %dma_wait3A_107] : memref<2x10000x64xf32, #tpu.memory_space<hbm>> -> memref<1x104x64xf32, #tpu.memory_space<hbm>>
      %dma_wait3A_109 = tpu.memref_squeeze %dma_wait3A_108 : memref<1x104x64xf32, #tpu.memory_space<hbm>> -> memref<104x64xf32, #tpu.memory_space<hbm>>
      tpu.wait_dma2 semaphore(%run_scoped3A : memref<!tpu.dma_semaphore, #tpu.memory_space<semaphore_mem>>) src(%arg11 : memref<104x64xf32, #tpu.memory_space<vmem>>) dst(%dma_wait3A_109 : memref<104x64xf32, #tpu.memory_space<hbm>>)
      tpu.yield
    }) : () -> ()
    %add3A_91 = arith.constant 520 : i32
    %add3A_92 = arith.addi %mul3A_16, %add3A_91 : i32
    "tpu.region"() ({
      %run_scoped3A = tpu.sem_alloc : memref<!tpu.dma_semaphore, #tpu.memory_space<semaphore_mem>>
      %dma_start3A_98 = arith.constant 0 : i32
      %dma_start3A_99 = tpu.memref_slice %arg12[%add3A_92, %dma_start3A_98] : memref<10016x64xf32, #tpu.memory_space<vmem_shared>> -> memref<104x64xf32, #tpu.memory_space<vmem_shared>>
      %dma_start3A_100 = arith.constant 0 : i32
      %dma_start3A_101 = tpu.memref_slice %arg12[%add3A_92, %dma_start3A_100] : memref<10016x64xf32, #tpu.memory_space<vmem_shared>> -> memref<104x64xf32, #tpu.memory_space<vmem_shared>>
      tpu.enqueue_dma source(%dma_start3A_101 : memref<104x64xf32, #tpu.memory_space<vmem_shared>>) target(%arg11 : memref<104x64xf32, #tpu.memory_space<vmem>>) target_semaphore(%run_scoped3A : memref<!tpu.dma_semaphore, #tpu.memory_space<semaphore_mem>>)
      %dma_wait3A_102 = arith.constant 0 : i32
      %dma_wait3A_103 = tpu.memref_slice %arg12[%add3A_92, %dma_wait3A_102] : memref<10016x64xf32, #tpu.memory_space<vmem_shared>> -> memref<104x64xf32, #tpu.memory_space<vmem_shared>>
      %dma_wait3A_104 = arith.constant 0 : i32
      %dma_wait3A_105 = tpu.memref_slice %arg12[%add3A_92, %dma_wait3A_104] : memref<10016x64xf32, #tpu.memory_space<vmem_shared>> -> memref<104x64xf32, #tpu.memory_space<vmem_shared>>
      tpu.wait_dma2 semaphore(%run_scoped3A : memref<!tpu.dma_semaphore, #tpu.memory_space<semaphore_mem>>) src(%dma_wait3A_105 : memref<104x64xf32, #tpu.memory_space<vmem_shared>>) dst(%arg11 : memref<104x64xf32, #tpu.memory_space<vmem>>)
      tpu.yield
    }) : () -> ()
    "tpu.region"() ({
      %run_scoped3A = tpu.sem_alloc : memref<!tpu.dma_semaphore, #tpu.memory_space<semaphore_mem>>
      %dma_start3A_98 = arith.constant 0 : i32
      %dma_start3A_99 = tpu.memref_slice %arg5[%arg0, %add3A_92, %dma_start3A_98] : memref<2x10000x64xf32, #tpu.memory_space<hbm>> -> memref<1x104x64xf32, #tpu.memory_space<hbm>>
      %dma_start3A_100 = tpu.memref_squeeze %dma_start3A_99 : memref<1x104x64xf32, #tpu.memory_space<hbm>> -> memref<104x64xf32, #tpu.memory_space<hbm>>
      %dma_start3A_101 = arith.constant 0 : i32
      %dma_start3A_102 = tpu.memref_slice %arg5[%arg0, %add3A_92, %dma_start3A_101] : memref<2x10000x64xf32, #tpu.memory_space<hbm>> -> memref<1x104x64xf32, #tpu.memory_space<hbm>>
      %dma_start3A_103 = tpu.memref_squeeze %dma_start3A_102 : memref<1x104x64xf32, #tpu.memory_space<hbm>> -> memref<104x64xf32, #tpu.memory_space<hbm>>
      tpu.enqueue_dma source(%arg11 : memref<104x64xf32, #tpu.memory_space<vmem>>) target(%dma_start3A_103 : memref<104x64xf32, #tpu.memory_space<hbm>>) target_semaphore(%run_scoped3A : memref<!tpu.dma_semaphore, #tpu.memory_space<semaphore_mem>>)
      %dma_wait3A_104 = arith.constant 0 : i32
      %dma_wait3A_105 = tpu.memref_slice %arg5[%arg0, %add3A_92, %dma_wait3A_104] : memref<2x10000x64xf32, #tpu.memory_space<hbm>> -> memref<1x104x64xf32, #tpu.memory_space<hbm>>
      %dma_wait3A_106 = tpu.memref_squeeze %dma_wait3A_105 : memref<1x104x64xf32, #tpu.memory_space<hbm>> -> memref<104x64xf32, #tpu.memory_space<hbm>>
      %dma_wait3A_107 = arith.constant 0 : i32
      %dma_wait3A_108 = tpu.memref_slice %arg5[%arg0, %add3A_92, %dma_wait3A_107] : memref<2x10000x64xf32, #tpu.memory_space<hbm>> -> memref<1x104x64xf32, #tpu.memory_space<hbm>>
      %dma_wait3A_109 = tpu.memref_squeeze %dma_wait3A_108 : memref<1x104x64xf32, #tpu.memory_space<hbm>> -> memref<104x64xf32, #tpu.memory_space<hbm>>
      tpu.wait_dma2 semaphore(%run_scoped3A : memref<!tpu.dma_semaphore, #tpu.memory_space<semaphore_mem>>) src(%arg11 : memref<104x64xf32, #tpu.memory_space<vmem>>) dst(%dma_wait3A_109 : memref<104x64xf32, #tpu.memory_space<hbm>>)
      tpu.yield
    }) : () -> ()
    %eq3A_93 = arith.constant 15 : i32
    %eq3A_94 = arith.cmpi eq, %arg1, %eq3A_93 : i32
    %convert_element_type3A_95 = arith.extui %eq3A_94 : i1 to i32
    %cond3A_96 = arith.constant 0 : i32
    %cond3A_97 = arith.cmpi ne, %convert_element_type3A_95, %cond3A_96 : i32
    scf.if %cond3A_97 {
      "tpu.region"() ({
        %run_scoped3A = tpu.sem_alloc : memref<!tpu.dma_semaphore, #tpu.memory_space<semaphore_mem>>
        %dma_start3A_98 = arith.constant 0 : i32
        %dma_start3A_99 = arith.constant 0 : i32
        %dma_start3A_100 = tpu.memref_slice %arg11[%dma_start3A_98, %dma_start3A_99] : memref<104x64xf32, #tpu.memory_space<vmem>> -> memref<16x64xf32, #tpu.memory_space<vmem>>
        %dma_start3A_101 = arith.constant 9984 : i32
        %dma_start3A_102 = arith.constant 0 : i32
        %dma_start3A_103 = tpu.memref_slice %arg12[%dma_start3A_101, %dma_start3A_102] : memref<10016x64xf32, #tpu.memory_space<vmem_shared>> -> memref<16x64xf32, #tpu.memory_space<vmem_shared>>
        %dma_start3A_104 = arith.constant 0 : i32
        %dma_start3A_105 = arith.constant 0 : i32
        %dma_start3A_106 = tpu.memref_slice %arg11[%dma_start3A_104, %dma_start3A_105] : memref<104x64xf32, #tpu.memory_space<vmem>> -> memref<16x64xf32, #tpu.memory_space<vmem>>
        %dma_start3A_107 = arith.constant 9984 : i32
        %dma_start3A_108 = arith.constant 0 : i32
        %dma_start3A_109 = tpu.memref_slice %arg12[%dma_start3A_107, %dma_start3A_108] : memref<10016x64xf32, #tpu.memory_space<vmem_shared>> -> memref<16x64xf32, #tpu.memory_space<vmem_shared>>
        tpu.enqueue_dma source(%dma_start3A_109 : memref<16x64xf32, #tpu.memory_space<vmem_shared>>) target(%dma_start3A_106 : memref<16x64xf32, #tpu.memory_space<vmem>>) target_semaphore(%run_scoped3A : memref<!tpu.dma_semaphore, #tpu.memory_space<semaphore_mem>>)
        %dma_wait3A_110 = arith.constant 0 : i32
        %dma_wait3A_111 = arith.constant 0 : i32
        %dma_wait3A_112 = tpu.memref_slice %arg11[%dma_wait3A_110, %dma_wait3A_111] : memref<104x64xf32, #tpu.memory_space<vmem>> -> memref<16x64xf32, #tpu.memory_space<vmem>>
        %dma_wait3A_113 = arith.constant 9984 : i32
        %dma_wait3A_114 = arith.constant 0 : i32
        %dma_wait3A_115 = tpu.memref_slice %arg12[%dma_wait3A_113, %dma_wait3A_114] : memref<10016x64xf32, #tpu.memory_space<vmem_shared>> -> memref<16x64xf32, #tpu.memory_space<vmem_shared>>
        %dma_wait3A_116 = arith.constant 0 : i32
        %dma_wait3A_117 = arith.constant 0 : i32
        %dma_wait3A_118 = tpu.memref_slice %arg11[%dma_wait3A_116, %dma_wait3A_117] : memref<104x64xf32, #tpu.memory_space<vmem>> -> memref<16x64xf32, #tpu.memory_space<vmem>>
        %dma_wait3A_119 = arith.constant 9984 : i32
        %dma_wait3A_120 = arith.constant 0 : i32
        %dma_wait3A_121 = tpu.memref_slice %arg12[%dma_wait3A_119, %dma_wait3A_120] : memref<10016x64xf32, #tpu.memory_space<vmem_shared>> -> memref<16x64xf32, #tpu.memory_space<vmem_shared>>
        tpu.wait_dma2 semaphore(%run_scoped3A : memref<!tpu.dma_semaphore, #tpu.memory_space<semaphore_mem>>) src(%dma_wait3A_121 : memref<16x64xf32, #tpu.memory_space<vmem_shared>>) dst(%dma_wait3A_118 : memref<16x64xf32, #tpu.memory_space<vmem>>)
        tpu.yield
      }) : () -> ()
      "tpu.region"() ({
        %run_scoped3A = tpu.sem_alloc : memref<!tpu.dma_semaphore, #tpu.memory_space<semaphore_mem>>
        %dma_start3A_98 = arith.constant 0 : i32
        %dma_start3A_99 = arith.constant 0 : i32
        %dma_start3A_100 = tpu.memref_slice %arg11[%dma_start3A_98, %dma_start3A_99] : memref<104x64xf32, #tpu.memory_space<vmem>> -> memref<16x64xf32, #tpu.memory_space<vmem>>
        %dma_start3A_101 = arith.constant 9984 : i32
        %dma_start3A_102 = arith.constant 0 : i32
        %dma_start3A_103 = tpu.memref_slice %arg5[%arg0, %dma_start3A_101, %dma_start3A_102] : memref<2x10000x64xf32, #tpu.memory_space<hbm>> -> memref<1x16x64xf32, #tpu.memory_space<hbm>>
        %dma_start3A_104 = tpu.memref_squeeze %dma_start3A_103 : memref<1x16x64xf32, #tpu.memory_space<hbm>> -> memref<16x64xf32, #tpu.memory_space<hbm>>
        %dma_start3A_105 = arith.constant 9984 : i32
        %dma_start3A_106 = arith.constant 0 : i32
        %dma_start3A_107 = tpu.memref_slice %arg5[%arg0, %dma_start3A_105, %dma_start3A_106] : memref<2x10000x64xf32, #tpu.memory_space<hbm>> -> memref<1x16x64xf32, #tpu.memory_space<hbm>>
        %dma_start3A_108 = tpu.memref_squeeze %dma_start3A_107 : memref<1x16x64xf32, #tpu.memory_space<hbm>> -> memref<16x64xf32, #tpu.memory_space<hbm>>
        %dma_start3A_109 = arith.constant 0 : i32
        %dma_start3A_110 = arith.constant 0 : i32
        %dma_start3A_111 = tpu.memref_slice %arg11[%dma_start3A_109, %dma_start3A_110] : memref<104x64xf32, #tpu.memory_space<vmem>> -> memref<16x64xf32, #tpu.memory_space<vmem>>
        tpu.enqueue_dma source(%dma_start3A_111 : memref<16x64xf32, #tpu.memory_space<vmem>>) target(%dma_start3A_108 : memref<16x64xf32, #tpu.memory_space<hbm>>) target_semaphore(%run_scoped3A : memref<!tpu.dma_semaphore, #tpu.memory_space<semaphore_mem>>)
        %dma_wait3A_112 = arith.constant 0 : i32
        %dma_wait3A_113 = arith.constant 0 : i32
        %dma_wait3A_114 = tpu.memref_slice %arg11[%dma_wait3A_112, %dma_wait3A_113] : memref<104x64xf32, #tpu.memory_space<vmem>> -> memref<16x64xf32, #tpu.memory_space<vmem>>
        %dma_wait3A_115 = arith.constant 9984 : i32
        %dma_wait3A_116 = arith.constant 0 : i32
        %dma_wait3A_117 = tpu.memref_slice %arg5[%arg0, %dma_wait3A_115, %dma_wait3A_116] : memref<2x10000x64xf32, #tpu.memory_space<hbm>> -> memref<1x16x64xf32, #tpu.memory_space<hbm>>
        %dma_wait3A_118 = tpu.memref_squeeze %dma_wait3A_117 : memref<1x16x64xf32, #tpu.memory_space<hbm>> -> memref<16x64xf32, #tpu.memory_space<hbm>>
        %dma_wait3A_119 = arith.constant 9984 : i32
        %dma_wait3A_120 = arith.constant 0 : i32
        %dma_wait3A_121 = tpu.memref_slice %arg5[%arg0, %dma_wait3A_119, %dma_wait3A_120] : memref<2x10000x64xf32, #tpu.memory_space<hbm>> -> memref<1x16x64xf32, #tpu.memory_space<hbm>>
        %dma_wait3A_122 = tpu.memref_squeeze %dma_wait3A_121 : memref<1x16x64xf32, #tpu.memory_space<hbm>> -> memref<16x64xf32, #tpu.memory_space<hbm>>
        %dma_wait3A_123 = arith.constant 0 : i32
        %dma_wait3A_124 = arith.constant 0 : i32
        %dma_wait3A_125 = tpu.memref_slice %arg11[%dma_wait3A_123, %dma_wait3A_124] : memref<104x64xf32, #tpu.memory_space<vmem>> -> memref<16x64xf32, #tpu.memory_space<vmem>>
        tpu.wait_dma2 semaphore(%run_scoped3A : memref<!tpu.dma_semaphore, #tpu.memory_space<semaphore_mem>>) src(%dma_wait3A_125 : memref<16x64xf32, #tpu.memory_space<vmem>>) dst(%dma_wait3A_122 : memref<16x64xf32, #tpu.memory_space<hbm>>)
        tpu.yield
      }) : () -> ()
    } else {
    }
    return
  }
}

#map = affine_map<(d0, d1) -> (0, 0)>
#map1 = affine_map<(d0, d1) -> (0)>
#map2 = affine_map<(d0, d1) -> (0, 0, 0)>
module attributes {stable_mosaic.version = 14 : i64} {
  func.func @agg(%arg0: i32, %arg1: i32, %arg2: memref<10000x64xf32, #tpu.memory_space<hbm>>, %arg3: memref<327680xi32, #tpu.memory_space<hbm>>, %arg4: memref<327680xi32, #tpu.memory_space<hbm>>, %arg5: memref<2x10000x64xf32, #tpu.memory_space<hbm>>, %arg6: memref<10240xi32, #tpu.memory_space<vmem>>, %arg7: memref<256xi32, #tpu.memory_space<vmem>>, %arg8: memref<256xi32, #tpu.memory_space<vmem>>, %arg9: memref<256x64xf32, #tpu.memory_space<vmem>>, %arg10: memref<256x64xf32, #tpu.memory_space<vmem>>, %arg11: memref<104x64xf32, #tpu.memory_space<vmem>>, %arg12: memref<10016x64xf32, #tpu.memory_space<vmem_shared>>, %arg13: memref<10016x64xf32, #tpu.memory_space<vmem_shared>>, %arg14: memref<!tpu.dma_semaphore, #tpu.memory_space<semaphore_mem>>, %arg15: memref<!tpu.dma_semaphore, #tpu.memory_space<semaphore_mem>>, %arg16: memref<!tpu.dma_semaphore, #tpu.memory_space<semaphore_mem>>, %arg17: memref<!tpu.dma_semaphore, #tpu.memory_space<semaphore_mem>>, %arg18: memref<!tpu.dma_semaphore, #tpu.memory_space<semaphore_mem>>) attributes {dimension_semantics = [#tpu.dimension_semantics<core_parallel>, #tpu.dimension_semantics<subcore_parallel>], iteration_bounds = array<i64: 2, 16>, scalar_prefetch = 0 : i64, scratch_operands = 13 : i64, tpu.core_type = #tpu.core_type<sc_vector_subcore>, window_params = [{transform_indices = #map}, {transform_indices = #map1}, {transform_indices = #map1}, {transform_indices = #map2}]} {
    %mul3A = arith.constant 2 : i32
    %mul3A_0 = arith.muli %arg1, %mul3A : i32
    %add3A = arith.addi %mul3A_0, %arg0 : i32
    %broadcast_in_dim3A = arith.constant 0.000000e+00 : f32
    %broadcast_in_dim3A_1 = vector.broadcast %broadcast_in_dim3A : f32 to vector<16xf32>
    %mul3A_2 = arith.constant 10240 : i32
    %mul3A_3 = arith.muli %add3A, %mul3A_2 : i32
    "tpu.region"() ({
      %run_scoped3A = tpu.sem_alloc : memref<!tpu.dma_semaphore, #tpu.memory_space<semaphore_mem>>
      %dma_start3A_98 = tpu.memref_slice %arg3[%mul3A_3] : memref<327680xi32, #tpu.memory_space<hbm>> -> memref<10240xi32, #tpu.memory_space<hbm>>
      %dma_start3A_99 = tpu.memref_slice %arg3[%mul3A_3] : memref<327680xi32, #tpu.memory_space<hbm>> -> memref<10240xi32, #tpu.memory_space<hbm>>
      tpu.enqueue_dma source(%dma_start3A_99 : memref<10240xi32, #tpu.memory_space<hbm>>) target(%arg6 : memref<10240xi32, #tpu.memory_space<vmem>>) target_semaphore(%run_scoped3A : memref<!tpu.dma_semaphore, #tpu.memory_space<semaphore_mem>>)
      %dma_wait3A_100 = tpu.memref_slice %arg3[%mul3A_3] : memref<327680xi32, #tpu.memory_space<hbm>> -> memref<10240xi32, #tpu.memory_space<hbm>>
      %dma_wait3A_101 = tpu.memref_slice %arg3[%mul3A_3] : memref<327680xi32, #tpu.memory_space<hbm>> -> memref<10240xi32, #tpu.memory_space<hbm>>
      tpu.wait_dma2 semaphore(%run_scoped3A : memref<!tpu.dma_semaphore, #tpu.memory_space<semaphore_mem>>) src(%dma_wait3A_101 : memref<10240xi32, #tpu.memory_space<hbm>>) dst(%arg6 : memref<10240xi32, #tpu.memory_space<vmem>>)
      tpu.yield
    }) : () -> ()
    %add3A_4 = arith.constant 0 : i32
    %add3A_5 = arith.addi %mul3A_3, %add3A_4 : i32
    %dma_start3A = tpu.memref_slice %arg4[%add3A_5] : memref<327680xi32, #tpu.memory_space<hbm>> -> memref<256xi32, #tpu.memory_space<hbm>>
    %dma_start3A_6 = tpu.memref_slice %arg4[%add3A_5] : memref<327680xi32, #tpu.memory_space<hbm>> -> memref<256xi32, #tpu.memory_space<hbm>>
    tpu.enqueue_dma source(%dma_start3A_6 : memref<256xi32, #tpu.memory_space<hbm>>) target(%arg7 : memref<256xi32, #tpu.memory_space<vmem>>) target_semaphore(%arg16 : memref<!tpu.dma_semaphore, #tpu.memory_space<semaphore_mem>>)
    %add3A_7 = arith.constant 256 : i32
    %add3A_8 = arith.addi %mul3A_3, %add3A_7 : i32
    %dma_start3A_9 = tpu.memref_slice %arg4[%add3A_8] : memref<327680xi32, #tpu.memory_space<hbm>> -> memref<256xi32, #tpu.memory_space<hbm>>
    %dma_start3A_10 = tpu.memref_slice %arg4[%add3A_8] : memref<327680xi32, #tpu.memory_space<hbm>> -> memref<256xi32, #tpu.memory_space<hbm>>
    tpu.enqueue_dma source(%dma_start3A_10 : memref<256xi32, #tpu.memory_space<hbm>>) target(%arg8 : memref<256xi32, #tpu.memory_space<vmem>>) target_semaphore(%arg17 : memref<!tpu.dma_semaphore, #tpu.memory_space<semaphore_mem>>)
    %scan3A = arith.constant 0 : i32
    %scan3A_11 = arith.constant 104 : i32
    %scan3A_12 = arith.addi %scan3A, %scan3A_11 : i32
    %scan3A_13 = arith.constant 1 : i32
    scf.for %scan3A_98 = %scan3A to %scan3A_12 step %scan3A_13  : i32 {
      %mul3A_99 = arith.constant 1 : i32
      %mul3A_100 = arith.muli %scan3A_98, %mul3A_99 : i32
      %add3A_101 = arith.constant 0 : i32
      %add3A_102 = arith.addi %add3A_101, %mul3A_100 : i32
      %swap3A = arith.index_cast %add3A_102 : i32 to index
      %swap3A_103 = arith.constant 0 : index
      %swap3A_104 = tpu.vector_load %arg11[%swap3A, %swap3A_103] {strides = array<i32>} : memref<104x64xf32, #tpu.memory_space<vmem>>, vector<1x16xf32>,
      %swap3A_105 = vector.shape_cast %swap3A_104 : vector<1x16xf32> to vector<16xf32>
      %swap3A_106 = vector.shape_cast %broadcast_in_dim3A_1 : vector<16xf32> to vector<1x16xf32>
      tpu.vector_store %arg11[%swap3A, %swap3A_103], %swap3A_106 {strides = array<i32>} : memref<104x64xf32, #tpu.memory_space<vmem>>, vector<1x16xf32>,
      %swap3A_107 = arith.index_cast %add3A_102 : i32 to index
      %swap3A_108 = arith.constant 16 : index
      %swap3A_109 = tpu.vector_load %arg11[%swap3A_107, %swap3A_108] {strides = array<i32>} : memref<104x64xf32, #tpu.memory_space<vmem>>, vector<1x16xf32>,
      %swap3A_110 = vector.shape_cast %swap3A_109 : vector<1x16xf32> to vector<16xf32>
      %swap3A_111 = vector.shape_cast %broadcast_in_dim3A_1 : vector<16xf32> to vector<1x16xf32>
      tpu.vector_store %arg11[%swap3A_107, %swap3A_108], %swap3A_111 {strides = array<i32>} : memref<104x64xf32, #tpu.memory_space<vmem>>, vector<1x16xf32>,
      %swap3A_112 = arith.index_cast %add3A_102 : i32 to index
      %swap3A_113 = arith.constant 32 : index
      %swap3A_114 = tpu.vector_load %arg11[%swap3A_112, %swap3A_113] {strides = array<i32>} : memref<104x64xf32, #tpu.memory_space<vmem>>, vector<1x16xf32>,
      %swap3A_115 = vector.shape_cast %swap3A_114 : vector<1x16xf32> to vector<16xf32>
      %swap3A_116 = vector.shape_cast %broadcast_in_dim3A_1 : vector<16xf32> to vector<1x16xf32>
      tpu.vector_store %arg11[%swap3A_112, %swap3A_113], %swap3A_116 {strides = array<i32>} : memref<104x64xf32, #tpu.memory_space<vmem>>, vector<1x16xf32>,
      %swap3A_117 = arith.index_cast %add3A_102 : i32 to index
      %swap3A_118 = arith.constant 48 : index
      %swap3A_119 = tpu.vector_load %arg11[%swap3A_117, %swap3A_118] {strides = array<i32>} : memref<104x64xf32, #tpu.memory_space<vmem>>, vector<1x16xf32>,
      %swap3A_120 = vector.shape_cast %swap3A_119 : vector<1x16xf32> to vector<16xf32>
      %swap3A_121 = vector.shape_cast %broadcast_in_dim3A_1 : vector<16xf32> to vector<1x16xf32>
      tpu.vector_store %arg11[%swap3A_117, %swap3A_118], %swap3A_121 {strides = array<i32>} : memref<104x64xf32, #tpu.memory_space<vmem>>, vector<1x16xf32>,
    }
    %scan3A_14 = arith.constant 104 : i32
    %mul3A_15 = arith.constant 624 : i32
    %mul3A_16 = arith.muli %arg1, %mul3A_15 : i32
    %add3A_17 = arith.constant 0 : i32
    %add3A_18 = arith.addi %mul3A_16, %add3A_17 : i32
    "tpu.region"() ({
      %run_scoped3A = tpu.sem_alloc : memref<!tpu.dma_semaphore, #tpu.memory_space<semaphore_mem>>
      %dma_start3A_98 = arith.constant 0 : i32
      %dma_start3A_99 = tpu.memref_slice %arg12[%add3A_18, %dma_start3A_98] : memref<10016x64xf32, #tpu.memory_space<vmem_shared>> -> memref<104x64xf32, #tpu.memory_space<vmem_shared>>
      %dma_start3A_100 = arith.constant 0 : i32
      %dma_start3A_101 = tpu.memref_slice %arg12[%add3A_18, %dma_start3A_100] : memref<10016x64xf32, #tpu.memory_space<vmem_shared>> -> memref<104x64xf32, #tpu.memory_space<vmem_shared>>
      tpu.enqueue_dma source(%arg11 : memref<104x64xf32, #tpu.memory_space<vmem>>) target(%dma_start3A_101 : memref<104x64xf32, #tpu.memory_space<vmem_shared>>) target_semaphore(%run_scoped3A : memref<!tpu.dma_semaphore, #tpu.memory_space<semaphore_mem>>)
      %dma_wait3A_102 = arith.constant 0 : i32
      %dma_wait3A_103 = tpu.memref_slice %arg12[%add3A_18, %dma_wait3A_102] : memref<10016x64xf32, #tpu.memory_space<vmem_shared>> -> memref<104x64xf32, #tpu.memory_space<vmem_shared>>
      %dma_wait3A_104 = arith.constant 0 : i32
      %dma_wait3A_105 = tpu.memref_slice %arg12[%add3A_18, %dma_wait3A_104] : memref<10016x64xf32, #tpu.memory_space<vmem_shared>> -> memref<104x64xf32, #tpu.memory_space<vmem_shared>>
      tpu.wait_dma2 semaphore(%run_scoped3A : memref<!tpu.dma_semaphore, #tpu.memory_space<semaphore_mem>>) src(%arg11 : memref<104x64xf32, #tpu.memory_space<vmem>>) dst(%dma_wait3A_105 : memref<104x64xf32, #tpu.memory_space<vmem_shared>>)
      tpu.yield
    }) : () -> ()
    %add3A_19 = arith.constant 104 : i32
    %add3A_20 = arith.addi %mul3A_16, %add3A_19 : i32
    "tpu.region"() ({
      %run_scoped3A = tpu.sem_alloc : memref<!tpu.dma_semaphore, #tpu.memory_space<semaphore_mem>>
      %dma_start3A_98 = arith.constant 0 : i32
      %dma_start3A_99 = tpu.memref_slice %arg12[%add3A_20, %dma_start3A_98] : memref<10016x64xf32, #tpu.memory_space<vmem_shared>> -> memref<104x64xf32, #tpu.memory_space<vmem_shared>>
      %dma_start3A_100 = arith.constant 0 : i32
      %dma_start3A_101 = tpu.memref_slice %arg12[%add3A_20, %dma_start3A_100] : memref<10016x64xf32, #tpu.memory_space<vmem_shared>> -> memref<104x64xf32, #tpu.memory_space<vmem_shared>>
      tpu.enqueue_dma source(%arg11 : memref<104x64xf32, #tpu.memory_space<vmem>>) target(%dma_start3A_101 : memref<104x64xf32, #tpu.memory_space<vmem_shared>>) target_semaphore(%run_scoped3A : memref<!tpu.dma_semaphore, #tpu.memory_space<semaphore_mem>>)
      %dma_wait3A_102 = arith.constant 0 : i32
      %dma_wait3A_103 = tpu.memref_slice %arg12[%add3A_20, %dma_wait3A_102] : memref<10016x64xf32, #tpu.memory_space<vmem_shared>> -> memref<104x64xf32, #tpu.memory_space<vmem_shared>>
      %dma_wait3A_104 = arith.constant 0 : i32
      %dma_wait3A_105 = tpu.memref_slice %arg12[%add3A_20, %dma_wait3A_104] : memref<10016x64xf32, #tpu.memory_space<vmem_shared>> -> memref<104x64xf32, #tpu.memory_space<vmem_shared>>
      tpu.wait_dma2 semaphore(%run_scoped3A : memref<!tpu.dma_semaphore, #tpu.memory_space<semaphore_mem>>) src(%arg11 : memref<104x64xf32, #tpu.memory_space<vmem>>) dst(%dma_wait3A_105 : memref<104x64xf32, #tpu.memory_space<vmem_shared>>)
      tpu.yield
    }) : () -> ()
    %add3A_21 = arith.constant 208 : i32
    %add3A_22 = arith.addi %mul3A_16, %add3A_21 : i32
    "tpu.region"() ({
      %run_scoped3A = tpu.sem_alloc : memref<!tpu.dma_semaphore, #tpu.memory_space<semaphore_mem>>
      %dma_start3A_98 = arith.constant 0 : i32
      %dma_start3A_99 = tpu.memref_slice %arg12[%add3A_22, %dma_start3A_98] : memref<10016x64xf32, #tpu.memory_space<vmem_shared>> -> memref<104x64xf32, #tpu.memory_space<vmem_shared>>
      %dma_start3A_100 = arith.constant 0 : i32
      %dma_start3A_101 = tpu.memref_slice %arg12[%add3A_22, %dma_start3A_100] : memref<10016x64xf32, #tpu.memory_space<vmem_shared>> -> memref<104x64xf32, #tpu.memory_space<vmem_shared>>
      tpu.enqueue_dma source(%arg11 : memref<104x64xf32, #tpu.memory_space<vmem>>) target(%dma_start3A_101 : memref<104x64xf32, #tpu.memory_space<vmem_shared>>) target_semaphore(%run_scoped3A : memref<!tpu.dma_semaphore, #tpu.memory_space<semaphore_mem>>)
      %dma_wait3A_102 = arith.constant 0 : i32
      %dma_wait3A_103 = tpu.memref_slice %arg12[%add3A_22, %dma_wait3A_102] : memref<10016x64xf32, #tpu.memory_space<vmem_shared>> -> memref<104x64xf32, #tpu.memory_space<vmem_shared>>
      %dma_wait3A_104 = arith.constant 0 : i32
      %dma_wait3A_105 = tpu.memref_slice %arg12[%add3A_22, %dma_wait3A_104] : memref<10016x64xf32, #tpu.memory_space<vmem_shared>> -> memref<104x64xf32, #tpu.memory_space<vmem_shared>>
      tpu.wait_dma2 semaphore(%run_scoped3A : memref<!tpu.dma_semaphore, #tpu.memory_space<semaphore_mem>>) src(%arg11 : memref<104x64xf32, #tpu.memory_space<vmem>>) dst(%dma_wait3A_105 : memref<104x64xf32, #tpu.memory_space<vmem_shared>>)
      tpu.yield
    }) : () -> ()
    %add3A_23 = arith.constant 312 : i32
    %add3A_24 = arith.addi %mul3A_16, %add3A_23 : i32
    "tpu.region"() ({
      %run_scoped3A = tpu.sem_alloc : memref<!tpu.dma_semaphore, #tpu.memory_space<semaphore_mem>>
      %dma_start3A_98 = arith.constant 0 : i32
      %dma_start3A_99 = tpu.memref_slice %arg12[%add3A_24, %dma_start3A_98] : memref<10016x64xf32, #tpu.memory_space<vmem_shared>> -> memref<104x64xf32, #tpu.memory_space<vmem_shared>>
      %dma_start3A_100 = arith.constant 0 : i32
      %dma_start3A_101 = tpu.memref_slice %arg12[%add3A_24, %dma_start3A_100] : memref<10016x64xf32, #tpu.memory_space<vmem_shared>> -> memref<104x64xf32, #tpu.memory_space<vmem_shared>>
      tpu.enqueue_dma source(%arg11 : memref<104x64xf32, #tpu.memory_space<vmem>>) target(%dma_start3A_101 : memref<104x64xf32, #tpu.memory_space<vmem_shared>>) target_semaphore(%run_scoped3A : memref<!tpu.dma_semaphore, #tpu.memory_space<semaphore_mem>>)
      %dma_wait3A_102 = arith.constant 0 : i32
      %dma_wait3A_103 = tpu.memref_slice %arg12[%add3A_24, %dma_wait3A_102] : memref<10016x64xf32, #tpu.memory_space<vmem_shared>> -> memref<104x64xf32, #tpu.memory_space<vmem_shared>>
      %dma_wait3A_104 = arith.constant 0 : i32
      %dma_wait3A_105 = tpu.memref_slice %arg12[%add3A_24, %dma_wait3A_104] : memref<10016x64xf32, #tpu.memory_space<vmem_shared>> -> memref<104x64xf32, #tpu.memory_space<vmem_shared>>
      tpu.wait_dma2 semaphore(%run_scoped3A : memref<!tpu.dma_semaphore, #tpu.memory_space<semaphore_mem>>) src(%arg11 : memref<104x64xf32, #tpu.memory_space<vmem>>) dst(%dma_wait3A_105 : memref<104x64xf32, #tpu.memory_space<vmem_shared>>)
      tpu.yield
    }) : () -> ()
    %add3A_25 = arith.constant 416 : i32
    %add3A_26 = arith.addi %mul3A_16, %add3A_25 : i32
    "tpu.region"() ({
      %run_scoped3A = tpu.sem_alloc : memref<!tpu.dma_semaphore, #tpu.memory_space<semaphore_mem>>
      %dma_start3A_98 = arith.constant 0 : i32
      %dma_start3A_99 = tpu.memref_slice %arg12[%add3A_26, %dma_start3A_98] : memref<10016x64xf32, #tpu.memory_space<vmem_shared>> -> memref<104x64xf32, #tpu.memory_space<vmem_shared>>
      %dma_start3A_100 = arith.constant 0 : i32
      %dma_start3A_101 = tpu.memref_slice %arg12[%add3A_26, %dma_start3A_100] : memref<10016x64xf32, #tpu.memory_space<vmem_shared>> -> memref<104x64xf32, #tpu.memory_space<vmem_shared>>
      tpu.enqueue_dma source(%arg11 : memref<104x64xf32, #tpu.memory_space<vmem>>) target(%dma_start3A_101 : memref<104x64xf32, #tpu.memory_space<vmem_shared>>) target_semaphore(%run_scoped3A : memref<!tpu.dma_semaphore, #tpu.memory_space<semaphore_mem>>)
      %dma_wait3A_102 = arith.constant 0 : i32
      %dma_wait3A_103 = tpu.memref_slice %arg12[%add3A_26, %dma_wait3A_102] : memref<10016x64xf32, #tpu.memory_space<vmem_shared>> -> memref<104x64xf32, #tpu.memory_space<vmem_shared>>
      %dma_wait3A_104 = arith.constant 0 : i32
      %dma_wait3A_105 = tpu.memref_slice %arg12[%add3A_26, %dma_wait3A_104] : memref<10016x64xf32, #tpu.memory_space<vmem_shared>> -> memref<104x64xf32, #tpu.memory_space<vmem_shared>>
      tpu.wait_dma2 semaphore(%run_scoped3A : memref<!tpu.dma_semaphore, #tpu.memory_space<semaphore_mem>>) src(%arg11 : memref<104x64xf32, #tpu.memory_space<vmem>>) dst(%dma_wait3A_105 : memref<104x64xf32, #tpu.memory_space<vmem_shared>>)
      tpu.yield
    }) : () -> ()
    %add3A_27 = arith.constant 520 : i32
    %add3A_28 = arith.addi %mul3A_16, %add3A_27 : i32
    "tpu.region"() ({
      %run_scoped3A = tpu.sem_alloc : memref<!tpu.dma_semaphore, #tpu.memory_space<semaphore_mem>>
      %dma_start3A_98 = arith.constant 0 : i32
      %dma_start3A_99 = tpu.memref_slice %arg12[%add3A_28, %dma_start3A_98] : memref<10016x64xf32, #tpu.memory_space<vmem_shared>> -> memref<104x64xf32, #tpu.memory_space<vmem_shared>>
      %dma_start3A_100 = arith.constant 0 : i32
      %dma_start3A_101 = tpu.memref_slice %arg12[%add3A_28, %dma_start3A_100] : memref<10016x64xf32, #tpu.memory_space<vmem_shared>> -> memref<104x64xf32, #tpu.memory_space<vmem_shared>>
      tpu.enqueue_dma source(%arg11 : memref<104x64xf32, #tpu.memory_space<vmem>>) target(%dma_start3A_101 : memref<104x64xf32, #tpu.memory_space<vmem_shared>>) target_semaphore(%run_scoped3A : memref<!tpu.dma_semaphore, #tpu.memory_space<semaphore_mem>>)
      %dma_wait3A_102 = arith.constant 0 : i32
      %dma_wait3A_103 = tpu.memref_slice %arg12[%add3A_28, %dma_wait3A_102] : memref<10016x64xf32, #tpu.memory_space<vmem_shared>> -> memref<104x64xf32, #tpu.memory_space<vmem_shared>>
      %dma_wait3A_104 = arith.constant 0 : i32
      %dma_wait3A_105 = tpu.memref_slice %arg12[%add3A_28, %dma_wait3A_104] : memref<10016x64xf32, #tpu.memory_space<vmem_shared>> -> memref<104x64xf32, #tpu.memory_space<vmem_shared>>
      tpu.wait_dma2 semaphore(%run_scoped3A : memref<!tpu.dma_semaphore, #tpu.memory_space<semaphore_mem>>) src(%arg11 : memref<104x64xf32, #tpu.memory_space<vmem>>) dst(%dma_wait3A_105 : memref<104x64xf32, #tpu.memory_space<vmem_shared>>)
      tpu.yield
    }) : () -> ()
    %eq3A = arith.constant 15 : i32
    %eq3A_29 = arith.cmpi eq, %arg1, %eq3A : i32
    %convert_element_type3A = arith.extui %eq3A_29 : i1 to i32
    %cond3A = arith.constant 0 : i32
    %cond3A_30 = arith.cmpi ne, %convert_element_type3A, %cond3A : i32
    scf.if %cond3A_30 {
      "tpu.region"() ({
        %run_scoped3A = tpu.sem_alloc : memref<!tpu.dma_semaphore, #tpu.memory_space<semaphore_mem>>
        %dma_start3A_98 = arith.constant 0 : i32
        %dma_start3A_99 = arith.constant 0 : i32
        %dma_start3A_100 = tpu.memref_slice %arg11[%dma_start3A_98, %dma_start3A_99] : memref<104x64xf32, #tpu.memory_space<vmem>> -> memref<16x64xf32, #tpu.memory_space<vmem>>
        %dma_start3A_101 = arith.constant 9984 : i32
        %dma_start3A_102 = arith.constant 0 : i32
        %dma_start3A_103 = tpu.memref_slice %arg12[%dma_start3A_101, %dma_start3A_102] : memref<10016x64xf32, #tpu.memory_space<vmem_shared>> -> memref<16x64xf32, #tpu.memory_space<vmem_shared>>
        %dma_start3A_104 = arith.constant 9984 : i32
        %dma_start3A_105 = arith.constant 0 : i32
        %dma_start3A_106 = tpu.memref_slice %arg12[%dma_start3A_104, %dma_start3A_105] : memref<10016x64xf32, #tpu.memory_space<vmem_shared>> -> memref<16x64xf32, #tpu.memory_space<vmem_shared>>
        %dma_start3A_107 = arith.constant 0 : i32
        %dma_start3A_108 = arith.constant 0 : i32
        %dma_start3A_109 = tpu.memref_slice %arg11[%dma_start3A_107, %dma_start3A_108] : memref<104x64xf32, #tpu.memory_space<vmem>> -> memref<16x64xf32, #tpu.memory_space<vmem>>
        tpu.enqueue_dma source(%dma_start3A_109 : memref<16x64xf32, #tpu.memory_space<vmem>>) target(%dma_start3A_106 : memref<16x64xf32, #tpu.memory_space<vmem_shared>>) target_semaphore(%run_scoped3A : memref<!tpu.dma_semaphore, #tpu.memory_space<semaphore_mem>>)
        %dma_wait3A_110 = arith.constant 0 : i32
        %dma_wait3A_111 = arith.constant 0 : i32
        %dma_wait3A_112 = tpu.memref_slice %arg11[%dma_wait3A_110, %dma_wait3A_111] : memref<104x64xf32, #tpu.memory_space<vmem>> -> memref<16x64xf32, #tpu.memory_space<vmem>>
        %dma_wait3A_113 = arith.constant 9984 : i32
        %dma_wait3A_114 = arith.constant 0 : i32
        %dma_wait3A_115 = tpu.memref_slice %arg12[%dma_wait3A_113, %dma_wait3A_114] : memref<10016x64xf32, #tpu.memory_space<vmem_shared>> -> memref<16x64xf32, #tpu.memory_space<vmem_shared>>
        %dma_wait3A_116 = arith.constant 9984 : i32
        %dma_wait3A_117 = arith.constant 0 : i32
        %dma_wait3A_118 = tpu.memref_slice %arg12[%dma_wait3A_116, %dma_wait3A_117] : memref<10016x64xf32, #tpu.memory_space<vmem_shared>> -> memref<16x64xf32, #tpu.memory_space<vmem_shared>>
        %dma_wait3A_119 = arith.constant 0 : i32
        %dma_wait3A_120 = arith.constant 0 : i32
        %dma_wait3A_121 = tpu.memref_slice %arg11[%dma_wait3A_119, %dma_wait3A_120] : memref<104x64xf32, #tpu.memory_space<vmem>> -> memref<16x64xf32, #tpu.memory_space<vmem>>
        tpu.wait_dma2 semaphore(%run_scoped3A : memref<!tpu.dma_semaphore, #tpu.memory_space<semaphore_mem>>) src(%dma_wait3A_121 : memref<16x64xf32, #tpu.memory_space<vmem>>) dst(%dma_wait3A_118 : memref<16x64xf32, #tpu.memory_space<vmem_shared>>)
        tpu.yield
      }) : () -> ()
    } else {
    }
    %add3A_31 = arith.constant 0 : i32
    %add3A_32 = arith.addi %mul3A_16, %add3A_31 : i32
    "tpu.region"() ({
      %run_scoped3A = tpu.sem_alloc : memref<!tpu.dma_semaphore, #tpu.memory_space<semaphore_mem>>
      %dma_start3A_98 = arith.constant 0 : i32
      %dma_start3A_99 = tpu.memref_slice %arg13[%add3A_32, %dma_start3A_98] : memref<10016x64xf32, #tpu.memory_space<vmem_shared>> -> memref<104x64xf32, #tpu.memory_space<vmem_shared>>
      %dma_start3A_100 = arith.constant 0 : i32
      %dma_start3A_101 = tpu.memref_slice %arg2[%add3A_32, %dma_start3A_100] : memref<10000x64xf32, #tpu.memory_space<hbm>> -> memref<104x64xf32, #tpu.memory_space<hbm>>
      tpu.enqueue_dma source(%dma_start3A_101 : memref<104x64xf32, #tpu.memory_space<hbm>>) target(%dma_start3A_99 : memref<104x64xf32, #tpu.memory_space<vmem_shared>>) target_semaphore(%run_scoped3A : memref<!tpu.dma_semaphore, #tpu.memory_space<semaphore_mem>>)
      %dma_wait3A_102 = arith.constant 0 : i32
      %dma_wait3A_103 = tpu.memref_slice %arg13[%add3A_32, %dma_wait3A_102] : memref<10016x64xf32, #tpu.memory_space<vmem_shared>> -> memref<104x64xf32, #tpu.memory_space<vmem_shared>>
      %dma_wait3A_104 = arith.constant 0 : i32
      %dma_wait3A_105 = tpu.memref_slice %arg2[%add3A_32, %dma_wait3A_104] : memref<10000x64xf32, #tpu.memory_space<hbm>> -> memref<104x64xf32, #tpu.memory_space<hbm>>
      tpu.wait_dma2 semaphore(%run_scoped3A : memref<!tpu.dma_semaphore, #tpu.memory_space<semaphore_mem>>) src(%dma_wait3A_105 : memref<104x64xf32, #tpu.memory_space<hbm>>) dst(%dma_wait3A_103 : memref<104x64xf32, #tpu.memory_space<vmem_shared>>)
      tpu.yield
    }) : () -> ()
    %add3A_33 = arith.constant 104 : i32
    %add3A_34 = arith.addi %mul3A_16, %add3A_33 : i32
    "tpu.region"() ({
      %run_scoped3A = tpu.sem_alloc : memref<!tpu.dma_semaphore, #tpu.memory_space<semaphore_mem>>
      %dma_start3A_98 = arith.constant 0 : i32
      %dma_start3A_99 = tpu.memref_slice %arg13[%add3A_34, %dma_start3A_98] : memref<10016x64xf32, #tpu.memory_space<vmem_shared>> -> memref<104x64xf32, #tpu.memory_space<vmem_shared>>
      %dma_start3A_100 = arith.constant 0 : i32
      %dma_start3A_101 = tpu.memref_slice %arg2[%add3A_34, %dma_start3A_100] : memref<10000x64xf32, #tpu.memory_space<hbm>> -> memref<104x64xf32, #tpu.memory_space<hbm>>
      tpu.enqueue_dma source(%dma_start3A_101 : memref<104x64xf32, #tpu.memory_space<hbm>>) target(%dma_start3A_99 : memref<104x64xf32, #tpu.memory_space<vmem_shared>>) target_semaphore(%run_scoped3A : memref<!tpu.dma_semaphore, #tpu.memory_space<semaphore_mem>>)
      %dma_wait3A_102 = arith.constant 0 : i32
      %dma_wait3A_103 = tpu.memref_slice %arg13[%add3A_34, %dma_wait3A_102] : memref<10016x64xf32, #tpu.memory_space<vmem_shared>> -> memref<104x64xf32, #tpu.memory_space<vmem_shared>>
      %dma_wait3A_104 = arith.constant 0 : i32
      %dma_wait3A_105 = tpu.memref_slice %arg2[%add3A_34, %dma_wait3A_104] : memref<10000x64xf32, #tpu.memory_space<hbm>> -> memref<104x64xf32, #tpu.memory_space<hbm>>
      tpu.wait_dma2 semaphore(%run_scoped3A : memref<!tpu.dma_semaphore, #tpu.memory_space<semaphore_mem>>) src(%dma_wait3A_105 : memref<104x64xf32, #tpu.memory_space<hbm>>) dst(%dma_wait3A_103 : memref<104x64xf32, #tpu.memory_space<vmem_shared>>)
      tpu.yield
    }) : () -> ()
    %add3A_35 = arith.constant 208 : i32
    %add3A_36 = arith.addi %mul3A_16, %add3A_35 : i32
    "tpu.region"() ({
      %run_scoped3A = tpu.sem_alloc : memref<!tpu.dma_semaphore, #tpu.memory_space<semaphore_mem>>
      %dma_start3A_98 = arith.constant 0 : i32
      %dma_start3A_99 = tpu.memref_slice %arg13[%add3A_36, %dma_start3A_98] : memref<10016x64xf32, #tpu.memory_space<vmem_shared>> -> memref<104x64xf32, #tpu.memory_space<vmem_shared>>
      %dma_start3A_100 = arith.constant 0 : i32
      %dma_start3A_101 = tpu.memref_slice %arg2[%add3A_36, %dma_start3A_100] : memref<10000x64xf32, #tpu.memory_space<hbm>> -> memref<104x64xf32, #tpu.memory_space<hbm>>
      tpu.enqueue_dma source(%dma_start3A_101 : memref<104x64xf32, #tpu.memory_space<hbm>>) target(%dma_start3A_99 : memref<104x64xf32, #tpu.memory_space<vmem_shared>>) target_semaphore(%run_scoped3A : memref<!tpu.dma_semaphore, #tpu.memory_space<semaphore_mem>>)
      %dma_wait3A_102 = arith.constant 0 : i32
      %dma_wait3A_103 = tpu.memref_slice %arg13[%add3A_36, %dma_wait3A_102] : memref<10016x64xf32, #tpu.memory_space<vmem_shared>> -> memref<104x64xf32, #tpu.memory_space<vmem_shared>>
      %dma_wait3A_104 = arith.constant 0 : i32
      %dma_wait3A_105 = tpu.memref_slice %arg2[%add3A_36, %dma_wait3A_104] : memref<10000x64xf32, #tpu.memory_space<hbm>> -> memref<104x64xf32, #tpu.memory_space<hbm>>
      tpu.wait_dma2 semaphore(%run_scoped3A : memref<!tpu.dma_semaphore, #tpu.memory_space<semaphore_mem>>) src(%dma_wait3A_105 : memref<104x64xf32, #tpu.memory_space<hbm>>) dst(%dma_wait3A_103 : memref<104x64xf32, #tpu.memory_space<vmem_shared>>)
      tpu.yield
    }) : () -> ()
    %add3A_37 = arith.constant 312 : i32
    %add3A_38 = arith.addi %mul3A_16, %add3A_37 : i32
    "tpu.region"() ({
      %run_scoped3A = tpu.sem_alloc : memref<!tpu.dma_semaphore, #tpu.memory_space<semaphore_mem>>
      %dma_start3A_98 = arith.constant 0 : i32
      %dma_start3A_99 = tpu.memref_slice %arg13[%add3A_38, %dma_start3A_98] : memref<10016x64xf32, #tpu.memory_space<vmem_shared>> -> memref<104x64xf32, #tpu.memory_space<vmem_shared>>
      %dma_start3A_100 = arith.constant 0 : i32
      %dma_start3A_101 = tpu.memref_slice %arg2[%add3A_38, %dma_start3A_100] : memref<10000x64xf32, #tpu.memory_space<hbm>> -> memref<104x64xf32, #tpu.memory_space<hbm>>
      tpu.enqueue_dma source(%dma_start3A_101 : memref<104x64xf32, #tpu.memory_space<hbm>>) target(%dma_start3A_99 : memref<104x64xf32, #tpu.memory_space<vmem_shared>>) target_semaphore(%run_scoped3A : memref<!tpu.dma_semaphore, #tpu.memory_space<semaphore_mem>>)
      %dma_wait3A_102 = arith.constant 0 : i32
      %dma_wait3A_103 = tpu.memref_slice %arg13[%add3A_38, %dma_wait3A_102] : memref<10016x64xf32, #tpu.memory_space<vmem_shared>> -> memref<104x64xf32, #tpu.memory_space<vmem_shared>>
      %dma_wait3A_104 = arith.constant 0 : i32
      %dma_wait3A_105 = tpu.memref_slice %arg2[%add3A_38, %dma_wait3A_104] : memref<10000x64xf32, #tpu.memory_space<hbm>> -> memref<104x64xf32, #tpu.memory_space<hbm>>
      tpu.wait_dma2 semaphore(%run_scoped3A : memref<!tpu.dma_semaphore, #tpu.memory_space<semaphore_mem>>) src(%dma_wait3A_105 : memref<104x64xf32, #tpu.memory_space<hbm>>) dst(%dma_wait3A_103 : memref<104x64xf32, #tpu.memory_space<vmem_shared>>)
      tpu.yield
    }) : () -> ()
    %add3A_39 = arith.constant 416 : i32
    %add3A_40 = arith.addi %mul3A_16, %add3A_39 : i32
    "tpu.region"() ({
      %run_scoped3A = tpu.sem_alloc : memref<!tpu.dma_semaphore, #tpu.memory_space<semaphore_mem>>
      %dma_start3A_98 = arith.constant 0 : i32
      %dma_start3A_99 = tpu.memref_slice %arg13[%add3A_40, %dma_start3A_98] : memref<10016x64xf32, #tpu.memory_space<vmem_shared>> -> memref<104x64xf32, #tpu.memory_space<vmem_shared>>
      %dma_start3A_100 = arith.constant 0 : i32
      %dma_start3A_101 = tpu.memref_slice %arg2[%add3A_40, %dma_start3A_100] : memref<10000x64xf32, #tpu.memory_space<hbm>> -> memref<104x64xf32, #tpu.memory_space<hbm>>
      tpu.enqueue_dma source(%dma_start3A_101 : memref<104x64xf32, #tpu.memory_space<hbm>>) target(%dma_start3A_99 : memref<104x64xf32, #tpu.memory_space<vmem_shared>>) target_semaphore(%run_scoped3A : memref<!tpu.dma_semaphore, #tpu.memory_space<semaphore_mem>>)
      %dma_wait3A_102 = arith.constant 0 : i32
      %dma_wait3A_103 = tpu.memref_slice %arg13[%add3A_40, %dma_wait3A_102] : memref<10016x64xf32, #tpu.memory_space<vmem_shared>> -> memref<104x64xf32, #tpu.memory_space<vmem_shared>>
      %dma_wait3A_104 = arith.constant 0 : i32
      %dma_wait3A_105 = tpu.memref_slice %arg2[%add3A_40, %dma_wait3A_104] : memref<10000x64xf32, #tpu.memory_space<hbm>> -> memref<104x64xf32, #tpu.memory_space<hbm>>
      tpu.wait_dma2 semaphore(%run_scoped3A : memref<!tpu.dma_semaphore, #tpu.memory_space<semaphore_mem>>) src(%dma_wait3A_105 : memref<104x64xf32, #tpu.memory_space<hbm>>) dst(%dma_wait3A_103 : memref<104x64xf32, #tpu.memory_space<vmem_shared>>)
      tpu.yield
    }) : () -> ()
    %add3A_41 = arith.constant 520 : i32
    %add3A_42 = arith.addi %mul3A_16, %add3A_41 : i32
    "tpu.region"() ({
      %run_scoped3A = tpu.sem_alloc : memref<!tpu.dma_semaphore, #tpu.memory_space<semaphore_mem>>
      %dma_start3A_98 = arith.constant 0 : i32
      %dma_start3A_99 = tpu.memref_slice %arg13[%add3A_42, %dma_start3A_98] : memref<10016x64xf32, #tpu.memory_space<vmem_shared>> -> memref<104x64xf32, #tpu.memory_space<vmem_shared>>
      %dma_start3A_100 = arith.constant 0 : i32
      %dma_start3A_101 = tpu.memref_slice %arg2[%add3A_42, %dma_start3A_100] : memref<10000x64xf32, #tpu.memory_space<hbm>> -> memref<104x64xf32, #tpu.memory_space<hbm>>
      tpu.enqueue_dma source(%dma_start3A_101 : memref<104x64xf32, #tpu.memory_space<hbm>>) target(%dma_start3A_99 : memref<104x64xf32, #tpu.memory_space<vmem_shared>>) target_semaphore(%run_scoped3A : memref<!tpu.dma_semaphore, #tpu.memory_space<semaphore_mem>>)
      %dma_wait3A_102 = arith.constant 0 : i32
      %dma_wait3A_103 = tpu.memref_slice %arg13[%add3A_42, %dma_wait3A_102] : memref<10016x64xf32, #tpu.memory_space<vmem_shared>> -> memref<104x64xf32, #tpu.memory_space<vmem_shared>>
      %dma_wait3A_104 = arith.constant 0 : i32
      %dma_wait3A_105 = tpu.memref_slice %arg2[%add3A_42, %dma_wait3A_104] : memref<10000x64xf32, #tpu.memory_space<hbm>> -> memref<104x64xf32, #tpu.memory_space<hbm>>
      tpu.wait_dma2 semaphore(%run_scoped3A : memref<!tpu.dma_semaphore, #tpu.memory_space<semaphore_mem>>) src(%dma_wait3A_105 : memref<104x64xf32, #tpu.memory_space<hbm>>) dst(%dma_wait3A_103 : memref<104x64xf32, #tpu.memory_space<vmem_shared>>)
      tpu.yield
    }) : () -> ()
    %eq3A_43 = arith.constant 15 : i32
    %eq3A_44 = arith.cmpi eq, %arg1, %eq3A_43 : i32
    %convert_element_type3A_45 = arith.extui %eq3A_44 : i1 to i32
    %cond3A_46 = arith.constant 0 : i32
    %cond3A_47 = arith.cmpi ne, %convert_element_type3A_45, %cond3A_46 : i32
    scf.if %cond3A_47 {
      "tpu.region"() ({
        %run_scoped3A = tpu.sem_alloc : memref<!tpu.dma_semaphore, #tpu.memory_space<semaphore_mem>>
        %dma_start3A_98 = arith.constant 9984 : i32
        %dma_start3A_99 = arith.constant 0 : i32
        %dma_start3A_100 = tpu.memref_slice %arg13[%dma_start3A_98, %dma_start3A_99] : memref<10016x64xf32, #tpu.memory_space<vmem_shared>> -> memref<16x64xf32, #tpu.memory_space<vmem_shared>>
        %dma_start3A_101 = arith.constant 9984 : i32
        %dma_start3A_102 = arith.constant 0 : i32
        %dma_start3A_103 = tpu.memref_slice %arg2[%dma_start3A_101, %dma_start3A_102] : memref<10000x64xf32, #tpu.memory_space<hbm>> -> memref<16x64xf32, #tpu.memory_space<hbm>>
        tpu.enqueue_dma source(%dma_start3A_103 : memref<16x64xf32, #tpu.memory_space<hbm>>) target(%dma_start3A_100 : memref<16x64xf32, #tpu.memory_space<vmem_shared>>) target_semaphore(%run_scoped3A : memref<!tpu.dma_semaphore, #tpu.memory_space<semaphore_mem>>)
        %dma_wait3A_104 = arith.constant 9984 : i32
        %dma_wait3A_105 = arith.constant 0 : i32
        %dma_wait3A_106 = tpu.memref_slice %arg13[%dma_wait3A_104, %dma_wait3A_105] : memref<10016x64xf32, #tpu.memory_space<vmem_shared>> -> memref<16x64xf32, #tpu.memory_space<vmem_shared>>
        %dma_wait3A_107 = arith.constant 9984 : i32
        %dma_wait3A_108 = arith.constant 0 : i32
        %dma_wait3A_109 = tpu.memref_slice %arg2[%dma_wait3A_107, %dma_wait3A_108] : memref<10000x64xf32, #tpu.memory_space<hbm>> -> memref<16x64xf32, #tpu.memory_space<hbm>>
        tpu.wait_dma2 semaphore(%run_scoped3A : memref<!tpu.dma_semaphore, #tpu.memory_space<semaphore_mem>>) src(%dma_wait3A_109 : memref<16x64xf32, #tpu.memory_space<hbm>>) dst(%dma_wait3A_106 : memref<16x64xf32, #tpu.memory_space<vmem_shared>>)
        tpu.yield
      }) : () -> ()
    } else {
    }
    %barrier3A = arith.constant 0 : index
    tpu.barrier barrier_id(%barrier3A)
    %dma_start3A_48 = arith.constant 0 : i32
    %dma_start3A_49 = tpu.memref_slice %arg6[%dma_start3A_48] : memref<10240xi32, #tpu.memory_space<vmem>> -> memref<256xi32, #tpu.memory_space<vmem>>
    %dma_start3A_50 = arith.constant 0 : i32
    %dma_start3A_51 = arith.constant 0 : i32
    %dma_start3A_52 = tpu.memref_slice %arg13[%dma_start3A_50, %dma_start3A_51] : memref<10016x64xf32, #tpu.memory_space<vmem_shared>> -> memref<10016x64xf32, #tpu.memory_space<vmem_shared>>
    tpu.enqueue_indirect_dma source(%dma_start3A_52 : memref<10016x64xf32, #tpu.memory_space<vmem_shared>>) target(%arg9 : memref<256x64xf32, #tpu.memory_space<vmem>>) offsets(%dma_start3A_49 : memref<256xi32, #tpu.memory_space<vmem>>) semaphore(%arg14 : memref<!tpu.dma_semaphore, #tpu.memory_space<semaphore_mem>>)
    %dma_start3A_53 = arith.constant 256 : i32
    %dma_start3A_54 = tpu.memref_slice %arg6[%dma_start3A_53] : memref<10240xi32, #tpu.memory_space<vmem>> -> memref<256xi32, #tpu.memory_space<vmem>>
    %dma_start3A_55 = arith.constant 0 : i32
    %dma_start3A_56 = arith.constant 0 : i32
    %dma_start3A_57 = tpu.memref_slice %arg13[%dma_start3A_55, %dma_start3A_56] : memref<10016x64xf32, #tpu.memory_space<vmem_shared>> -> memref<10016x64xf32, #tpu.memory_space<vmem_shared>>
    tpu.enqueue_indirect_dma source(%dma_start3A_57 : memref<10016x64xf32, #tpu.memory_space<vmem_shared>>) target(%arg10 : memref<256x64xf32, #tpu.memory_space<vmem>>) offsets(%dma_start3A_54 : memref<256xi32, #tpu.memory_space<vmem>>) semaphore(%arg15 : memref<!tpu.dma_semaphore, #tpu.memory_space<semaphore_mem>>)
    %scan3A_58 = arith.constant 0 : i32
    %scan3A_59 = arith.constant 20 : i32
    %scan3A_60 = arith.addi %scan3A_58, %scan3A_59 : i32
    %scan3A_61 = arith.constant 1 : i32
    scf.for %scan3A_98 = %scan3A_58 to %scan3A_60 step %scan3A_61  : i32 {
      %mul3A_99 = arith.constant 1 : i32
      %mul3A_100 = arith.muli %scan3A_98, %mul3A_99 : i32
      %add3A_101 = arith.constant 0 : i32
      %add3A_102 = arith.addi %add3A_101, %mul3A_100 : i32
      %mul3A_103 = arith.constant 2 : i32
      %mul3A_104 = arith.muli %add3A_102, %mul3A_103 : i32
      %add3A_105 = arith.constant 0 : i32
      %add3A_106 = arith.addi %mul3A_104, %add3A_105 : i32
      %dma_wait3A_107 = arith.constant 0 : i32
      %dma_wait3A_108 = tpu.memref_slice %arg6[%dma_wait3A_107] : memref<10240xi32, #tpu.memory_space<vmem>> -> memref<256xi32, #tpu.memory_space<vmem>>
      %dma_wait3A_109 = arith.constant 0 : i32
      %dma_wait3A_110 = arith.constant 0 : i32
      %dma_wait3A_111 = tpu.memref_slice %arg13[%dma_wait3A_109, %dma_wait3A_110] : memref<10016x64xf32, #tpu.memory_space<vmem_shared>> -> memref<10016x64xf32, #tpu.memory_space<vmem_shared>>
      tpu.wait_indirect_dma semaphore(%arg14 : memref<!tpu.dma_semaphore, #tpu.memory_space<semaphore_mem>>) src(%dma_wait3A_111 : memref<10016x64xf32, #tpu.memory_space<vmem_shared>>) dst(%arg9 : memref<256x64xf32, #tpu.memory_space<vmem>>)
      %dma_wait3A_112 = arith.constant 0 : i32
      %dma_wait3A_113 = tpu.memref_slice %arg4[%dma_wait3A_112] : memref<327680xi32, #tpu.memory_space<hbm>> -> memref<256xi32, #tpu.memory_space<hbm>>
      %dma_wait3A_114 = arith.constant 0 : i32
      %dma_wait3A_115 = tpu.memref_slice %arg4[%dma_wait3A_114] : memref<327680xi32, #tpu.memory_space<hbm>> -> memref<256xi32, #tpu.memory_space<hbm>>
      tpu.wait_dma2 semaphore(%arg16 : memref<!tpu.dma_semaphore, #tpu.memory_space<semaphore_mem>>) src(%dma_wait3A_115 : memref<256xi32, #tpu.memory_space<hbm>>) dst(%arg7 : memref<256xi32, #tpu.memory_space<vmem>>)
      %dma_start3A_116 = arith.constant 0 : i32
      %dma_start3A_117 = arith.constant 0 : i32
      %dma_start3A_118 = tpu.memref_slice %arg12[%dma_start3A_116, %dma_start3A_117] : memref<10016x64xf32, #tpu.memory_space<vmem_shared>> -> memref<10016x64xf32, #tpu.memory_space<vmem_shared>>
      tpu.enqueue_indirect_dma source(%arg9 : memref<256x64xf32, #tpu.memory_space<vmem>>) target(%dma_start3A_118 : memref<10016x64xf32, #tpu.memory_space<vmem_shared>>) offsets(%arg7 : memref<256xi32, #tpu.memory_space<vmem>>) semaphore(%arg18 : memref<!tpu.dma_semaphore, #tpu.memory_space<semaphore_mem>>) {add = true}
      %dma_wait3A_119 = arith.constant 0 : i32
      %dma_wait3A_120 = arith.constant 0 : i32
      %dma_wait3A_121 = tpu.memref_slice %arg12[%dma_wait3A_119, %dma_wait3A_120] : memref<10016x64xf32, #tpu.memory_space<vmem_shared>> -> memref<10016x64xf32, #tpu.memory_space<vmem_shared>>
      tpu.wait_indirect_dma semaphore(%arg18 : memref<!tpu.dma_semaphore, #tpu.memory_space<semaphore_mem>>) src(%arg9 : memref<256x64xf32, #tpu.memory_space<vmem>>) dst(%dma_wait3A_121 : memref<10016x64xf32, #tpu.memory_space<vmem_shared>>)
      %add3A_122 = arith.constant 2 : i32
      %add3A_123 = arith.addi %add3A_106, %add3A_122 : i32
      %rem3A = arith.constant 40 : i32
      %rem3A_124 = arith.remsi %add3A_123, %rem3A : i32
      %mul3A_125 = arith.constant 256 : i32
      %mul3A_126 = arith.muli %rem3A_124, %mul3A_125 : i32
      %dma_start3A_127 = tpu.memref_slice %arg6[%mul3A_126] : memref<10240xi32, #tpu.memory_space<vmem>> -> memref<256xi32, #tpu.memory_space<vmem>>
      %dma_start3A_128 = arith.constant 0 : i32
      %dma_start3A_129 = arith.constant 0 : i32
      %dma_start3A_130 = tpu.memref_slice %arg13[%dma_start3A_128, %dma_start3A_129] : memref<10016x64xf32, #tpu.memory_space<vmem_shared>> -> memref<10016x64xf32, #tpu.memory_space<vmem_shared>>
      tpu.enqueue_indirect_dma source(%dma_start3A_130 : memref<10016x64xf32, #tpu.memory_space<vmem_shared>>) target(%arg9 : memref<256x64xf32, #tpu.memory_space<vmem>>) offsets(%dma_start3A_127 : memref<256xi32, #tpu.memory_space<vmem>>) semaphore(%arg14 : memref<!tpu.dma_semaphore, #tpu.memory_space<semaphore_mem>>)
      %mul3A_131 = arith.constant 256 : i32
      %mul3A_132 = arith.muli %rem3A_124, %mul3A_131 : i32
      %add3A_133 = arith.addi %mul3A_3, %mul3A_132 : i32
      %dma_start3A_134 = tpu.memref_slice %arg4[%add3A_133] : memref<327680xi32, #tpu.memory_space<hbm>> -> memref<256xi32, #tpu.memory_space<hbm>>
      %dma_start3A_135 = tpu.memref_slice %arg4[%add3A_133] : memref<327680xi32, #tpu.memory_space<hbm>> -> memref<256xi32, #tpu.memory_space<hbm>>
      tpu.enqueue_dma source(%dma_start3A_135 : memref<256xi32, #tpu.memory_space<hbm>>) target(%arg7 : memref<256xi32, #tpu.memory_space<vmem>>) target_semaphore(%arg16 : memref<!tpu.dma_semaphore, #tpu.memory_space<semaphore_mem>>)
      %mul3A_136 = arith.constant 2 : i32
      %mul3A_137 = arith.muli %add3A_102, %mul3A_136 : i32
      %add3A_138 = arith.constant 1 : i32
      %add3A_139 = arith.addi %mul3A_137, %add3A_138 : i32
      %dma_wait3A_140 = arith.constant 0 : i32
      %dma_wait3A_141 = tpu.memref_slice %arg6[%dma_wait3A_140] : memref<10240xi32, #tpu.memory_space<vmem>> -> memref<256xi32, #tpu.memory_space<vmem>>
      %dma_wait3A_142 = arith.constant 0 : i32
      %dma_wait3A_143 = arith.constant 0 : i32
      %dma_wait3A_144 = tpu.memref_slice %arg13[%dma_wait3A_142, %dma_wait3A_143] : memref<10016x64xf32, #tpu.memory_space<vmem_shared>> -> memref<10016x64xf32, #tpu.memory_space<vmem_shared>>
      tpu.wait_indirect_dma semaphore(%arg15 : memref<!tpu.dma_semaphore, #tpu.memory_space<semaphore_mem>>) src(%dma_wait3A_144 : memref<10016x64xf32, #tpu.memory_space<vmem_shared>>) dst(%arg10 : memref<256x64xf32, #tpu.memory_space<vmem>>)
      %dma_wait3A_145 = arith.constant 0 : i32
      %dma_wait3A_146 = tpu.memref_slice %arg4[%dma_wait3A_145] : memref<327680xi32, #tpu.memory_space<hbm>> -> memref<256xi32, #tpu.memory_space<hbm>>
      %dma_wait3A_147 = arith.constant 0 : i32
      %dma_wait3A_148 = tpu.memref_slice %arg4[%dma_wait3A_147] : memref<327680xi32, #tpu.memory_space<hbm>> -> memref<256xi32, #tpu.memory_space<hbm>>
      tpu.wait_dma2 semaphore(%arg17 : memref<!tpu.dma_semaphore, #tpu.memory_space<semaphore_mem>>) src(%dma_wait3A_148 : memref<256xi32, #tpu.memory_space<hbm>>) dst(%arg8 : memref<256xi32, #tpu.memory_space<vmem>>)
      %dma_start3A_149 = arith.constant 0 : i32
      %dma_start3A_150 = arith.constant 0 : i32
      %dma_start3A_151 = tpu.memref_slice %arg12[%dma_start3A_149, %dma_start3A_150] : memref<10016x64xf32, #tpu.memory_space<vmem_shared>> -> memref<10016x64xf32, #tpu.memory_space<vmem_shared>>
      tpu.enqueue_indirect_dma source(%arg10 : memref<256x64xf32, #tpu.memory_space<vmem>>) target(%dma_start3A_151 : memref<10016x64xf32, #tpu.memory_space<vmem_shared>>) offsets(%arg8 : memref<256xi32, #tpu.memory_space<vmem>>) semaphore(%arg18 : memref<!tpu.dma_semaphore, #tpu.memory_space<semaphore_mem>>) {add = true}
      %dma_wait3A_152 = arith.constant 0 : i32
      %dma_wait3A_153 = arith.constant 0 : i32
      %dma_wait3A_154 = tpu.memref_slice %arg12[%dma_wait3A_152, %dma_wait3A_153] : memref<10016x64xf32, #tpu.memory_space<vmem_shared>> -> memref<10016x64xf32, #tpu.memory_space<vmem_shared>>
      tpu.wait_indirect_dma semaphore(%arg18 : memref<!tpu.dma_semaphore, #tpu.memory_space<semaphore_mem>>) src(%arg10 : memref<256x64xf32, #tpu.memory_space<vmem>>) dst(%dma_wait3A_154 : memref<10016x64xf32, #tpu.memory_space<vmem_shared>>)
      %add3A_155 = arith.constant 2 : i32
      %add3A_156 = arith.addi %add3A_139, %add3A_155 : i32
      %rem3A_157 = arith.constant 40 : i32
      %rem3A_158 = arith.remsi %add3A_156, %rem3A_157 : i32
      %mul3A_159 = arith.constant 256 : i32
      %mul3A_160 = arith.muli %rem3A_158, %mul3A_159 : i32
      %dma_start3A_161 = tpu.memref_slice %arg6[%mul3A_160] : memref<10240xi32, #tpu.memory_space<vmem>> -> memref<256xi32, #tpu.memory_space<vmem>>
      %dma_start3A_162 = arith.constant 0 : i32
      %dma_start3A_163 = arith.constant 0 : i32
      %dma_start3A_164 = tpu.memref_slice %arg13[%dma_start3A_162, %dma_start3A_163] : memref<10016x64xf32, #tpu.memory_space<vmem_shared>> -> memref<10016x64xf32, #tpu.memory_space<vmem_shared>>
      tpu.enqueue_indirect_dma source(%dma_start3A_164 : memref<10016x64xf32, #tpu.memory_space<vmem_shared>>) target(%arg10 : memref<256x64xf32, #tpu.memory_space<vmem>>) offsets(%dma_start3A_161 : memref<256xi32, #tpu.memory_space<vmem>>) semaphore(%arg15 : memref<!tpu.dma_semaphore, #tpu.memory_space<semaphore_mem>>)
      %mul3A_165 = arith.constant 256 : i32
      %mul3A_166 = arith.muli %rem3A_158, %mul3A_165 : i32
      %add3A_167 = arith.addi %mul3A_3, %mul3A_166 : i32
      %dma_start3A_168 = tpu.memref_slice %arg4[%add3A_167] : memref<327680xi32, #tpu.memory_space<hbm>> -> memref<256xi32, #tpu.memory_space<hbm>>
      %dma_start3A_169 = tpu.memref_slice %arg4[%add3A_167] : memref<327680xi32, #tpu.memory_space<hbm>> -> memref<256xi32, #tpu.memory_space<hbm>>
      tpu.enqueue_dma source(%dma_start3A_169 : memref<256xi32, #tpu.memory_space<hbm>>) target(%arg8 : memref<256xi32, #tpu.memory_space<vmem>>) target_semaphore(%arg17 : memref<!tpu.dma_semaphore, #tpu.memory_space<semaphore_mem>>)
    }
    %scan3A_62 = arith.constant 20 : i32
    %dma_wait3A = arith.constant 0 : i32
    %dma_wait3A_63 = tpu.memref_slice %arg6[%dma_wait3A] : memref<10240xi32, #tpu.memory_space<vmem>> -> memref<256xi32, #tpu.memory_space<vmem>>
    %dma_wait3A_64 = arith.constant 0 : i32
    %dma_wait3A_65 = arith.constant 0 : i32
    %dma_wait3A_66 = tpu.memref_slice %arg13[%dma_wait3A_64, %dma_wait3A_65] : memref<10016x64xf32, #tpu.memory_space<vmem_shared>> -> memref<10016x64xf32, #tpu.memory_space<vmem_shared>>
    tpu.wait_indirect_dma semaphore(%arg14 : memref<!tpu.dma_semaphore, #tpu.memory_space<semaphore_mem>>) src(%dma_wait3A_66 : memref<10016x64xf32, #tpu.memory_space<vmem_shared>>) dst(%arg9 : memref<256x64xf32, #tpu.memory_space<vmem>>)
    %dma_wait3A_67 = arith.constant 0 : i32
    %dma_wait3A_68 = tpu.memref_slice %arg4[%dma_wait3A_67] : memref<327680xi32, #tpu.memory_space<hbm>> -> memref<256xi32, #tpu.memory_space<hbm>>
    %dma_wait3A_69 = arith.constant 0 : i32
    %dma_wait3A_70 = tpu.memref_slice %arg4[%dma_wait3A_69] : memref<327680xi32, #tpu.memory_space<hbm>> -> memref<256xi32, #tpu.memory_space<hbm>>
    tpu.wait_dma2 semaphore(%arg16 : memref<!tpu.dma_semaphore, #tpu.memory_space<semaphore_mem>>) src(%dma_wait3A_70 : memref<256xi32, #tpu.memory_space<hbm>>) dst(%arg7 : memref<256xi32, #tpu.memory_space<vmem>>)
    %dma_wait3A_71 = arith.constant 0 : i32
    %dma_wait3A_72 = tpu.memref_slice %arg6[%dma_wait3A_71] : memref<10240xi32, #tpu.memory_space<vmem>> -> memref<256xi32, #tpu.memory_space<vmem>>
    %dma_wait3A_73 = arith.constant 0 : i32
    %dma_wait3A_74 = arith.constant 0 : i32
    %dma_wait3A_75 = tpu.memref_slice %arg13[%dma_wait3A_73, %dma_wait3A_74] : memref<10016x64xf32, #tpu.memory_space<vmem_shared>> -> memref<10016x64xf32, #tpu.memory_space<vmem_shared>>
    tpu.wait_indirect_dma semaphore(%arg15 : memref<!tpu.dma_semaphore, #tpu.memory_space<semaphore_mem>>) src(%dma_wait3A_75 : memref<10016x64xf32, #tpu.memory_space<vmem_shared>>) dst(%arg10 : memref<256x64xf32, #tpu.memory_space<vmem>>)
    %dma_wait3A_76 = arith.constant 0 : i32
    %dma_wait3A_77 = tpu.memref_slice %arg4[%dma_wait3A_76] : memref<327680xi32, #tpu.memory_space<hbm>> -> memref<256xi32, #tpu.memory_space<hbm>>
    %dma_wait3A_78 = arith.constant 0 : i32
    %dma_wait3A_79 = tpu.memref_slice %arg4[%dma_wait3A_78] : memref<327680xi32, #tpu.memory_space<hbm>> -> memref<256xi32, #tpu.memory_space<hbm>>
    tpu.wait_dma2 semaphore(%arg17 : memref<!tpu.dma_semaphore, #tpu.memory_space<semaphore_mem>>) src(%dma_wait3A_79 : memref<256xi32, #tpu.memory_space<hbm>>) dst(%arg8 : memref<256xi32, #tpu.memory_space<vmem>>)
    %barrier3A_80 = arith.constant 0 : index
    tpu.barrier barrier_id(%barrier3A_80)
    %add3A_81 = arith.constant 0 : i32
    %add3A_82 = arith.addi %mul3A_16, %add3A_81 : i32
    "tpu.region"() ({
      %run_scoped3A = tpu.sem_alloc : memref<!tpu.dma_semaphore, #tpu.memory_space<semaphore_mem>>
      %dma_start3A_98 = arith.constant 0 : i32
      %dma_start3A_99 = tpu.memref_slice %arg12[%add3A_82, %dma_start3A_98] : memref<10016x64xf32, #tpu.memory_space<vmem_shared>> -> memref<104x64xf32, #tpu.memory_space<vmem_shared>>
      %dma_start3A_100 = arith.constant 0 : i32
      %dma_start3A_101 = tpu.memref_slice %arg12[%add3A_82, %dma_start3A_100] : memref<10016x64xf32, #tpu.memory_space<vmem_shared>> -> memref<104x64xf32, #tpu.memory_space<vmem_shared>>
      tpu.enqueue_dma source(%dma_start3A_101 : memref<104x64xf32, #tpu.memory_space<vmem_shared>>) target(%arg11 : memref<104x64xf32, #tpu.memory_space<vmem>>) target_semaphore(%run_scoped3A : memref<!tpu.dma_semaphore, #tpu.memory_space<semaphore_mem>>)
      %dma_wait3A_102 = arith.constant 0 : i32
      %dma_wait3A_103 = tpu.memref_slice %arg12[%add3A_82, %dma_wait3A_102] : memref<10016x64xf32, #tpu.memory_space<vmem_shared>> -> memref<104x64xf32, #tpu.memory_space<vmem_shared>>
      %dma_wait3A_104 = arith.constant 0 : i32
      %dma_wait3A_105 = tpu.memref_slice %arg12[%add3A_82, %dma_wait3A_104] : memref<10016x64xf32, #tpu.memory_space<vmem_shared>> -> memref<104x64xf32, #tpu.memory_space<vmem_shared>>
      tpu.wait_dma2 semaphore(%run_scoped3A : memref<!tpu.dma_semaphore, #tpu.memory_space<semaphore_mem>>) src(%dma_wait3A_105 : memref<104x64xf32, #tpu.memory_space<vmem_shared>>) dst(%arg11 : memref<104x64xf32, #tpu.memory_space<vmem>>)
      tpu.yield
    }) : () -> ()
    "tpu.region"() ({
      %run_scoped3A = tpu.sem_alloc : memref<!tpu.dma_semaphore, #tpu.memory_space<semaphore_mem>>
      %dma_start3A_98 = arith.constant 0 : i32
      %dma_start3A_99 = tpu.memref_slice %arg5[%arg0, %add3A_82, %dma_start3A_98] : memref<2x10000x64xf32, #tpu.memory_space<hbm>> -> memref<1x104x64xf32, #tpu.memory_space<hbm>>
      %dma_start3A_100 = tpu.memref_squeeze %dma_start3A_99 : memref<1x104x64xf32, #tpu.memory_space<hbm>> -> memref<104x64xf32, #tpu.memory_space<hbm>>
      %dma_start3A_101 = arith.constant 0 : i32
      %dma_start3A_102 = tpu.memref_slice %arg5[%arg0, %add3A_82, %dma_start3A_101] : memref<2x10000x64xf32, #tpu.memory_space<hbm>> -> memref<1x104x64xf32, #tpu.memory_space<hbm>>
      %dma_start3A_103 = tpu.memref_squeeze %dma_start3A_102 : memref<1x104x64xf32, #tpu.memory_space<hbm>> -> memref<104x64xf32, #tpu.memory_space<hbm>>
      tpu.enqueue_dma source(%arg11 : memref<104x64xf32, #tpu.memory_space<vmem>>) target(%dma_start3A_103 : memref<104x64xf32, #tpu.memory_space<hbm>>) target_semaphore(%run_scoped3A : memref<!tpu.dma_semaphore, #tpu.memory_space<semaphore_mem>>)
      %dma_wait3A_104 = arith.constant 0 : i32
      %dma_wait3A_105 = tpu.memref_slice %arg5[%arg0, %add3A_82, %dma_wait3A_104] : memref<2x10000x64xf32, #tpu.memory_space<hbm>> -> memref<1x104x64xf32, #tpu.memory_space<hbm>>
      %dma_wait3A_106 = tpu.memref_squeeze %dma_wait3A_105 : memref<1x104x64xf32, #tpu.memory_space<hbm>> -> memref<104x64xf32, #tpu.memory_space<hbm>>
      %dma_wait3A_107 = arith.constant 0 : i32
      %dma_wait3A_108 = tpu.memref_slice %arg5[%arg0, %add3A_82, %dma_wait3A_107] : memref<2x10000x64xf32, #tpu.memory_space<hbm>> -> memref<1x104x64xf32, #tpu.memory_space<hbm>>
      %dma_wait3A_109 = tpu.memref_squeeze %dma_wait3A_108 : memref<1x104x64xf32, #tpu.memory_space<hbm>> -> memref<104x64xf32, #tpu.memory_space<hbm>>
      tpu.wait_dma2 semaphore(%run_scoped3A : memref<!tpu.dma_semaphore, #tpu.memory_space<semaphore_mem>>) src(%arg11 : memref<104x64xf32, #tpu.memory_space<vmem>>) dst(%dma_wait3A_109 : memref<104x64xf32, #tpu.memory_space<hbm>>)
      tpu.yield
    }) : () -> ()
    %add3A_83 = arith.constant 104 : i32
    %add3A_84 = arith.addi %mul3A_16, %add3A_83 : i32
    "tpu.region"() ({
      %run_scoped3A = tpu.sem_alloc : memref<!tpu.dma_semaphore, #tpu.memory_space<semaphore_mem>>
      %dma_start3A_98 = arith.constant 0 : i32
      %dma_start3A_99 = tpu.memref_slice %arg12[%add3A_84, %dma_start3A_98] : memref<10016x64xf32, #tpu.memory_space<vmem_shared>> -> memref<104x64xf32, #tpu.memory_space<vmem_shared>>
      %dma_start3A_100 = arith.constant 0 : i32
      %dma_start3A_101 = tpu.memref_slice %arg12[%add3A_84, %dma_start3A_100] : memref<10016x64xf32, #tpu.memory_space<vmem_shared>> -> memref<104x64xf32, #tpu.memory_space<vmem_shared>>
      tpu.enqueue_dma source(%dma_start3A_101 : memref<104x64xf32, #tpu.memory_space<vmem_shared>>) target(%arg11 : memref<104x64xf32, #tpu.memory_space<vmem>>) target_semaphore(%run_scoped3A : memref<!tpu.dma_semaphore, #tpu.memory_space<semaphore_mem>>)
      %dma_wait3A_102 = arith.constant 0 : i32
      %dma_wait3A_103 = tpu.memref_slice %arg12[%add3A_84, %dma_wait3A_102] : memref<10016x64xf32, #tpu.memory_space<vmem_shared>> -> memref<104x64xf32, #tpu.memory_space<vmem_shared>>
      %dma_wait3A_104 = arith.constant 0 : i32
      %dma_wait3A_105 = tpu.memref_slice %arg12[%add3A_84, %dma_wait3A_104] : memref<10016x64xf32, #tpu.memory_space<vmem_shared>> -> memref<104x64xf32, #tpu.memory_space<vmem_shared>>
      tpu.wait_dma2 semaphore(%run_scoped3A : memref<!tpu.dma_semaphore, #tpu.memory_space<semaphore_mem>>) src(%dma_wait3A_105 : memref<104x64xf32, #tpu.memory_space<vmem_shared>>) dst(%arg11 : memref<104x64xf32, #tpu.memory_space<vmem>>)
      tpu.yield
    }) : () -> ()
    "tpu.region"() ({
      %run_scoped3A = tpu.sem_alloc : memref<!tpu.dma_semaphore, #tpu.memory_space<semaphore_mem>>
      %dma_start3A_98 = arith.constant 0 : i32
      %dma_start3A_99 = tpu.memref_slice %arg5[%arg0, %add3A_84, %dma_start3A_98] : memref<2x10000x64xf32, #tpu.memory_space<hbm>> -> memref<1x104x64xf32, #tpu.memory_space<hbm>>
      %dma_start3A_100 = tpu.memref_squeeze %dma_start3A_99 : memref<1x104x64xf32, #tpu.memory_space<hbm>> -> memref<104x64xf32, #tpu.memory_space<hbm>>
      %dma_start3A_101 = arith.constant 0 : i32
      %dma_start3A_102 = tpu.memref_slice %arg5[%arg0, %add3A_84, %dma_start3A_101] : memref<2x10000x64xf32, #tpu.memory_space<hbm>> -> memref<1x104x64xf32, #tpu.memory_space<hbm>>
      %dma_start3A_103 = tpu.memref_squeeze %dma_start3A_102 : memref<1x104x64xf32, #tpu.memory_space<hbm>> -> memref<104x64xf32, #tpu.memory_space<hbm>>
      tpu.enqueue_dma source(%arg11 : memref<104x64xf32, #tpu.memory_space<vmem>>) target(%dma_start3A_103 : memref<104x64xf32, #tpu.memory_space<hbm>>) target_semaphore(%run_scoped3A : memref<!tpu.dma_semaphore, #tpu.memory_space<semaphore_mem>>)
      %dma_wait3A_104 = arith.constant 0 : i32
      %dma_wait3A_105 = tpu.memref_slice %arg5[%arg0, %add3A_84, %dma_wait3A_104] : memref<2x10000x64xf32, #tpu.memory_space<hbm>> -> memref<1x104x64xf32, #tpu.memory_space<hbm>>
      %dma_wait3A_106 = tpu.memref_squeeze %dma_wait3A_105 : memref<1x104x64xf32, #tpu.memory_space<hbm>> -> memref<104x64xf32, #tpu.memory_space<hbm>>
      %dma_wait3A_107 = arith.constant 0 : i32
      %dma_wait3A_108 = tpu.memref_slice %arg5[%arg0, %add3A_84, %dma_wait3A_107] : memref<2x10000x64xf32, #tpu.memory_space<hbm>> -> memref<1x104x64xf32, #tpu.memory_space<hbm>>
      %dma_wait3A_109 = tpu.memref_squeeze %dma_wait3A_108 : memref<1x104x64xf32, #tpu.memory_space<hbm>> -> memref<104x64xf32, #tpu.memory_space<hbm>>
      tpu.wait_dma2 semaphore(%run_scoped3A : memref<!tpu.dma_semaphore, #tpu.memory_space<semaphore_mem>>) src(%arg11 : memref<104x64xf32, #tpu.memory_space<vmem>>) dst(%dma_wait3A_109 : memref<104x64xf32, #tpu.memory_space<hbm>>)
      tpu.yield
    }) : () -> ()
    %add3A_85 = arith.constant 208 : i32
    %add3A_86 = arith.addi %mul3A_16, %add3A_85 : i32
    "tpu.region"() ({
      %run_scoped3A = tpu.sem_alloc : memref<!tpu.dma_semaphore, #tpu.memory_space<semaphore_mem>>
      %dma_start3A_98 = arith.constant 0 : i32
      %dma_start3A_99 = tpu.memref_slice %arg12[%add3A_86, %dma_start3A_98] : memref<10016x64xf32, #tpu.memory_space<vmem_shared>> -> memref<104x64xf32, #tpu.memory_space<vmem_shared>>
      %dma_start3A_100 = arith.constant 0 : i32
      %dma_start3A_101 = tpu.memref_slice %arg12[%add3A_86, %dma_start3A_100] : memref<10016x64xf32, #tpu.memory_space<vmem_shared>> -> memref<104x64xf32, #tpu.memory_space<vmem_shared>>
      tpu.enqueue_dma source(%dma_start3A_101 : memref<104x64xf32, #tpu.memory_space<vmem_shared>>) target(%arg11 : memref<104x64xf32, #tpu.memory_space<vmem>>) target_semaphore(%run_scoped3A : memref<!tpu.dma_semaphore, #tpu.memory_space<semaphore_mem>>)
      %dma_wait3A_102 = arith.constant 0 : i32
      %dma_wait3A_103 = tpu.memref_slice %arg12[%add3A_86, %dma_wait3A_102] : memref<10016x64xf32, #tpu.memory_space<vmem_shared>> -> memref<104x64xf32, #tpu.memory_space<vmem_shared>>
      %dma_wait3A_104 = arith.constant 0 : i32
      %dma_wait3A_105 = tpu.memref_slice %arg12[%add3A_86, %dma_wait3A_104] : memref<10016x64xf32, #tpu.memory_space<vmem_shared>> -> memref<104x64xf32, #tpu.memory_space<vmem_shared>>
      tpu.wait_dma2 semaphore(%run_scoped3A : memref<!tpu.dma_semaphore, #tpu.memory_space<semaphore_mem>>) src(%dma_wait3A_105 : memref<104x64xf32, #tpu.memory_space<vmem_shared>>) dst(%arg11 : memref<104x64xf32, #tpu.memory_space<vmem>>)
      tpu.yield
    }) : () -> ()
    "tpu.region"() ({
      %run_scoped3A = tpu.sem_alloc : memref<!tpu.dma_semaphore, #tpu.memory_space<semaphore_mem>>
      %dma_start3A_98 = arith.constant 0 : i32
      %dma_start3A_99 = tpu.memref_slice %arg5[%arg0, %add3A_86, %dma_start3A_98] : memref<2x10000x64xf32, #tpu.memory_space<hbm>> -> memref<1x104x64xf32, #tpu.memory_space<hbm>>
      %dma_start3A_100 = tpu.memref_squeeze %dma_start3A_99 : memref<1x104x64xf32, #tpu.memory_space<hbm>> -> memref<104x64xf32, #tpu.memory_space<hbm>>
      %dma_start3A_101 = arith.constant 0 : i32
      %dma_start3A_102 = tpu.memref_slice %arg5[%arg0, %add3A_86, %dma_start3A_101] : memref<2x10000x64xf32, #tpu.memory_space<hbm>> -> memref<1x104x64xf32, #tpu.memory_space<hbm>>
      %dma_start3A_103 = tpu.memref_squeeze %dma_start3A_102 : memref<1x104x64xf32, #tpu.memory_space<hbm>> -> memref<104x64xf32, #tpu.memory_space<hbm>>
      tpu.enqueue_dma source(%arg11 : memref<104x64xf32, #tpu.memory_space<vmem>>) target(%dma_start3A_103 : memref<104x64xf32, #tpu.memory_space<hbm>>) target_semaphore(%run_scoped3A : memref<!tpu.dma_semaphore, #tpu.memory_space<semaphore_mem>>)
      %dma_wait3A_104 = arith.constant 0 : i32
      %dma_wait3A_105 = tpu.memref_slice %arg5[%arg0, %add3A_86, %dma_wait3A_104] : memref<2x10000x64xf32, #tpu.memory_space<hbm>> -> memref<1x104x64xf32, #tpu.memory_space<hbm>>
      %dma_wait3A_106 = tpu.memref_squeeze %dma_wait3A_105 : memref<1x104x64xf32, #tpu.memory_space<hbm>> -> memref<104x64xf32, #tpu.memory_space<hbm>>
      %dma_wait3A_107 = arith.constant 0 : i32
      %dma_wait3A_108 = tpu.memref_slice %arg5[%arg0, %add3A_86, %dma_wait3A_107] : memref<2x10000x64xf32, #tpu.memory_space<hbm>> -> memref<1x104x64xf32, #tpu.memory_space<hbm>>
      %dma_wait3A_109 = tpu.memref_squeeze %dma_wait3A_108 : memref<1x104x64xf32, #tpu.memory_space<hbm>> -> memref<104x64xf32, #tpu.memory_space<hbm>>
      tpu.wait_dma2 semaphore(%run_scoped3A : memref<!tpu.dma_semaphore, #tpu.memory_space<semaphore_mem>>) src(%arg11 : memref<104x64xf32, #tpu.memory_space<vmem>>) dst(%dma_wait3A_109 : memref<104x64xf32, #tpu.memory_space<hbm>>)
      tpu.yield
    }) : () -> ()
    %add3A_87 = arith.constant 312 : i32
    %add3A_88 = arith.addi %mul3A_16, %add3A_87 : i32
    "tpu.region"() ({
      %run_scoped3A = tpu.sem_alloc : memref<!tpu.dma_semaphore, #tpu.memory_space<semaphore_mem>>
      %dma_start3A_98 = arith.constant 0 : i32
      %dma_start3A_99 = tpu.memref_slice %arg12[%add3A_88, %dma_start3A_98] : memref<10016x64xf32, #tpu.memory_space<vmem_shared>> -> memref<104x64xf32, #tpu.memory_space<vmem_shared>>
      %dma_start3A_100 = arith.constant 0 : i32
      %dma_start3A_101 = tpu.memref_slice %arg12[%add3A_88, %dma_start3A_100] : memref<10016x64xf32, #tpu.memory_space<vmem_shared>> -> memref<104x64xf32, #tpu.memory_space<vmem_shared>>
      tpu.enqueue_dma source(%dma_start3A_101 : memref<104x64xf32, #tpu.memory_space<vmem_shared>>) target(%arg11 : memref<104x64xf32, #tpu.memory_space<vmem>>) target_semaphore(%run_scoped3A : memref<!tpu.dma_semaphore, #tpu.memory_space<semaphore_mem>>)
      %dma_wait3A_102 = arith.constant 0 : i32
      %dma_wait3A_103 = tpu.memref_slice %arg12[%add3A_88, %dma_wait3A_102] : memref<10016x64xf32, #tpu.memory_space<vmem_shared>> -> memref<104x64xf32, #tpu.memory_space<vmem_shared>>
      %dma_wait3A_104 = arith.constant 0 : i32
      %dma_wait3A_105 = tpu.memref_slice %arg12[%add3A_88, %dma_wait3A_104] : memref<10016x64xf32, #tpu.memory_space<vmem_shared>> -> memref<104x64xf32, #tpu.memory_space<vmem_shared>>
      tpu.wait_dma2 semaphore(%run_scoped3A : memref<!tpu.dma_semaphore, #tpu.memory_space<semaphore_mem>>) src(%dma_wait3A_105 : memref<104x64xf32, #tpu.memory_space<vmem_shared>>) dst(%arg11 : memref<104x64xf32, #tpu.memory_space<vmem>>)
      tpu.yield
    }) : () -> ()
    "tpu.region"() ({
      %run_scoped3A = tpu.sem_alloc : memref<!tpu.dma_semaphore, #tpu.memory_space<semaphore_mem>>
      %dma_start3A_98 = arith.constant 0 : i32
      %dma_start3A_99 = tpu.memref_slice %arg5[%arg0, %add3A_88, %dma_start3A_98] : memref<2x10000x64xf32, #tpu.memory_space<hbm>> -> memref<1x104x64xf32, #tpu.memory_space<hbm>>
      %dma_start3A_100 = tpu.memref_squeeze %dma_start3A_99 : memref<1x104x64xf32, #tpu.memory_space<hbm>> -> memref<104x64xf32, #tpu.memory_space<hbm>>
      %dma_start3A_101 = arith.constant 0 : i32
      %dma_start3A_102 = tpu.memref_slice %arg5[%arg0, %add3A_88, %dma_start3A_101] : memref<2x10000x64xf32, #tpu.memory_space<hbm>> -> memref<1x104x64xf32, #tpu.memory_space<hbm>>
      %dma_start3A_103 = tpu.memref_squeeze %dma_start3A_102 : memref<1x104x64xf32, #tpu.memory_space<hbm>> -> memref<104x64xf32, #tpu.memory_space<hbm>>
      tpu.enqueue_dma source(%arg11 : memref<104x64xf32, #tpu.memory_space<vmem>>) target(%dma_start3A_103 : memref<104x64xf32, #tpu.memory_space<hbm>>) target_semaphore(%run_scoped3A : memref<!tpu.dma_semaphore, #tpu.memory_space<semaphore_mem>>)
      %dma_wait3A_104 = arith.constant 0 : i32
      %dma_wait3A_105 = tpu.memref_slice %arg5[%arg0, %add3A_88, %dma_wait3A_104] : memref<2x10000x64xf32, #tpu.memory_space<hbm>> -> memref<1x104x64xf32, #tpu.memory_space<hbm>>
      %dma_wait3A_106 = tpu.memref_squeeze %dma_wait3A_105 : memref<1x104x64xf32, #tpu.memory_space<hbm>> -> memref<104x64xf32, #tpu.memory_space<hbm>>
      %dma_wait3A_107 = arith.constant 0 : i32
      %dma_wait3A_108 = tpu.memref_slice %arg5[%arg0, %add3A_88, %dma_wait3A_107] : memref<2x10000x64xf32, #tpu.memory_space<hbm>> -> memref<1x104x64xf32, #tpu.memory_space<hbm>>
      %dma_wait3A_109 = tpu.memref_squeeze %dma_wait3A_108 : memref<1x104x64xf32, #tpu.memory_space<hbm>> -> memref<104x64xf32, #tpu.memory_space<hbm>>
      tpu.wait_dma2 semaphore(%run_scoped3A : memref<!tpu.dma_semaphore, #tpu.memory_space<semaphore_mem>>) src(%arg11 : memref<104x64xf32, #tpu.memory_space<vmem>>) dst(%dma_wait3A_109 : memref<104x64xf32, #tpu.memory_space<hbm>>)
      tpu.yield
    }) : () -> ()
    %add3A_89 = arith.constant 416 : i32
    %add3A_90 = arith.addi %mul3A_16, %add3A_89 : i32
    "tpu.region"() ({
      %run_scoped3A = tpu.sem_alloc : memref<!tpu.dma_semaphore, #tpu.memory_space<semaphore_mem>>
      %dma_start3A_98 = arith.constant 0 : i32
      %dma_start3A_99 = tpu.memref_slice %arg12[%add3A_90, %dma_start3A_98] : memref<10016x64xf32, #tpu.memory_space<vmem_shared>> -> memref<104x64xf32, #tpu.memory_space<vmem_shared>>
      %dma_start3A_100 = arith.constant 0 : i32
      %dma_start3A_101 = tpu.memref_slice %arg12[%add3A_90, %dma_start3A_100] : memref<10016x64xf32, #tpu.memory_space<vmem_shared>> -> memref<104x64xf32, #tpu.memory_space<vmem_shared>>
      tpu.enqueue_dma source(%dma_start3A_101 : memref<104x64xf32, #tpu.memory_space<vmem_shared>>) target(%arg11 : memref<104x64xf32, #tpu.memory_space<vmem>>) target_semaphore(%run_scoped3A : memref<!tpu.dma_semaphore, #tpu.memory_space<semaphore_mem>>)
      %dma_wait3A_102 = arith.constant 0 : i32
      %dma_wait3A_103 = tpu.memref_slice %arg12[%add3A_90, %dma_wait3A_102] : memref<10016x64xf32, #tpu.memory_space<vmem_shared>> -> memref<104x64xf32, #tpu.memory_space<vmem_shared>>
      %dma_wait3A_104 = arith.constant 0 : i32
      %dma_wait3A_105 = tpu.memref_slice %arg12[%add3A_90, %dma_wait3A_104] : memref<10016x64xf32, #tpu.memory_space<vmem_shared>> -> memref<104x64xf32, #tpu.memory_space<vmem_shared>>
      tpu.wait_dma2 semaphore(%run_scoped3A : memref<!tpu.dma_semaphore, #tpu.memory_space<semaphore_mem>>) src(%dma_wait3A_105 : memref<104x64xf32, #tpu.memory_space<vmem_shared>>) dst(%arg11 : memref<104x64xf32, #tpu.memory_space<vmem>>)
      tpu.yield
    }) : () -> ()
    "tpu.region"() ({
      %run_scoped3A = tpu.sem_alloc : memref<!tpu.dma_semaphore, #tpu.memory_space<semaphore_mem>>
      %dma_start3A_98 = arith.constant 0 : i32
      %dma_start3A_99 = tpu.memref_slice %arg5[%arg0, %add3A_90, %dma_start3A_98] : memref<2x10000x64xf32, #tpu.memory_space<hbm>> -> memref<1x104x64xf32, #tpu.memory_space<hbm>>
      %dma_start3A_100 = tpu.memref_squeeze %dma_start3A_99 : memref<1x104x64xf32, #tpu.memory_space<hbm>> -> memref<104x64xf32, #tpu.memory_space<hbm>>
      %dma_start3A_101 = arith.constant 0 : i32
      %dma_start3A_102 = tpu.memref_slice %arg5[%arg0, %add3A_90, %dma_start3A_101] : memref<2x10000x64xf32, #tpu.memory_space<hbm>> -> memref<1x104x64xf32, #tpu.memory_space<hbm>>
      %dma_start3A_103 = tpu.memref_squeeze %dma_start3A_102 : memref<1x104x64xf32, #tpu.memory_space<hbm>> -> memref<104x64xf32, #tpu.memory_space<hbm>>
      tpu.enqueue_dma source(%arg11 : memref<104x64xf32, #tpu.memory_space<vmem>>) target(%dma_start3A_103 : memref<104x64xf32, #tpu.memory_space<hbm>>) target_semaphore(%run_scoped3A : memref<!tpu.dma_semaphore, #tpu.memory_space<semaphore_mem>>)
      %dma_wait3A_104 = arith.constant 0 : i32
      %dma_wait3A_105 = tpu.memref_slice %arg5[%arg0, %add3A_90, %dma_wait3A_104] : memref<2x10000x64xf32, #tpu.memory_space<hbm>> -> memref<1x104x64xf32, #tpu.memory_space<hbm>>
      %dma_wait3A_106 = tpu.memref_squeeze %dma_wait3A_105 : memref<1x104x64xf32, #tpu.memory_space<hbm>> -> memref<104x64xf32, #tpu.memory_space<hbm>>
      %dma_wait3A_107 = arith.constant 0 : i32
      %dma_wait3A_108 = tpu.memref_slice %arg5[%arg0, %add3A_90, %dma_wait3A_107] : memref<2x10000x64xf32, #tpu.memory_space<hbm>> -> memref<1x104x64xf32, #tpu.memory_space<hbm>>
      %dma_wait3A_109 = tpu.memref_squeeze %dma_wait3A_108 : memref<1x104x64xf32, #tpu.memory_space<hbm>> -> memref<104x64xf32, #tpu.memory_space<hbm>>
      tpu.wait_dma2 semaphore(%run_scoped3A : memref<!tpu.dma_semaphore, #tpu.memory_space<semaphore_mem>>) src(%arg11 : memref<104x64xf32, #tpu.memory_space<vmem>>) dst(%dma_wait3A_109 : memref<104x64xf32, #tpu.memory_space<hbm>>)
      tpu.yield
    }) : () -> ()
    %add3A_91 = arith.constant 520 : i32
    %add3A_92 = arith.addi %mul3A_16, %add3A_91 : i32
    "tpu.region"() ({
      %run_scoped3A = tpu.sem_alloc : memref<!tpu.dma_semaphore, #tpu.memory_space<semaphore_mem>>
      %dma_start3A_98 = arith.constant 0 : i32
      %dma_start3A_99 = tpu.memref_slice %arg12[%add3A_92, %dma_start3A_98] : memref<10016x64xf32, #tpu.memory_space<vmem_shared>> -> memref<104x64xf32, #tpu.memory_space<vmem_shared>>
      %dma_start3A_100 = arith.constant 0 : i32
      %dma_start3A_101 = tpu.memref_slice %arg12[%add3A_92, %dma_start3A_100] : memref<10016x64xf32, #tpu.memory_space<vmem_shared>> -> memref<104x64xf32, #tpu.memory_space<vmem_shared>>
      tpu.enqueue_dma source(%dma_start3A_101 : memref<104x64xf32, #tpu.memory_space<vmem_shared>>) target(%arg11 : memref<104x64xf32, #tpu.memory_space<vmem>>) target_semaphore(%run_scoped3A : memref<!tpu.dma_semaphore, #tpu.memory_space<semaphore_mem>>)
      %dma_wait3A_102 = arith.constant 0 : i32
      %dma_wait3A_103 = tpu.memref_slice %arg12[%add3A_92, %dma_wait3A_102] : memref<10016x64xf32, #tpu.memory_space<vmem_shared>> -> memref<104x64xf32, #tpu.memory_space<vmem_shared>>
      %dma_wait3A_104 = arith.constant 0 : i32
      %dma_wait3A_105 = tpu.memref_slice %arg12[%add3A_92, %dma_wait3A_104] : memref<10016x64xf32, #tpu.memory_space<vmem_shared>> -> memref<104x64xf32, #tpu.memory_space<vmem_shared>>
      tpu.wait_dma2 semaphore(%run_scoped3A : memref<!tpu.dma_semaphore, #tpu.memory_space<semaphore_mem>>) src(%dma_wait3A_105 : memref<104x64xf32, #tpu.memory_space<vmem_shared>>) dst(%arg11 : memref<104x64xf32, #tpu.memory_space<vmem>>)
      tpu.yield
    }) : () -> ()
    "tpu.region"() ({
      %run_scoped3A = tpu.sem_alloc : memref<!tpu.dma_semaphore, #tpu.memory_space<semaphore_mem>>
      %dma_start3A_98 = arith.constant 0 : i32
      %dma_start3A_99 = tpu.memref_slice %arg5[%arg0, %add3A_92, %dma_start3A_98] : memref<2x10000x64xf32, #tpu.memory_space<hbm>> -> memref<1x104x64xf32, #tpu.memory_space<hbm>>
      %dma_start3A_100 = tpu.memref_squeeze %dma_start3A_99 : memref<1x104x64xf32, #tpu.memory_space<hbm>> -> memref<104x64xf32, #tpu.memory_space<hbm>>
      %dma_start3A_101 = arith.constant 0 : i32
      %dma_start3A_102 = tpu.memref_slice %arg5[%arg0, %add3A_92, %dma_start3A_101] : memref<2x10000x64xf32, #tpu.memory_space<hbm>> -> memref<1x104x64xf32, #tpu.memory_space<hbm>>
      %dma_start3A_103 = tpu.memref_squeeze %dma_start3A_102 : memref<1x104x64xf32, #tpu.memory_space<hbm>> -> memref<104x64xf32, #tpu.memory_space<hbm>>
      tpu.enqueue_dma source(%arg11 : memref<104x64xf32, #tpu.memory_space<vmem>>) target(%dma_start3A_103 : memref<104x64xf32, #tpu.memory_space<hbm>>) target_semaphore(%run_scoped3A : memref<!tpu.dma_semaphore, #tpu.memory_space<semaphore_mem>>)
      %dma_wait3A_104 = arith.constant 0 : i32
      %dma_wait3A_105 = tpu.memref_slice %arg5[%arg0, %add3A_92, %dma_wait3A_104] : memref<2x10000x64xf32, #tpu.memory_space<hbm>> -> memref<1x104x64xf32, #tpu.memory_space<hbm>>
      %dma_wait3A_106 = tpu.memref_squeeze %dma_wait3A_105 : memref<1x104x64xf32, #tpu.memory_space<hbm>> -> memref<104x64xf32, #tpu.memory_space<hbm>>
      %dma_wait3A_107 = arith.constant 0 : i32
      %dma_wait3A_108 = tpu.memref_slice %arg5[%arg0, %add3A_92, %dma_wait3A_107] : memref<2x10000x64xf32, #tpu.memory_space<hbm>> -> memref<1x104x64xf32, #tpu.memory_space<hbm>>
      %dma_wait3A_109 = tpu.memref_squeeze %dma_wait3A_108 : memref<1x104x64xf32, #tpu.memory_space<hbm>> -> memref<104x64xf32, #tpu.memory_space<hbm>>
      tpu.wait_dma2 semaphore(%run_scoped3A : memref<!tpu.dma_semaphore, #tpu.memory_space<semaphore_mem>>) src(%arg11 : memref<104x64xf32, #tpu.memory_space<vmem>>) dst(%dma_wait3A_109 : memref<104x64xf32, #tpu.memory_space<hbm>>)
      tpu.yield
    }) : () -> ()
    %eq3A_93 = arith.constant 15 : i32
    %eq3A_94 = arith.cmpi eq, %arg1, %eq3A_93 : i32
    %convert_element_type3A_95 = arith.extui %eq3A_94 : i1 to i32
    %cond3A_96 = arith.constant 0 : i32
    %cond3A_97 = arith.cmpi ne, %convert_element_type3A_95, %cond3A_96 : i32
    scf.if %cond3A_97 {
      "tpu.region"() ({
        %run_scoped3A = tpu.sem_alloc : memref<!tpu.dma_semaphore, #tpu.memory_space<semaphore_mem>>
        %dma_start3A_98 = arith.constant 0 : i32
        %dma_start3A_99 = arith.constant 0 : i32
        %dma_start3A_100 = tpu.memref_slice %arg11[%dma_start3A_98, %dma_start3A_99] : memref<104x64xf32, #tpu.memory_space<vmem>> -> memref<16x64xf32, #tpu.memory_space<vmem>>
        %dma_start3A_101 = arith.constant 9984 : i32
        %dma_start3A_102 = arith.constant 0 : i32
        %dma_start3A_103 = tpu.memref_slice %arg12[%dma_start3A_101, %dma_start3A_102] : memref<10016x64xf32, #tpu.memory_space<vmem_shared>> -> memref<16x64xf32, #tpu.memory_space<vmem_shared>>
        %dma_start3A_104 = arith.constant 0 : i32
        %dma_start3A_105 = arith.constant 0 : i32
        %dma_start3A_106 = tpu.memref_slice %arg11[%dma_start3A_104, %dma_start3A_105] : memref<104x64xf32, #tpu.memory_space<vmem>> -> memref<16x64xf32, #tpu.memory_space<vmem>>
        %dma_start3A_107 = arith.constant 9984 : i32
        %dma_start3A_108 = arith.constant 0 : i32
        %dma_start3A_109 = tpu.memref_slice %arg12[%dma_start3A_107, %dma_start3A_108] : memref<10016x64xf32, #tpu.memory_space<vmem_shared>> -> memref<16x64xf32, #tpu.memory_space<vmem_shared>>
        tpu.enqueue_dma source(%dma_start3A_109 : memref<16x64xf32, #tpu.memory_space<vmem_shared>>) target(%dma_start3A_106 : memref<16x64xf32, #tpu.memory_space<vmem>>) target_semaphore(%run_scoped3A : memref<!tpu.dma_semaphore, #tpu.memory_space<semaphore_mem>>)
        %dma_wait3A_110 = arith.constant 0 : i32
        %dma_wait3A_111 = arith.constant 0 : i32
        %dma_wait3A_112 = tpu.memref_slice %arg11[%dma_wait3A_110, %dma_wait3A_111] : memref<104x64xf32, #tpu.memory_space<vmem>> -> memref<16x64xf32, #tpu.memory_space<vmem>>
        %dma_wait3A_113 = arith.constant 9984 : i32
        %dma_wait3A_114 = arith.constant 0 : i32
        %dma_wait3A_115 = tpu.memref_slice %arg12[%dma_wait3A_113, %dma_wait3A_114] : memref<10016x64xf32, #tpu.memory_space<vmem_shared>> -> memref<16x64xf32, #tpu.memory_space<vmem_shared>>
        %dma_wait3A_116 = arith.constant 0 : i32
        %dma_wait3A_117 = arith.constant 0 : i32
        %dma_wait3A_118 = tpu.memref_slice %arg11[%dma_wait3A_116, %dma_wait3A_117] : memref<104x64xf32, #tpu.memory_space<vmem>> -> memref<16x64xf32, #tpu.memory_space<vmem>>
        %dma_wait3A_119 = arith.constant 9984 : i32
        %dma_wait3A_120 = arith.constant 0 : i32
        %dma_wait3A_121 = tpu.memref_slice %arg12[%dma_wait3A_119, %dma_wait3A_120] : memref<10016x64xf32, #tpu.memory_space<vmem_shared>> -> memref<16x64xf32, #tpu.memory_space<vmem_shared>>
        tpu.wait_dma2 semaphore(%run_scoped3A : memref<!tpu.dma_semaphore, #tpu.memory_space<semaphore_mem>>) src(%dma_wait3A_121 : memref<16x64xf32, #tpu.memory_space<vmem_shared>>) dst(%dma_wait3A_118 : memref<16x64xf32, #tpu.memory_space<vmem>>)
        tpu.yield
      }) : () -> ()
      "tpu.region"() ({
        %run_scoped3A = tpu.sem_alloc : memref<!tpu.dma_semaphore, #tpu.memory_space<semaphore_mem>>
        %dma_start3A_98 = arith.constant 0 : i32
        %dma_start3A_99 = arith.constant 0 : i32
        %dma_start3A_100 = tpu.memref_slice %arg11[%dma_start3A_98, %dma_start3A_99] : memref<104x64xf32, #tpu.memory_space<vmem>> -> memref<16x64xf32, #tpu.memory_space<vmem>>
        %dma_start3A_101 = arith.constant 9984 : i32
        %dma_start3A_102 = arith.constant 0 : i32
        %dma_start3A_103 = tpu.memref_slice %arg5[%arg0, %dma_start3A_101, %dma_start3A_102] : memref<2x10000x64xf32, #tpu.memory_space<hbm>> -> memref<1x16x64xf32, #tpu.memory_space<hbm>>
        %dma_start3A_104 = tpu.memref_squeeze %dma_start3A_103 : memref<1x16x64xf32, #tpu.memory_space<hbm>> -> memref<16x64xf32, #tpu.memory_space<hbm>>
        %dma_start3A_105 = arith.constant 9984 : i32
        %dma_start3A_106 = arith.constant 0 : i32
        %dma_start3A_107 = tpu.memref_slice %arg5[%arg0, %dma_start3A_105, %dma_start3A_106] : memref<2x10000x64xf32, #tpu.memory_space<hbm>> -> memref<1x16x64xf32, #tpu.memory_space<hbm>>
        %dma_start3A_108 = tpu.memref_squeeze %dma_start3A_107 : memref<1x16x64xf32, #tpu.memory_space<hbm>> -> memref<16x64xf32, #tpu.memory_space<hbm>>
        %dma_start3A_109 = arith.constant 0 : i32
        %dma_start3A_110 = arith.constant 0 : i32
        %dma_start3A_111 = tpu.memref_slice %arg11[%dma_start3A_109, %dma_start3A_110] : memref<104x64xf32, #tpu.memory_space<vmem>> -> memref<16x64xf32, #tpu.memory_space<vmem>>
        tpu.enqueue_dma source(%dma_start3A_111 : memref<16x64xf32, #tpu.memory_space<vmem>>) target(%dma_start3A_108 : memref<16x64xf32, #tpu.memory_space<hbm>>) target_semaphore(%run_scoped3A : memref<!tpu.dma_semaphore, #tpu.memory_space<semaphore_mem>>)
        %dma_wait3A_112 = arith.constant 0 : i32
        %dma_wait3A_113 = arith.constant 0 : i32
        %dma_wait3A_114 = tpu.memref_slice %arg11[%dma_wait3A_112, %dma_wait3A_113] : memref<104x64xf32, #tpu.memory_space<vmem>> -> memref<16x64xf32, #tpu.memory_space<vmem>>
        %dma_wait3A_115 = arith.constant 9984 : i32
        %dma_wait3A_116 = arith.constant 0 : i32
        %dma_wait3A_117 = tpu.memref_slice %arg5[%arg0, %dma_wait3A_115, %dma_wait3A_116] : memref<2x10000x64xf32, #tpu.memory_space<hbm>> -> memref<1x16x64xf32, #tpu.memory_space<hbm>>
        %dma_wait3A_118 = tpu.memref_squeeze %dma_wait3A_117 : memref<1x16x64xf32, #tpu.memory_space<hbm>> -> memref<16x64xf32, #tpu.memory_space<hbm>>
        %dma_wait3A_119 = arith.constant 9984 : i32
        %dma_wait3A_120 = arith.constant 0 : i32
        %dma_wait3A_121 = tpu.memref_slice %arg5[%arg0, %dma_wait3A_119, %dma_wait3A_120] : memref<2x10000x64xf32, #tpu.memory_space<hbm>> -> memref<1x16x64xf32, #tpu.memory_space<hbm>>
        %dma_wait3A_122 = tpu.memref_squeeze %dma_wait3A_121 : memref<1x16x64xf32, #tpu.memory_space<hbm>> -> memref<16x64xf32, #tpu.memory_space<hbm>>
        %dma_wait3A_123 = arith.constant 0 : i32
        %dma_wait3A_124 = arith.constant 0 : i32
        %dma_wait3A_125 = tpu.memref_slice %arg11[%dma_wait3A_123, %dma_wait3A_124] : memref<104x64xf32, #tpu.memory_space<vmem>> -> memref<16x64xf32, #tpu.memory_space<vmem>>
        tpu.wait_dma2 semaphore(%run_scoped3A : memref<!tpu.dma_semaphore, #tpu.memory_space<semaphore_mem>>) src(%dma_wait3A_125 : memref<16x64xf32, #tpu.memory_space<vmem>>) dst(%dma_wait3A_122 : memref<16x64xf32, #tpu.memory_space<hbm>>)
        tpu.yield
      }) : () -> ()
    } else {
    }
    return
  }
}

#map = affine_map<(d0, d1) -> (0)>
#map1 = affine_map<(d0, d1) -> (0, 0)>
module attributes {stable_mosaic.version = 14 : i64} {
  func.func @_sc_degrees(%arg0: i32, %arg1: i32, %arg2: memref<320000xi32, #tpu.memory_space<hbm>>, %arg3: memref<320000xi32, #tpu.memory_space<hbm>>, %arg4: memref<32x10000xf32, #tpu.memory_space<hbm>>, %arg5: memref<32x10000xf32, #tpu.memory_space<hbm>>, %arg6: memref<10000xi32, #tpu.memory_space<vmem>>, %arg7: memref<10000xi32, #tpu.memory_space<vmem>>, %arg8: memref<10000xf32, #tpu.memory_space<vmem>>, %arg9: memref<10000xf32, #tpu.memory_space<vmem>>) attributes {dimension_semantics = [#tpu.dimension_semantics<core_parallel>, #tpu.dimension_semantics<subcore_parallel>], iteration_bounds = array<i64: 2, 16>, scalar_prefetch = 0 : i64, scratch_operands = 4 : i64, tpu.core_type = #tpu.core_type<sc_vector_subcore>, window_params = [{transform_indices = #map}, {transform_indices = #map}, {transform_indices = #map1}, {transform_indices = #map1}]} {
    %mul3A = arith.constant 2 : i32
    %mul3A_0 = arith.muli %arg1, %mul3A : i32
    %add3A = arith.addi %mul3A_0, %arg0 : i32
    %mul3A_1 = arith.constant 10000 : i32
    %mul3A_2 = arith.muli %add3A, %mul3A_1 : i32
    "tpu.region"() ({
      %run_scoped3A = tpu.sem_alloc : memref<!tpu.dma_semaphore, #tpu.memory_space<semaphore_mem>>
      %dma_start3A = tpu.memref_slice %arg2[%mul3A_2] : memref<320000xi32, #tpu.memory_space<hbm>> -> memref<10000xi32, #tpu.memory_space<hbm>>
      %dma_start3A_13 = tpu.memref_slice %arg2[%mul3A_2] : memref<320000xi32, #tpu.memory_space<hbm>> -> memref<10000xi32, #tpu.memory_space<hbm>>
      tpu.enqueue_dma source(%dma_start3A_13 : memref<10000xi32, #tpu.memory_space<hbm>>) target(%arg6 : memref<10000xi32, #tpu.memory_space<vmem>>) target_semaphore(%run_scoped3A : memref<!tpu.dma_semaphore, #tpu.memory_space<semaphore_mem>>)
      %dma_wait3A = tpu.memref_slice %arg2[%mul3A_2] : memref<320000xi32, #tpu.memory_space<hbm>> -> memref<10000xi32, #tpu.memory_space<hbm>>
      %dma_wait3A_14 = tpu.memref_slice %arg2[%mul3A_2] : memref<320000xi32, #tpu.memory_space<hbm>> -> memref<10000xi32, #tpu.memory_space<hbm>>
      tpu.wait_dma2 semaphore(%run_scoped3A : memref<!tpu.dma_semaphore, #tpu.memory_space<semaphore_mem>>) src(%dma_wait3A_14 : memref<10000xi32, #tpu.memory_space<hbm>>) dst(%arg6 : memref<10000xi32, #tpu.memory_space<vmem>>)
      tpu.yield
    }) : () -> ()
    "tpu.region"() ({
      %run_scoped3A = tpu.sem_alloc : memref<!tpu.dma_semaphore, #tpu.memory_space<semaphore_mem>>
      %dma_start3A = tpu.memref_slice %arg3[%mul3A_2] : memref<320000xi32, #tpu.memory_space<hbm>> -> memref<10000xi32, #tpu.memory_space<hbm>>
      %dma_start3A_13 = tpu.memref_slice %arg3[%mul3A_2] : memref<320000xi32, #tpu.memory_space<hbm>> -> memref<10000xi32, #tpu.memory_space<hbm>>
      tpu.enqueue_dma source(%dma_start3A_13 : memref<10000xi32, #tpu.memory_space<hbm>>) target(%arg7 : memref<10000xi32, #tpu.memory_space<vmem>>) target_semaphore(%run_scoped3A : memref<!tpu.dma_semaphore, #tpu.memory_space<semaphore_mem>>)
      %dma_wait3A = tpu.memref_slice %arg3[%mul3A_2] : memref<320000xi32, #tpu.memory_space<hbm>> -> memref<10000xi32, #tpu.memory_space<hbm>>
      %dma_wait3A_14 = tpu.memref_slice %arg3[%mul3A_2] : memref<320000xi32, #tpu.memory_space<hbm>> -> memref<10000xi32, #tpu.memory_space<hbm>>
      tpu.wait_dma2 semaphore(%run_scoped3A : memref<!tpu.dma_semaphore, #tpu.memory_space<semaphore_mem>>) src(%dma_wait3A_14 : memref<10000xi32, #tpu.memory_space<hbm>>) dst(%arg7 : memref<10000xi32, #tpu.memory_space<vmem>>)
      tpu.yield
    }) : () -> ()
    %broadcast_in_dim3A = arith.constant 0.000000e+00 : f32
    %broadcast_in_dim3A_3 = vector.broadcast %broadcast_in_dim3A : f32 to vector<16xf32>
    %scan3A = arith.constant 0 : i32
    %scan3A_4 = arith.constant 625 : i32
    %scan3A_5 = arith.addi %scan3A, %scan3A_4 : i32
    %scan3A_6 = arith.constant 1 : i32
    scf.for %scan3A_13 = %scan3A to %scan3A_5 step %scan3A_6  : i32 {
      %mul3A_14 = arith.constant 1 : i32
      %mul3A_15 = arith.muli %scan3A_13, %mul3A_14 : i32
      %add3A_16 = arith.constant 0 : i32
      %add3A_17 = arith.addi %add3A_16, %mul3A_15 : i32
      %mul3A_18 = arith.constant 16 : i32
      %mul3A_19 = arith.muli %add3A_17, %mul3A_18 : i32
      %swap3A = arith.index_cast %mul3A_19 : i32 to index
      %swap3A_20 = tpu.vector_load %arg8[%swap3A] {strides = array<i32>} : memref<10000xf32, #tpu.memory_space<vmem>>, vector<16xf32>,
      tpu.vector_store %arg8[%swap3A], %broadcast_in_dim3A_3 {strides = array<i32>} : memref<10000xf32, #tpu.memory_space<vmem>>, vector<16xf32>,
      %mul3A_21 = arith.constant 16 : i32
      %mul3A_22 = arith.muli %add3A_17, %mul3A_21 : i32
      %swap3A_23 = arith.index_cast %mul3A_22 : i32 to index
      %swap3A_24 = tpu.vector_load %arg9[%swap3A_23] {strides = array<i32>} : memref<10000xf32, #tpu.memory_space<vmem>>, vector<16xf32>,
      tpu.vector_store %arg9[%swap3A_23], %broadcast_in_dim3A_3 {strides = array<i32>} : memref<10000xf32, #tpu.memory_space<vmem>>, vector<16xf32>,
    }
    %scan3A_7 = arith.constant 625 : i32
    %scan3A_8 = arith.constant 0 : i32
    %scan3A_9 = arith.constant 625 : i32
    %scan3A_10 = arith.addi %scan3A_8, %scan3A_9 : i32
    %scan3A_11 = arith.constant 1 : i32
    scf.for %scan3A_13 = %scan3A_8 to %scan3A_10 step %scan3A_11  : i32 {
      %mul3A_14 = arith.constant 1 : i32
      %mul3A_15 = arith.muli %scan3A_13, %mul3A_14 : i32
      %add3A_16 = arith.constant 0 : i32
      %add3A_17 = arith.addi %add3A_16, %mul3A_15 : i32
      %mul3A_18 = arith.constant 16 : i32
      %mul3A_19 = arith.muli %add3A_17, %mul3A_18 : i32
      %get3A = arith.index_cast %mul3A_19 : i32 to index
      %get3A_20 = tpu.vector_load %arg6[%get3A] {strides = array<i32>} : memref<10000xi32, #tpu.memory_space<vmem>>, vector<16xi32>,
      %broadcast_in_dim3A_21 = arith.constant true
      %broadcast_in_dim3A_22 = vector.broadcast %broadcast_in_dim3A_21 : i1 to vector<16xi1>
      %unique3A, %unique3A_23 = tpu.scan_count mask(%broadcast_in_dim3A_22 : vector<16xi1>) value(%get3A_20 : vector<16xi32>) : vector<16xi1>, vector<16xi32>
      %convert_element_type3A = arith.sitofp %unique3A_23 : vector<16xi32> to vector<16xf32>
      tpu.vector_store_idx %arg8[%get3A_20], %convert_element_type3A masked %unique3A {add = true} : memref<10000xf32, #tpu.memory_space<vmem>>[vector<16xi32>], vector<16xf32>, vector<16xi1>
      %mul3A_24 = arith.constant 16 : i32
      %mul3A_25 = arith.muli %add3A_17, %mul3A_24 : i32
      %get3A_26 = arith.index_cast %mul3A_25 : i32 to index
      %get3A_27 = tpu.vector_load %arg7[%get3A_26] {strides = array<i32>} : memref<10000xi32, #tpu.memory_space<vmem>>, vector<16xi32>,
      %broadcast_in_dim3A_28 = arith.constant true
      %broadcast_in_dim3A_29 = vector.broadcast %broadcast_in_dim3A_28 : i1 to vector<16xi1>
      %unique3A_30, %unique3A_31 = tpu.scan_count mask(%broadcast_in_dim3A_29 : vector<16xi1>) value(%get3A_27 : vector<16xi32>) : vector<16xi1>, vector<16xi32>
      %convert_element_type3A_32 = arith.sitofp %unique3A_31 : vector<16xi32> to vector<16xf32>
      tpu.vector_store_idx %arg9[%get3A_27], %convert_element_type3A_32 masked %unique3A_30 {add = true} : memref<10000xf32, #tpu.memory_space<vmem>>[vector<16xi32>], vector<16xf32>, vector<16xi1>
    }
    %scan3A_12 = arith.constant 625 : i32
    "tpu.region"() ({
      %run_scoped3A = tpu.sem_alloc : memref<!tpu.dma_semaphore, #tpu.memory_space<semaphore_mem>>
      %dma_start3A = arith.constant 0 : i32
      %dma_start3A_13 = tpu.memref_slice %arg4[%add3A, %dma_start3A] : memref<32x10000xf32, #tpu.memory_space<hbm>> -> memref<1x10000xf32, #tpu.memory_space<hbm>>
      %dma_start3A_14 = tpu.memref_squeeze %dma_start3A_13 : memref<1x10000xf32, #tpu.memory_space<hbm>> -> memref<10000xf32, #tpu.memory_space<hbm>>
      %dma_start3A_15 = arith.constant 0 : i32
      %dma_start3A_16 = tpu.memref_slice %arg4[%add3A, %dma_start3A_15] : memref<32x10000xf32, #tpu.memory_space<hbm>> -> memref<1x10000xf32, #tpu.memory_space<hbm>>
      %dma_start3A_17 = tpu.memref_squeeze %dma_start3A_16 : memref<1x10000xf32, #tpu.memory_space<hbm>> -> memref<10000xf32, #tpu.memory_space<hbm>>
      tpu.enqueue_dma source(%arg8 : memref<10000xf32, #tpu.memory_space<vmem>>) target(%dma_start3A_17 : memref<10000xf32, #tpu.memory_space<hbm>>) target_semaphore(%run_scoped3A : memref<!tpu.dma_semaphore, #tpu.memory_space<semaphore_mem>>)
      %dma_wait3A = arith.constant 0 : i32
      %dma_wait3A_18 = tpu.memref_slice %arg4[%add3A, %dma_wait3A] : memref<32x10000xf32, #tpu.memory_space<hbm>> -> memref<1x10000xf32, #tpu.memory_space<hbm>>
      %dma_wait3A_19 = tpu.memref_squeeze %dma_wait3A_18 : memref<1x10000xf32, #tpu.memory_space<hbm>> -> memref<10000xf32, #tpu.memory_space<hbm>>
      %dma_wait3A_20 = arith.constant 0 : i32
      %dma_wait3A_21 = tpu.memref_slice %arg4[%add3A, %dma_wait3A_20] : memref<32x10000xf32, #tpu.memory_space<hbm>> -> memref<1x10000xf32, #tpu.memory_space<hbm>>
      %dma_wait3A_22 = tpu.memref_squeeze %dma_wait3A_21 : memref<1x10000xf32, #tpu.memory_space<hbm>> -> memref<10000xf32, #tpu.memory_space<hbm>>
      tpu.wait_dma2 semaphore(%run_scoped3A : memref<!tpu.dma_semaphore, #tpu.memory_space<semaphore_mem>>) src(%arg8 : memref<10000xf32, #tpu.memory_space<vmem>>) dst(%dma_wait3A_22 : memref<10000xf32, #tpu.memory_space<hbm>>)
      tpu.yield
    }) : () -> ()
    "tpu.region"() ({
      %run_scoped3A = tpu.sem_alloc : memref<!tpu.dma_semaphore, #tpu.memory_space<semaphore_mem>>
      %dma_start3A = arith.constant 0 : i32
      %dma_start3A_13 = tpu.memref_slice %arg5[%add3A, %dma_start3A] : memref<32x10000xf32, #tpu.memory_space<hbm>> -> memref<1x10000xf32, #tpu.memory_space<hbm>>
      %dma_start3A_14 = tpu.memref_squeeze %dma_start3A_13 : memref<1x10000xf32, #tpu.memory_space<hbm>> -> memref<10000xf32, #tpu.memory_space<hbm>>
      %dma_start3A_15 = arith.constant 0 : i32
      %dma_start3A_16 = tpu.memref_slice %arg5[%add3A, %dma_start3A_15] : memref<32x10000xf32, #tpu.memory_space<hbm>> -> memref<1x10000xf32, #tpu.memory_space<hbm>>
      %dma_start3A_17 = tpu.memref_squeeze %dma_start3A_16 : memref<1x10000xf32, #tpu.memory_space<hbm>> -> memref<10000xf32, #tpu.memory_space<hbm>>
      tpu.enqueue_dma source(%arg9 : memref<10000xf32, #tpu.memory_space<vmem>>) target(%dma_start3A_17 : memref<10000xf32, #tpu.memory_space<hbm>>) target_semaphore(%run_scoped3A : memref<!tpu.dma_semaphore, #tpu.memory_space<semaphore_mem>>)
      %dma_wait3A = arith.constant 0 : i32
      %dma_wait3A_18 = tpu.memref_slice %arg5[%add3A, %dma_wait3A] : memref<32x10000xf32, #tpu.memory_space<hbm>> -> memref<1x10000xf32, #tpu.memory_space<hbm>>
      %dma_wait3A_19 = tpu.memref_squeeze %dma_wait3A_18 : memref<1x10000xf32, #tpu.memory_space<hbm>> -> memref<10000xf32, #tpu.memory_space<hbm>>
      %dma_wait3A_20 = arith.constant 0 : i32
      %dma_wait3A_21 = tpu.memref_slice %arg5[%add3A, %dma_wait3A_20] : memref<32x10000xf32, #tpu.memory_space<hbm>> -> memref<1x10000xf32, #tpu.memory_space<hbm>>
      %dma_wait3A_22 = tpu.memref_squeeze %dma_wait3A_21 : memref<1x10000xf32, #tpu.memory_space<hbm>> -> memref<10000xf32, #tpu.memory_space<hbm>>
      tpu.wait_dma2 semaphore(%run_scoped3A : memref<!tpu.dma_semaphore, #tpu.memory_space<semaphore_mem>>) src(%arg9 : memref<10000xf32, #tpu.memory_space<vmem>>) dst(%dma_wait3A_22 : memref<10000xf32, #tpu.memory_space<hbm>>)
      tpu.yield
    }) : () -> ()
    return
  }
}

#map = affine_map<(d0, d1) -> (0, 0)>
#map1 = affine_map<(d0, d1) -> (0)>
#map2 = affine_map<(d0, d1) -> (0, 0, 0)>
module attributes {stable_mosaic.version = 14 : i64} {
  func.func @agg(%arg0: i32, %arg1: i32, %arg2: memref<10000x64xf32, #tpu.memory_space<hbm>>, %arg3: memref<327680xi32, #tpu.memory_space<hbm>>, %arg4: memref<327680xi32, #tpu.memory_space<hbm>>, %arg5: memref<2x10000x64xf32, #tpu.memory_space<hbm>>, %arg6: memref<10240xi32, #tpu.memory_space<vmem>>, %arg7: memref<256xi32, #tpu.memory_space<vmem>>, %arg8: memref<256xi32, #tpu.memory_space<vmem>>, %arg9: memref<256x64xf32, #tpu.memory_space<vmem>>, %arg10: memref<256x64xf32, #tpu.memory_space<vmem>>, %arg11: memref<104x64xf32, #tpu.memory_space<vmem>>, %arg12: memref<10016x64xf32, #tpu.memory_space<vmem_shared>>, %arg13: memref<10016x64xf32, #tpu.memory_space<vmem_shared>>, %arg14: memref<!tpu.dma_semaphore, #tpu.memory_space<semaphore_mem>>, %arg15: memref<!tpu.dma_semaphore, #tpu.memory_space<semaphore_mem>>, %arg16: memref<!tpu.dma_semaphore, #tpu.memory_space<semaphore_mem>>, %arg17: memref<!tpu.dma_semaphore, #tpu.memory_space<semaphore_mem>>, %arg18: memref<!tpu.dma_semaphore, #tpu.memory_space<semaphore_mem>>) attributes {dimension_semantics = [#tpu.dimension_semantics<core_parallel>, #tpu.dimension_semantics<subcore_parallel>], iteration_bounds = array<i64: 2, 16>, scalar_prefetch = 0 : i64, scratch_operands = 13 : i64, tpu.core_type = #tpu.core_type<sc_vector_subcore>, window_params = [{transform_indices = #map}, {transform_indices = #map1}, {transform_indices = #map1}, {transform_indices = #map2}]} {
    %mul3A = arith.constant 2 : i32
    %mul3A_0 = arith.muli %arg1, %mul3A : i32
    %add3A = arith.addi %mul3A_0, %arg0 : i32
    %broadcast_in_dim3A = arith.constant 0.000000e+00 : f32
    %broadcast_in_dim3A_1 = vector.broadcast %broadcast_in_dim3A : f32 to vector<16xf32>
    %mul3A_2 = arith.constant 10240 : i32
    %mul3A_3 = arith.muli %add3A, %mul3A_2 : i32
    "tpu.region"() ({
      %run_scoped3A = tpu.sem_alloc : memref<!tpu.dma_semaphore, #tpu.memory_space<semaphore_mem>>
      %dma_start3A_98 = tpu.memref_slice %arg3[%mul3A_3] : memref<327680xi32, #tpu.memory_space<hbm>> -> memref<10240xi32, #tpu.memory_space<hbm>>
      %dma_start3A_99 = tpu.memref_slice %arg3[%mul3A_3] : memref<327680xi32, #tpu.memory_space<hbm>> -> memref<10240xi32, #tpu.memory_space<hbm>>
      tpu.enqueue_dma source(%dma_start3A_99 : memref<10240xi32, #tpu.memory_space<hbm>>) target(%arg6 : memref<10240xi32, #tpu.memory_space<vmem>>) target_semaphore(%run_scoped3A : memref<!tpu.dma_semaphore, #tpu.memory_space<semaphore_mem>>)
      %dma_wait3A_100 = tpu.memref_slice %arg3[%mul3A_3] : memref<327680xi32, #tpu.memory_space<hbm>> -> memref<10240xi32, #tpu.memory_space<hbm>>
      %dma_wait3A_101 = tpu.memref_slice %arg3[%mul3A_3] : memref<327680xi32, #tpu.memory_space<hbm>> -> memref<10240xi32, #tpu.memory_space<hbm>>
      tpu.wait_dma2 semaphore(%run_scoped3A : memref<!tpu.dma_semaphore, #tpu.memory_space<semaphore_mem>>) src(%dma_wait3A_101 : memref<10240xi32, #tpu.memory_space<hbm>>) dst(%arg6 : memref<10240xi32, #tpu.memory_space<vmem>>)
      tpu.yield
    }) : () -> ()
    %add3A_4 = arith.constant 0 : i32
    %add3A_5 = arith.addi %mul3A_3, %add3A_4 : i32
    %dma_start3A = tpu.memref_slice %arg4[%add3A_5] : memref<327680xi32, #tpu.memory_space<hbm>> -> memref<256xi32, #tpu.memory_space<hbm>>
    %dma_start3A_6 = tpu.memref_slice %arg4[%add3A_5] : memref<327680xi32, #tpu.memory_space<hbm>> -> memref<256xi32, #tpu.memory_space<hbm>>
    tpu.enqueue_dma source(%dma_start3A_6 : memref<256xi32, #tpu.memory_space<hbm>>) target(%arg7 : memref<256xi32, #tpu.memory_space<vmem>>) target_semaphore(%arg16 : memref<!tpu.dma_semaphore, #tpu.memory_space<semaphore_mem>>)
    %add3A_7 = arith.constant 256 : i32
    %add3A_8 = arith.addi %mul3A_3, %add3A_7 : i32
    %dma_start3A_9 = tpu.memref_slice %arg4[%add3A_8] : memref<327680xi32, #tpu.memory_space<hbm>> -> memref<256xi32, #tpu.memory_space<hbm>>
    %dma_start3A_10 = tpu.memref_slice %arg4[%add3A_8] : memref<327680xi32, #tpu.memory_space<hbm>> -> memref<256xi32, #tpu.memory_space<hbm>>
    tpu.enqueue_dma source(%dma_start3A_10 : memref<256xi32, #tpu.memory_space<hbm>>) target(%arg8 : memref<256xi32, #tpu.memory_space<vmem>>) target_semaphore(%arg17 : memref<!tpu.dma_semaphore, #tpu.memory_space<semaphore_mem>>)
    %scan3A = arith.constant 0 : i32
    %scan3A_11 = arith.constant 104 : i32
    %scan3A_12 = arith.addi %scan3A, %scan3A_11 : i32
    %scan3A_13 = arith.constant 1 : i32
    scf.for %scan3A_98 = %scan3A to %scan3A_12 step %scan3A_13  : i32 {
      %mul3A_99 = arith.constant 1 : i32
      %mul3A_100 = arith.muli %scan3A_98, %mul3A_99 : i32
      %add3A_101 = arith.constant 0 : i32
      %add3A_102 = arith.addi %add3A_101, %mul3A_100 : i32
      %swap3A = arith.index_cast %add3A_102 : i32 to index
      %swap3A_103 = arith.constant 0 : index
      %swap3A_104 = tpu.vector_load %arg11[%swap3A, %swap3A_103] {strides = array<i32>} : memref<104x64xf32, #tpu.memory_space<vmem>>, vector<1x16xf32>,
      %swap3A_105 = vector.shape_cast %swap3A_104 : vector<1x16xf32> to vector<16xf32>
      %swap3A_106 = vector.shape_cast %broadcast_in_dim3A_1 : vector<16xf32> to vector<1x16xf32>
      tpu.vector_store %arg11[%swap3A, %swap3A_103], %swap3A_106 {strides = array<i32>} : memref<104x64xf32, #tpu.memory_space<vmem>>, vector<1x16xf32>,
      %swap3A_107 = arith.index_cast %add3A_102 : i32 to index
      %swap3A_108 = arith.constant 16 : index
      %swap3A_109 = tpu.vector_load %arg11[%swap3A_107, %swap3A_108] {strides = array<i32>} : memref<104x64xf32, #tpu.memory_space<vmem>>, vector<1x16xf32>,
      %swap3A_110 = vector.shape_cast %swap3A_109 : vector<1x16xf32> to vector<16xf32>
      %swap3A_111 = vector.shape_cast %broadcast_in_dim3A_1 : vector<16xf32> to vector<1x16xf32>
      tpu.vector_store %arg11[%swap3A_107, %swap3A_108], %swap3A_111 {strides = array<i32>} : memref<104x64xf32, #tpu.memory_space<vmem>>, vector<1x16xf32>,
      %swap3A_112 = arith.index_cast %add3A_102 : i32 to index
      %swap3A_113 = arith.constant 32 : index
      %swap3A_114 = tpu.vector_load %arg11[%swap3A_112, %swap3A_113] {strides = array<i32>} : memref<104x64xf32, #tpu.memory_space<vmem>>, vector<1x16xf32>,
      %swap3A_115 = vector.shape_cast %swap3A_114 : vector<1x16xf32> to vector<16xf32>
      %swap3A_116 = vector.shape_cast %broadcast_in_dim3A_1 : vector<16xf32> to vector<1x16xf32>
      tpu.vector_store %arg11[%swap3A_112, %swap3A_113], %swap3A_116 {strides = array<i32>} : memref<104x64xf32, #tpu.memory_space<vmem>>, vector<1x16xf32>,
      %swap3A_117 = arith.index_cast %add3A_102 : i32 to index
      %swap3A_118 = arith.constant 48 : index
      %swap3A_119 = tpu.vector_load %arg11[%swap3A_117, %swap3A_118] {strides = array<i32>} : memref<104x64xf32, #tpu.memory_space<vmem>>, vector<1x16xf32>,
      %swap3A_120 = vector.shape_cast %swap3A_119 : vector<1x16xf32> to vector<16xf32>
      %swap3A_121 = vector.shape_cast %broadcast_in_dim3A_1 : vector<16xf32> to vector<1x16xf32>
      tpu.vector_store %arg11[%swap3A_117, %swap3A_118], %swap3A_121 {strides = array<i32>} : memref<104x64xf32, #tpu.memory_space<vmem>>, vector<1x16xf32>,
    }
    %scan3A_14 = arith.constant 104 : i32
    %mul3A_15 = arith.constant 624 : i32
    %mul3A_16 = arith.muli %arg1, %mul3A_15 : i32
    %add3A_17 = arith.constant 0 : i32
    %add3A_18 = arith.addi %mul3A_16, %add3A_17 : i32
    "tpu.region"() ({
      %run_scoped3A = tpu.sem_alloc : memref<!tpu.dma_semaphore, #tpu.memory_space<semaphore_mem>>
      %dma_start3A_98 = arith.constant 0 : i32
      %dma_start3A_99 = tpu.memref_slice %arg12[%add3A_18, %dma_start3A_98] : memref<10016x64xf32, #tpu.memory_space<vmem_shared>> -> memref<104x64xf32, #tpu.memory_space<vmem_shared>>
      %dma_start3A_100 = arith.constant 0 : i32
      %dma_start3A_101 = tpu.memref_slice %arg12[%add3A_18, %dma_start3A_100] : memref<10016x64xf32, #tpu.memory_space<vmem_shared>> -> memref<104x64xf32, #tpu.memory_space<vmem_shared>>
      tpu.enqueue_dma source(%arg11 : memref<104x64xf32, #tpu.memory_space<vmem>>) target(%dma_start3A_101 : memref<104x64xf32, #tpu.memory_space<vmem_shared>>) target_semaphore(%run_scoped3A : memref<!tpu.dma_semaphore, #tpu.memory_space<semaphore_mem>>)
      %dma_wait3A_102 = arith.constant 0 : i32
      %dma_wait3A_103 = tpu.memref_slice %arg12[%add3A_18, %dma_wait3A_102] : memref<10016x64xf32, #tpu.memory_space<vmem_shared>> -> memref<104x64xf32, #tpu.memory_space<vmem_shared>>
      %dma_wait3A_104 = arith.constant 0 : i32
      %dma_wait3A_105 = tpu.memref_slice %arg12[%add3A_18, %dma_wait3A_104] : memref<10016x64xf32, #tpu.memory_space<vmem_shared>> -> memref<104x64xf32, #tpu.memory_space<vmem_shared>>
      tpu.wait_dma2 semaphore(%run_scoped3A : memref<!tpu.dma_semaphore, #tpu.memory_space<semaphore_mem>>) src(%arg11 : memref<104x64xf32, #tpu.memory_space<vmem>>) dst(%dma_wait3A_105 : memref<104x64xf32, #tpu.memory_space<vmem_shared>>)
      tpu.yield
    }) : () -> ()
    %add3A_19 = arith.constant 104 : i32
    %add3A_20 = arith.addi %mul3A_16, %add3A_19 : i32
    "tpu.region"() ({
      %run_scoped3A = tpu.sem_alloc : memref<!tpu.dma_semaphore, #tpu.memory_space<semaphore_mem>>
      %dma_start3A_98 = arith.constant 0 : i32
      %dma_start3A_99 = tpu.memref_slice %arg12[%add3A_20, %dma_start3A_98] : memref<10016x64xf32, #tpu.memory_space<vmem_shared>> -> memref<104x64xf32, #tpu.memory_space<vmem_shared>>
      %dma_start3A_100 = arith.constant 0 : i32
      %dma_start3A_101 = tpu.memref_slice %arg12[%add3A_20, %dma_start3A_100] : memref<10016x64xf32, #tpu.memory_space<vmem_shared>> -> memref<104x64xf32, #tpu.memory_space<vmem_shared>>
      tpu.enqueue_dma source(%arg11 : memref<104x64xf32, #tpu.memory_space<vmem>>) target(%dma_start3A_101 : memref<104x64xf32, #tpu.memory_space<vmem_shared>>) target_semaphore(%run_scoped3A : memref<!tpu.dma_semaphore, #tpu.memory_space<semaphore_mem>>)
      %dma_wait3A_102 = arith.constant 0 : i32
      %dma_wait3A_103 = tpu.memref_slice %arg12[%add3A_20, %dma_wait3A_102] : memref<10016x64xf32, #tpu.memory_space<vmem_shared>> -> memref<104x64xf32, #tpu.memory_space<vmem_shared>>
      %dma_wait3A_104 = arith.constant 0 : i32
      %dma_wait3A_105 = tpu.memref_slice %arg12[%add3A_20, %dma_wait3A_104] : memref<10016x64xf32, #tpu.memory_space<vmem_shared>> -> memref<104x64xf32, #tpu.memory_space<vmem_shared>>
      tpu.wait_dma2 semaphore(%run_scoped3A : memref<!tpu.dma_semaphore, #tpu.memory_space<semaphore_mem>>) src(%arg11 : memref<104x64xf32, #tpu.memory_space<vmem>>) dst(%dma_wait3A_105 : memref<104x64xf32, #tpu.memory_space<vmem_shared>>)
      tpu.yield
    }) : () -> ()
    %add3A_21 = arith.constant 208 : i32
    %add3A_22 = arith.addi %mul3A_16, %add3A_21 : i32
    "tpu.region"() ({
      %run_scoped3A = tpu.sem_alloc : memref<!tpu.dma_semaphore, #tpu.memory_space<semaphore_mem>>
      %dma_start3A_98 = arith.constant 0 : i32
      %dma_start3A_99 = tpu.memref_slice %arg12[%add3A_22, %dma_start3A_98] : memref<10016x64xf32, #tpu.memory_space<vmem_shared>> -> memref<104x64xf32, #tpu.memory_space<vmem_shared>>
      %dma_start3A_100 = arith.constant 0 : i32
      %dma_start3A_101 = tpu.memref_slice %arg12[%add3A_22, %dma_start3A_100] : memref<10016x64xf32, #tpu.memory_space<vmem_shared>> -> memref<104x64xf32, #tpu.memory_space<vmem_shared>>
      tpu.enqueue_dma source(%arg11 : memref<104x64xf32, #tpu.memory_space<vmem>>) target(%dma_start3A_101 : memref<104x64xf32, #tpu.memory_space<vmem_shared>>) target_semaphore(%run_scoped3A : memref<!tpu.dma_semaphore, #tpu.memory_space<semaphore_mem>>)
      %dma_wait3A_102 = arith.constant 0 : i32
      %dma_wait3A_103 = tpu.memref_slice %arg12[%add3A_22, %dma_wait3A_102] : memref<10016x64xf32, #tpu.memory_space<vmem_shared>> -> memref<104x64xf32, #tpu.memory_space<vmem_shared>>
      %dma_wait3A_104 = arith.constant 0 : i32
      %dma_wait3A_105 = tpu.memref_slice %arg12[%add3A_22, %dma_wait3A_104] : memref<10016x64xf32, #tpu.memory_space<vmem_shared>> -> memref<104x64xf32, #tpu.memory_space<vmem_shared>>
      tpu.wait_dma2 semaphore(%run_scoped3A : memref<!tpu.dma_semaphore, #tpu.memory_space<semaphore_mem>>) src(%arg11 : memref<104x64xf32, #tpu.memory_space<vmem>>) dst(%dma_wait3A_105 : memref<104x64xf32, #tpu.memory_space<vmem_shared>>)
      tpu.yield
    }) : () -> ()
    %add3A_23 = arith.constant 312 : i32
    %add3A_24 = arith.addi %mul3A_16, %add3A_23 : i32
    "tpu.region"() ({
      %run_scoped3A = tpu.sem_alloc : memref<!tpu.dma_semaphore, #tpu.memory_space<semaphore_mem>>
      %dma_start3A_98 = arith.constant 0 : i32
      %dma_start3A_99 = tpu.memref_slice %arg12[%add3A_24, %dma_start3A_98] : memref<10016x64xf32, #tpu.memory_space<vmem_shared>> -> memref<104x64xf32, #tpu.memory_space<vmem_shared>>
      %dma_start3A_100 = arith.constant 0 : i32
      %dma_start3A_101 = tpu.memref_slice %arg12[%add3A_24, %dma_start3A_100] : memref<10016x64xf32, #tpu.memory_space<vmem_shared>> -> memref<104x64xf32, #tpu.memory_space<vmem_shared>>
      tpu.enqueue_dma source(%arg11 : memref<104x64xf32, #tpu.memory_space<vmem>>) target(%dma_start3A_101 : memref<104x64xf32, #tpu.memory_space<vmem_shared>>) target_semaphore(%run_scoped3A : memref<!tpu.dma_semaphore, #tpu.memory_space<semaphore_mem>>)
      %dma_wait3A_102 = arith.constant 0 : i32
      %dma_wait3A_103 = tpu.memref_slice %arg12[%add3A_24, %dma_wait3A_102] : memref<10016x64xf32, #tpu.memory_space<vmem_shared>> -> memref<104x64xf32, #tpu.memory_space<vmem_shared>>
      %dma_wait3A_104 = arith.constant 0 : i32
      %dma_wait3A_105 = tpu.memref_slice %arg12[%add3A_24, %dma_wait3A_104] : memref<10016x64xf32, #tpu.memory_space<vmem_shared>> -> memref<104x64xf32, #tpu.memory_space<vmem_shared>>
      tpu.wait_dma2 semaphore(%run_scoped3A : memref<!tpu.dma_semaphore, #tpu.memory_space<semaphore_mem>>) src(%arg11 : memref<104x64xf32, #tpu.memory_space<vmem>>) dst(%dma_wait3A_105 : memref<104x64xf32, #tpu.memory_space<vmem_shared>>)
      tpu.yield
    }) : () -> ()
    %add3A_25 = arith.constant 416 : i32
    %add3A_26 = arith.addi %mul3A_16, %add3A_25 : i32
    "tpu.region"() ({
      %run_scoped3A = tpu.sem_alloc : memref<!tpu.dma_semaphore, #tpu.memory_space<semaphore_mem>>
      %dma_start3A_98 = arith.constant 0 : i32
      %dma_start3A_99 = tpu.memref_slice %arg12[%add3A_26, %dma_start3A_98] : memref<10016x64xf32, #tpu.memory_space<vmem_shared>> -> memref<104x64xf32, #tpu.memory_space<vmem_shared>>
      %dma_start3A_100 = arith.constant 0 : i32
      %dma_start3A_101 = tpu.memref_slice %arg12[%add3A_26, %dma_start3A_100] : memref<10016x64xf32, #tpu.memory_space<vmem_shared>> -> memref<104x64xf32, #tpu.memory_space<vmem_shared>>
      tpu.enqueue_dma source(%arg11 : memref<104x64xf32, #tpu.memory_space<vmem>>) target(%dma_start3A_101 : memref<104x64xf32, #tpu.memory_space<vmem_shared>>) target_semaphore(%run_scoped3A : memref<!tpu.dma_semaphore, #tpu.memory_space<semaphore_mem>>)
      %dma_wait3A_102 = arith.constant 0 : i32
      %dma_wait3A_103 = tpu.memref_slice %arg12[%add3A_26, %dma_wait3A_102] : memref<10016x64xf32, #tpu.memory_space<vmem_shared>> -> memref<104x64xf32, #tpu.memory_space<vmem_shared>>
      %dma_wait3A_104 = arith.constant 0 : i32
      %dma_wait3A_105 = tpu.memref_slice %arg12[%add3A_26, %dma_wait3A_104] : memref<10016x64xf32, #tpu.memory_space<vmem_shared>> -> memref<104x64xf32, #tpu.memory_space<vmem_shared>>
      tpu.wait_dma2 semaphore(%run_scoped3A : memref<!tpu.dma_semaphore, #tpu.memory_space<semaphore_mem>>) src(%arg11 : memref<104x64xf32, #tpu.memory_space<vmem>>) dst(%dma_wait3A_105 : memref<104x64xf32, #tpu.memory_space<vmem_shared>>)
      tpu.yield
    }) : () -> ()
    %add3A_27 = arith.constant 520 : i32
    %add3A_28 = arith.addi %mul3A_16, %add3A_27 : i32
    "tpu.region"() ({
      %run_scoped3A = tpu.sem_alloc : memref<!tpu.dma_semaphore, #tpu.memory_space<semaphore_mem>>
      %dma_start3A_98 = arith.constant 0 : i32
      %dma_start3A_99 = tpu.memref_slice %arg12[%add3A_28, %dma_start3A_98] : memref<10016x64xf32, #tpu.memory_space<vmem_shared>> -> memref<104x64xf32, #tpu.memory_space<vmem_shared>>
      %dma_start3A_100 = arith.constant 0 : i32
      %dma_start3A_101 = tpu.memref_slice %arg12[%add3A_28, %dma_start3A_100] : memref<10016x64xf32, #tpu.memory_space<vmem_shared>> -> memref<104x64xf32, #tpu.memory_space<vmem_shared>>
      tpu.enqueue_dma source(%arg11 : memref<104x64xf32, #tpu.memory_space<vmem>>) target(%dma_start3A_101 : memref<104x64xf32, #tpu.memory_space<vmem_shared>>) target_semaphore(%run_scoped3A : memref<!tpu.dma_semaphore, #tpu.memory_space<semaphore_mem>>)
      %dma_wait3A_102 = arith.constant 0 : i32
      %dma_wait3A_103 = tpu.memref_slice %arg12[%add3A_28, %dma_wait3A_102] : memref<10016x64xf32, #tpu.memory_space<vmem_shared>> -> memref<104x64xf32, #tpu.memory_space<vmem_shared>>
      %dma_wait3A_104 = arith.constant 0 : i32
      %dma_wait3A_105 = tpu.memref_slice %arg12[%add3A_28, %dma_wait3A_104] : memref<10016x64xf32, #tpu.memory_space<vmem_shared>> -> memref<104x64xf32, #tpu.memory_space<vmem_shared>>
      tpu.wait_dma2 semaphore(%run_scoped3A : memref<!tpu.dma_semaphore, #tpu.memory_space<semaphore_mem>>) src(%arg11 : memref<104x64xf32, #tpu.memory_space<vmem>>) dst(%dma_wait3A_105 : memref<104x64xf32, #tpu.memory_space<vmem_shared>>)
      tpu.yield
    }) : () -> ()
    %eq3A = arith.constant 15 : i32
    %eq3A_29 = arith.cmpi eq, %arg1, %eq3A : i32
    %convert_element_type3A = arith.extui %eq3A_29 : i1 to i32
    %cond3A = arith.constant 0 : i32
    %cond3A_30 = arith.cmpi ne, %convert_element_type3A, %cond3A : i32
    scf.if %cond3A_30 {
      "tpu.region"() ({
        %run_scoped3A = tpu.sem_alloc : memref<!tpu.dma_semaphore, #tpu.memory_space<semaphore_mem>>
        %dma_start3A_98 = arith.constant 0 : i32
        %dma_start3A_99 = arith.constant 0 : i32
        %dma_start3A_100 = tpu.memref_slice %arg11[%dma_start3A_98, %dma_start3A_99] : memref<104x64xf32, #tpu.memory_space<vmem>> -> memref<16x64xf32, #tpu.memory_space<vmem>>
        %dma_start3A_101 = arith.constant 9984 : i32
        %dma_start3A_102 = arith.constant 0 : i32
        %dma_start3A_103 = tpu.memref_slice %arg12[%dma_start3A_101, %dma_start3A_102] : memref<10016x64xf32, #tpu.memory_space<vmem_shared>> -> memref<16x64xf32, #tpu.memory_space<vmem_shared>>
        %dma_start3A_104 = arith.constant 9984 : i32
        %dma_start3A_105 = arith.constant 0 : i32
        %dma_start3A_106 = tpu.memref_slice %arg12[%dma_start3A_104, %dma_start3A_105] : memref<10016x64xf32, #tpu.memory_space<vmem_shared>> -> memref<16x64xf32, #tpu.memory_space<vmem_shared>>
        %dma_start3A_107 = arith.constant 0 : i32
        %dma_start3A_108 = arith.constant 0 : i32
        %dma_start3A_109 = tpu.memref_slice %arg11[%dma_start3A_107, %dma_start3A_108] : memref<104x64xf32, #tpu.memory_space<vmem>> -> memref<16x64xf32, #tpu.memory_space<vmem>>
        tpu.enqueue_dma source(%dma_start3A_109 : memref<16x64xf32, #tpu.memory_space<vmem>>) target(%dma_start3A_106 : memref<16x64xf32, #tpu.memory_space<vmem_shared>>) target_semaphore(%run_scoped3A : memref<!tpu.dma_semaphore, #tpu.memory_space<semaphore_mem>>)
        %dma_wait3A_110 = arith.constant 0 : i32
        %dma_wait3A_111 = arith.constant 0 : i32
        %dma_wait3A_112 = tpu.memref_slice %arg11[%dma_wait3A_110, %dma_wait3A_111] : memref<104x64xf32, #tpu.memory_space<vmem>> -> memref<16x64xf32, #tpu.memory_space<vmem>>
        %dma_wait3A_113 = arith.constant 9984 : i32
        %dma_wait3A_114 = arith.constant 0 : i32
        %dma_wait3A_115 = tpu.memref_slice %arg12[%dma_wait3A_113, %dma_wait3A_114] : memref<10016x64xf32, #tpu.memory_space<vmem_shared>> -> memref<16x64xf32, #tpu.memory_space<vmem_shared>>
        %dma_wait3A_116 = arith.constant 9984 : i32
        %dma_wait3A_117 = arith.constant 0 : i32
        %dma_wait3A_118 = tpu.memref_slice %arg12[%dma_wait3A_116, %dma_wait3A_117] : memref<10016x64xf32, #tpu.memory_space<vmem_shared>> -> memref<16x64xf32, #tpu.memory_space<vmem_shared>>
        %dma_wait3A_119 = arith.constant 0 : i32
        %dma_wait3A_120 = arith.constant 0 : i32
        %dma_wait3A_121 = tpu.memref_slice %arg11[%dma_wait3A_119, %dma_wait3A_120] : memref<104x64xf32, #tpu.memory_space<vmem>> -> memref<16x64xf32, #tpu.memory_space<vmem>>
        tpu.wait_dma2 semaphore(%run_scoped3A : memref<!tpu.dma_semaphore, #tpu.memory_space<semaphore_mem>>) src(%dma_wait3A_121 : memref<16x64xf32, #tpu.memory_space<vmem>>) dst(%dma_wait3A_118 : memref<16x64xf32, #tpu.memory_space<vmem_shared>>)
        tpu.yield
      }) : () -> ()
    } else {
    }
    %add3A_31 = arith.constant 0 : i32
    %add3A_32 = arith.addi %mul3A_16, %add3A_31 : i32
    "tpu.region"() ({
      %run_scoped3A = tpu.sem_alloc : memref<!tpu.dma_semaphore, #tpu.memory_space<semaphore_mem>>
      %dma_start3A_98 = arith.constant 0 : i32
      %dma_start3A_99 = tpu.memref_slice %arg13[%add3A_32, %dma_start3A_98] : memref<10016x64xf32, #tpu.memory_space<vmem_shared>> -> memref<104x64xf32, #tpu.memory_space<vmem_shared>>
      %dma_start3A_100 = arith.constant 0 : i32
      %dma_start3A_101 = tpu.memref_slice %arg2[%add3A_32, %dma_start3A_100] : memref<10000x64xf32, #tpu.memory_space<hbm>> -> memref<104x64xf32, #tpu.memory_space<hbm>>
      tpu.enqueue_dma source(%dma_start3A_101 : memref<104x64xf32, #tpu.memory_space<hbm>>) target(%dma_start3A_99 : memref<104x64xf32, #tpu.memory_space<vmem_shared>>) target_semaphore(%run_scoped3A : memref<!tpu.dma_semaphore, #tpu.memory_space<semaphore_mem>>)
      %dma_wait3A_102 = arith.constant 0 : i32
      %dma_wait3A_103 = tpu.memref_slice %arg13[%add3A_32, %dma_wait3A_102] : memref<10016x64xf32, #tpu.memory_space<vmem_shared>> -> memref<104x64xf32, #tpu.memory_space<vmem_shared>>
      %dma_wait3A_104 = arith.constant 0 : i32
      %dma_wait3A_105 = tpu.memref_slice %arg2[%add3A_32, %dma_wait3A_104] : memref<10000x64xf32, #tpu.memory_space<hbm>> -> memref<104x64xf32, #tpu.memory_space<hbm>>
      tpu.wait_dma2 semaphore(%run_scoped3A : memref<!tpu.dma_semaphore, #tpu.memory_space<semaphore_mem>>) src(%dma_wait3A_105 : memref<104x64xf32, #tpu.memory_space<hbm>>) dst(%dma_wait3A_103 : memref<104x64xf32, #tpu.memory_space<vmem_shared>>)
      tpu.yield
    }) : () -> ()
    %add3A_33 = arith.constant 104 : i32
    %add3A_34 = arith.addi %mul3A_16, %add3A_33 : i32
    "tpu.region"() ({
      %run_scoped3A = tpu.sem_alloc : memref<!tpu.dma_semaphore, #tpu.memory_space<semaphore_mem>>
      %dma_start3A_98 = arith.constant 0 : i32
      %dma_start3A_99 = tpu.memref_slice %arg13[%add3A_34, %dma_start3A_98] : memref<10016x64xf32, #tpu.memory_space<vmem_shared>> -> memref<104x64xf32, #tpu.memory_space<vmem_shared>>
      %dma_start3A_100 = arith.constant 0 : i32
      %dma_start3A_101 = tpu.memref_slice %arg2[%add3A_34, %dma_start3A_100] : memref<10000x64xf32, #tpu.memory_space<hbm>> -> memref<104x64xf32, #tpu.memory_space<hbm>>
      tpu.enqueue_dma source(%dma_start3A_101 : memref<104x64xf32, #tpu.memory_space<hbm>>) target(%dma_start3A_99 : memref<104x64xf32, #tpu.memory_space<vmem_shared>>) target_semaphore(%run_scoped3A : memref<!tpu.dma_semaphore, #tpu.memory_space<semaphore_mem>>)
      %dma_wait3A_102 = arith.constant 0 : i32
      %dma_wait3A_103 = tpu.memref_slice %arg13[%add3A_34, %dma_wait3A_102] : memref<10016x64xf32, #tpu.memory_space<vmem_shared>> -> memref<104x64xf32, #tpu.memory_space<vmem_shared>>
      %dma_wait3A_104 = arith.constant 0 : i32
      %dma_wait3A_105 = tpu.memref_slice %arg2[%add3A_34, %dma_wait3A_104] : memref<10000x64xf32, #tpu.memory_space<hbm>> -> memref<104x64xf32, #tpu.memory_space<hbm>>
      tpu.wait_dma2 semaphore(%run_scoped3A : memref<!tpu.dma_semaphore, #tpu.memory_space<semaphore_mem>>) src(%dma_wait3A_105 : memref<104x64xf32, #tpu.memory_space<hbm>>) dst(%dma_wait3A_103 : memref<104x64xf32, #tpu.memory_space<vmem_shared>>)
      tpu.yield
    }) : () -> ()
    %add3A_35 = arith.constant 208 : i32
    %add3A_36 = arith.addi %mul3A_16, %add3A_35 : i32
    "tpu.region"() ({
      %run_scoped3A = tpu.sem_alloc : memref<!tpu.dma_semaphore, #tpu.memory_space<semaphore_mem>>
      %dma_start3A_98 = arith.constant 0 : i32
      %dma_start3A_99 = tpu.memref_slice %arg13[%add3A_36, %dma_start3A_98] : memref<10016x64xf32, #tpu.memory_space<vmem_shared>> -> memref<104x64xf32, #tpu.memory_space<vmem_shared>>
      %dma_start3A_100 = arith.constant 0 : i32
      %dma_start3A_101 = tpu.memref_slice %arg2[%add3A_36, %dma_start3A_100] : memref<10000x64xf32, #tpu.memory_space<hbm>> -> memref<104x64xf32, #tpu.memory_space<hbm>>
      tpu.enqueue_dma source(%dma_start3A_101 : memref<104x64xf32, #tpu.memory_space<hbm>>) target(%dma_start3A_99 : memref<104x64xf32, #tpu.memory_space<vmem_shared>>) target_semaphore(%run_scoped3A : memref<!tpu.dma_semaphore, #tpu.memory_space<semaphore_mem>>)
      %dma_wait3A_102 = arith.constant 0 : i32
      %dma_wait3A_103 = tpu.memref_slice %arg13[%add3A_36, %dma_wait3A_102] : memref<10016x64xf32, #tpu.memory_space<vmem_shared>> -> memref<104x64xf32, #tpu.memory_space<vmem_shared>>
      %dma_wait3A_104 = arith.constant 0 : i32
      %dma_wait3A_105 = tpu.memref_slice %arg2[%add3A_36, %dma_wait3A_104] : memref<10000x64xf32, #tpu.memory_space<hbm>> -> memref<104x64xf32, #tpu.memory_space<hbm>>
      tpu.wait_dma2 semaphore(%run_scoped3A : memref<!tpu.dma_semaphore, #tpu.memory_space<semaphore_mem>>) src(%dma_wait3A_105 : memref<104x64xf32, #tpu.memory_space<hbm>>) dst(%dma_wait3A_103 : memref<104x64xf32, #tpu.memory_space<vmem_shared>>)
      tpu.yield
    }) : () -> ()
    %add3A_37 = arith.constant 312 : i32
    %add3A_38 = arith.addi %mul3A_16, %add3A_37 : i32
    "tpu.region"() ({
      %run_scoped3A = tpu.sem_alloc : memref<!tpu.dma_semaphore, #tpu.memory_space<semaphore_mem>>
      %dma_start3A_98 = arith.constant 0 : i32
      %dma_start3A_99 = tpu.memref_slice %arg13[%add3A_38, %dma_start3A_98] : memref<10016x64xf32, #tpu.memory_space<vmem_shared>> -> memref<104x64xf32, #tpu.memory_space<vmem_shared>>
      %dma_start3A_100 = arith.constant 0 : i32
      %dma_start3A_101 = tpu.memref_slice %arg2[%add3A_38, %dma_start3A_100] : memref<10000x64xf32, #tpu.memory_space<hbm>> -> memref<104x64xf32, #tpu.memory_space<hbm>>
      tpu.enqueue_dma source(%dma_start3A_101 : memref<104x64xf32, #tpu.memory_space<hbm>>) target(%dma_start3A_99 : memref<104x64xf32, #tpu.memory_space<vmem_shared>>) target_semaphore(%run_scoped3A : memref<!tpu.dma_semaphore, #tpu.memory_space<semaphore_mem>>)
      %dma_wait3A_102 = arith.constant 0 : i32
      %dma_wait3A_103 = tpu.memref_slice %arg13[%add3A_38, %dma_wait3A_102] : memref<10016x64xf32, #tpu.memory_space<vmem_shared>> -> memref<104x64xf32, #tpu.memory_space<vmem_shared>>
      %dma_wait3A_104 = arith.constant 0 : i32
      %dma_wait3A_105 = tpu.memref_slice %arg2[%add3A_38, %dma_wait3A_104] : memref<10000x64xf32, #tpu.memory_space<hbm>> -> memref<104x64xf32, #tpu.memory_space<hbm>>
      tpu.wait_dma2 semaphore(%run_scoped3A : memref<!tpu.dma_semaphore, #tpu.memory_space<semaphore_mem>>) src(%dma_wait3A_105 : memref<104x64xf32, #tpu.memory_space<hbm>>) dst(%dma_wait3A_103 : memref<104x64xf32, #tpu.memory_space<vmem_shared>>)
      tpu.yield
    }) : () -> ()
    %add3A_39 = arith.constant 416 : i32
    %add3A_40 = arith.addi %mul3A_16, %add3A_39 : i32
    "tpu.region"() ({
      %run_scoped3A = tpu.sem_alloc : memref<!tpu.dma_semaphore, #tpu.memory_space<semaphore_mem>>
      %dma_start3A_98 = arith.constant 0 : i32
      %dma_start3A_99 = tpu.memref_slice %arg13[%add3A_40, %dma_start3A_98] : memref<10016x64xf32, #tpu.memory_space<vmem_shared>> -> memref<104x64xf32, #tpu.memory_space<vmem_shared>>
      %dma_start3A_100 = arith.constant 0 : i32
      %dma_start3A_101 = tpu.memref_slice %arg2[%add3A_40, %dma_start3A_100] : memref<10000x64xf32, #tpu.memory_space<hbm>> -> memref<104x64xf32, #tpu.memory_space<hbm>>
      tpu.enqueue_dma source(%dma_start3A_101 : memref<104x64xf32, #tpu.memory_space<hbm>>) target(%dma_start3A_99 : memref<104x64xf32, #tpu.memory_space<vmem_shared>>) target_semaphore(%run_scoped3A : memref<!tpu.dma_semaphore, #tpu.memory_space<semaphore_mem>>)
      %dma_wait3A_102 = arith.constant 0 : i32
      %dma_wait3A_103 = tpu.memref_slice %arg13[%add3A_40, %dma_wait3A_102] : memref<10016x64xf32, #tpu.memory_space<vmem_shared>> -> memref<104x64xf32, #tpu.memory_space<vmem_shared>>
      %dma_wait3A_104 = arith.constant 0 : i32
      %dma_wait3A_105 = tpu.memref_slice %arg2[%add3A_40, %dma_wait3A_104] : memref<10000x64xf32, #tpu.memory_space<hbm>> -> memref<104x64xf32, #tpu.memory_space<hbm>>
      tpu.wait_dma2 semaphore(%run_scoped3A : memref<!tpu.dma_semaphore, #tpu.memory_space<semaphore_mem>>) src(%dma_wait3A_105 : memref<104x64xf32, #tpu.memory_space<hbm>>) dst(%dma_wait3A_103 : memref<104x64xf32, #tpu.memory_space<vmem_shared>>)
      tpu.yield
    }) : () -> ()
    %add3A_41 = arith.constant 520 : i32
    %add3A_42 = arith.addi %mul3A_16, %add3A_41 : i32
    "tpu.region"() ({
      %run_scoped3A = tpu.sem_alloc : memref<!tpu.dma_semaphore, #tpu.memory_space<semaphore_mem>>
      %dma_start3A_98 = arith.constant 0 : i32
      %dma_start3A_99 = tpu.memref_slice %arg13[%add3A_42, %dma_start3A_98] : memref<10016x64xf32, #tpu.memory_space<vmem_shared>> -> memref<104x64xf32, #tpu.memory_space<vmem_shared>>
      %dma_start3A_100 = arith.constant 0 : i32
      %dma_start3A_101 = tpu.memref_slice %arg2[%add3A_42, %dma_start3A_100] : memref<10000x64xf32, #tpu.memory_space<hbm>> -> memref<104x64xf32, #tpu.memory_space<hbm>>
      tpu.enqueue_dma source(%dma_start3A_101 : memref<104x64xf32, #tpu.memory_space<hbm>>) target(%dma_start3A_99 : memref<104x64xf32, #tpu.memory_space<vmem_shared>>) target_semaphore(%run_scoped3A : memref<!tpu.dma_semaphore, #tpu.memory_space<semaphore_mem>>)
      %dma_wait3A_102 = arith.constant 0 : i32
      %dma_wait3A_103 = tpu.memref_slice %arg13[%add3A_42, %dma_wait3A_102] : memref<10016x64xf32, #tpu.memory_space<vmem_shared>> -> memref<104x64xf32, #tpu.memory_space<vmem_shared>>
      %dma_wait3A_104 = arith.constant 0 : i32
      %dma_wait3A_105 = tpu.memref_slice %arg2[%add3A_42, %dma_wait3A_104] : memref<10000x64xf32, #tpu.memory_space<hbm>> -> memref<104x64xf32, #tpu.memory_space<hbm>>
      tpu.wait_dma2 semaphore(%run_scoped3A : memref<!tpu.dma_semaphore, #tpu.memory_space<semaphore_mem>>) src(%dma_wait3A_105 : memref<104x64xf32, #tpu.memory_space<hbm>>) dst(%dma_wait3A_103 : memref<104x64xf32, #tpu.memory_space<vmem_shared>>)
      tpu.yield
    }) : () -> ()
    %eq3A_43 = arith.constant 15 : i32
    %eq3A_44 = arith.cmpi eq, %arg1, %eq3A_43 : i32
    %convert_element_type3A_45 = arith.extui %eq3A_44 : i1 to i32
    %cond3A_46 = arith.constant 0 : i32
    %cond3A_47 = arith.cmpi ne, %convert_element_type3A_45, %cond3A_46 : i32
    scf.if %cond3A_47 {
      "tpu.region"() ({
        %run_scoped3A = tpu.sem_alloc : memref<!tpu.dma_semaphore, #tpu.memory_space<semaphore_mem>>
        %dma_start3A_98 = arith.constant 9984 : i32
        %dma_start3A_99 = arith.constant 0 : i32
        %dma_start3A_100 = tpu.memref_slice %arg13[%dma_start3A_98, %dma_start3A_99] : memref<10016x64xf32, #tpu.memory_space<vmem_shared>> -> memref<16x64xf32, #tpu.memory_space<vmem_shared>>
        %dma_start3A_101 = arith.constant 9984 : i32
        %dma_start3A_102 = arith.constant 0 : i32
        %dma_start3A_103 = tpu.memref_slice %arg2[%dma_start3A_101, %dma_start3A_102] : memref<10000x64xf32, #tpu.memory_space<hbm>> -> memref<16x64xf32, #tpu.memory_space<hbm>>
        tpu.enqueue_dma source(%dma_start3A_103 : memref<16x64xf32, #tpu.memory_space<hbm>>) target(%dma_start3A_100 : memref<16x64xf32, #tpu.memory_space<vmem_shared>>) target_semaphore(%run_scoped3A : memref<!tpu.dma_semaphore, #tpu.memory_space<semaphore_mem>>)
        %dma_wait3A_104 = arith.constant 9984 : i32
        %dma_wait3A_105 = arith.constant 0 : i32
        %dma_wait3A_106 = tpu.memref_slice %arg13[%dma_wait3A_104, %dma_wait3A_105] : memref<10016x64xf32, #tpu.memory_space<vmem_shared>> -> memref<16x64xf32, #tpu.memory_space<vmem_shared>>
        %dma_wait3A_107 = arith.constant 9984 : i32
        %dma_wait3A_108 = arith.constant 0 : i32
        %dma_wait3A_109 = tpu.memref_slice %arg2[%dma_wait3A_107, %dma_wait3A_108] : memref<10000x64xf32, #tpu.memory_space<hbm>> -> memref<16x64xf32, #tpu.memory_space<hbm>>
        tpu.wait_dma2 semaphore(%run_scoped3A : memref<!tpu.dma_semaphore, #tpu.memory_space<semaphore_mem>>) src(%dma_wait3A_109 : memref<16x64xf32, #tpu.memory_space<hbm>>) dst(%dma_wait3A_106 : memref<16x64xf32, #tpu.memory_space<vmem_shared>>)
        tpu.yield
      }) : () -> ()
    } else {
    }
    %barrier3A = arith.constant 0 : index
    tpu.barrier barrier_id(%barrier3A)
    %dma_start3A_48 = arith.constant 0 : i32
    %dma_start3A_49 = tpu.memref_slice %arg6[%dma_start3A_48] : memref<10240xi32, #tpu.memory_space<vmem>> -> memref<256xi32, #tpu.memory_space<vmem>>
    %dma_start3A_50 = arith.constant 0 : i32
    %dma_start3A_51 = arith.constant 0 : i32
    %dma_start3A_52 = tpu.memref_slice %arg13[%dma_start3A_50, %dma_start3A_51] : memref<10016x64xf32, #tpu.memory_space<vmem_shared>> -> memref<10016x64xf32, #tpu.memory_space<vmem_shared>>
    tpu.enqueue_indirect_dma source(%dma_start3A_52 : memref<10016x64xf32, #tpu.memory_space<vmem_shared>>) target(%arg9 : memref<256x64xf32, #tpu.memory_space<vmem>>) offsets(%dma_start3A_49 : memref<256xi32, #tpu.memory_space<vmem>>) semaphore(%arg14 : memref<!tpu.dma_semaphore, #tpu.memory_space<semaphore_mem>>)
    %dma_start3A_53 = arith.constant 256 : i32
    %dma_start3A_54 = tpu.memref_slice %arg6[%dma_start3A_53] : memref<10240xi32, #tpu.memory_space<vmem>> -> memref<256xi32, #tpu.memory_space<vmem>>
    %dma_start3A_55 = arith.constant 0 : i32
    %dma_start3A_56 = arith.constant 0 : i32
    %dma_start3A_57 = tpu.memref_slice %arg13[%dma_start3A_55, %dma_start3A_56] : memref<10016x64xf32, #tpu.memory_space<vmem_shared>> -> memref<10016x64xf32, #tpu.memory_space<vmem_shared>>
    tpu.enqueue_indirect_dma source(%dma_start3A_57 : memref<10016x64xf32, #tpu.memory_space<vmem_shared>>) target(%arg10 : memref<256x64xf32, #tpu.memory_space<vmem>>) offsets(%dma_start3A_54 : memref<256xi32, #tpu.memory_space<vmem>>) semaphore(%arg15 : memref<!tpu.dma_semaphore, #tpu.memory_space<semaphore_mem>>)
    %scan3A_58 = arith.constant 0 : i32
    %scan3A_59 = arith.constant 20 : i32
    %scan3A_60 = arith.addi %scan3A_58, %scan3A_59 : i32
    %scan3A_61 = arith.constant 1 : i32
    scf.for %scan3A_98 = %scan3A_58 to %scan3A_60 step %scan3A_61  : i32 {
      %mul3A_99 = arith.constant 1 : i32
      %mul3A_100 = arith.muli %scan3A_98, %mul3A_99 : i32
      %add3A_101 = arith.constant 0 : i32
      %add3A_102 = arith.addi %add3A_101, %mul3A_100 : i32
      %mul3A_103 = arith.constant 2 : i32
      %mul3A_104 = arith.muli %add3A_102, %mul3A_103 : i32
      %add3A_105 = arith.constant 0 : i32
      %add3A_106 = arith.addi %mul3A_104, %add3A_105 : i32
      %dma_wait3A_107 = arith.constant 0 : i32
      %dma_wait3A_108 = tpu.memref_slice %arg6[%dma_wait3A_107] : memref<10240xi32, #tpu.memory_space<vmem>> -> memref<256xi32, #tpu.memory_space<vmem>>
      %dma_wait3A_109 = arith.constant 0 : i32
      %dma_wait3A_110 = arith.constant 0 : i32
      %dma_wait3A_111 = tpu.memref_slice %arg13[%dma_wait3A_109, %dma_wait3A_110] : memref<10016x64xf32, #tpu.memory_space<vmem_shared>> -> memref<10016x64xf32, #tpu.memory_space<vmem_shared>>
      tpu.wait_indirect_dma semaphore(%arg14 : memref<!tpu.dma_semaphore, #tpu.memory_space<semaphore_mem>>) src(%dma_wait3A_111 : memref<10016x64xf32, #tpu.memory_space<vmem_shared>>) dst(%arg9 : memref<256x64xf32, #tpu.memory_space<vmem>>)
      %dma_wait3A_112 = arith.constant 0 : i32
      %dma_wait3A_113 = tpu.memref_slice %arg4[%dma_wait3A_112] : memref<327680xi32, #tpu.memory_space<hbm>> -> memref<256xi32, #tpu.memory_space<hbm>>
      %dma_wait3A_114 = arith.constant 0 : i32
      %dma_wait3A_115 = tpu.memref_slice %arg4[%dma_wait3A_114] : memref<327680xi32, #tpu.memory_space<hbm>> -> memref<256xi32, #tpu.memory_space<hbm>>
      tpu.wait_dma2 semaphore(%arg16 : memref<!tpu.dma_semaphore, #tpu.memory_space<semaphore_mem>>) src(%dma_wait3A_115 : memref<256xi32, #tpu.memory_space<hbm>>) dst(%arg7 : memref<256xi32, #tpu.memory_space<vmem>>)
      %dma_start3A_116 = arith.constant 0 : i32
      %dma_start3A_117 = arith.constant 0 : i32
      %dma_start3A_118 = tpu.memref_slice %arg12[%dma_start3A_116, %dma_start3A_117] : memref<10016x64xf32, #tpu.memory_space<vmem_shared>> -> memref<10016x64xf32, #tpu.memory_space<vmem_shared>>
      tpu.enqueue_indirect_dma source(%arg9 : memref<256x64xf32, #tpu.memory_space<vmem>>) target(%dma_start3A_118 : memref<10016x64xf32, #tpu.memory_space<vmem_shared>>) offsets(%arg7 : memref<256xi32, #tpu.memory_space<vmem>>) semaphore(%arg18 : memref<!tpu.dma_semaphore, #tpu.memory_space<semaphore_mem>>) {add = true}
      %dma_wait3A_119 = arith.constant 0 : i32
      %dma_wait3A_120 = arith.constant 0 : i32
      %dma_wait3A_121 = tpu.memref_slice %arg12[%dma_wait3A_119, %dma_wait3A_120] : memref<10016x64xf32, #tpu.memory_space<vmem_shared>> -> memref<10016x64xf32, #tpu.memory_space<vmem_shared>>
      tpu.wait_indirect_dma semaphore(%arg18 : memref<!tpu.dma_semaphore, #tpu.memory_space<semaphore_mem>>) src(%arg9 : memref<256x64xf32, #tpu.memory_space<vmem>>) dst(%dma_wait3A_121 : memref<10016x64xf32, #tpu.memory_space<vmem_shared>>)
      %add3A_122 = arith.constant 2 : i32
      %add3A_123 = arith.addi %add3A_106, %add3A_122 : i32
      %rem3A = arith.constant 40 : i32
      %rem3A_124 = arith.remsi %add3A_123, %rem3A : i32
      %mul3A_125 = arith.constant 256 : i32
      %mul3A_126 = arith.muli %rem3A_124, %mul3A_125 : i32
      %dma_start3A_127 = tpu.memref_slice %arg6[%mul3A_126] : memref<10240xi32, #tpu.memory_space<vmem>> -> memref<256xi32, #tpu.memory_space<vmem>>
      %dma_start3A_128 = arith.constant 0 : i32
      %dma_start3A_129 = arith.constant 0 : i32
      %dma_start3A_130 = tpu.memref_slice %arg13[%dma_start3A_128, %dma_start3A_129] : memref<10016x64xf32, #tpu.memory_space<vmem_shared>> -> memref<10016x64xf32, #tpu.memory_space<vmem_shared>>
      tpu.enqueue_indirect_dma source(%dma_start3A_130 : memref<10016x64xf32, #tpu.memory_space<vmem_shared>>) target(%arg9 : memref<256x64xf32, #tpu.memory_space<vmem>>) offsets(%dma_start3A_127 : memref<256xi32, #tpu.memory_space<vmem>>) semaphore(%arg14 : memref<!tpu.dma_semaphore, #tpu.memory_space<semaphore_mem>>)
      %mul3A_131 = arith.constant 256 : i32
      %mul3A_132 = arith.muli %rem3A_124, %mul3A_131 : i32
      %add3A_133 = arith.addi %mul3A_3, %mul3A_132 : i32
      %dma_start3A_134 = tpu.memref_slice %arg4[%add3A_133] : memref<327680xi32, #tpu.memory_space<hbm>> -> memref<256xi32, #tpu.memory_space<hbm>>
      %dma_start3A_135 = tpu.memref_slice %arg4[%add3A_133] : memref<327680xi32, #tpu.memory_space<hbm>> -> memref<256xi32, #tpu.memory_space<hbm>>
      tpu.enqueue_dma source(%dma_start3A_135 : memref<256xi32, #tpu.memory_space<hbm>>) target(%arg7 : memref<256xi32, #tpu.memory_space<vmem>>) target_semaphore(%arg16 : memref<!tpu.dma_semaphore, #tpu.memory_space<semaphore_mem>>)
      %mul3A_136 = arith.constant 2 : i32
      %mul3A_137 = arith.muli %add3A_102, %mul3A_136 : i32
      %add3A_138 = arith.constant 1 : i32
      %add3A_139 = arith.addi %mul3A_137, %add3A_138 : i32
      %dma_wait3A_140 = arith.constant 0 : i32
      %dma_wait3A_141 = tpu.memref_slice %arg6[%dma_wait3A_140] : memref<10240xi32, #tpu.memory_space<vmem>> -> memref<256xi32, #tpu.memory_space<vmem>>
      %dma_wait3A_142 = arith.constant 0 : i32
      %dma_wait3A_143 = arith.constant 0 : i32
      %dma_wait3A_144 = tpu.memref_slice %arg13[%dma_wait3A_142, %dma_wait3A_143] : memref<10016x64xf32, #tpu.memory_space<vmem_shared>> -> memref<10016x64xf32, #tpu.memory_space<vmem_shared>>
      tpu.wait_indirect_dma semaphore(%arg15 : memref<!tpu.dma_semaphore, #tpu.memory_space<semaphore_mem>>) src(%dma_wait3A_144 : memref<10016x64xf32, #tpu.memory_space<vmem_shared>>) dst(%arg10 : memref<256x64xf32, #tpu.memory_space<vmem>>)
      %dma_wait3A_145 = arith.constant 0 : i32
      %dma_wait3A_146 = tpu.memref_slice %arg4[%dma_wait3A_145] : memref<327680xi32, #tpu.memory_space<hbm>> -> memref<256xi32, #tpu.memory_space<hbm>>
      %dma_wait3A_147 = arith.constant 0 : i32
      %dma_wait3A_148 = tpu.memref_slice %arg4[%dma_wait3A_147] : memref<327680xi32, #tpu.memory_space<hbm>> -> memref<256xi32, #tpu.memory_space<hbm>>
      tpu.wait_dma2 semaphore(%arg17 : memref<!tpu.dma_semaphore, #tpu.memory_space<semaphore_mem>>) src(%dma_wait3A_148 : memref<256xi32, #tpu.memory_space<hbm>>) dst(%arg8 : memref<256xi32, #tpu.memory_space<vmem>>)
      %dma_start3A_149 = arith.constant 0 : i32
      %dma_start3A_150 = arith.constant 0 : i32
      %dma_start3A_151 = tpu.memref_slice %arg12[%dma_start3A_149, %dma_start3A_150] : memref<10016x64xf32, #tpu.memory_space<vmem_shared>> -> memref<10016x64xf32, #tpu.memory_space<vmem_shared>>
      tpu.enqueue_indirect_dma source(%arg10 : memref<256x64xf32, #tpu.memory_space<vmem>>) target(%dma_start3A_151 : memref<10016x64xf32, #tpu.memory_space<vmem_shared>>) offsets(%arg8 : memref<256xi32, #tpu.memory_space<vmem>>) semaphore(%arg18 : memref<!tpu.dma_semaphore, #tpu.memory_space<semaphore_mem>>) {add = true}
      %dma_wait3A_152 = arith.constant 0 : i32
      %dma_wait3A_153 = arith.constant 0 : i32
      %dma_wait3A_154 = tpu.memref_slice %arg12[%dma_wait3A_152, %dma_wait3A_153] : memref<10016x64xf32, #tpu.memory_space<vmem_shared>> -> memref<10016x64xf32, #tpu.memory_space<vmem_shared>>
      tpu.wait_indirect_dma semaphore(%arg18 : memref<!tpu.dma_semaphore, #tpu.memory_space<semaphore_mem>>) src(%arg10 : memref<256x64xf32, #tpu.memory_space<vmem>>) dst(%dma_wait3A_154 : memref<10016x64xf32, #tpu.memory_space<vmem_shared>>)
      %add3A_155 = arith.constant 2 : i32
      %add3A_156 = arith.addi %add3A_139, %add3A_155 : i32
      %rem3A_157 = arith.constant 40 : i32
      %rem3A_158 = arith.remsi %add3A_156, %rem3A_157 : i32
      %mul3A_159 = arith.constant 256 : i32
      %mul3A_160 = arith.muli %rem3A_158, %mul3A_159 : i32
      %dma_start3A_161 = tpu.memref_slice %arg6[%mul3A_160] : memref<10240xi32, #tpu.memory_space<vmem>> -> memref<256xi32, #tpu.memory_space<vmem>>
      %dma_start3A_162 = arith.constant 0 : i32
      %dma_start3A_163 = arith.constant 0 : i32
      %dma_start3A_164 = tpu.memref_slice %arg13[%dma_start3A_162, %dma_start3A_163] : memref<10016x64xf32, #tpu.memory_space<vmem_shared>> -> memref<10016x64xf32, #tpu.memory_space<vmem_shared>>
      tpu.enqueue_indirect_dma source(%dma_start3A_164 : memref<10016x64xf32, #tpu.memory_space<vmem_shared>>) target(%arg10 : memref<256x64xf32, #tpu.memory_space<vmem>>) offsets(%dma_start3A_161 : memref<256xi32, #tpu.memory_space<vmem>>) semaphore(%arg15 : memref<!tpu.dma_semaphore, #tpu.memory_space<semaphore_mem>>)
      %mul3A_165 = arith.constant 256 : i32
      %mul3A_166 = arith.muli %rem3A_158, %mul3A_165 : i32
      %add3A_167 = arith.addi %mul3A_3, %mul3A_166 : i32
      %dma_start3A_168 = tpu.memref_slice %arg4[%add3A_167] : memref<327680xi32, #tpu.memory_space<hbm>> -> memref<256xi32, #tpu.memory_space<hbm>>
      %dma_start3A_169 = tpu.memref_slice %arg4[%add3A_167] : memref<327680xi32, #tpu.memory_space<hbm>> -> memref<256xi32, #tpu.memory_space<hbm>>
      tpu.enqueue_dma source(%dma_start3A_169 : memref<256xi32, #tpu.memory_space<hbm>>) target(%arg8 : memref<256xi32, #tpu.memory_space<vmem>>) target_semaphore(%arg17 : memref<!tpu.dma_semaphore, #tpu.memory_space<semaphore_mem>>)
    }
    %scan3A_62 = arith.constant 20 : i32
    %dma_wait3A = arith.constant 0 : i32
    %dma_wait3A_63 = tpu.memref_slice %arg6[%dma_wait3A] : memref<10240xi32, #tpu.memory_space<vmem>> -> memref<256xi32, #tpu.memory_space<vmem>>
    %dma_wait3A_64 = arith.constant 0 : i32
    %dma_wait3A_65 = arith.constant 0 : i32
    %dma_wait3A_66 = tpu.memref_slice %arg13[%dma_wait3A_64, %dma_wait3A_65] : memref<10016x64xf32, #tpu.memory_space<vmem_shared>> -> memref<10016x64xf32, #tpu.memory_space<vmem_shared>>
    tpu.wait_indirect_dma semaphore(%arg14 : memref<!tpu.dma_semaphore, #tpu.memory_space<semaphore_mem>>) src(%dma_wait3A_66 : memref<10016x64xf32, #tpu.memory_space<vmem_shared>>) dst(%arg9 : memref<256x64xf32, #tpu.memory_space<vmem>>)
    %dma_wait3A_67 = arith.constant 0 : i32
    %dma_wait3A_68 = tpu.memref_slice %arg4[%dma_wait3A_67] : memref<327680xi32, #tpu.memory_space<hbm>> -> memref<256xi32, #tpu.memory_space<hbm>>
    %dma_wait3A_69 = arith.constant 0 : i32
    %dma_wait3A_70 = tpu.memref_slice %arg4[%dma_wait3A_69] : memref<327680xi32, #tpu.memory_space<hbm>> -> memref<256xi32, #tpu.memory_space<hbm>>
    tpu.wait_dma2 semaphore(%arg16 : memref<!tpu.dma_semaphore, #tpu.memory_space<semaphore_mem>>) src(%dma_wait3A_70 : memref<256xi32, #tpu.memory_space<hbm>>) dst(%arg7 : memref<256xi32, #tpu.memory_space<vmem>>)
    %dma_wait3A_71 = arith.constant 0 : i32
    %dma_wait3A_72 = tpu.memref_slice %arg6[%dma_wait3A_71] : memref<10240xi32, #tpu.memory_space<vmem>> -> memref<256xi32, #tpu.memory_space<vmem>>
    %dma_wait3A_73 = arith.constant 0 : i32
    %dma_wait3A_74 = arith.constant 0 : i32
    %dma_wait3A_75 = tpu.memref_slice %arg13[%dma_wait3A_73, %dma_wait3A_74] : memref<10016x64xf32, #tpu.memory_space<vmem_shared>> -> memref<10016x64xf32, #tpu.memory_space<vmem_shared>>
    tpu.wait_indirect_dma semaphore(%arg15 : memref<!tpu.dma_semaphore, #tpu.memory_space<semaphore_mem>>) src(%dma_wait3A_75 : memref<10016x64xf32, #tpu.memory_space<vmem_shared>>) dst(%arg10 : memref<256x64xf32, #tpu.memory_space<vmem>>)
    %dma_wait3A_76 = arith.constant 0 : i32
    %dma_wait3A_77 = tpu.memref_slice %arg4[%dma_wait3A_76] : memref<327680xi32, #tpu.memory_space<hbm>> -> memref<256xi32, #tpu.memory_space<hbm>>
    %dma_wait3A_78 = arith.constant 0 : i32
    %dma_wait3A_79 = tpu.memref_slice %arg4[%dma_wait3A_78] : memref<327680xi32, #tpu.memory_space<hbm>> -> memref<256xi32, #tpu.memory_space<hbm>>
    tpu.wait_dma2 semaphore(%arg17 : memref<!tpu.dma_semaphore, #tpu.memory_space<semaphore_mem>>) src(%dma_wait3A_79 : memref<256xi32, #tpu.memory_space<hbm>>) dst(%arg8 : memref<256xi32, #tpu.memory_space<vmem>>)
    %barrier3A_80 = arith.constant 0 : index
    tpu.barrier barrier_id(%barrier3A_80)
    %add3A_81 = arith.constant 0 : i32
    %add3A_82 = arith.addi %mul3A_16, %add3A_81 : i32
    "tpu.region"() ({
      %run_scoped3A = tpu.sem_alloc : memref<!tpu.dma_semaphore, #tpu.memory_space<semaphore_mem>>
      %dma_start3A_98 = arith.constant 0 : i32
      %dma_start3A_99 = tpu.memref_slice %arg12[%add3A_82, %dma_start3A_98] : memref<10016x64xf32, #tpu.memory_space<vmem_shared>> -> memref<104x64xf32, #tpu.memory_space<vmem_shared>>
      %dma_start3A_100 = arith.constant 0 : i32
      %dma_start3A_101 = tpu.memref_slice %arg12[%add3A_82, %dma_start3A_100] : memref<10016x64xf32, #tpu.memory_space<vmem_shared>> -> memref<104x64xf32, #tpu.memory_space<vmem_shared>>
      tpu.enqueue_dma source(%dma_start3A_101 : memref<104x64xf32, #tpu.memory_space<vmem_shared>>) target(%arg11 : memref<104x64xf32, #tpu.memory_space<vmem>>) target_semaphore(%run_scoped3A : memref<!tpu.dma_semaphore, #tpu.memory_space<semaphore_mem>>)
      %dma_wait3A_102 = arith.constant 0 : i32
      %dma_wait3A_103 = tpu.memref_slice %arg12[%add3A_82, %dma_wait3A_102] : memref<10016x64xf32, #tpu.memory_space<vmem_shared>> -> memref<104x64xf32, #tpu.memory_space<vmem_shared>>
      %dma_wait3A_104 = arith.constant 0 : i32
      %dma_wait3A_105 = tpu.memref_slice %arg12[%add3A_82, %dma_wait3A_104] : memref<10016x64xf32, #tpu.memory_space<vmem_shared>> -> memref<104x64xf32, #tpu.memory_space<vmem_shared>>
      tpu.wait_dma2 semaphore(%run_scoped3A : memref<!tpu.dma_semaphore, #tpu.memory_space<semaphore_mem>>) src(%dma_wait3A_105 : memref<104x64xf32, #tpu.memory_space<vmem_shared>>) dst(%arg11 : memref<104x64xf32, #tpu.memory_space<vmem>>)
      tpu.yield
    }) : () -> ()
    "tpu.region"() ({
      %run_scoped3A = tpu.sem_alloc : memref<!tpu.dma_semaphore, #tpu.memory_space<semaphore_mem>>
      %dma_start3A_98 = arith.constant 0 : i32
      %dma_start3A_99 = tpu.memref_slice %arg5[%arg0, %add3A_82, %dma_start3A_98] : memref<2x10000x64xf32, #tpu.memory_space<hbm>> -> memref<1x104x64xf32, #tpu.memory_space<hbm>>
      %dma_start3A_100 = tpu.memref_squeeze %dma_start3A_99 : memref<1x104x64xf32, #tpu.memory_space<hbm>> -> memref<104x64xf32, #tpu.memory_space<hbm>>
      %dma_start3A_101 = arith.constant 0 : i32
      %dma_start3A_102 = tpu.memref_slice %arg5[%arg0, %add3A_82, %dma_start3A_101] : memref<2x10000x64xf32, #tpu.memory_space<hbm>> -> memref<1x104x64xf32, #tpu.memory_space<hbm>>
      %dma_start3A_103 = tpu.memref_squeeze %dma_start3A_102 : memref<1x104x64xf32, #tpu.memory_space<hbm>> -> memref<104x64xf32, #tpu.memory_space<hbm>>
      tpu.enqueue_dma source(%arg11 : memref<104x64xf32, #tpu.memory_space<vmem>>) target(%dma_start3A_103 : memref<104x64xf32, #tpu.memory_space<hbm>>) target_semaphore(%run_scoped3A : memref<!tpu.dma_semaphore, #tpu.memory_space<semaphore_mem>>)
      %dma_wait3A_104 = arith.constant 0 : i32
      %dma_wait3A_105 = tpu.memref_slice %arg5[%arg0, %add3A_82, %dma_wait3A_104] : memref<2x10000x64xf32, #tpu.memory_space<hbm>> -> memref<1x104x64xf32, #tpu.memory_space<hbm>>
      %dma_wait3A_106 = tpu.memref_squeeze %dma_wait3A_105 : memref<1x104x64xf32, #tpu.memory_space<hbm>> -> memref<104x64xf32, #tpu.memory_space<hbm>>
      %dma_wait3A_107 = arith.constant 0 : i32
      %dma_wait3A_108 = tpu.memref_slice %arg5[%arg0, %add3A_82, %dma_wait3A_107] : memref<2x10000x64xf32, #tpu.memory_space<hbm>> -> memref<1x104x64xf32, #tpu.memory_space<hbm>>
      %dma_wait3A_109 = tpu.memref_squeeze %dma_wait3A_108 : memref<1x104x64xf32, #tpu.memory_space<hbm>> -> memref<104x64xf32, #tpu.memory_space<hbm>>
      tpu.wait_dma2 semaphore(%run_scoped3A : memref<!tpu.dma_semaphore, #tpu.memory_space<semaphore_mem>>) src(%arg11 : memref<104x64xf32, #tpu.memory_space<vmem>>) dst(%dma_wait3A_109 : memref<104x64xf32, #tpu.memory_space<hbm>>)
      tpu.yield
    }) : () -> ()
    %add3A_83 = arith.constant 104 : i32
    %add3A_84 = arith.addi %mul3A_16, %add3A_83 : i32
    "tpu.region"() ({
      %run_scoped3A = tpu.sem_alloc : memref<!tpu.dma_semaphore, #tpu.memory_space<semaphore_mem>>
      %dma_start3A_98 = arith.constant 0 : i32
      %dma_start3A_99 = tpu.memref_slice %arg12[%add3A_84, %dma_start3A_98] : memref<10016x64xf32, #tpu.memory_space<vmem_shared>> -> memref<104x64xf32, #tpu.memory_space<vmem_shared>>
      %dma_start3A_100 = arith.constant 0 : i32
      %dma_start3A_101 = tpu.memref_slice %arg12[%add3A_84, %dma_start3A_100] : memref<10016x64xf32, #tpu.memory_space<vmem_shared>> -> memref<104x64xf32, #tpu.memory_space<vmem_shared>>
      tpu.enqueue_dma source(%dma_start3A_101 : memref<104x64xf32, #tpu.memory_space<vmem_shared>>) target(%arg11 : memref<104x64xf32, #tpu.memory_space<vmem>>) target_semaphore(%run_scoped3A : memref<!tpu.dma_semaphore, #tpu.memory_space<semaphore_mem>>)
      %dma_wait3A_102 = arith.constant 0 : i32
      %dma_wait3A_103 = tpu.memref_slice %arg12[%add3A_84, %dma_wait3A_102] : memref<10016x64xf32, #tpu.memory_space<vmem_shared>> -> memref<104x64xf32, #tpu.memory_space<vmem_shared>>
      %dma_wait3A_104 = arith.constant 0 : i32
      %dma_wait3A_105 = tpu.memref_slice %arg12[%add3A_84, %dma_wait3A_104] : memref<10016x64xf32, #tpu.memory_space<vmem_shared>> -> memref<104x64xf32, #tpu.memory_space<vmem_shared>>
      tpu.wait_dma2 semaphore(%run_scoped3A : memref<!tpu.dma_semaphore, #tpu.memory_space<semaphore_mem>>) src(%dma_wait3A_105 : memref<104x64xf32, #tpu.memory_space<vmem_shared>>) dst(%arg11 : memref<104x64xf32, #tpu.memory_space<vmem>>)
      tpu.yield
    }) : () -> ()
    "tpu.region"() ({
      %run_scoped3A = tpu.sem_alloc : memref<!tpu.dma_semaphore, #tpu.memory_space<semaphore_mem>>
      %dma_start3A_98 = arith.constant 0 : i32
      %dma_start3A_99 = tpu.memref_slice %arg5[%arg0, %add3A_84, %dma_start3A_98] : memref<2x10000x64xf32, #tpu.memory_space<hbm>> -> memref<1x104x64xf32, #tpu.memory_space<hbm>>
      %dma_start3A_100 = tpu.memref_squeeze %dma_start3A_99 : memref<1x104x64xf32, #tpu.memory_space<hbm>> -> memref<104x64xf32, #tpu.memory_space<hbm>>
      %dma_start3A_101 = arith.constant 0 : i32
      %dma_start3A_102 = tpu.memref_slice %arg5[%arg0, %add3A_84, %dma_start3A_101] : memref<2x10000x64xf32, #tpu.memory_space<hbm>> -> memref<1x104x64xf32, #tpu.memory_space<hbm>>
      %dma_start3A_103 = tpu.memref_squeeze %dma_start3A_102 : memref<1x104x64xf32, #tpu.memory_space<hbm>> -> memref<104x64xf32, #tpu.memory_space<hbm>>
      tpu.enqueue_dma source(%arg11 : memref<104x64xf32, #tpu.memory_space<vmem>>) target(%dma_start3A_103 : memref<104x64xf32, #tpu.memory_space<hbm>>) target_semaphore(%run_scoped3A : memref<!tpu.dma_semaphore, #tpu.memory_space<semaphore_mem>>)
      %dma_wait3A_104 = arith.constant 0 : i32
      %dma_wait3A_105 = tpu.memref_slice %arg5[%arg0, %add3A_84, %dma_wait3A_104] : memref<2x10000x64xf32, #tpu.memory_space<hbm>> -> memref<1x104x64xf32, #tpu.memory_space<hbm>>
      %dma_wait3A_106 = tpu.memref_squeeze %dma_wait3A_105 : memref<1x104x64xf32, #tpu.memory_space<hbm>> -> memref<104x64xf32, #tpu.memory_space<hbm>>
      %dma_wait3A_107 = arith.constant 0 : i32
      %dma_wait3A_108 = tpu.memref_slice %arg5[%arg0, %add3A_84, %dma_wait3A_107] : memref<2x10000x64xf32, #tpu.memory_space<hbm>> -> memref<1x104x64xf32, #tpu.memory_space<hbm>>
      %dma_wait3A_109 = tpu.memref_squeeze %dma_wait3A_108 : memref<1x104x64xf32, #tpu.memory_space<hbm>> -> memref<104x64xf32, #tpu.memory_space<hbm>>
      tpu.wait_dma2 semaphore(%run_scoped3A : memref<!tpu.dma_semaphore, #tpu.memory_space<semaphore_mem>>) src(%arg11 : memref<104x64xf32, #tpu.memory_space<vmem>>) dst(%dma_wait3A_109 : memref<104x64xf32, #tpu.memory_space<hbm>>)
      tpu.yield
    }) : () -> ()
    %add3A_85 = arith.constant 208 : i32
    %add3A_86 = arith.addi %mul3A_16, %add3A_85 : i32
    "tpu.region"() ({
      %run_scoped3A = tpu.sem_alloc : memref<!tpu.dma_semaphore, #tpu.memory_space<semaphore_mem>>
      %dma_start3A_98 = arith.constant 0 : i32
      %dma_start3A_99 = tpu.memref_slice %arg12[%add3A_86, %dma_start3A_98] : memref<10016x64xf32, #tpu.memory_space<vmem_shared>> -> memref<104x64xf32, #tpu.memory_space<vmem_shared>>
      %dma_start3A_100 = arith.constant 0 : i32
      %dma_start3A_101 = tpu.memref_slice %arg12[%add3A_86, %dma_start3A_100] : memref<10016x64xf32, #tpu.memory_space<vmem_shared>> -> memref<104x64xf32, #tpu.memory_space<vmem_shared>>
      tpu.enqueue_dma source(%dma_start3A_101 : memref<104x64xf32, #tpu.memory_space<vmem_shared>>) target(%arg11 : memref<104x64xf32, #tpu.memory_space<vmem>>) target_semaphore(%run_scoped3A : memref<!tpu.dma_semaphore, #tpu.memory_space<semaphore_mem>>)
      %dma_wait3A_102 = arith.constant 0 : i32
      %dma_wait3A_103 = tpu.memref_slice %arg12[%add3A_86, %dma_wait3A_102] : memref<10016x64xf32, #tpu.memory_space<vmem_shared>> -> memref<104x64xf32, #tpu.memory_space<vmem_shared>>
      %dma_wait3A_104 = arith.constant 0 : i32
      %dma_wait3A_105 = tpu.memref_slice %arg12[%add3A_86, %dma_wait3A_104] : memref<10016x64xf32, #tpu.memory_space<vmem_shared>> -> memref<104x64xf32, #tpu.memory_space<vmem_shared>>
      tpu.wait_dma2 semaphore(%run_scoped3A : memref<!tpu.dma_semaphore, #tpu.memory_space<semaphore_mem>>) src(%dma_wait3A_105 : memref<104x64xf32, #tpu.memory_space<vmem_shared>>) dst(%arg11 : memref<104x64xf32, #tpu.memory_space<vmem>>)
      tpu.yield
    }) : () -> ()
    "tpu.region"() ({
      %run_scoped3A = tpu.sem_alloc : memref<!tpu.dma_semaphore, #tpu.memory_space<semaphore_mem>>
      %dma_start3A_98 = arith.constant 0 : i32
      %dma_start3A_99 = tpu.memref_slice %arg5[%arg0, %add3A_86, %dma_start3A_98] : memref<2x10000x64xf32, #tpu.memory_space<hbm>> -> memref<1x104x64xf32, #tpu.memory_space<hbm>>
      %dma_start3A_100 = tpu.memref_squeeze %dma_start3A_99 : memref<1x104x64xf32, #tpu.memory_space<hbm>> -> memref<104x64xf32, #tpu.memory_space<hbm>>
      %dma_start3A_101 = arith.constant 0 : i32
      %dma_start3A_102 = tpu.memref_slice %arg5[%arg0, %add3A_86, %dma_start3A_101] : memref<2x10000x64xf32, #tpu.memory_space<hbm>> -> memref<1x104x64xf32, #tpu.memory_space<hbm>>
      %dma_start3A_103 = tpu.memref_squeeze %dma_start3A_102 : memref<1x104x64xf32, #tpu.memory_space<hbm>> -> memref<104x64xf32, #tpu.memory_space<hbm>>
      tpu.enqueue_dma source(%arg11 : memref<104x64xf32, #tpu.memory_space<vmem>>) target(%dma_start3A_103 : memref<104x64xf32, #tpu.memory_space<hbm>>) target_semaphore(%run_scoped3A : memref<!tpu.dma_semaphore, #tpu.memory_space<semaphore_mem>>)
      %dma_wait3A_104 = arith.constant 0 : i32
      %dma_wait3A_105 = tpu.memref_slice %arg5[%arg0, %add3A_86, %dma_wait3A_104] : memref<2x10000x64xf32, #tpu.memory_space<hbm>> -> memref<1x104x64xf32, #tpu.memory_space<hbm>>
      %dma_wait3A_106 = tpu.memref_squeeze %dma_wait3A_105 : memref<1x104x64xf32, #tpu.memory_space<hbm>> -> memref<104x64xf32, #tpu.memory_space<hbm>>
      %dma_wait3A_107 = arith.constant 0 : i32
      %dma_wait3A_108 = tpu.memref_slice %arg5[%arg0, %add3A_86, %dma_wait3A_107] : memref<2x10000x64xf32, #tpu.memory_space<hbm>> -> memref<1x104x64xf32, #tpu.memory_space<hbm>>
      %dma_wait3A_109 = tpu.memref_squeeze %dma_wait3A_108 : memref<1x104x64xf32, #tpu.memory_space<hbm>> -> memref<104x64xf32, #tpu.memory_space<hbm>>
      tpu.wait_dma2 semaphore(%run_scoped3A : memref<!tpu.dma_semaphore, #tpu.memory_space<semaphore_mem>>) src(%arg11 : memref<104x64xf32, #tpu.memory_space<vmem>>) dst(%dma_wait3A_109 : memref<104x64xf32, #tpu.memory_space<hbm>>)
      tpu.yield
    }) : () -> ()
    %add3A_87 = arith.constant 312 : i32
    %add3A_88 = arith.addi %mul3A_16, %add3A_87 : i32
    "tpu.region"() ({
      %run_scoped3A = tpu.sem_alloc : memref<!tpu.dma_semaphore, #tpu.memory_space<semaphore_mem>>
      %dma_start3A_98 = arith.constant 0 : i32
      %dma_start3A_99 = tpu.memref_slice %arg12[%add3A_88, %dma_start3A_98] : memref<10016x64xf32, #tpu.memory_space<vmem_shared>> -> memref<104x64xf32, #tpu.memory_space<vmem_shared>>
      %dma_start3A_100 = arith.constant 0 : i32
      %dma_start3A_101 = tpu.memref_slice %arg12[%add3A_88, %dma_start3A_100] : memref<10016x64xf32, #tpu.memory_space<vmem_shared>> -> memref<104x64xf32, #tpu.memory_space<vmem_shared>>
      tpu.enqueue_dma source(%dma_start3A_101 : memref<104x64xf32, #tpu.memory_space<vmem_shared>>) target(%arg11 : memref<104x64xf32, #tpu.memory_space<vmem>>) target_semaphore(%run_scoped3A : memref<!tpu.dma_semaphore, #tpu.memory_space<semaphore_mem>>)
      %dma_wait3A_102 = arith.constant 0 : i32
      %dma_wait3A_103 = tpu.memref_slice %arg12[%add3A_88, %dma_wait3A_102] : memref<10016x64xf32, #tpu.memory_space<vmem_shared>> -> memref<104x64xf32, #tpu.memory_space<vmem_shared>>
      %dma_wait3A_104 = arith.constant 0 : i32
      %dma_wait3A_105 = tpu.memref_slice %arg12[%add3A_88, %dma_wait3A_104] : memref<10016x64xf32, #tpu.memory_space<vmem_shared>> -> memref<104x64xf32, #tpu.memory_space<vmem_shared>>
      tpu.wait_dma2 semaphore(%run_scoped3A : memref<!tpu.dma_semaphore, #tpu.memory_space<semaphore_mem>>) src(%dma_wait3A_105 : memref<104x64xf32, #tpu.memory_space<vmem_shared>>) dst(%arg11 : memref<104x64xf32, #tpu.memory_space<vmem>>)
      tpu.yield
    }) : () -> ()
    "tpu.region"() ({
      %run_scoped3A = tpu.sem_alloc : memref<!tpu.dma_semaphore, #tpu.memory_space<semaphore_mem>>
      %dma_start3A_98 = arith.constant 0 : i32
      %dma_start3A_99 = tpu.memref_slice %arg5[%arg0, %add3A_88, %dma_start3A_98] : memref<2x10000x64xf32, #tpu.memory_space<hbm>> -> memref<1x104x64xf32, #tpu.memory_space<hbm>>
      %dma_start3A_100 = tpu.memref_squeeze %dma_start3A_99 : memref<1x104x64xf32, #tpu.memory_space<hbm>> -> memref<104x64xf32, #tpu.memory_space<hbm>>
      %dma_start3A_101 = arith.constant 0 : i32
      %dma_start3A_102 = tpu.memref_slice %arg5[%arg0, %add3A_88, %dma_start3A_101] : memref<2x10000x64xf32, #tpu.memory_space<hbm>> -> memref<1x104x64xf32, #tpu.memory_space<hbm>>
      %dma_start3A_103 = tpu.memref_squeeze %dma_start3A_102 : memref<1x104x64xf32, #tpu.memory_space<hbm>> -> memref<104x64xf32, #tpu.memory_space<hbm>>
      tpu.enqueue_dma source(%arg11 : memref<104x64xf32, #tpu.memory_space<vmem>>) target(%dma_start3A_103 : memref<104x64xf32, #tpu.memory_space<hbm>>) target_semaphore(%run_scoped3A : memref<!tpu.dma_semaphore, #tpu.memory_space<semaphore_mem>>)
      %dma_wait3A_104 = arith.constant 0 : i32
      %dma_wait3A_105 = tpu.memref_slice %arg5[%arg0, %add3A_88, %dma_wait3A_104] : memref<2x10000x64xf32, #tpu.memory_space<hbm>> -> memref<1x104x64xf32, #tpu.memory_space<hbm>>
      %dma_wait3A_106 = tpu.memref_squeeze %dma_wait3A_105 : memref<1x104x64xf32, #tpu.memory_space<hbm>> -> memref<104x64xf32, #tpu.memory_space<hbm>>
      %dma_wait3A_107 = arith.constant 0 : i32
      %dma_wait3A_108 = tpu.memref_slice %arg5[%arg0, %add3A_88, %dma_wait3A_107] : memref<2x10000x64xf32, #tpu.memory_space<hbm>> -> memref<1x104x64xf32, #tpu.memory_space<hbm>>
      %dma_wait3A_109 = tpu.memref_squeeze %dma_wait3A_108 : memref<1x104x64xf32, #tpu.memory_space<hbm>> -> memref<104x64xf32, #tpu.memory_space<hbm>>
      tpu.wait_dma2 semaphore(%run_scoped3A : memref<!tpu.dma_semaphore, #tpu.memory_space<semaphore_mem>>) src(%arg11 : memref<104x64xf32, #tpu.memory_space<vmem>>) dst(%dma_wait3A_109 : memref<104x64xf32, #tpu.memory_space<hbm>>)
      tpu.yield
    }) : () -> ()
    %add3A_89 = arith.constant 416 : i32
    %add3A_90 = arith.addi %mul3A_16, %add3A_89 : i32
    "tpu.region"() ({
      %run_scoped3A = tpu.sem_alloc : memref<!tpu.dma_semaphore, #tpu.memory_space<semaphore_mem>>
      %dma_start3A_98 = arith.constant 0 : i32
      %dma_start3A_99 = tpu.memref_slice %arg12[%add3A_90, %dma_start3A_98] : memref<10016x64xf32, #tpu.memory_space<vmem_shared>> -> memref<104x64xf32, #tpu.memory_space<vmem_shared>>
      %dma_start3A_100 = arith.constant 0 : i32
      %dma_start3A_101 = tpu.memref_slice %arg12[%add3A_90, %dma_start3A_100] : memref<10016x64xf32, #tpu.memory_space<vmem_shared>> -> memref<104x64xf32, #tpu.memory_space<vmem_shared>>
      tpu.enqueue_dma source(%dma_start3A_101 : memref<104x64xf32, #tpu.memory_space<vmem_shared>>) target(%arg11 : memref<104x64xf32, #tpu.memory_space<vmem>>) target_semaphore(%run_scoped3A : memref<!tpu.dma_semaphore, #tpu.memory_space<semaphore_mem>>)
      %dma_wait3A_102 = arith.constant 0 : i32
      %dma_wait3A_103 = tpu.memref_slice %arg12[%add3A_90, %dma_wait3A_102] : memref<10016x64xf32, #tpu.memory_space<vmem_shared>> -> memref<104x64xf32, #tpu.memory_space<vmem_shared>>
      %dma_wait3A_104 = arith.constant 0 : i32
      %dma_wait3A_105 = tpu.memref_slice %arg12[%add3A_90, %dma_wait3A_104] : memref<10016x64xf32, #tpu.memory_space<vmem_shared>> -> memref<104x64xf32, #tpu.memory_space<vmem_shared>>
      tpu.wait_dma2 semaphore(%run_scoped3A : memref<!tpu.dma_semaphore, #tpu.memory_space<semaphore_mem>>) src(%dma_wait3A_105 : memref<104x64xf32, #tpu.memory_space<vmem_shared>>) dst(%arg11 : memref<104x64xf32, #tpu.memory_space<vmem>>)
      tpu.yield
    }) : () -> ()
    "tpu.region"() ({
      %run_scoped3A = tpu.sem_alloc : memref<!tpu.dma_semaphore, #tpu.memory_space<semaphore_mem>>
      %dma_start3A_98 = arith.constant 0 : i32
      %dma_start3A_99 = tpu.memref_slice %arg5[%arg0, %add3A_90, %dma_start3A_98] : memref<2x10000x64xf32, #tpu.memory_space<hbm>> -> memref<1x104x64xf32, #tpu.memory_space<hbm>>
      %dma_start3A_100 = tpu.memref_squeeze %dma_start3A_99 : memref<1x104x64xf32, #tpu.memory_space<hbm>> -> memref<104x64xf32, #tpu.memory_space<hbm>>
      %dma_start3A_101 = arith.constant 0 : i32
      %dma_start3A_102 = tpu.memref_slice %arg5[%arg0, %add3A_90, %dma_start3A_101] : memref<2x10000x64xf32, #tpu.memory_space<hbm>> -> memref<1x104x64xf32, #tpu.memory_space<hbm>>
      %dma_start3A_103 = tpu.memref_squeeze %dma_start3A_102 : memref<1x104x64xf32, #tpu.memory_space<hbm>> -> memref<104x64xf32, #tpu.memory_space<hbm>>
      tpu.enqueue_dma source(%arg11 : memref<104x64xf32, #tpu.memory_space<vmem>>) target(%dma_start3A_103 : memref<104x64xf32, #tpu.memory_space<hbm>>) target_semaphore(%run_scoped3A : memref<!tpu.dma_semaphore, #tpu.memory_space<semaphore_mem>>)
      %dma_wait3A_104 = arith.constant 0 : i32
      %dma_wait3A_105 = tpu.memref_slice %arg5[%arg0, %add3A_90, %dma_wait3A_104] : memref<2x10000x64xf32, #tpu.memory_space<hbm>> -> memref<1x104x64xf32, #tpu.memory_space<hbm>>
      %dma_wait3A_106 = tpu.memref_squeeze %dma_wait3A_105 : memref<1x104x64xf32, #tpu.memory_space<hbm>> -> memref<104x64xf32, #tpu.memory_space<hbm>>
      %dma_wait3A_107 = arith.constant 0 : i32
      %dma_wait3A_108 = tpu.memref_slice %arg5[%arg0, %add3A_90, %dma_wait3A_107] : memref<2x10000x64xf32, #tpu.memory_space<hbm>> -> memref<1x104x64xf32, #tpu.memory_space<hbm>>
      %dma_wait3A_109 = tpu.memref_squeeze %dma_wait3A_108 : memref<1x104x64xf32, #tpu.memory_space<hbm>> -> memref<104x64xf32, #tpu.memory_space<hbm>>
      tpu.wait_dma2 semaphore(%run_scoped3A : memref<!tpu.dma_semaphore, #tpu.memory_space<semaphore_mem>>) src(%arg11 : memref<104x64xf32, #tpu.memory_space<vmem>>) dst(%dma_wait3A_109 : memref<104x64xf32, #tpu.memory_space<hbm>>)
      tpu.yield
    }) : () -> ()
    %add3A_91 = arith.constant 520 : i32
    %add3A_92 = arith.addi %mul3A_16, %add3A_91 : i32
    "tpu.region"() ({
      %run_scoped3A = tpu.sem_alloc : memref<!tpu.dma_semaphore, #tpu.memory_space<semaphore_mem>>
      %dma_start3A_98 = arith.constant 0 : i32
      %dma_start3A_99 = tpu.memref_slice %arg12[%add3A_92, %dma_start3A_98] : memref<10016x64xf32, #tpu.memory_space<vmem_shared>> -> memref<104x64xf32, #tpu.memory_space<vmem_shared>>
      %dma_start3A_100 = arith.constant 0 : i32
      %dma_start3A_101 = tpu.memref_slice %arg12[%add3A_92, %dma_start3A_100] : memref<10016x64xf32, #tpu.memory_space<vmem_shared>> -> memref<104x64xf32, #tpu.memory_space<vmem_shared>>
      tpu.enqueue_dma source(%dma_start3A_101 : memref<104x64xf32, #tpu.memory_space<vmem_shared>>) target(%arg11 : memref<104x64xf32, #tpu.memory_space<vmem>>) target_semaphore(%run_scoped3A : memref<!tpu.dma_semaphore, #tpu.memory_space<semaphore_mem>>)
      %dma_wait3A_102 = arith.constant 0 : i32
      %dma_wait3A_103 = tpu.memref_slice %arg12[%add3A_92, %dma_wait3A_102] : memref<10016x64xf32, #tpu.memory_space<vmem_shared>> -> memref<104x64xf32, #tpu.memory_space<vmem_shared>>
      %dma_wait3A_104 = arith.constant 0 : i32
      %dma_wait3A_105 = tpu.memref_slice %arg12[%add3A_92, %dma_wait3A_104] : memref<10016x64xf32, #tpu.memory_space<vmem_shared>> -> memref<104x64xf32, #tpu.memory_space<vmem_shared>>
      tpu.wait_dma2 semaphore(%run_scoped3A : memref<!tpu.dma_semaphore, #tpu.memory_space<semaphore_mem>>) src(%dma_wait3A_105 : memref<104x64xf32, #tpu.memory_space<vmem_shared>>) dst(%arg11 : memref<104x64xf32, #tpu.memory_space<vmem>>)
      tpu.yield
    }) : () -> ()
    "tpu.region"() ({
      %run_scoped3A = tpu.sem_alloc : memref<!tpu.dma_semaphore, #tpu.memory_space<semaphore_mem>>
      %dma_start3A_98 = arith.constant 0 : i32
      %dma_start3A_99 = tpu.memref_slice %arg5[%arg0, %add3A_92, %dma_start3A_98] : memref<2x10000x64xf32, #tpu.memory_space<hbm>> -> memref<1x104x64xf32, #tpu.memory_space<hbm>>
      %dma_start3A_100 = tpu.memref_squeeze %dma_start3A_99 : memref<1x104x64xf32, #tpu.memory_space<hbm>> -> memref<104x64xf32, #tpu.memory_space<hbm>>
      %dma_start3A_101 = arith.constant 0 : i32
      %dma_start3A_102 = tpu.memref_slice %arg5[%arg0, %add3A_92, %dma_start3A_101] : memref<2x10000x64xf32, #tpu.memory_space<hbm>> -> memref<1x104x64xf32, #tpu.memory_space<hbm>>
      %dma_start3A_103 = tpu.memref_squeeze %dma_start3A_102 : memref<1x104x64xf32, #tpu.memory_space<hbm>> -> memref<104x64xf32, #tpu.memory_space<hbm>>
      tpu.enqueue_dma source(%arg11 : memref<104x64xf32, #tpu.memory_space<vmem>>) target(%dma_start3A_103 : memref<104x64xf32, #tpu.memory_space<hbm>>) target_semaphore(%run_scoped3A : memref<!tpu.dma_semaphore, #tpu.memory_space<semaphore_mem>>)
      %dma_wait3A_104 = arith.constant 0 : i32
      %dma_wait3A_105 = tpu.memref_slice %arg5[%arg0, %add3A_92, %dma_wait3A_104] : memref<2x10000x64xf32, #tpu.memory_space<hbm>> -> memref<1x104x64xf32, #tpu.memory_space<hbm>>
      %dma_wait3A_106 = tpu.memref_squeeze %dma_wait3A_105 : memref<1x104x64xf32, #tpu.memory_space<hbm>> -> memref<104x64xf32, #tpu.memory_space<hbm>>
      %dma_wait3A_107 = arith.constant 0 : i32
      %dma_wait3A_108 = tpu.memref_slice %arg5[%arg0, %add3A_92, %dma_wait3A_107] : memref<2x10000x64xf32, #tpu.memory_space<hbm>> -> memref<1x104x64xf32, #tpu.memory_space<hbm>>
      %dma_wait3A_109 = tpu.memref_squeeze %dma_wait3A_108 : memref<1x104x64xf32, #tpu.memory_space<hbm>> -> memref<104x64xf32, #tpu.memory_space<hbm>>
      tpu.wait_dma2 semaphore(%run_scoped3A : memref<!tpu.dma_semaphore, #tpu.memory_space<semaphore_mem>>) src(%arg11 : memref<104x64xf32, #tpu.memory_space<vmem>>) dst(%dma_wait3A_109 : memref<104x64xf32, #tpu.memory_space<hbm>>)
      tpu.yield
    }) : () -> ()
    %eq3A_93 = arith.constant 15 : i32
    %eq3A_94 = arith.cmpi eq, %arg1, %eq3A_93 : i32
    %convert_element_type3A_95 = arith.extui %eq3A_94 : i1 to i32
    %cond3A_96 = arith.constant 0 : i32
    %cond3A_97 = arith.cmpi ne, %convert_element_type3A_95, %cond3A_96 : i32
    scf.if %cond3A_97 {
      "tpu.region"() ({
        %run_scoped3A = tpu.sem_alloc : memref<!tpu.dma_semaphore, #tpu.memory_space<semaphore_mem>>
        %dma_start3A_98 = arith.constant 0 : i32
        %dma_start3A_99 = arith.constant 0 : i32
        %dma_start3A_100 = tpu.memref_slice %arg11[%dma_start3A_98, %dma_start3A_99] : memref<104x64xf32, #tpu.memory_space<vmem>> -> memref<16x64xf32, #tpu.memory_space<vmem>>
        %dma_start3A_101 = arith.constant 9984 : i32
        %dma_start3A_102 = arith.constant 0 : i32
        %dma_start3A_103 = tpu.memref_slice %arg12[%dma_start3A_101, %dma_start3A_102] : memref<10016x64xf32, #tpu.memory_space<vmem_shared>> -> memref<16x64xf32, #tpu.memory_space<vmem_shared>>
        %dma_start3A_104 = arith.constant 0 : i32
        %dma_start3A_105 = arith.constant 0 : i32
        %dma_start3A_106 = tpu.memref_slice %arg11[%dma_start3A_104, %dma_start3A_105] : memref<104x64xf32, #tpu.memory_space<vmem>> -> memref<16x64xf32, #tpu.memory_space<vmem>>
        %dma_start3A_107 = arith.constant 9984 : i32
        %dma_start3A_108 = arith.constant 0 : i32
        %dma_start3A_109 = tpu.memref_slice %arg12[%dma_start3A_107, %dma_start3A_108] : memref<10016x64xf32, #tpu.memory_space<vmem_shared>> -> memref<16x64xf32, #tpu.memory_space<vmem_shared>>
        tpu.enqueue_dma source(%dma_start3A_109 : memref<16x64xf32, #tpu.memory_space<vmem_shared>>) target(%dma_start3A_106 : memref<16x64xf32, #tpu.memory_space<vmem>>) target_semaphore(%run_scoped3A : memref<!tpu.dma_semaphore, #tpu.memory_space<semaphore_mem>>)
        %dma_wait3A_110 = arith.constant 0 : i32
        %dma_wait3A_111 = arith.constant 0 : i32
        %dma_wait3A_112 = tpu.memref_slice %arg11[%dma_wait3A_110, %dma_wait3A_111] : memref<104x64xf32, #tpu.memory_space<vmem>> -> memref<16x64xf32, #tpu.memory_space<vmem>>
        %dma_wait3A_113 = arith.constant 9984 : i32
        %dma_wait3A_114 = arith.constant 0 : i32
        %dma_wait3A_115 = tpu.memref_slice %arg12[%dma_wait3A_113, %dma_wait3A_114] : memref<10016x64xf32, #tpu.memory_space<vmem_shared>> -> memref<16x64xf32, #tpu.memory_space<vmem_shared>>
        %dma_wait3A_116 = arith.constant 0 : i32
        %dma_wait3A_117 = arith.constant 0 : i32
        %dma_wait3A_118 = tpu.memref_slice %arg11[%dma_wait3A_116, %dma_wait3A_117] : memref<104x64xf32, #tpu.memory_space<vmem>> -> memref<16x64xf32, #tpu.memory_space<vmem>>
        %dma_wait3A_119 = arith.constant 9984 : i32
        %dma_wait3A_120 = arith.constant 0 : i32
        %dma_wait3A_121 = tpu.memref_slice %arg12[%dma_wait3A_119, %dma_wait3A_120] : memref<10016x64xf32, #tpu.memory_space<vmem_shared>> -> memref<16x64xf32, #tpu.memory_space<vmem_shared>>
        tpu.wait_dma2 semaphore(%run_scoped3A : memref<!tpu.dma_semaphore, #tpu.memory_space<semaphore_mem>>) src(%dma_wait3A_121 : memref<16x64xf32, #tpu.memory_space<vmem_shared>>) dst(%dma_wait3A_118 : memref<16x64xf32, #tpu.memory_space<vmem>>)
        tpu.yield
      }) : () -> ()
      "tpu.region"() ({
        %run_scoped3A = tpu.sem_alloc : memref<!tpu.dma_semaphore, #tpu.memory_space<semaphore_mem>>
        %dma_start3A_98 = arith.constant 0 : i32
        %dma_start3A_99 = arith.constant 0 : i32
        %dma_start3A_100 = tpu.memref_slice %arg11[%dma_start3A_98, %dma_start3A_99] : memref<104x64xf32, #tpu.memory_space<vmem>> -> memref<16x64xf32, #tpu.memory_space<vmem>>
        %dma_start3A_101 = arith.constant 9984 : i32
        %dma_start3A_102 = arith.constant 0 : i32
        %dma_start3A_103 = tpu.memref_slice %arg5[%arg0, %dma_start3A_101, %dma_start3A_102] : memref<2x10000x64xf32, #tpu.memory_space<hbm>> -> memref<1x16x64xf32, #tpu.memory_space<hbm>>
        %dma_start3A_104 = tpu.memref_squeeze %dma_start3A_103 : memref<1x16x64xf32, #tpu.memory_space<hbm>> -> memref<16x64xf32, #tpu.memory_space<hbm>>
        %dma_start3A_105 = arith.constant 9984 : i32
        %dma_start3A_106 = arith.constant 0 : i32
        %dma_start3A_107 = tpu.memref_slice %arg5[%arg0, %dma_start3A_105, %dma_start3A_106] : memref<2x10000x64xf32, #tpu.memory_space<hbm>> -> memref<1x16x64xf32, #tpu.memory_space<hbm>>
        %dma_start3A_108 = tpu.memref_squeeze %dma_start3A_107 : memref<1x16x64xf32, #tpu.memory_space<hbm>> -> memref<16x64xf32, #tpu.memory_space<hbm>>
        %dma_start3A_109 = arith.constant 0 : i32
        %dma_start3A_110 = arith.constant 0 : i32
        %dma_start3A_111 = tpu.memref_slice %arg11[%dma_start3A_109, %dma_start3A_110] : memref<104x64xf32, #tpu.memory_space<vmem>> -> memref<16x64xf32, #tpu.memory_space<vmem>>
        tpu.enqueue_dma source(%dma_start3A_111 : memref<16x64xf32, #tpu.memory_space<vmem>>) target(%dma_start3A_108 : memref<16x64xf32, #tpu.memory_space<hbm>>) target_semaphore(%run_scoped3A : memref<!tpu.dma_semaphore, #tpu.memory_space<semaphore_mem>>)
        %dma_wait3A_112 = arith.constant 0 : i32
        %dma_wait3A_113 = arith.constant 0 : i32
        %dma_wait3A_114 = tpu.memref_slice %arg11[%dma_wait3A_112, %dma_wait3A_113] : memref<104x64xf32, #tpu.memory_space<vmem>> -> memref<16x64xf32, #tpu.memory_space<vmem>>
        %dma_wait3A_115 = arith.constant 9984 : i32
        %dma_wait3A_116 = arith.constant 0 : i32
        %dma_wait3A_117 = tpu.memref_slice %arg5[%arg0, %dma_wait3A_115, %dma_wait3A_116] : memref<2x10000x64xf32, #tpu.memory_space<hbm>> -> memref<1x16x64xf32, #tpu.memory_space<hbm>>
        %dma_wait3A_118 = tpu.memref_squeeze %dma_wait3A_117 : memref<1x16x64xf32, #tpu.memory_space<hbm>> -> memref<16x64xf32, #tpu.memory_space<hbm>>
        %dma_wait3A_119 = arith.constant 9984 : i32
        %dma_wait3A_120 = arith.constant 0 : i32
        %dma_wait3A_121 = tpu.memref_slice %arg5[%arg0, %dma_wait3A_119, %dma_wait3A_120] : memref<2x10000x64xf32, #tpu.memory_space<hbm>> -> memref<1x16x64xf32, #tpu.memory_space<hbm>>
        %dma_wait3A_122 = tpu.memref_squeeze %dma_wait3A_121 : memref<1x16x64xf32, #tpu.memory_space<hbm>> -> memref<16x64xf32, #tpu.memory_space<hbm>>
        %dma_wait3A_123 = arith.constant 0 : i32
        %dma_wait3A_124 = arith.constant 0 : i32
        %dma_wait3A_125 = tpu.memref_slice %arg11[%dma_wait3A_123, %dma_wait3A_124] : memref<104x64xf32, #tpu.memory_space<vmem>> -> memref<16x64xf32, #tpu.memory_space<vmem>>
        tpu.wait_dma2 semaphore(%run_scoped3A : memref<!tpu.dma_semaphore, #tpu.memory_space<semaphore_mem>>) src(%dma_wait3A_125 : memref<16x64xf32, #tpu.memory_space<vmem>>) dst(%dma_wait3A_122 : memref<16x64xf32, #tpu.memory_space<hbm>>)
        tpu.yield
      }) : () -> ()
    } else {
    }
    return
  }
}

module attributes {stable_mosaic.version = 14 : i64} {
  func.func @body(%arg0: i32, %arg1: memref<1000x128xf32, #tpu.memory_space<vmem>>, %arg2: memref<128x128xf32, #tpu.memory_space<vmem>>, %arg3: memref<1000x32xf32, #tpu.memory_space<vmem>>, %arg4: memref<1000x32xf32, #tpu.memory_space<vmem>>, %arg5: memref<1000x64xf32, #tpu.memory_space<vmem>>, %arg6: memref<1000x64xf32, #tpu.memory_space<vmem>>, %arg7: memref<1000x1xf32, #tpu.memory_space<vmem>>, %arg8: memref<1000x1xf32, #tpu.memory_space<vmem>>) attributes {dimension_semantics = [#tpu.dimension_semantics<arbitrary>], iteration_bounds = array<i64: 10>, scalar_prefetch = 0 : i64, scratch_operands = 0 : i64, tpu.core_type = #tpu.core_type<tc>, window_params = [{transform_indices = @transform_0, window_bounds = array<i64: 1000, 128>}, {pipeline_mode = #tpu.pipeline_mode<synchronous>, transform_indices = @transform_1, window_bounds = array<i64: 128, 128>}, {transform_indices = @transform_2, window_bounds = array<i64: 1000, 32>}, {transform_indices = @transform_3, window_bounds = array<i64: 1000, 32>}, {transform_indices = @transform_4, window_bounds = array<i64: 1000, 64>}, {transform_indices = @transform_5, window_bounds = array<i64: 1000, 64>}, {transform_indices = @transform_6, window_bounds = array<i64: 1000, 1>}, {transform_indices = @transform_7, window_bounds = array<i64: 1000, 1>}]} {
    %get3A = arith.constant 0 : index
    %get3A_0 = arith.constant 0 : index
    %get3A_1 = vector.load %arg3[%get3A, %get3A_0] : memref<1000x32xf32, #tpu.memory_space<vmem>>, vector<1000x32xf32>
    %reduce_sum3A = arith.constant dense<0.000000e+00> : vector<1000xf32>
    %reduce_sum3A_2 = vector.multi_reduction <add>, %get3A_1, %reduce_sum3A [1] : vector<1000x32xf32> to vector<1000xf32>
    %broadcast_in_dim3A = vector.shape_cast %reduce_sum3A_2 : vector<1000xf32> to vector<1000x1xf32>
    %get3A_3 = arith.constant 0 : index
    %get3A_4 = arith.constant 0 : index
    %get3A_5 = vector.load %arg4[%get3A_3, %get3A_4] : memref<1000x32xf32, #tpu.memory_space<vmem>>, vector<1000x32xf32>
    %reduce_sum3A_6 = arith.constant dense<0.000000e+00> : vector<1000xf32>
    %reduce_sum3A_7 = vector.multi_reduction <add>, %get3A_5, %reduce_sum3A_6 [1] : vector<1000x32xf32> to vector<1000xf32>
    %broadcast_in_dim3A_8 = vector.shape_cast %reduce_sum3A_7 : vector<1000xf32> to vector<1000x1xf32>
    %max3A = arith.constant 1.000000e+00 : f32
    %max3A_9 = vector.broadcast %max3A : f32 to vector<1000x1xf32>
    %max3A_10 = arith.maximumf %broadcast_in_dim3A, %max3A_9 : vector<1000x1xf32>
    %rsqrt3A = math.rsqrt %max3A_10 : vector<1000x1xf32>
    %max3A_11 = arith.constant 1.000000e+00 : f32
    %max3A_12 = vector.broadcast %max3A_11 : f32 to vector<1000x1xf32>
    %max3A_13 = arith.maximumf %broadcast_in_dim3A_8, %max3A_12 : vector<1000x1xf32>
    %rsqrt3A_14 = math.rsqrt %max3A_13 : vector<1000x1xf32>
    %get3A_15 = arith.constant 0 : index
    %get3A_16 = arith.constant 0 : index
    %get3A_17 = vector.load %arg1[%get3A_15, %get3A_16] : memref<1000x128xf32, #tpu.memory_space<vmem>>, vector<1000x128xf32>
    %get3A_18 = arith.constant 0 : index
    %get3A_19 = arith.constant 0 : index
    %get3A_20 = vector.load %arg2[%get3A_18, %get3A_19] : memref<128x128xf32, #tpu.memory_space<vmem>>, vector<128x128xf32>
    %dot_general3A = arith.constant dense<0.000000e+00> : vector<1000x128xf32>
    %dot_general3A_21 = tpu.matmul %get3A_17, %get3A_20, %dot_general3A {dimension_numbers = #tpu.dot_dimension_numbers<[1], [0], [0], [1], [0, 0, 1, 1], [], []>, transpose_lhs_hint = false} : vector<1000x128xf32>, vector<128x128xf32>, vector<1000x128xf32> -> vector<1000x128xf32>
    %slice3A = vector.extract_strided_slice %dot_general3A_21 {offsets = [0, 0], sizes = [1000, 64], strides = [1, 1]} : vector<1000x128xf32> to vector<1000x64xf32>
    %mul3A = vector.broadcast %rsqrt3A : vector<1000x1xf32> to vector<1000x64xf32>
    %mul3A_22 = arith.mulf %slice3A, %mul3A : vector<1000x64xf32>
    %swap3A = arith.constant 0 : index
    %swap3A_23 = arith.constant 0 : index
    %swap3A_24 = vector.load %arg5[%swap3A, %swap3A_23] : memref<1000x64xf32, #tpu.memory_space<vmem>>, vector<1000x64xf32>
    tpu.vector_store %arg5[%swap3A, %swap3A_23], %mul3A_22 {strides = array<i32>} : memref<1000x64xf32, #tpu.memory_space<vmem>>, vector<1000x64xf32>,
    %slice3A_25 = vector.extract_strided_slice %dot_general3A_21 {offsets = [0, 64], sizes = [1000, 64], strides = [1, 1]} : vector<1000x128xf32> to vector<1000x64xf32>
    %mul3A_26 = vector.broadcast %rsqrt3A : vector<1000x1xf32> to vector<1000x64xf32>
    %mul3A_27 = arith.mulf %slice3A_25, %mul3A_26 : vector<1000x64xf32>
    %swap3A_28 = arith.constant 0 : index
    %swap3A_29 = arith.constant 0 : index
    %swap3A_30 = vector.load %arg6[%swap3A_28, %swap3A_29] : memref<1000x64xf32, #tpu.memory_space<vmem>>, vector<1000x64xf32>
    tpu.vector_store %arg6[%swap3A_28, %swap3A_29], %mul3A_27 {strides = array<i32>} : memref<1000x64xf32, #tpu.memory_space<vmem>>, vector<1000x64xf32>,
    %swap3A_31 = arith.constant 0 : index
    %swap3A_32 = arith.constant 0 : index
    %swap3A_33 = vector.load %arg7[%swap3A_31, %swap3A_32] : memref<1000x1xf32, #tpu.memory_space<vmem>>, vector<1000x1xf32>
    tpu.vector_store %arg7[%swap3A_31, %swap3A_32], %rsqrt3A {strides = array<i32>} : memref<1000x1xf32, #tpu.memory_space<vmem>>, vector<1000x1xf32>,
    %swap3A_34 = arith.constant 0 : index
    %swap3A_35 = arith.constant 0 : index
    %swap3A_36 = vector.load %arg8[%swap3A_34, %swap3A_35] : memref<1000x1xf32, #tpu.memory_space<vmem>>, vector<1000x1xf32>
    tpu.vector_store %arg8[%swap3A_34, %swap3A_35], %rsqrt3A_14 {strides = array<i32>} : memref<1000x1xf32, #tpu.memory_space<vmem>>, vector<1000x1xf32>,
    return
  }
  func.func @transform_0(%arg0: i32) -> (i32, i32) {
    %c0_i32 = arith.constant 0 : i32
    %c0_i32_0 = arith.constant 0 : i32
    return %arg0, %c0_i32 : i32, i32
  }
  func.func @transform_1(%arg0: i32) -> (i32, i32) {
    %c0_i32 = arith.constant 0 : i32
    %c0_i32_0 = arith.constant 0 : i32
    %c0_i32_1 = arith.constant 0 : i32
    return %c0_i32, %c0_i32_0 : i32, i32
  }
  func.func @transform_2(%arg0: i32) -> (i32, i32) {
    %c0_i32 = arith.constant 0 : i32
    %c0_i32_0 = arith.constant 0 : i32
    return %arg0, %c0_i32 : i32, i32
  }
  func.func @transform_3(%arg0: i32) -> (i32, i32) {
    %c0_i32 = arith.constant 0 : i32
    %c0_i32_0 = arith.constant 0 : i32
    return %arg0, %c0_i32 : i32, i32
  }
  func.func @transform_4(%arg0: i32) -> (i32, i32) {
    %c0_i32 = arith.constant 0 : i32
    %c0_i32_0 = arith.constant 0 : i32
    return %arg0, %c0_i32 : i32, i32
  }
  func.func @transform_5(%arg0: i32) -> (i32, i32) {
    %c0_i32 = arith.constant 0 : i32
    %c0_i32_0 = arith.constant 0 : i32
    return %arg0, %c0_i32 : i32, i32
  }
  func.func @transform_6(%arg0: i32) -> (i32, i32) {
    %c0_i32 = arith.constant 0 : i32
    %c0_i32_0 = arith.constant 0 : i32
    return %arg0, %c0_i32 : i32, i32
  }
  func.func @transform_7(%arg0: i32) -> (i32, i32) {
    %c0_i32 = arith.constant 0 : i32
    %c0_i32_0 = arith.constant 0 : i32
    return %arg0, %c0_i32 : i32, i32
  }
}

module attributes {stable_mosaic.version = 14 : i64} {
  func.func @body(%arg0: memref<10000x64xf32, #tpu.memory_space<vmem>>, %arg1: memref<10000x64xf32, #tpu.memory_space<vmem>>, %arg2: memref<10000x64xf32, #tpu.memory_space<vmem>>, %arg3: memref<10000x64xf32, #tpu.memory_space<vmem>>, %arg4: memref<10000x1xf32, #tpu.memory_space<vmem>>, %arg5: memref<10000x1xf32, #tpu.memory_space<vmem>>, %arg6: memref<128xf32, #tpu.memory_space<vmem>>, %arg7: memref<128x64xf32, #tpu.memory_space<vmem>>, %arg8: memref<10000x64xf32, #tpu.memory_space<vmem>>) attributes {dimension_semantics = [], scalar_prefetch = 0 : i64, scratch_operands = 0 : i64, tpu.core_type = #tpu.core_type<tc>} {
    %get3A = arith.constant 0 : index
    %get3A_0 = arith.constant 0 : index
    %get3A_1 = vector.load %arg0[%get3A, %get3A_0] : memref<10000x64xf32, #tpu.memory_space<vmem>>, vector<10000x64xf32>
    %get3A_2 = arith.constant 0 : index
    %get3A_3 = arith.constant 0 : index
    %get3A_4 = vector.load %arg1[%get3A_2, %get3A_3] : memref<10000x64xf32, #tpu.memory_space<vmem>>, vector<10000x64xf32>
    %add3A = arith.addf %get3A_1, %get3A_4 : vector<10000x64xf32>
    %get3A_5 = arith.constant 0 : index
    %get3A_6 = arith.constant 0 : index
    %get3A_7 = vector.load %arg2[%get3A_5, %get3A_6] : memref<10000x64xf32, #tpu.memory_space<vmem>>, vector<10000x64xf32>
    %get3A_8 = arith.constant 0 : index
    %get3A_9 = arith.constant 0 : index
    %get3A_10 = vector.load %arg3[%get3A_8, %get3A_9] : memref<10000x64xf32, #tpu.memory_space<vmem>>, vector<10000x64xf32>
    %add3A_11 = arith.addf %get3A_7, %get3A_10 : vector<10000x64xf32>
    %concatenate3A = tpu.concatenate %add3A, %add3A_11 in 1 : vector<10000x64xf32>, vector<10000x64xf32> -> vector<10000x128xf32>
    %get3A_12 = arith.constant 0 : index
    %get3A_13 = arith.constant 0 : index
    %get3A_14 = vector.load %arg4[%get3A_12, %get3A_13] : memref<10000x1xf32, #tpu.memory_space<vmem>>, vector<10000x1xf32>
    %mul3A = vector.broadcast %get3A_14 : vector<10000x1xf32> to vector<10000x128xf32>
    %mul3A_15 = arith.mulf %concatenate3A, %mul3A : vector<10000x128xf32>
    %get3A_16 = arith.constant 0 : index
    %get3A_17 = vector.load %arg6[%get3A_16] : memref<128xf32, #tpu.memory_space<vmem>>, vector<128xf32>
    %broadcast_in_dim3A = vector.shape_cast %get3A_17 : vector<128xf32> to vector<1x128xf32>
    %add3A_18 = vector.broadcast %broadcast_in_dim3A : vector<1x128xf32> to vector<10000x128xf32>
    %add3A_19 = arith.addf %mul3A_15, %add3A_18 : vector<10000x128xf32>
    %gt3A = arith.constant 0.000000e+00 : f32
    %gt3A_20 = vector.broadcast %gt3A : f32 to vector<10000x128xf32>
    %gt3A_21 = arith.cmpf ogt, %add3A_19, %gt3A_20 : vector<10000x128xf32>
    %exp3A = math.exp %add3A_19 : vector<10000x128xf32>
    %sub3A = arith.constant 1.000000e+00 : f32
    %sub3A_22 = vector.broadcast %sub3A : f32 to vector<10000x128xf32>
    %sub3A_23 = arith.subf %exp3A, %sub3A_22 : vector<10000x128xf32>
    %mul3A_24 = arith.constant 1.67326319 : f32
    %mul3A_25 = vector.broadcast %mul3A_24 : f32 to vector<10000x128xf32>
    %mul3A_26 = arith.mulf %mul3A_25, %sub3A_23 : vector<10000x128xf32>
    %select_n3A = arith.select %gt3A_21, %add3A_19, %mul3A_26 : vector<10000x128xi1>, vector<10000x128xf32>
    %mul3A_27 = arith.constant 1.05070102 : f32
    %mul3A_28 = vector.broadcast %mul3A_27 : f32 to vector<10000x128xf32>
    %mul3A_29 = arith.mulf %mul3A_28, %select_n3A : vector<10000x128xf32>
    %get3A_30 = arith.constant 0 : index
    %get3A_31 = arith.constant 0 : index
    %get3A_32 = vector.load %arg5[%get3A_30, %get3A_31] : memref<10000x1xf32, #tpu.memory_space<vmem>>, vector<10000x1xf32>
    %mul3A_33 = vector.broadcast %get3A_32 : vector<10000x1xf32> to vector<10000x128xf32>
    %mul3A_34 = arith.mulf %mul3A_29, %mul3A_33 : vector<10000x128xf32>
    %get3A_35 = arith.constant 0 : index
    %get3A_36 = arith.constant 0 : index
    %get3A_37 = vector.load %arg7[%get3A_35, %get3A_36] : memref<128x64xf32, #tpu.memory_space<vmem>>, vector<128x64xf32>
    %dot_general3A = arith.constant dense<0.000000e+00> : vector<10000x64xf32>
    %dot_general3A_38 = tpu.matmul %mul3A_34, %get3A_37, %dot_general3A {dimension_numbers = #tpu.dot_dimension_numbers<[1], [0], [0], [1], [0, 0, 1, 1], [], []>, transpose_lhs_hint = false} : vector<10000x128xf32>, vector<128x64xf32>, vector<10000x64xf32> -> vector<10000x64xf32>
    %swap3A = arith.constant 0 : index
    %swap3A_39 = arith.constant 0 : index
    %swap3A_40 = vector.load %arg8[%swap3A, %swap3A_39] : memref<10000x64xf32, #tpu.memory_space<vmem>>, vector<10000x64xf32>
    tpu.vector_store %arg8[%swap3A, %swap3A_39], %dot_general3A_38 {strides = array<i32>} : memref<10000x64xf32, #tpu.memory_space<vmem>>, vector<10000x64xf32>,
    return
  }
}

module attributes {stable_mosaic.version = 14 : i64} {
  func.func @body(%arg0: memref<10000x64xf32, #tpu.memory_space<vmem>>, %arg1: memref<10000x64xf32, #tpu.memory_space<vmem>>, %arg2: memref<10000x1xf32, #tpu.memory_space<vmem>>, %arg3: memref<64xf32, #tpu.memory_space<vmem>>, %arg4: memref<10000x64xf32, #tpu.memory_space<vmem>>) attributes {dimension_semantics = [], scalar_prefetch = 0 : i64, scratch_operands = 0 : i64, tpu.core_type = #tpu.core_type<tc>} {
    %get3A = arith.constant 0 : index
    %get3A_0 = arith.constant 0 : index
    %get3A_1 = vector.load %arg0[%get3A, %get3A_0] : memref<10000x64xf32, #tpu.memory_space<vmem>>, vector<10000x64xf32>
    %get3A_2 = arith.constant 0 : index
    %get3A_3 = arith.constant 0 : index
    %get3A_4 = vector.load %arg1[%get3A_2, %get3A_3] : memref<10000x64xf32, #tpu.memory_space<vmem>>, vector<10000x64xf32>
    %add3A = arith.addf %get3A_1, %get3A_4 : vector<10000x64xf32>
    %get3A_5 = arith.constant 0 : index
    %get3A_6 = arith.constant 0 : index
    %get3A_7 = vector.load %arg2[%get3A_5, %get3A_6] : memref<10000x1xf32, #tpu.memory_space<vmem>>, vector<10000x1xf32>
    %mul3A = vector.broadcast %get3A_7 : vector<10000x1xf32> to vector<10000x64xf32>
    %mul3A_8 = arith.mulf %add3A, %mul3A : vector<10000x64xf32>
    %get3A_9 = arith.constant 0 : index
    %get3A_10 = vector.load %arg3[%get3A_9] : memref<64xf32, #tpu.memory_space<vmem>>, vector<64xf32>
    %broadcast_in_dim3A = vector.shape_cast %get3A_10 : vector<64xf32> to vector<1x64xf32>
    %add3A_11 = vector.broadcast %broadcast_in_dim3A : vector<1x64xf32> to vector<10000x64xf32>
    %add3A_12 = arith.addf %mul3A_8, %add3A_11 : vector<10000x64xf32>
    %reduce_max3A = arith.constant dense<0xFF800000> : vector<10000xf32>
    %reduce_max3A_13 = vector.multi_reduction <maximumf>, %add3A_12, %reduce_max3A [1] : vector<10000x64xf32> to vector<10000xf32>
    %broadcast_in_dim3A_14 = vector.shape_cast %reduce_max3A_13 : vector<10000xf32> to vector<10000x1xf32>
    %sub3A = vector.broadcast %broadcast_in_dim3A_14 : vector<10000x1xf32> to vector<10000x64xf32>
    %sub3A_15 = arith.subf %add3A_12, %sub3A : vector<10000x64xf32>
    %exp3A = math.exp %sub3A_15 : vector<10000x64xf32>
    %reduce_sum3A = arith.constant dense<0.000000e+00> : vector<10000xf32>
    %reduce_sum3A_16 = vector.multi_reduction <add>, %exp3A, %reduce_sum3A [1] : vector<10000x64xf32> to vector<10000xf32>
    %broadcast_in_dim3A_17 = vector.shape_cast %reduce_sum3A_16 : vector<10000xf32> to vector<10000x1xf32>
    %log3A = math.log %broadcast_in_dim3A_17 : vector<10000x1xf32>
    %add3A_18 = arith.addf %log3A, %broadcast_in_dim3A_14 : vector<10000x1xf32>
    %sub3A_19 = vector.broadcast %add3A_18 : vector<10000x1xf32> to vector<10000x64xf32>
    %sub3A_20 = arith.subf %add3A_12, %sub3A_19 : vector<10000x64xf32>
    %swap3A = arith.constant 0 : index
    %swap3A_21 = arith.constant 0 : index
    %swap3A_22 = vector.load %arg4[%swap3A, %swap3A_21] : memref<10000x64xf32, #tpu.memory_space<vmem>>, vector<10000x64xf32>
    tpu.vector_store %arg4[%swap3A, %swap3A_21], %sub3A_20 {strides = array<i32>} : memref<10000x64xf32, #tpu.memory_space<vmem>>, vector<10000x64xf32>,
    return
  }
}

</mosaic_0001>

<sc_bundles>
// kernel: kernel.12.cloned.1.call-start
scs
__scs_entry_jumppad:
0x0: {  	(pc) =	sbr.rel $0x88, $3  }
0x1: {  	(tag) =	ssettag $0x0;
	lr =	simm.s32 $0x1  }
0x2: {  	[smem:$0x3F9B] =	sst lr;
	_ =	strace $0xD0000000  }
0x3: {  	_ = 	snop  }
0x4: {  	_ = 	snop  }
0x5: {  	_ = 	snop  }
0x6: {  	_ = 	snop  }
0x7: {  	_ = 	snop  }
__scs_overlays_trampoline_lowered:
0x8: {  	[smem:$0x3FAA] =	sst s0  }
0x9: {  	[smem:$0x3FAB] =	sst s1  }
0xa: {  	[smem:$0x3FAC] =	sst s2  }
0xb: {  	[smem:$0x3FAD] =	sst s3  }
0xc: {  	[smem:$0x3FAE] =	sst s4  }
0xd: {  	[smem:$0x3FAF] =	sst s5  }
0xe: {  	[smem:$0x3FB0] =	sst s6  }
0xf: {  	[smem:$0x3FB1] =	sst s7  }
0x10: {  	[smem:$0x3FB2] =	sst s8  }
0x11: {  	[smem:$0x3FB3] =	sst s9;
	s0 =	simm.s32 @!p0 $0x0  }
0x12: {  	s1 =	sld [smem:$0x3F99];
	s0 =	simm.s32 @p0 $0x1  }
0x13: {  	[smem:$0x3FB4] =	sst s0;
	s0 =	simm.s32 @!p1 $0x0  }
0x14: {  	s2 =	sld [smem:$0x3F98];
	s0 =	simm.s32 @p1 $0x1  }
0x15: {  	[smem:$0x3FB5] =	sst s0;
	s0 =	simm.s32 @!p2 $0x0  }
0x16: {  	s3 =	sld [smem:$0x3FDB];
	s0 =	simm.s32 @p2 $0x1  }
0x17: {  	s4 =	simm.s32 $0x1BF5;
	[smem:$0x3FB7] =	sst s0  }
0x18: {  	s0 =	sld [smem:$0x3F9A];
	_ =	swait.ge [sflag:s4], $0x0  }
0x19: {  	s7 =	sld [smem:$0x3F9B]  }
0x1a: {  	s8 =	sadd.s32 $0xFFFFE003, lr  }
0x1b: {  	s9 =	sadd.s32 $0xFFFFFEF7, lr;
	s5 =	simm.s32 $0xFFFFFFFF;
	p2 =	slt.u32 s8, $0xFFFFF086  }
0x1c: {  	p1 =	slt.u32 s9, $0xF7A;
	s5 =	simm.s32 @!p2 $0x0  }
0x1d: {  	s5 =	simm.s32 @p1 $0x1;
	p0 =	seq.s32 s7, s2  }
0x1e: {  	s7 =	smul.u32 @!p0 $0xF7A, s2;
	p2 =	seq.s32 @!p0 s5, $0x0  }
0x1f: {  	s9 =	smul.u32 $0xF7A, s1;
	s8 =	simm.s32 @!p0 $0x1BF5;
	p2 =	por !p2, p0  }
0x20: {  	[sflag:s8] =	ssyncset.s32 @!p0 $0xFFFFF086;
	s6 =	sadd.s32 @!p0 s3, s7;
	s7 =	simm.s32 @!p0 $0x108  }
0x21: {  	s3 =	sadd.s32 s3, s9;
	s6 =	sadd.s32 @!p0 $0x88, s6;
	s7 =	simm.s32 @p2 $0x1082  }
0x22: {  	[simem:s7], [sflag:s8] =	dma.local @!p0 [hbm:s6], $0xF7A  }
0x23: {  	s9 =	sor.u32 $0xD0000000, s2;
	s6 =	simm.s32 $0x108;
	_ =	swait.ge @!p0 [sflag:s8], $0x0  }
0x24: {  	s3 =	sadd.s32 $0x88, s3;
	s6 =	simm.s32 @!p1 $0x1082;
	[sflag:s4] =	ssyncset.s32 $0xFFFFF086  }
0x25: {  	[simem:s6], [sflag:s4] =	dma.local [hbm:s3], $0xF7A  }
0x26: {  	[smem:$0x3F9B] =	sst s1;
	(tag) =	ssettag s2;
	_ =	strace s9  }
0x27: {  	s1 =	sld [smem:$0x3FAB]  }
0x28: {  	s2 =	sld [smem:$0x3FAC]  }
0x29: {  	s4 =	sld [smem:$0x3FAE]  }
0x2a: {  	p0 =	seq.s32 s5, $0x0;
	s5 =	sld [smem:$0x3FAF]  }
0x2b: {  	s6 =	sld [smem:$0x3FB0]  }
0x2c: {  	s7 =	sld [smem:$0x3FB1]  }
0x2d: {  	s3 =	simm.s32 $0x108;
	s8 =	sld [smem:$0x3FB2]  }
0x2e: {  	s3 =	simm.s32 @!p0 $0x1082;
	s9 =	sld [smem:$0x3FB3]  }
0x2f: {  	lr =	sadd.s32 s0, s3;
	s0 =	sld [smem:$0x3FAA]  }
0x30: {  	s3 =	sld [smem:$0x3FAD]  }
0x31: {  	[smem:$0x3FB6] =	sst s10  }
0x32: {  	s10 =	sld [smem:$0x3FB4];
	_ =	sdelay $0x3  }
0x33: {  	p0 =	seq.s32 s10, $0x1;
	s10 =	sld [smem:$0x3FB6];
	_ =	sdelay $0x3  }
0x34: {  	[smem:$0x3FB6] =	sst s10  }
0x35: {  	s10 =	sld [smem:$0x3FB5];
	_ =	sdelay $0x3  }
0x36: {  	p1 =	seq.s32 s10, $0x1;
	s10 =	sld [smem:$0x3FB6];
	_ =	sdelay $0x3  }
0x37: {  	[smem:$0x3FB6] =	sst s10  }
0x38: {  	s10 =	sld [smem:$0x3FB7]  }
0x39: {  	_ = 	snop;
	(pc) =	sbr.ind lr, $3  }
0x3a: {  	_ = 	snop  }
0x3b: {  	_ = 	snop  }
0x3c: {  	p2 =	seq.s32 s10, $0x1;
	s10 =	sld [smem:$0x3FB6]  }
0x3d: {  	_ =	shalt  }
0x3e: {  	_ =	shalt  }
0x3f: {  	_ =	shalt  }
0x40: {  	_ =	shalt  }
0x41: {  	_ =	shalt  }
0x42: {  	_ =	shalt  }
0x43: {  	_ =	shalt  }
0x44: {  	_ =	shalt  }
0x45: {  	_ =	shalt  }
0x46: {  	_ =	shalt  }
0x47: {  	_ =	shalt  }
0x48: {  	_ =	shalt  }
0x49: {  	_ =	shalt  }
0x4a: {  	_ =	shalt  }
0x4b: {  	_ =	shalt  }
0x4c: {  	_ =	shalt  }
0x4d: {  	_ =	shalt  }
0x4e: {  	_ =	shalt  }
0x4f: {  	_ =	shalt  }
0x50: {  	_ =	shalt  }
0x51: {  	_ =	shalt  }
0x52: {  	_ =	shalt  }
0x53: {  	_ =	shalt  }
0x54: {  	_ =	shalt  }
0x55: {  	_ =	shalt  }
0x56: {  	_ =	shalt  }
0x57: {  	_ =	shalt  }
0x58: {  	_ =	shalt  }
0x59: {  	_ =	shalt  }
0x5a: {  	_ =	shalt  }
0x5b: {  	_ =	shalt  }
0x5c: {  	_ =	shalt  }
0x5d: {  	_ =	shalt  }
0x5e: {  	_ =	shalt  }
0x5f: {  	_ =	shalt  }
0x60: {  	_ =	shalt  }
0x61: {  	_ =	shalt  }
0x62: {  	_ =	shalt  }
0x63: {  	_ =	shalt  }
0x64: {  	_ =	shalt  }
0x65: {  	_ =	shalt  }
0x66: {  	_ =	shalt  }
0x67: {  	_ =	shalt  }
0x68: {  	_ =	shalt  }
0x69: {  	_ =	shalt  }
0x6a: {  	_ =	shalt  }
0x6b: {  	_ =	shalt  }
0x6c: {  	_ =	shalt  }
0x6d: {  	_ =	shalt  }
0x6e: {  	_ =	shalt  }
0x6f: {  	_ =	shalt  }
0x70: {  	_ =	shalt  }
0x71: {  	_ =	shalt  }
0x72: {  	_ =	shalt  }
0x73: {  	_ =	shalt  }
0x74: {  	_ =	shalt  }
0x75: {  	_ =	shalt  }
0x76: {  	_ =	shalt  }
0x77: {  	_ =	shalt  }
0x78: {  	_ =	shalt  }
0x79: {  	_ =	shalt  }
0x7a: {  	_ =	shalt  }
0x7b: {  	_ =	shalt  }
0x7c: {  	_ =	shalt  }
0x7d: {  	_ =	shalt  }
0x7e: {  	_ =	shalt  }
0x7f: {  	_ =	shalt  }
0x80: {  	_ =	shalt  }
0x81: {  	_ =	shalt  }
0x82: {  	_ =	shalt  }
0x83: {  	_ =	shalt  }
0x84: {  	_ =	shalt  }
0x85: {  	_ =	shalt  }
0x86: {  	_ =	shalt  }
0x87: {  	_ =	shalt  }
.Lfunc_end0:
.L_simem_size_0:
called_computation.1_lowered:
.L_overlay_start_0:
0x88: {  	s2 =	sld [smem:$0x3FD9]  }
0x89: {  	s3 =	sld [smem:$0x3FFE];
	_ =	sdelay $0x1  }
0x8a: {  	s1 =	srdreg.scid  }
0x8b: {  	s0 =	sand.u32 $0x1, s1  }
0x8c: {  	s16 =	sshll.u32 s0, $0xA;
	s2 =	sadd.s32 s3, s2  }
0x8d: {  	s2 =	sadd.s32 s2, s16  }
0x8e: {  	[smem:$0x3FC2] =	sst s2  }
0x8f: {  	_ = 	snop  }
0x90: {  	(tm) =	ssettm $0x1  }
0x91: {  	s17 =	sld [smem:$0x3FFB];
	_ =	sdelay $0x3  }
0x92: {  	_ =	strace s17  }
0x93: {  	s2 =	sld [smem:$0x3FFC];
	_ =	sdelay $0x3  }
0x94: {  	_ =	strace s2  }
0x95: {  	s2 =	sld [smem:$0x3FFD];
	_ =	sdelay $0x3  }
0x96: {  	_ =	strace s2  }
0x97: {  	_ =	strace $0x8FFFFFFF  }
0x98: {  	s18 =	sld [smem:$0x3FDB];
	_ =	sdelay $0x1  }
0x99: {  	s19 =	simm.s32 $_scs_section_size  }
0x9a: {  	s4 =	simm.s32 $_size__tile_overlayer_lowered;
	s5 =	simm.s32 $_tile_overlayer_lowered  }
0x9b: {  	s22 =	simm.s32 $0x1BFF;
	s21 =	sshll.u32 s5, $0x1;
	s2 =	sadd.s32 s19, s18  }
0x9c: {  	s6 =	simm.s32 $0x0;
	s20 =	sshll.u32 s4, $0x1;
	s4 =	sadd.s32 s21, s2  }
0x9d: {  	[timem:s6], [sflag:s22] =	dma.local [hbm:s4], s20  }
0x9e: {  	_ =	swait.ge [sflag:s22], s20  }
0x9f: {  	s3 =	ssub.s32 $0x0, s20;
	[sflag:s22] =	ssyncset.done $0x0  }
0xa0: {  	[sflag:s22] =	ssyncadd.s32 s3;
	_ =	sdelay $0x1  }
0xa1: {  	s23 =	simm.s32 $0x1B8B  }
0xa2: {  	_ =	swait.ge [sflag:s23], $0x1  }
0xa3: {  	[sflag:s23] =	ssyncset.done $0x0  }
0xa4: {  	s25 =	simm.s32 $0x1B8E;
	s24 =	sld [smem:$0x3FFE];
	[sflag:s23] =	ssyncadd.s32 $0xFFFFFFFF  }
0xa5: {  	s26 =	simm.s32 $execute0_lowered;
	[smem:$0x3FD2] =	sst s25  }
0xa6: {  	s4 =	sshll.u32 s26, $0x1;
	_ =	strace $0x80000049;
	[dreg:$0x1] =	wrdreg $0xFFFFFFFF  }
0xa7: {  	s28 =	simm.s32 $_size_execute0_lowered;
	s2 =	sadd.s32 s2, s4;
	[dreg:$0x0] =	wrdreg $0x0  }
0xa8: {  	s4 =	sshll.u32 s28, $0x1;
	[dreg:$0x2] =	wrdreg s2  }
0xa9: {  	[dreg:$0x3] =	wrdreg s4  }
0xaa: {  	[dreg:$0x4] =	wrdreg $0xC0  }
0xab: {  	_ =	task [dreg:s6], $0x5FFFF  }
0xac: {  	[dreg:$0x1] =	wrdreg $0xFFFFFFFF  }
0xad: {  	[dreg:$0x0] =	wrdreg $0x60  }
0xae: {  	[dreg:$0x2] =	wrdreg s24  }
0xaf: {  	[dreg:$0x3] =	wrdreg $0xC4000  }
0xb0: {  	[dreg:$0x4] =	wrdreg $0x160800  }
0xb1: {  	[dreg:$0x5] =	wrdreg $0x9  }
0xb2: {  	_ =	task.clear_ibuf [dreg:s6], $0x6FFFF;
	_ =	strace $0x90000049  }
0xb3: {  	s29 =	simm.s32 $0x9;
	_ =	strace $0x8000004B  }
0xb4: {  	_ =	swait.ge [sflag:s29], $0x1  }
0xb5: {  	[sflag:s29] =	ssyncadd.s32 $0xFFFFFFFF  }
0xb6: {  	_ =	strace $0x9000004B  }
0xb7: {  	_ =	sfence  }
0xb8: {  	s30 =	sld [smem:$0x0];
	_ =	sdelay $0x2  }
0xb9: {  	s31 =	sshll.u32 s1, $0xD;
	s1 =	sshrl.u32 s1, $0x2  }
0xba: {  	s3 =	sand.u32 $0x4000, s31;
	s1 =	sadd.s32 s1, s30  }
0xbb: {  	s0 =	sor.u32 s3, s0;
	s1 =	sshll.u32 s1, $0x11  }
0xbc: {  	s0 =	sor.u32 s1, s0  }
0xbd: {  	s0 =	sadd.s32 $0x8F2B, s0  }
0xbe: {  	[sflag:s0] =	ssyncadd.remote.s32 $0x1  }
0xbf: {  	_ =	sfence.sel $0xFFFF  }
0xc0: {  	[dreg:$0x0] =	wrdreg $0xFFFFFFFF;
	(pc) =	sbr.abs _section_cstart, $3  }
0xc1: {  	[dreg:$0x1] =	wrdreg $0xFFFFFFFF  }
0xc2: {  	_ =	task.clear_ibuf [dreg:s6], $0x2FFFF;
	_ =	strace $0x9FFFFFFF  }
0xc3: {  	(tm) =	ssettm $0x7FFFFFFF  }
tec
execute0_lowered:
.L_overlay_start_1:
0x0: {  	(tag) =	ssettag $0x1  }
0x1: {  	s0 =	rddreg [dreg:$0x0];
	s2 =	srdreg.scid;
	s1 =	simm.s32 $0x0  }
0x2: {  	s20 =	stileid.u32;
	s28 =	simm.s32 $0x1;
	s29 =	simm.s32 $0x3  }
0x3: {  	s30 =	simm.s32 $0x5;
	s31 =	simm.s32 $0x2;
	s4 =	sand.u32 $0x1, s2  }
0x4: {  	s5 =	sadd.s32 $0x2C00, s0;
	s23 =	sshll.u32 s20, $0x1;
	s7 =	smul.u32 $0x9C00, s20  }
0x5: {  	s9 =	sadd.s32 $0x82A00, s0;
	[smem:$0x7FF] =	sst s1;
	s14 =	smul.u32 $0x9C400, s4  }
0x6: {  	s3 =	ssub.s32 $0x2, s4;
	s2 =	sor.u32 s4, s23;
	s4 =	smul.u32 $0x2800, s4  }
0x7: {  	p0 =	sne.s32 s20, $0xF;
	s6 =	sshrl.u32 s3, $0x1;
	s8 =	smul.u32 $0x2800, s2  }
0x8: {  	s10 =	sadd.s32 $0x3400, s7;
	s11 =	sadd.s32 $0x4E00, s7;
	s12 =	sshrl.u32 s7, $0x3  }
0x9: {  	s16 =	sadd.s32 $0x8200, s7;
	s2 =	ssub.s32 s3, s6;
	s6 =	sadd.s32 $0x1A00, s7  }
0xa: {  	s3 =	sadd.s32 $0x6800, s7;
	s12 =	sadd.s32 s5, s12;
	s25 =	sshrl.u32 s10, $0x3  }
0xb: {  	s26 =	sshrl.u32 s11, $0x3;
	s18 =	sshrl.u32 s16, $0x3;
	s19 =	sadd.s32 s7, s14  }
0xc: {  	s13 =	sshrl.u32 s6, $0x3;
	[dreg:$0x4] =	wrdreg s12;
	s12 =	sadd.s32 s5, s25  }
0xd: {  	s15 =	sadd.s32 s5, s26;
	s17 =	sshrl.u32 s3, $0x3;
	s21 =	sshrl.u32 s19, $0x3  }
0xe: {  	s22 =	sadd.s32 s14, s6;
	s26 =	sadd.s32 s14, s11;
	[dreg:$0x6] =	wrdreg s12  }
0xf: {  	s8 =	sshrl.u32 s8, $0x3;
	s24 =	sadd.s32 s5, s13;
	[dreg:$0x7] =	wrdreg s15  }
0x10: {  	s12 =	sadd.s32 s5, s17;
	s5 =	sadd.s32 s5, s18;
	s23 =	sshrl.u32 s22, $0x3  }
0x11: {  	s13 =	sshrl.u32 s26, $0x3;
	s15 =	sadd.s32 s14, s3;
	[dreg:$0x5] =	wrdreg s24  }
0x12: {  	s18 =	sadd.s32 s14, s16;
	s22 =	smul.u32 $0x5000, s20;
	[dreg:$0x8] =	wrdreg s12  }
0x13: {  	[dreg:$0x9] =	wrdreg s5;
	s5 =	sadd.s32 s9, s21;
	s24 =	sadd.s32 s14, s10  }
0x14: {  	s17 =	sshrl.u32 s15, $0x3;
	s19 =	sshrl.u32 s18, $0x3;
	s15 =	rddreg [dreg:$0x1]  }
0x15: {  	s21 =	sshrl.u32 s14, $0x3;
	[dreg:$0xa] =	wrdreg s5;
	s5 =	sadd.s32 s9, s23  }
0x16: {  	s25 =	sshrl.u32 s24, $0x3;
	s4 =	sadd.s32 s4, s22;
	s23 =	sadd.s32 s8, s0  }
0x17: {  	s24 =	sadd.s32 $0x20600, s0;
	s22 =	sadd.s32 s6, s15;
	s0 =	sadd.s32 $0x16400, s0  }
0x18: {  	[dreg:$0xb] =	wrdreg s5;
	s5 =	sadd.s32 s9, s25;
	s14 =	sadd.s32 s24, s8  }
0x19: {  	s25 =	sor.u32 $0x200, s4;
	s4 =	sor.u32 $0x300, s4;
	s26 =	sadd.s32 $0x2A600, s23  }
0x1a: {  	s23 =	sadd.s32 s10, s15;
	[dreg:$0xc] =	wrdreg s5;
	s5 =	sadd.s32 s9, s13  }
0x1b: {  	s8 =	sshrl.u32 s25, $0x3;
	s4 =	sshrl.u32 s4, $0x3;
	[dreg:$0xd] =	wrdreg s5  }
0x1c: {  	s25 =	sadd.s32 s3, s15;
	s5 =	sadd.s32 s9, s17;
	s17 =	rddreg [dreg:$0x2]  }
0x1d: {  	s18 =	sadd.s32 s8, s24;
	[dreg:$0xe] =	wrdreg s5;
	s5 =	sadd.s32 s9, s19  }
0x1e: {  	s19 =	sadd.s32 s4, s24;
	s8 =	sadd.s32 s7, s17;
	s6 =	sadd.s32 s6, s17  }
0x1f: {  	s12 =	sadd.s32 s10, s17;
	s24 =	sadd.s32 s11, s15;
	s13 =	sadd.s32 s11, s17  }
0x20: {  	s3 =	sadd.s32 s3, s17;
	[dreg:$0xf] =	wrdreg s5;
	s5 =	sadd.s32 s9, s21  }
0x21: {  	s21 =	sadd.s32 s7, s15;
	s9 =	sadd.s32 s16, s17;
	s10 =	sshrl.u32 s8, $0x3  }
0x22: {  	s11 =	sshrl.u32 s6, $0x3;
	_ =	strace $0x8000004A;
	[dreg:$0x10] =	wrdreg s26  }
0x23: {  	s12 =	sshrl.u32 s12, $0x3;
	s13 =	sshrl.u32 s13, $0x3;
	[dreg:$0x11] =	wrdreg s0  }
0x24: {  	s6 =	sadd.s32 $0x20, s14;
	s7 =	sadd.s32 $0x9C000, s15;
	[dreg:$0x14] =	wrdreg s10  }
0x25: {  	s8 =	simm.s32 $0x6;
	s26 =	sadd.s32 s16, s15;
	[dreg:$0x15] =	wrdreg s11  }
0x26: {  	s16 =	sadd.s32 $0x13800, s5;
	s5 =	smax.u32 s2, $0x1;
	[dreg:$0x16] =	wrdreg s12  }
0x27: {  	[dreg:$0x17] =	wrdreg s13;
	s0 =	sadd.s32 $0x9C000, s17;
	s20 =	sshrl.u32 s9, $0x3  }
0x28: {  	s9 =	simm.s32 $0x2800;
	s10 =	simm.s32 $0x2900;
	[dreg:$0x12] =	wrdreg s16  }
0x29: {  	s11 =	simm.s32 $0xAA00;
	s12 =	simm.s32 $0x100;
	[dreg:$0x13] =	wrdreg s5  }
0x2a: {  	s13 =	simm.s32 $0x2A00;
	s16 =	sshrl.u32 s3, $0x3;
	[dreg:$0x19] =	wrdreg s20  }
0x2b: {  	s0 =	sshrl.u32 @!p0 s0, $0x3;
	s20 =	simm.s32 $0x6A00;
	[dreg:$0x18] =	wrdreg s16  }
0x2c: {  	v0 =	vimm.f32 $0.0e+00;
	[dreg:$0x1a] =	wrdreg s0;
	s16 =	simm.s32 $0x4;
	s0 =	simm.s32 $0x0  }
.LBB2_1:
0x2d: {  	s2 =	rddreg [dreg:$0x10]  }
0x2e: {  	[tilespmem:s1], [sflag:$0x6] =	stream.linear.gather [hbm4b:s2+s1], $0x2800, $0x38;
	[tilespmem:$0x1FD00] =	vst v63  }
0x2f: {  	_ =	swait.ge [sflag:s8], $0x2800  }
0x30: {  	[sflag:s8] =	ssyncset.done $0x0  }
0x31: {  	[sflag:s8] =	ssyncadd.s32 $0xFFFFD800  }
0x32: {  	[tilespmem:s9], [sflag:$0x3] =	stream.linear.gather [hbm4b:s14+s1], $0x100, $0x38;
	[tilespmem:$0x1FD00] =	vst v63  }
0x33: {  	s3 =	simm.s32 $0x100;
	s2 =	simm.s32 $0x0  }
0x34: {  	[tilespmem:s10], [sflag:$0x4] =	stream.linear.gather [hbm4b:s6+s1], $0x100, $0x38;
	[tilespmem:$0x1FD00] =	vst v63  }
.LBB2_2:
0x35: {  	p1 =	sne.s32 s3, $0x6700;
	[tilespmem:s2+$0xAA30] =	vst v0;
	s4 =	smov.u32 s3;
	s3 =	sadd.s32 $0x100, s3  }
.Ltmp0:
0x36: {  	[tilespmem:s2+$0xAA20] =	vst v0;
	(pc) =	sbr.rel @p1 .LBB2_2-.Ltmp0, $3  }
0x37: {  	[tilespmem:s2+$0xAA00] =	vst v0  }
0x38: {  	[tilespmem:s2+$0xAA10] =	vst v0;
	_ =	sdelay $0x1  }
0x39: {  	s2 =	sshra.s32 s4, $0x2  }
0x3a: {  	[tilespmem:s2+$0xAA30] =	vst v0  }
0x3b: {  	[tilespmem:s2+$0xAA20] =	vst v0  }
0x3c: {  	[tilespmem:s2+$0xAA00] =	vst v0  }
0x3d: {  	[tilespmem:s2+$0xAA10] =	vst v0  }
0x3e: {  	[spmem:s21] =	stream.linear.scatter [tilespmem:s11], [sflag:$0x6], $0x1A00, $0x38;
	[tilespmem:$0x1FD00] =	vst v63  }
0x3f: {  	_ =	swait.ge [sflag:s8], $0x1A00  }
0x40: {  	[sflag:s8] =	ssyncset.done $0x0  }
0x41: {  	[sflag:s8] =	ssyncadd.s32 $0xFFFFE600  }
0x42: {  	[spmem:s22] =	stream.linear.scatter [tilespmem:s11], [sflag:$0x6], $0x1A00, $0x38;
	[tilespmem:$0x1FD00] =	vst v63  }
0x43: {  	_ =	swait.ge [sflag:s8], $0x1A00  }
0x44: {  	[sflag:s8] =	ssyncset.done $0x0  }
0x45: {  	[sflag:s8] =	ssyncadd.s32 $0xFFFFE600  }
0x46: {  	[spmem:s23] =	stream.linear.scatter [tilespmem:s11], [sflag:$0x6], $0x1A00, $0x38;
	[tilespmem:$0x1FD00] =	vst v63  }
0x47: {  	_ =	swait.ge [sflag:s8], $0x1A00  }
0x48: {  	[sflag:s8] =	ssyncset.done $0x0  }
0x49: {  	[sflag:s8] =	ssyncadd.s32 $0xFFFFE600  }
0x4a: {  	[spmem:s24] =	stream.linear.scatter [tilespmem:s11], [sflag:$0x6], $0x1A00, $0x38;
	[tilespmem:$0x1FD00] =	vst v63  }
0x4b: {  	_ =	swait.ge [sflag:s8], $0x1A00  }
0x4c: {  	[sflag:s8] =	ssyncset.done $0x0  }
0x4d: {  	[sflag:s8] =	ssyncadd.s32 $0xFFFFE600  }
0x4e: {  	[spmem:s25] =	stream.linear.scatter [tilespmem:s11], [sflag:$0x6], $0x1A00, $0x38;
	[tilespmem:$0x1FD00] =	vst v63  }
0x4f: {  	_ =	swait.ge [sflag:s8], $0x1A00  }
0x50: {  	[sflag:s8] =	ssyncset.done $0x0  }
0x51: {  	[sflag:s8] =	ssyncadd.s32 $0xFFFFE600  }
0x52: {  	[spmem:s26] =	stream.linear.scatter [tilespmem:s11], [sflag:$0x6], $0x1A00, $0x38;
	[tilespmem:$0x1FD00] =	vst v63  }
0x53: {  	_ =	swait.ge [sflag:s8], $0x1A00  }
0x54: {  	[sflag:s8] =	ssyncset.done $0x0  }
0x55: {  	s2 =	simm.s32 @!p0 $0xAA00;
	[sflag:s8] =	ssyncadd.s32 $0xFFFFE600  }
0x56: {  	[spmem:s7] =	stream.linear.scatter @!p0 [tilespmem:s2], [sflag:$0x6], $0x400, $0x38;
	[tilespmem:$0x1FD00] =	vst v63  }
0x57: {  	s2 =	simm.s32 @!p0 $0x6  }
0x58: {  	s3 =	stileid.u32;
	_ =	swait.ge @!p0 [sflag:s2], $0x400  }
0x59: {  	s3 =	sshll.u32 s3, $0x6;
	[sflag:s2] =	ssyncset.done @!p0 $0x0;
	s4 =	rddreg [dreg:$0x4]  }
0x5a: {  	s3 =	sor.u32 $0x1C06, s3;
	s5 =	rddreg [dreg:$0x14];
	[sflag:s2] =	ssyncadd.s32 @!p0 $0xFFFFFC00  }
0x5b: {  	[spmem:s5], [sflag:s3] =	dma.local [hbm:s4], $0x340  }
0x5c: {  	_ =	swait.ge [sflag:s8], $0x340  }
0x5d: {  	[sflag:s8] =	ssyncset.done $0x0;
	s4 =	rddreg [dreg:$0x5]  }
0x5e: {  	s5 =	rddreg [dreg:$0x15];
	[sflag:s8] =	ssyncadd.s32 $0xFFFFFCC0  }
0x5f: {  	[spmem:s5], [sflag:s3] =	dma.local [hbm:s4], $0x340  }
0x60: {  	_ =	swait.ge [sflag:s8], $0x340  }
0x61: {  	[sflag:s8] =	ssyncset.done $0x0;
	s4 =	rddreg [dreg:$0x6]  }
0x62: {  	s5 =	rddreg [dreg:$0x16];
	[sflag:s8] =	ssyncadd.s32 $0xFFFFFCC0  }
0x63: {  	[spmem:s5], [sflag:s3] =	dma.local [hbm:s4], $0x340  }
0x64: {  	_ =	swait.ge [sflag:s8], $0x340  }
0x65: {  	[sflag:s8] =	ssyncset.done $0x0;
	s4 =	rddreg [dreg:$0x7]  }
0x66: {  	s5 =	rddreg [dreg:$0x17];
	[sflag:s8] =	ssyncadd.s32 $0xFFFFFCC0  }
0x67: {  	[spmem:s5], [sflag:s3] =	dma.local [hbm:s4], $0x340  }
0x68: {  	_ =	swait.ge [sflag:s8], $0x340  }
0x69: {  	[sflag:s8] =	ssyncset.done $0x0;
	s4 =	rddreg [dreg:$0x8]  }
0x6a: {  	s5 =	rddreg [dreg:$0x18];
	[sflag:s8] =	ssyncadd.s32 $0xFFFFFCC0  }
0x6b: {  	[spmem:s5], [sflag:s3] =	dma.local [hbm:s4], $0x340  }
0x6c: {  	_ =	swait.ge [sflag:s8], $0x340  }
0x6d: {  	[sflag:s8] =	ssyncset.done $0x0;
	s4 =	rddreg [dreg:$0x9]  }
0x6e: {  	s5 =	rddreg [dreg:$0x19];
	[sflag:s8] =	ssyncadd.s32 $0xFFFFFCC0  }
0x6f: {  	[spmem:s5], [sflag:s3] =	dma.local [hbm:s4], $0x340  }
0x70: {  	_ =	swait.ge [sflag:s8], $0x340  }
0x71: {  	[sflag:s8] =	ssyncset.done $0x0;
	s4 =	rddreg [dreg:$0x11]  }
0x72: {  	s5 =	rddreg [dreg:$0x1a];
	[sflag:s8] =	ssyncadd.s32 $0xFFFFFCC0  }
0x73: {  	[spmem:s5], [sflag:s3] =	dma.local @!p0 [hbm:s4], $0x80  }
0x74: {  	_ =	swait.ge @!p0 [sflag:s2], $0x80  }
0x75: {  	[sflag:s2] =	ssyncset.done @!p0 $0x0  }
0x76: {  	[sflag:s2] =	ssyncadd.s32 @!p0 $0xFFFFFF80  }
0x77: {  	s5 =	simm.s32 $0x0;
	[bflag:$0x0] =	sbarrier.arrive $0xFFFF  }
0x78: {  	[tilespmem:s13], [sflag:$0x1] =	stream.indirect.gather [spmem:s17], $0x40, s5, s12, $0xb8;
	[tilespmem:$0x1FD00] =	vst v63  }
0x79: {  	_ = 	snop  }
0x7a: {  	[tilespmem:s20], [sflag:$0x2] =	stream.indirect.gather [spmem:s17], $0x40, s12, s12, $0xb8;
	[tilespmem:$0x1FD00] =	vst v63  }
0x7b: {  	_ =	swait.ge [sflag:s28], $0x4000  }
0x7c: {  	[sflag:s28] =	ssyncset.done $0x0  }
0x7d: {  	[sflag:s28] =	ssyncadd.s32 $0xFFFFC000  }
0x7e: {  	_ =	swait.ge [sflag:s29], $0x100  }
0x7f: {  	[sflag:s29] =	ssyncset.done $0x0  }
0x80: {  	[sflag:s29] =	ssyncadd.s32 $0xFFFFFF00  }
0x81: {  	[spmem:s15] =	stream.indirect.scatter.add.f32 [tilespmem:s13], [sflag:$0x5], $0x40, s9, s12, $0xb8;
	[tilespmem:$0x1FD00] =	vst v63  }
0x82: {  	_ =	swait.ge [sflag:s30], $0x4000  }
0x83: {  	[sflag:s30] =	ssyncset.done $0x0  }
0x84: {  	s3 =	simm.s32 $0x200;
	[sflag:s30] =	ssyncadd.s32 $0xFFFFC000  }
0x85: {  	[tilespmem:s13], [sflag:$0x1] =	stream.indirect.gather [spmem:s17], $0x40, s3, s12, $0xb8;
	[tilespmem:$0x1FD00] =	vst v63  }
0x86: {  	s4 =	sadd.s32 $0x0, s18  }
0x87: {  	[tilespmem:s9], [sflag:$0x3] =	stream.linear.gather [hbm4b:s4+s1], $0x100, $0x38;
	[tilespmem:$0x1FD00] =	vst v63  }
0x88: {  	_ =	swait.ge [sflag:s31], $0x4000  }
0x89: {  	[sflag:s31] =	ssyncset.done $0x0  }
0x8a: {  	[sflag:s31] =	ssyncadd.s32 $0xFFFFC000  }
0x8b: {  	_ =	swait.ge [sflag:s16], $0x100  }
0x8c: {  	[sflag:s16] =	ssyncset.done $0x0  }
0x8d: {  	[sflag:s16] =	ssyncadd.s32 $0xFFFFFF00  }
0x8e: {  	[spmem:s15] =	stream.indirect.scatter.add.f32 [tilespmem:s20], [sflag:$0x5], $0x40, s10, s12, $0xb8;
	[tilespmem:$0x1FD00] =	vst v63  }
0x8f: {  	_ =	swait.ge [sflag:s30], $0x4000  }
0x90: {  	s2 =	simm.s32 $0x40;
	s5 =	simm.s32 $0x300;
	[sflag:s30] =	ssyncset.done $0x0  }
0x91: {  	s3 =	simm.s32 $0x400;
	s4 =	sadd.s32 $0x0, s19;
	[sflag:s30] =	ssyncadd.s32 $0xFFFFC000  }
0x92: {  	[tilespmem:s20], [sflag:$0x2] =	stream.indirect.gather [spmem:s17], $0x40, s5, s12, $0xb8;
	[tilespmem:$0x1FD00] =	vst v63  }
.LBB2_4:
0x93: {  	[tilespmem:s10], [sflag:$0x4] =	stream.linear.gather [hbm4b:s4+s1], $0x100, $0x38;
	[tilespmem:$0x1FD00] =	vst v63  }
0x94: {  	s4 =	smov.u32 s2  }
0x95: {  	p1 =	sne.s32 s2, $0x480;
	s2 =	sadd.s32 $0x40, s2;
	_ =	swait.ge [sflag:s28], $0x4000  }
0x96: {  	[sflag:s28] =	ssyncset.done $0x0  }
0x97: {  	[sflag:s28] =	ssyncadd.s32 $0xFFFFC000  }
0x98: {  	_ =	swait.ge [sflag:s29], $0x100  }
0x99: {  	[sflag:s29] =	ssyncset.done $0x0  }
0x9a: {  	[sflag:s29] =	ssyncadd.s32 $0xFFFFFF00  }
0x9b: {  	[spmem:s15] =	stream.indirect.scatter.add.f32 [tilespmem:s13], [sflag:$0x5], $0x40, s9, s12, $0xb8;
	[tilespmem:$0x1FD00] =	vst v63  }
0x9c: {  	_ =	swait.ge [sflag:s30], $0x4000  }
0x9d: {  	[sflag:s30] =	ssyncset.done $0x0  }
0x9e: {  	[sflag:s30] =	ssyncadd.s32 $0xFFFFC000  }
0x9f: {  	[tilespmem:s13], [sflag:$0x1] =	stream.indirect.gather [spmem:s17], $0x40, s3, s12, $0xb8;
	[tilespmem:$0x1FD00] =	vst v63  }
0xa0: {  	s5 =	sadd.s32 s4, s18  }
0xa1: {  	[tilespmem:s9], [sflag:$0x3] =	stream.linear.gather [hbm4b:s5+s1], $0x100, $0x38;
	[tilespmem:$0x1FD00] =	vst v63  }
0xa2: {  	_ =	swait.ge [sflag:s31], $0x4000  }
0xa3: {  	[sflag:s31] =	ssyncset.done $0x0  }
0xa4: {  	[sflag:s31] =	ssyncadd.s32 $0xFFFFC000  }
0xa5: {  	_ =	swait.ge [sflag:s16], $0x100  }
0xa6: {  	[sflag:s16] =	ssyncset.done $0x0  }
0xa7: {  	[sflag:s16] =	ssyncadd.s32 $0xFFFFFF00  }
0xa8: {  	[spmem:s15] =	stream.indirect.scatter.add.f32 [tilespmem:s20], [sflag:$0x5], $0x40, s10, s12, $0xb8;
	[tilespmem:$0x1FD00] =	vst v63  }
.Ltmp1:
0xa9: {  	_ =	swait.ge [sflag:s30], $0x4000;
	(pc) =	sbr.rel @p1 .LBB2_4-.Ltmp1, $4  }
0xaa: {  	[sflag:s30] =	ssyncset.done $0x0  }
0xab: {  	s5 =	sadd.s32 $0x100, s3;
	[sflag:s30] =	ssyncadd.s32 $0xFFFFC000  }
0xac: {  	[tilespmem:s20], [sflag:$0x2] =	stream.indirect.gather [spmem:s17], $0x40, s5, s12, $0xb8;
	[tilespmem:$0x1FD00] =	vst v63  }
0xad: {  	s4 =	sadd.s32 s4, s19;
	s3 =	sadd.s32 $0x200, s3  }
0xae: {  	[tilespmem:s10], [sflag:$0x4] =	stream.linear.gather [hbm4b:s4+s1], $0x100, $0x38;
	[tilespmem:$0x1FD00] =	vst v63  }
0xaf: {  	_ =	swait.ge [sflag:s28], $0x4000  }
0xb0: {  	[sflag:s28] =	ssyncset.done $0x0  }
0xb1: {  	[sflag:s28] =	ssyncadd.s32 $0xFFFFC000  }
0xb2: {  	_ =	swait.ge [sflag:s29], $0x100  }
0xb3: {  	[sflag:s29] =	ssyncset.done $0x0  }
0xb4: {  	[sflag:s29] =	ssyncadd.s32 $0xFFFFFF00  }
0xb5: {  	[spmem:s15] =	stream.indirect.scatter.add.f32 [tilespmem:s13], [sflag:$0x5], $0x40, s9, s12, $0xb8;
	[tilespmem:$0x1FD00] =	vst v63  }
0xb6: {  	_ =	swait.ge [sflag:s30], $0x4000  }
0xb7: {  	[sflag:s30] =	ssyncset.done $0x0  }
0xb8: {  	[sflag:s30] =	ssyncadd.s32 $0xFFFFC000  }
0xb9: {  	[tilespmem:s13], [sflag:$0x1] =	stream.indirect.gather [spmem:s17], $0x40, s1, s12, $0xb8;
	[tilespmem:$0x1FD00] =	vst v63  }
0xba: {  	_ = 	snop  }
0xbb: {  	[tilespmem:s9], [sflag:$0x3] =	stream.linear.gather [hbm4b:s14+s1], $0x100, $0x38;
	[tilespmem:$0x1FD00] =	vst v63  }
0xbc: {  	_ =	swait.ge [sflag:s31], $0x4000  }
0xbd: {  	[sflag:s31] =	ssyncset.done $0x0  }
0xbe: {  	[sflag:s31] =	ssyncadd.s32 $0xFFFFC000  }
0xbf: {  	_ =	swait.ge [sflag:s16], $0x100  }
0xc0: {  	[sflag:s16] =	ssyncset.done $0x0  }
0xc1: {  	[sflag:s16] =	ssyncadd.s32 $0xFFFFFF00  }
0xc2: {  	[spmem:s15] =	stream.indirect.scatter.add.f32 [tilespmem:s20], [sflag:$0x5], $0x40, s10, s12, $0xb8;
	[tilespmem:$0x1FD00] =	vst v63  }
0xc3: {  	_ =	swait.ge [sflag:s30], $0x4000  }
0xc4: {  	[sflag:s30] =	ssyncset.done $0x0  }
0xc5: {  	[sflag:s30] =	ssyncadd.s32 $0xFFFFC000  }
0xc6: {  	[tilespmem:s20], [sflag:$0x2] =	stream.indirect.gather [spmem:s17], $0x40, s12, s12, $0xb8;
	[tilespmem:$0x1FD00] =	vst v63  }
0xc7: {  	_ = 	snop  }
0xc8: {  	[tilespmem:s10], [sflag:$0x4] =	stream.linear.gather [hbm4b:s6+s1], $0x100, $0x38;
	[tilespmem:$0x1FD00] =	vst v63  }
0xc9: {  	_ =	swait.ge [sflag:s28], $0x4000  }
0xca: {  	[sflag:s28] =	ssyncset.done $0x0  }
0xcb: {  	[sflag:s28] =	ssyncadd.s32 $0xFFFFC000  }
0xcc: {  	_ =	swait.ge [sflag:s29], $0x100  }
0xcd: {  	[sflag:s29] =	ssyncset.done $0x0  }
0xce: {  	[sflag:s29] =	ssyncadd.s32 $0xFFFFFF00  }
0xcf: {  	_ =	swait.ge [sflag:s31], $0x4000  }
0xd0: {  	[sflag:s31] =	ssyncset.done $0x0  }
0xd1: {  	[sflag:s31] =	ssyncadd.s32 $0xFFFFC000  }
0xd2: {  	_ =	swait.ge [sflag:s16], $0x100  }
0xd3: {  	[sflag:s16] =	ssyncset.done $0x0  }
0xd4: {  	[sflag:s16] =	ssyncadd.s32 $0xFFFFFF00  }
0xd5: {  	[bflag:$0x0] =	sbarrier.arrive $0xFFFF  }
0xd6: {  	[tilespmem:s11], [sflag:$0x6] =	stream.linear.gather [spmem:s21], $0x1A00, $0x38;
	[tilespmem:$0x1FD00] =	vst v63  }
0xd7: {  	_ =	swait.ge [sflag:s8], $0x1A00  }
0xd8: {  	[sflag:s8] =	ssyncset.done $0x0  }
0xd9: {  	s2 =	rddreg [dreg:$0xa];
	[sflag:s8] =	ssyncadd.s32 $0xFFFFE600  }
0xda: {  	[hbm4b:s2+s1] =	stream.linear.scatter [tilespmem:s11], [sflag:$0x6], $0x1A00, $0x38;
	[tilespmem:$0x1FD00] =	vst v63  }
0xdb: {  	_ =	swait.ge [sflag:s8], $0x1A00  }
0xdc: {  	[sflag:s8] =	ssyncset.done $0x0  }
0xdd: {  	[sflag:s8] =	ssyncadd.s32 $0xFFFFE600  }
0xde: {  	[tilespmem:s11], [sflag:$0x6] =	stream.linear.gather [spmem:s22], $0x1A00, $0x38;
	[tilespmem:$0x1FD00] =	vst v63  }
0xdf: {  	_ =	swait.ge [sflag:s8], $0x1A00  }
0xe0: {  	[sflag:s8] =	ssyncset.done $0x0  }
0xe1: {  	s3 =	rddreg [dreg:$0xb];
	[sflag:s8] =	ssyncadd.s32 $0xFFFFE600  }
0xe2: {  	[hbm4b:s3+s1] =	stream.linear.scatter [tilespmem:s11], [sflag:$0x6], $0x1A00, $0x38;
	[tilespmem:$0x1FD00] =	vst v63  }
0xe3: {  	_ =	swait.ge [sflag:s8], $0x1A00  }
0xe4: {  	[sflag:s8] =	ssyncset.done $0x0  }
0xe5: {  	[sflag:s8] =	ssyncadd.s32 $0xFFFFE600  }
0xe6: {  	[tilespmem:s11], [sflag:$0x6] =	stream.linear.gather [spmem:s23], $0x1A00, $0x38;
	[tilespmem:$0x1FD00] =	vst v63  }
0xe7: {  	_ =	swait.ge [sflag:s8], $0x1A00  }
0xe8: {  	[sflag:s8] =	ssyncset.done $0x0  }
0xe9: {  	s4 =	rddreg [dreg:$0xc];
	[sflag:s8] =	ssyncadd.s32 $0xFFFFE600  }
0xea: {  	[hbm4b:s4+s1] =	stream.linear.scatter [tilespmem:s11], [sflag:$0x6], $0x1A00, $0x38;
	[tilespmem:$0x1FD00] =	vst v63  }
0xeb: {  	_ =	swait.ge [sflag:s8], $0x1A00  }
0xec: {  	[sflag:s8] =	ssyncset.done $0x0  }
0xed: {  	[sflag:s8] =	ssyncadd.s32 $0xFFFFE600  }
0xee: {  	[tilespmem:s11], [sflag:$0x6] =	stream.linear.gather [spmem:s24], $0x1A00, $0x38;
	[tilespmem:$0x1FD00] =	vst v63  }
0xef: {  	_ =	swait.ge [sflag:s8], $0x1A00  }
0xf0: {  	[sflag:s8] =	ssyncset.done $0x0  }
0xf1: {  	s5 =	rddreg [dreg:$0xd];
	[sflag:s8] =	ssyncadd.s32 $0xFFFFE600  }
0xf2: {  	[hbm4b:s5+s1] =	stream.linear.scatter [tilespmem:s11], [sflag:$0x6], $0x1A00, $0x38;
	[tilespmem:$0x1FD00] =	vst v63  }
0xf3: {  	_ =	swait.ge [sflag:s8], $0x1A00  }
0xf4: {  	[sflag:s8] =	ssyncset.done $0x0  }
0xf5: {  	[sflag:s8] =	ssyncadd.s32 $0xFFFFE600  }
0xf6: {  	[tilespmem:s11], [sflag:$0x6] =	stream.linear.gather [spmem:s25], $0x1A00, $0x38;
	[tilespmem:$0x1FD00] =	vst v63  }
0xf7: {  	_ =	swait.ge [sflag:s8], $0x1A00  }
0xf8: {  	[sflag:s8] =	ssyncset.done $0x0  }
0xf9: {  	s3 =	rddreg [dreg:$0xe];
	[sflag:s8] =	ssyncadd.s32 $0xFFFFE600  }
0xfa: {  	[hbm4b:s3+s1] =	stream.linear.scatter [tilespmem:s11], [sflag:$0x6], $0x1A00, $0x38;
	[tilespmem:$0x1FD00] =	vst v63  }
0xfb: {  	_ =	swait.ge [sflag:s8], $0x1A00  }
0xfc: {  	[sflag:s8] =	ssyncset.done $0x0  }
0xfd: {  	[sflag:s8] =	ssyncadd.s32 $0xFFFFE600  }
0xfe: {  	[tilespmem:s11], [sflag:$0x6] =	stream.linear.gather [spmem:s26], $0x1A00, $0x38;
	[tilespmem:$0x1FD00] =	vst v63  }
0xff: {  	_ =	swait.ge [sflag:s8], $0x1A00  }
0x100: {  	[sflag:s8] =	ssyncset.done $0x0  }
0x101: {  	s4 =	rddreg [dreg:$0xf];
	[sflag:s8] =	ssyncadd.s32 $0xFFFFE600  }
0x102: {  	[hbm4b:s4+s1] =	stream.linear.scatter [tilespmem:s11], [sflag:$0x6], $0x1A00, $0x38;
	[tilespmem:$0x1FD00] =	vst v63  }
0x103: {  	_ =	swait.ge [sflag:s8], $0x1A00  }
0x104: {  	[sflag:s8] =	ssyncset.done $0x0  }
0x105: {  	s2 =	simm.s32 @!p0 $0xAA00;
	s3 =	simm.s32 @!p0 $0x6;
	[sflag:s8] =	ssyncadd.s32 $0xFFFFE600  }
0x106: {  	[tilespmem:s2], [sflag:$0x6] =	stream.linear.gather @!p0 [spmem:s7], $0x400, $0x38;
	[tilespmem:$0x1FD00] =	vst v63  }
0x107: {  	_ =	swait.ge @!p0 [sflag:s3], $0x400  }
0x108: {  	[sflag:s3] =	ssyncset.done @!p0 $0x0  }
0x109: {  	s4 =	simm.s32 @!p0 $0x0;
	s5 =	rddreg [dreg:$0x12];
	[sflag:s3] =	ssyncadd.s32 @!p0 $0xFFFFFC00  }
0x10a: {  	[hbm4b:s5+s4] =	stream.linear.scatter @!p0 [tilespmem:s2], [sflag:$0x6], $0x400, $0x38;
	[tilespmem:$0x1FD00] =	vst v63  }
0x10b: {  	_ =	swait.ge @!p0 [sflag:s3], $0x400  }
0x10c: {  	s0 =	sadd.s32 $0x1, s0;
	s5 =	rddreg [dreg:$0x13]  }
0x10d: {  	p1 =	sne.s32 s0, s5  }
.Ltmp2:
0x10e: {  	_ = 	snop;
	(pc) =	sbr.rel @p1 .LBB2_1-.Ltmp2, $3  }
0x10f: {  	_ =	sdelay $0x1  }
0x110: {  	[sflag:s3] =	ssyncset.done @!p0 $0x0  }
0x111: {  	[sflag:s3] =	ssyncadd.s32 @!p0 $0xFFFFFC00  }
0x112: {  	_ =	sfence.sel $0x180000  }
0x113: {  	[bflag:$0x0] =	sbarrier.arrive $0xFFFF  }
0x114: {  	_ =	strace $0x9000004A  }
0x115: {  	s0 =	stileid.u32;
	[bflag:$0x2] =	sbarrier.arrive $0xFFFF  }
0x116: {  	p0 =	sne.s32 s0, $0x0;
	s0 =	rddreg [dreg:$0x3]  }
0x117: {  	s0 =	sadd.s32 @!p0 $0x100000, s0  }
0x118: {  	[sflag:s0] =	ssyncadd.tile.s32 @!p0 $0x1;
	_ =	shalt  }
.Lfunc_end2:
_tile_overlayer_lowered:
.L_overlay_start_2:
0x119: {  	(tag) =	ssettag $0x2  }
0x11a: {  	s0 =	rddreg [dreg:$0x0];
	s2 =	stileid.u32  }
0x11b: {  	s1 =	rddreg [dreg:$0x1];
	p0 =	sne.s32 s2, $0x0  }
0x11c: {  	s3 =	rddreg [dreg:$0x2];
	[bflag:$0x3] =	sbarrier.arrive $0xFFFF;
	s2 =	simm.s32 @!p0 $0x1C06  }
0x11d: {  	[timem:s3], [sflag:s2] =	dma.local @!p0 [hbm:s0], s1  }
0x11e: {  	s0 =	simm.s32 @!p0 $0x6  }
0x11f: {  	_ =	swait.ge @!p0 [sflag:s0], s1  }
0x120: {  	s1 =	ssub.s32 @!p0 $0x0, s1;
	[sflag:s0] =	ssyncset.done @!p0 $0x0  }
0x121: {  	[sflag:s0] =	ssyncadd.s32 @!p0 s1  }
0x122: {  	[bflag:$0x3] =	sbarrier.arrive $0xFFFF  }
0x123: {  	_ =	shalt  }

// kernel: kernel.15.cloned.1.call-start
scs
__scs_entry_jumppad:
0x0: {  	(pc) =	sbr.rel $0x88, $3  }
0x1: {  	(tag) =	ssettag $0x0;
	lr =	simm.s32 $0x1  }
0x2: {  	[smem:$0x3F9B] =	sst lr;
	_ =	strace $0xD0000000  }
0x3: {  	_ = 	snop  }
0x4: {  	_ = 	snop  }
0x5: {  	_ = 	snop  }
0x6: {  	_ = 	snop  }
0x7: {  	_ = 	snop  }
__scs_overlays_trampoline_lowered:
0x8: {  	[smem:$0x3FAA] =	sst s0  }
0x9: {  	[smem:$0x3FAB] =	sst s1  }
0xa: {  	[smem:$0x3FAC] =	sst s2  }
0xb: {  	[smem:$0x3FAD] =	sst s3  }
0xc: {  	[smem:$0x3FAE] =	sst s4  }
0xd: {  	[smem:$0x3FAF] =	sst s5  }
0xe: {  	[smem:$0x3FB0] =	sst s6  }
0xf: {  	[smem:$0x3FB1] =	sst s7  }
0x10: {  	[smem:$0x3FB2] =	sst s8  }
0x11: {  	[smem:$0x3FB3] =	sst s9;
	s0 =	simm.s32 @!p0 $0x0  }
0x12: {  	s1 =	sld [smem:$0x3F99];
	s0 =	simm.s32 @p0 $0x1  }
0x13: {  	[smem:$0x3FB4] =	sst s0;
	s0 =	simm.s32 @!p1 $0x0  }
0x14: {  	s2 =	sld [smem:$0x3F98];
	s0 =	simm.s32 @p1 $0x1  }
0x15: {  	[smem:$0x3FB5] =	sst s0;
	s0 =	simm.s32 @!p2 $0x0  }
0x16: {  	s3 =	sld [smem:$0x3FDB];
	s0 =	simm.s32 @p2 $0x1  }
0x17: {  	s4 =	simm.s32 $0x1BF5;
	[smem:$0x3FB7] =	sst s0  }
0x18: {  	s0 =	sld [smem:$0x3F9A];
	_ =	swait.ge [sflag:s4], $0x0  }
0x19: {  	s7 =	sld [smem:$0x3F9B]  }
0x1a: {  	s8 =	sadd.s32 $0xFFFFE003, lr  }
0x1b: {  	s9 =	sadd.s32 $0xFFFFFEF7, lr;
	s5 =	simm.s32 $0xFFFFFFFF;
	p2 =	slt.u32 s8, $0xFFFFF086  }
0x1c: {  	p1 =	slt.u32 s9, $0xF7A;
	s5 =	simm.s32 @!p2 $0x0  }
0x1d: {  	s5 =	simm.s32 @p1 $0x1;
	p0 =	seq.s32 s7, s2  }
0x1e: {  	s7 =	smul.u32 @!p0 $0xF7A, s2;
	p2 =	seq.s32 @!p0 s5, $0x0  }
0x1f: {  	s9 =	smul.u32 $0xF7A, s1;
	s8 =	simm.s32 @!p0 $0x1BF5;
	p2 =	por !p2, p0  }
0x20: {  	[sflag:s8] =	ssyncset.s32 @!p0 $0xFFFFF086;
	s6 =	sadd.s32 @!p0 s3, s7;
	s7 =	simm.s32 @!p0 $0x108  }
0x21: {  	s3 =	sadd.s32 s3, s9;
	s6 =	sadd.s32 @!p0 $0x88, s6;
	s7 =	simm.s32 @p2 $0x1082  }
0x22: {  	[simem:s7], [sflag:s8] =	dma.local @!p0 [hbm:s6], $0xF7A  }
0x23: {  	s9 =	sor.u32 $0xD0000000, s2;
	s6 =	simm.s32 $0x108;
	_ =	swait.ge @!p0 [sflag:s8], $0x0  }
0x24: {  	s3 =	sadd.s32 $0x88, s3;
	s6 =	simm.s32 @!p1 $0x1082;
	[sflag:s4] =	ssyncset.s32 $0xFFFFF086  }
0x25: {  	[simem:s6], [sflag:s4] =	dma.local [hbm:s3], $0xF7A  }
0x26: {  	[smem:$0x3F9B] =	sst s1;
	(tag) =	ssettag s2;
	_ =	strace s9  }
0x27: {  	s1 =	sld [smem:$0x3FAB]  }
0x28: {  	s2 =	sld [smem:$0x3FAC]  }
0x29: {  	s4 =	sld [smem:$0x3FAE]  }
0x2a: {  	p0 =	seq.s32 s5, $0x0;
	s5 =	sld [smem:$0x3FAF]  }
0x2b: {  	s6 =	sld [smem:$0x3FB0]  }
0x2c: {  	s7 =	sld [smem:$0x3FB1]  }
0x2d: {  	s3 =	simm.s32 $0x108;
	s8 =	sld [smem:$0x3FB2]  }
0x2e: {  	s3 =	simm.s32 @!p0 $0x1082;
	s9 =	sld [smem:$0x3FB3]  }
0x2f: {  	lr =	sadd.s32 s0, s3;
	s0 =	sld [smem:$0x3FAA]  }
0x30: {  	s3 =	sld [smem:$0x3FAD]  }
0x31: {  	[smem:$0x3FB6] =	sst s10  }
0x32: {  	s10 =	sld [smem:$0x3FB4];
	_ =	sdelay $0x3  }
0x33: {  	p0 =	seq.s32 s10, $0x1;
	s10 =	sld [smem:$0x3FB6];
	_ =	sdelay $0x3  }
0x34: {  	[smem:$0x3FB6] =	sst s10  }
0x35: {  	s10 =	sld [smem:$0x3FB5];
	_ =	sdelay $0x3  }
0x36: {  	p1 =	seq.s32 s10, $0x1;
	s10 =	sld [smem:$0x3FB6];
	_ =	sdelay $0x3  }
0x37: {  	[smem:$0x3FB6] =	sst s10  }
0x38: {  	s10 =	sld [smem:$0x3FB7]  }
0x39: {  	_ = 	snop;
	(pc) =	sbr.ind lr, $3  }
0x3a: {  	_ = 	snop  }
0x3b: {  	_ = 	snop  }
0x3c: {  	p2 =	seq.s32 s10, $0x1;
	s10 =	sld [smem:$0x3FB6]  }
0x3d: {  	_ =	shalt  }
0x3e: {  	_ =	shalt  }
0x3f: {  	_ =	shalt  }
0x40: {  	_ =	shalt  }
0x41: {  	_ =	shalt  }
0x42: {  	_ =	shalt  }
0x43: {  	_ =	shalt  }
0x44: {  	_ =	shalt  }
0x45: {  	_ =	shalt  }
0x46: {  	_ =	shalt  }
0x47: {  	_ =	shalt  }
0x48: {  	_ =	shalt  }
0x49: {  	_ =	shalt  }
0x4a: {  	_ =	shalt  }
0x4b: {  	_ =	shalt  }
0x4c: {  	_ =	shalt  }
0x4d: {  	_ =	shalt  }
0x4e: {  	_ =	shalt  }
0x4f: {  	_ =	shalt  }
0x50: {  	_ =	shalt  }
0x51: {  	_ =	shalt  }
0x52: {  	_ =	shalt  }
0x53: {  	_ =	shalt  }
0x54: {  	_ =	shalt  }
0x55: {  	_ =	shalt  }
0x56: {  	_ =	shalt  }
0x57: {  	_ =	shalt  }
0x58: {  	_ =	shalt  }
0x59: {  	_ =	shalt  }
0x5a: {  	_ =	shalt  }
0x5b: {  	_ =	shalt  }
0x5c: {  	_ =	shalt  }
0x5d: {  	_ =	shalt  }
0x5e: {  	_ =	shalt  }
0x5f: {  	_ =	shalt  }
0x60: {  	_ =	shalt  }
0x61: {  	_ =	shalt  }
0x62: {  	_ =	shalt  }
0x63: {  	_ =	shalt  }
0x64: {  	_ =	shalt  }
0x65: {  	_ =	shalt  }
0x66: {  	_ =	shalt  }
0x67: {  	_ =	shalt  }
0x68: {  	_ =	shalt  }
0x69: {  	_ =	shalt  }
0x6a: {  	_ =	shalt  }
0x6b: {  	_ =	shalt  }
0x6c: {  	_ =	shalt  }
0x6d: {  	_ =	shalt  }
0x6e: {  	_ =	shalt  }
0x6f: {  	_ =	shalt  }
0x70: {  	_ =	shalt  }
0x71: {  	_ =	shalt  }
0x72: {  	_ =	shalt  }
0x73: {  	_ =	shalt  }
0x74: {  	_ =	shalt  }
0x75: {  	_ =	shalt  }
0x76: {  	_ =	shalt  }
0x77: {  	_ =	shalt  }
0x78: {  	_ =	shalt  }
0x79: {  	_ =	shalt  }
0x7a: {  	_ =	shalt  }
0x7b: {  	_ =	shalt  }
0x7c: {  	_ =	shalt  }
0x7d: {  	_ =	shalt  }
0x7e: {  	_ =	shalt  }
0x7f: {  	_ =	shalt  }
0x80: {  	_ =	shalt  }
0x81: {  	_ =	shalt  }
0x82: {  	_ =	shalt  }
0x83: {  	_ =	shalt  }
0x84: {  	_ =	shalt  }
0x85: {  	_ =	shalt  }
0x86: {  	_ =	shalt  }
0x87: {  	_ =	shalt  }
.Lfunc_end0:
.L_simem_size_0:
called_computation.2_lowered:
.L_overlay_start_0:
0x88: {  	s2 =	sld [smem:$0x3FD9]  }
0x89: {  	s3 =	sld [smem:$0x3FFE];
	_ =	sdelay $0x1  }
0x8a: {  	s1 =	srdreg.scid  }
0x8b: {  	s0 =	sand.u32 $0x1, s1  }
0x8c: {  	s17 =	sshll.u32 s0, $0xA;
	s2 =	sadd.s32 s3, s2  }
0x8d: {  	s2 =	sadd.s32 s2, s17  }
0x8e: {  	[smem:$0x3FC2] =	sst s2  }
0x8f: {  	_ = 	snop  }
0x90: {  	s18 =	sld [smem:$0x3FD0];
	(tm) =	ssettm $0x1  }
0x91: {  	s19 =	sld [smem:$0x3FFB];
	_ =	sdelay $0x3  }
0x92: {  	_ =	strace s19  }
0x93: {  	s2 =	sld [smem:$0x3FFC];
	_ =	sdelay $0x3  }
0x94: {  	_ =	strace s2  }
0x95: {  	s2 =	sld [smem:$0x3FFD];
	_ =	sdelay $0x3  }
0x96: {  	_ =	strace s2  }
0x97: {  	_ =	strace $0x8FFFFFFF  }
0x98: {  	s20 =	sld [smem:$0x3FDB];
	_ =	sdelay $0x1  }
0x99: {  	s4 =	simm.s32 $_scs_section_size  }
0x9a: {  	s5 =	simm.s32 $_size__tile_overlayer_lowered;
	s6 =	simm.s32 $_tile_overlayer_lowered  }
0x9b: {  	s7 =	simm.s32 $0x1BFF;
	s21 =	sshll.u32 s6, $0x1;
	s4 =	sadd.s32 s4, s20  }
0x9c: {  	s22 =	simm.s32 $0x0;
	s5 =	sshll.u32 s5, $0x1;
	s6 =	sadd.s32 s21, s4  }
0x9d: {  	[timem:s22], [sflag:s7] =	dma.local [hbm:s6], s5  }
0x9e: {  	_ =	swait.ge [sflag:s7], s5  }
0x9f: {  	s5 =	ssub.s32 $0x0, s5;
	[sflag:s7] =	ssyncset.done $0x0  }
0xa0: {  	[sflag:s7] =	ssyncadd.s32 s5;
	_ =	sdelay $0x1  }
0xa1: {  	s23 =	simm.s32 $0x1B8B  }
0xa2: {  	_ =	swait.ge [sflag:s23], $0x1  }
0xa3: {  	[sflag:s23] =	ssyncset.done $0x0  }
0xa4: {  	[sflag:s23] =	ssyncadd.s32 $0xFFFFFFFF  }
0xa5: {  	s5 =	sld [smem:$0x0]  }
0xa6: {  	s6 =	sand.u32 $0xFFFFFFFE, s1  }
0xa7: {  	p0 =	sne.s32 s1, s6  }
0xa8: {  	s6 =	sshll.u32 @p0 s6, $0xE  }
0xa9: {  	s6 =	sadd.s32 @p0 $0x11B8D, s6;
	s7 =	sshll.u32 @p0 s5, $0x11  }
0xaa: {  	s6 =	sor.u32 @p0 s7, s6  }
0xab: {  	[sflag:s6] =	ssyncadd.remote.s32 @p0 $0x1;
	_ =	sdelay $0x1  }
0xac: {  	s6 =	simm.s32 @p0 $0x1B8D  }
0xad: {  	_ =	swait.eq @p0 [sflag:s6], $0x1  }
0xae: {  	[sflag:s6] =	ssyncadd.s32 @p0 $0xFFFFFFFF  }
0xaf: {  	s7 =	sshll.u32 @!p0 s1, $0xE  }
0xb0: {  	s7 =	sor.u32 @!p0 $0x4000, s7;
	s6 =	simm.s32 @!p0 $0x1B8D  }
0xb1: {  	s5 =	sshll.u32 @!p0 s5, $0x11;
	s7 =	sadd.s32 @!p0 $0x11B8D, s7;
	_ =	swait.eq @!p0 [sflag:s6], $0x1  }
0xb2: {  	s5 =	sor.u32 @!p0 s5, s7;
	[sflag:s6] =	ssyncadd.s32 @!p0 $0xFFFFFFFF  }
0xb3: {  	s25 =	simm.s32 $0x1B8E;
	s24 =	sld [smem:$0x3FFE];
	[sflag:s5] =	ssyncadd.remote.s32 @!p0 $0x1  }
0xb4: {  	s26 =	simm.s32 $execute0_lowered;
	[smem:$0x3FD2] =	sst s25  }
0xb5: {  	s6 =	sshll.u32 s26, $0x1;
	_ =	strace $0x8000004C;
	[dreg:$0x1] =	wrdreg $0xFFFFFFFF  }
0xb6: {  	s28 =	simm.s32 $_size_execute0_lowered;
	s4 =	sadd.s32 s4, s6;
	[dreg:$0x0] =	wrdreg $0x0  }
0xb7: {  	s6 =	sshll.u32 s28, $0x1;
	[dreg:$0x2] =	wrdreg s4  }
0xb8: {  	[dreg:$0x3] =	wrdreg s6  }
0xb9: {  	[dreg:$0x4] =	wrdreg $0xC0  }
0xba: {  	_ =	task [dreg:s22], $0x5FFFF  }
0xbb: {  	[dreg:$0x1] =	wrdreg $0xFFFFFFFF  }
0xbc: {  	[dreg:$0x0] =	wrdreg $0x60  }
0xbd: {  	[dreg:$0x2] =	wrdreg s18  }
0xbe: {  	[dreg:$0x3] =	wrdreg s24  }
0xbf: {  	[dreg:$0x4] =	wrdreg $0xC4000  }
0xc0: {  	[dreg:$0x5] =	wrdreg $0x160800  }
0xc1: {  	[dreg:$0x6] =	wrdreg $0xA  }
0xc2: {  	_ =	task.clear_ibuf [dreg:s22], $0x7FFFF;
	_ =	strace $0x9000004C  }
0xc3: {  	s29 =	simm.s32 $0xA;
	_ =	strace $0x8000004E  }
0xc4: {  	_ =	swait.ge [sflag:s29], $0x1  }
0xc5: {  	[sflag:s29] =	ssyncadd.s32 $0xFFFFFFFF  }
0xc6: {  	_ =	strace $0x9000004E  }
0xc7: {  	_ =	sfence  }
0xc8: {  	s30 =	sld [smem:$0x0];
	_ =	sdelay $0x2  }
0xc9: {  	s31 =	sshll.u32 s1, $0xD;
	s1 =	sshrl.u32 s1, $0x2  }
0xca: {  	s4 =	sand.u32 $0x4000, s31;
	s1 =	sadd.s32 s1, s30  }
0xcb: {  	s0 =	sor.u32 s4, s0;
	s1 =	sshll.u32 s1, $0x11  }
0xcc: {  	s0 =	sor.u32 s1, s0  }
0xcd: {  	s0 =	sadd.s32 $0x8F2B, s0  }
0xce: {  	[sflag:s0] =	ssyncadd.remote.s32 $0x1  }
0xcf: {  	_ =	sfence.sel $0xFFFF  }
0xd0: {  	[dreg:$0x0] =	wrdreg $0xFFFFFFFF;
	(pc) =	sbr.abs _section_cstart, $3  }
0xd1: {  	[dreg:$0x1] =	wrdreg $0xFFFFFFFF  }
0xd2: {  	_ =	task.clear_ibuf [dreg:s22], $0x2FFFF;
	_ =	strace $0x9FFFFFFF  }
0xd3: {  	(tm) =	ssettm $0x7FFFFFFF  }
tec
execute0_lowered:
.L_overlay_start_1:
0x0: {  	(tag) =	ssettag $0x1  }
0x1: {  	s0 =	rddreg [dreg:$0x0]  }
0x2: {  	s5 =	rddreg [dreg:$0x1]  }
0x3: {  	s1 =	srdreg.scid;
	s2 =	rddreg [dreg:$0x2]  }
0x4: {  	s22 =	stileid.u32;
	s3 =	rddreg [dreg:$0x3]  }
0x5: {  	s4 =	simm.s32 $0x0;
	s28 =	simm.s32 $0x1;
	s29 =	simm.s32 $0x3  }
0x6: {  	s30 =	simm.s32 $0x5;
	s31 =	simm.s32 $0x2;
	s7 =	sand.u32 $0x1, s1  }
0x7: {  	s20 =	sshll.u32 s22, $0x1;
	[smem:$0x7FF] =	sst s4;
	s11 =	smul.u32 $0x9C00, s22  }
0x8: {  	s9 =	sadd.s32 $0x20600, s5;
	s26 =	smul.u32 $0x5000, s22;
	p0 =	sne.s32 s22, $0xF  }
0x9: {  	s1 =	sor.u32 s7, s20;
	_ =	strace $0x8000004D;
	s21 =	ssub.s32 $0x2, s7  }
0xa: {  	s1 =	smul.u32 $0x2800, s1;
	s10 =	sshrl.u32 s21, $0x1;
	s12 =	sadd.s32 $0x3400, s11  }
0xb: {  	s16 =	sadd.s32 $0x4E00, s11;
	s18 =	sadd.s32 $0x6800, s11;
	s20 =	sadd.s32 $0x8200, s11  }
0xc: {  	s6 =	sshrl.u32 s1, $0x3;
	s1 =	ssub.s32 s21, s10;
	s10 =	smul.u32 $0x9C400, s7  }
0xd: {  	s7 =	smul.u32 $0x2800, s7;
	s8 =	sadd.s32 s6, s5;
	s5 =	sadd.s32 $0xA9C00, s5  }
0xe: {  	s6 =	sadd.s32 s9, s6;
	s8 =	sadd.s32 $0x2A600, s8;
	s13 =	sadd.s32 s11, s10  }
0xf: {  	s15 =	sadd.s32 s10, s12;
	s25 =	sadd.s32 s10, s16;
	s17 =	sadd.s32 s10, s18  }
0x10: {  	s21 =	sadd.s32 s10, s20;
	s7 =	sadd.s32 s7, s26;
	s26 =	sshrl.u32 s11, $0x3  }
0x11: {  	[dreg:$0x5] =	wrdreg s8;
	s8 =	sadd.s32 $0x1A00, s11;
	s13 =	sshrl.u32 s13, $0x3  }
0x12: {  	s24 =	sshrl.u32 s15, $0x3;
	s19 =	sshrl.u32 s17, $0x3;
	s14 =	sadd.s32 s10, s8  }
0x13: {  	s13 =	sadd.s32 s5, s13;
	s10 =	sshrl.u32 s10, $0x3;
	s17 =	sadd.s32 s8, s2  }
0x14: {  	s14 =	sshrl.u32 s14, $0x3;
	[dreg:$0x6] =	wrdreg s13;
	s13 =	sadd.s32 s5, s24  }
0x15: {  	s24 =	sor.u32 $0x200, s7;
	s7 =	sor.u32 $0x300, s7;
	s23 =	sadd.s32 s5, s14  }
0x16: {  	[dreg:$0x8] =	wrdreg s13;
	s13 =	sshrl.u32 s25, $0x3;
	s25 =	sshrl.u32 s24, $0x3  }
0x17: {  	s7 =	sshrl.u32 s7, $0x3;
	s24 =	sshrl.u32 s20, $0x3;
	[dreg:$0x7] =	wrdreg s23  }
0x18: {  	s13 =	sadd.s32 s5, s13;
	s23 =	sshrl.u32 s21, $0x3;
	s14 =	sadd.s32 s25, s9  }
0x19: {  	s15 =	sadd.s32 s7, s9;
	s7 =	sadd.s32 s11, s3;
	s9 =	sadd.s32 s0, s26  }
0x1a: {  	s21 =	sadd.s32 s16, s2;
	s25 =	sadd.s32 s20, s2;
	[dreg:$0x9] =	wrdreg s13  }
0x1b: {  	s13 =	sadd.s32 s5, s19;
	[dreg:$0xc] =	wrdreg s9;
	s19 =	sadd.s32 s12, s2  }
0x1c: {  	[dreg:$0xa] =	wrdreg s13;
	s13 =	sadd.s32 s5, s23;
	s5 =	sadd.s32 s5, s10  }
0x1d: {  	s10 =	sshrl.u32 s8, $0x3;
	s8 =	sadd.s32 s8, s3;
	s23 =	sadd.s32 s18, s2  }
0x1e: {  	[dreg:$0xb] =	wrdreg s13;
	s13 =	sadd.s32 s11, s2;
	s9 =	sadd.s32 s0, s10  }
0x1f: {  	s11 =	sshrl.u32 s12, $0x3;
	s10 =	sadd.s32 s12, s3;
	s12 =	sshrl.u32 s16, $0x3  }
0x20: {  	s26 =	sadd.s32 $0x13800, s5;
	s5 =	smax.u32 s1, $0x1;
	[dreg:$0xd] =	wrdreg s9  }
0x21: {  	s1 =	simm.s32 $0x4;
	s9 =	sadd.s32 s0, s11;
	[dreg:$0x13] =	wrdreg s26  }
0x22: {  	s11 =	sadd.s32 s0, s12;
	s12 =	sadd.s32 s18, s3;
	[dreg:$0x14] =	wrdreg s5  }
0x23: {  	[dreg:$0xe] =	wrdreg s9;
	s9 =	sadd.s32 s16, s3;
	s16 =	sshrl.u32 s18, $0x3  }
0x24: {  	[dreg:$0xf] =	wrdreg s11;
	s18 =	sshrl.u32 s8, $0x3;
	s11 =	sadd.s32 s0, s16  }
0x25: {  	s16 =	sadd.s32 s20, s3;
	[dreg:$0x16] =	wrdreg s18;
	s20 =	sshrl.u32 s10, $0x3  }
0x26: {  	s22 =	sshrl.u32 s9, $0x3;
	s10 =	sadd.s32 $0x20, s6;
	[dreg:$0x10] =	wrdreg s11  }
0x27: {  	s18 =	simm.s32 $0x2900;
	s11 =	sadd.s32 s0, s24;
	[dreg:$0x17] =	wrdreg s20  }
0x28: {  	s0 =	sadd.s32 $0x13800, s0;
	[dreg:$0x18] =	wrdreg s22;
	s24 =	sshrl.u32 s12, $0x3  }
0x29: {  	s26 =	sshrl.u32 s16, $0x3;
	s12 =	simm.s32 $0x6;
	[dreg:$0x11] =	wrdreg s11  }
0x2a: {  	s16 =	simm.s32 $0x2800;
	s20 =	simm.s32 $0xAA00;
	[dreg:$0x12] =	wrdreg s0  }
0x2b: {  	s22 =	simm.s32 $0x100;
	s11 =	sshrl.u32 s7, $0x3;
	[dreg:$0x19] =	wrdreg s24  }
0x2c: {  	s0 =	sadd.s32 $0x9C000, s3;
	[dreg:$0x1a] =	wrdreg s26;
	s24 =	simm.s32 $0x2A00  }
0x2d: {  	s26 =	simm.s32 $0x6A00;
	[dreg:$0x15] =	wrdreg s11;
	s0 =	sshrl.u32 @!p0 s0, $0x3  }
0x2e: {  	v0 =	vimm.f32 $0.0e+00;
	s11 =	sadd.s32 $0x9C000, s2;
	[dreg:$0x1b] =	wrdreg s0;
	s0 =	simm.s32 $0x0  }
.LBB2_1:
0x2f: {  	s5 =	rddreg [dreg:$0x5]  }
0x30: {  	[tilespmem:s4], [sflag:$0x6] =	stream.linear.gather [hbm4b:s5+s4], $0x2800, $0x38;
	[tilespmem:$0x1FD00] =	vst v63  }
0x31: {  	_ =	swait.ge [sflag:s12], $0x2800  }
0x32: {  	[sflag:s12] =	ssyncset.done $0x0  }
0x33: {  	[sflag:s12] =	ssyncadd.s32 $0xFFFFD800  }
0x34: {  	[tilespmem:s16], [sflag:$0x3] =	stream.linear.gather [hbm4b:s6+s4], $0x100, $0x38;
	[tilespmem:$0x1FD00] =	vst v63  }
0x35: {  	s7 =	simm.s32 $0x100;
	s5 =	simm.s32 $0x0  }
0x36: {  	[tilespmem:s18], [sflag:$0x4] =	stream.linear.gather [hbm4b:s10+s4], $0x100, $0x38;
	[tilespmem:$0x1FD00] =	vst v63  }
.LBB2_2:
0x37: {  	p1 =	sne.s32 s7, $0x6700;
	[tilespmem:s5+$0xAA30] =	vst v0;
	s8 =	smov.u32 s7;
	s7 =	sadd.s32 $0x100, s7  }
.Ltmp0:
0x38: {  	[tilespmem:s5+$0xAA20] =	vst v0;
	(pc) =	sbr.rel @p1 .LBB2_2-.Ltmp0, $3  }
0x39: {  	[tilespmem:s5+$0xAA00] =	vst v0  }
0x3a: {  	[tilespmem:s5+$0xAA10] =	vst v0;
	_ =	sdelay $0x1  }
0x3b: {  	s5 =	sshra.s32 s8, $0x2  }
0x3c: {  	[tilespmem:s5+$0xAA30] =	vst v0  }
0x3d: {  	[tilespmem:s5+$0xAA20] =	vst v0  }
0x3e: {  	[tilespmem:s5+$0xAA00] =	vst v0  }
0x3f: {  	[tilespmem:s5+$0xAA10] =	vst v0  }
0x40: {  	[spmem:s13] =	stream.linear.scatter [tilespmem:s20], [sflag:$0x6], $0x1A00, $0x38;
	[tilespmem:$0x1FD00] =	vst v63  }
0x41: {  	_ =	swait.ge [sflag:s12], $0x1A00  }
0x42: {  	[sflag:s12] =	ssyncset.done $0x0  }
0x43: {  	[sflag:s12] =	ssyncadd.s32 $0xFFFFE600  }
0x44: {  	[spmem:s17] =	stream.linear.scatter [tilespmem:s20], [sflag:$0x6], $0x1A00, $0x38;
	[tilespmem:$0x1FD00] =	vst v63  }
0x45: {  	_ =	swait.ge [sflag:s12], $0x1A00  }
0x46: {  	[sflag:s12] =	ssyncset.done $0x0  }
0x47: {  	[sflag:s12] =	ssyncadd.s32 $0xFFFFE600  }
0x48: {  	[spmem:s19] =	stream.linear.scatter [tilespmem:s20], [sflag:$0x6], $0x1A00, $0x38;
	[tilespmem:$0x1FD00] =	vst v63  }
0x49: {  	_ =	swait.ge [sflag:s12], $0x1A00  }
0x4a: {  	[sflag:s12] =	ssyncset.done $0x0  }
0x4b: {  	[sflag:s12] =	ssyncadd.s32 $0xFFFFE600  }
0x4c: {  	[spmem:s21] =	stream.linear.scatter [tilespmem:s20], [sflag:$0x6], $0x1A00, $0x38;
	[tilespmem:$0x1FD00] =	vst v63  }
0x4d: {  	_ =	swait.ge [sflag:s12], $0x1A00  }
0x4e: {  	[sflag:s12] =	ssyncset.done $0x0  }
0x4f: {  	[sflag:s12] =	ssyncadd.s32 $0xFFFFE600  }
0x50: {  	[spmem:s23] =	stream.linear.scatter [tilespmem:s20], [sflag:$0x6], $0x1A00, $0x38;
	[tilespmem:$0x1FD00] =	vst v63  }
0x51: {  	_ =	swait.ge [sflag:s12], $0x1A00  }
0x52: {  	[sflag:s12] =	ssyncset.done $0x0  }
0x53: {  	[sflag:s12] =	ssyncadd.s32 $0xFFFFE600  }
0x54: {  	[spmem:s25] =	stream.linear.scatter [tilespmem:s20], [sflag:$0x6], $0x1A00, $0x38;
	[tilespmem:$0x1FD00] =	vst v63  }
0x55: {  	_ =	swait.ge [sflag:s12], $0x1A00  }
0x56: {  	[sflag:s12] =	ssyncset.done $0x0  }
0x57: {  	s5 =	simm.s32 @!p0 $0xAA00;
	[sflag:s12] =	ssyncadd.s32 $0xFFFFE600  }
0x58: {  	[spmem:s11] =	stream.linear.scatter @!p0 [tilespmem:s5], [sflag:$0x6], $0x400, $0x38;
	[tilespmem:$0x1FD00] =	vst v63  }
0x59: {  	s5 =	simm.s32 @!p0 $0x6  }
0x5a: {  	s7 =	stileid.u32;
	_ =	swait.ge @!p0 [sflag:s5], $0x400  }
0x5b: {  	s7 =	sshll.u32 s7, $0x6;
	[sflag:s5] =	ssyncset.done @!p0 $0x0;
	s8 =	rddreg [dreg:$0xc]  }
0x5c: {  	s7 =	sor.u32 $0x1C06, s7;
	s9 =	rddreg [dreg:$0x15];
	[sflag:s5] =	ssyncadd.s32 @!p0 $0xFFFFFC00  }
0x5d: {  	[spmem:s9], [sflag:s7] =	dma.local [hbm:s8], $0x340  }
0x5e: {  	_ =	swait.ge [sflag:s12], $0x340  }
0x5f: {  	[sflag:s12] =	ssyncset.done $0x0;
	s8 =	rddreg [dreg:$0xd]  }
0x60: {  	s9 =	rddreg [dreg:$0x16];
	[sflag:s12] =	ssyncadd.s32 $0xFFFFFCC0  }
0x61: {  	[spmem:s9], [sflag:s7] =	dma.local [hbm:s8], $0x340  }
0x62: {  	_ =	swait.ge [sflag:s12], $0x340  }
0x63: {  	[sflag:s12] =	ssyncset.done $0x0;
	s8 =	rddreg [dreg:$0xe]  }
0x64: {  	s9 =	rddreg [dreg:$0x17];
	[sflag:s12] =	ssyncadd.s32 $0xFFFFFCC0  }
0x65: {  	[spmem:s9], [sflag:s7] =	dma.local [hbm:s8], $0x340  }
0x66: {  	_ =	swait.ge [sflag:s12], $0x340  }
0x67: {  	[sflag:s12] =	ssyncset.done $0x0;
	s8 =	rddreg [dreg:$0xf]  }
0x68: {  	s9 =	rddreg [dreg:$0x18];
	[sflag:s12] =	ssyncadd.s32 $0xFFFFFCC0  }
0x69: {  	[spmem:s9], [sflag:s7] =	dma.local [hbm:s8], $0x340  }
0x6a: {  	_ =	swait.ge [sflag:s12], $0x340  }
0x6b: {  	[sflag:s12] =	ssyncset.done $0x0;
	s8 =	rddreg [dreg:$0x10]  }
0x6c: {  	s9 =	rddreg [dreg:$0x19];
	[sflag:s12] =	ssyncadd.s32 $0xFFFFFCC0  }
0x6d: {  	[spmem:s9], [sflag:s7] =	dma.local [hbm:s8], $0x340  }
0x6e: {  	_ =	swait.ge [sflag:s12], $0x340  }
0x6f: {  	[sflag:s12] =	ssyncset.done $0x0;
	s8 =	rddreg [dreg:$0x11]  }
0x70: {  	s9 =	rddreg [dreg:$0x1a];
	[sflag:s12] =	ssyncadd.s32 $0xFFFFFCC0  }
0x71: {  	[spmem:s9], [sflag:s7] =	dma.local [hbm:s8], $0x340  }
0x72: {  	_ =	swait.ge [sflag:s12], $0x340  }
0x73: {  	[sflag:s12] =	ssyncset.done $0x0;
	s8 =	rddreg [dreg:$0x12]  }
0x74: {  	s9 =	rddreg [dreg:$0x1b];
	[sflag:s12] =	ssyncadd.s32 $0xFFFFFCC0  }
0x75: {  	[spmem:s9], [sflag:s7] =	dma.local @!p0 [hbm:s8], $0x80  }
0x76: {  	_ =	swait.ge @!p0 [sflag:s5], $0x80  }
0x77: {  	[sflag:s5] =	ssyncset.done @!p0 $0x0  }
0x78: {  	[sflag:s5] =	ssyncadd.s32 @!p0 $0xFFFFFF80  }
0x79: {  	s9 =	simm.s32 $0x0;
	[bflag:$0x0] =	sbarrier.arrive $0xFFFF  }
0x7a: {  	[tilespmem:s24], [sflag:$0x1] =	stream.indirect.gather [spmem:s3], $0x40, s9, s22, $0xb8;
	[tilespmem:$0x1FD00] =	vst v63  }
0x7b: {  	_ = 	snop  }
0x7c: {  	[tilespmem:s26], [sflag:$0x2] =	stream.indirect.gather [spmem:s3], $0x40, s22, s22, $0xb8;
	[tilespmem:$0x1FD00] =	vst v63  }
0x7d: {  	_ =	swait.ge [sflag:s28], $0x4000  }
0x7e: {  	[sflag:s28] =	ssyncset.done $0x0  }
0x7f: {  	[sflag:s28] =	ssyncadd.s32 $0xFFFFC000  }
0x80: {  	_ =	swait.ge [sflag:s29], $0x100  }
0x81: {  	[sflag:s29] =	ssyncset.done $0x0  }
0x82: {  	[sflag:s29] =	ssyncadd.s32 $0xFFFFFF00  }
0x83: {  	[spmem:s2] =	stream.indirect.scatter.add.f32 [tilespmem:s24], [sflag:$0x5], $0x40, s16, s22, $0xb8;
	[tilespmem:$0x1FD00] =	vst v63  }
0x84: {  	_ =	swait.ge [sflag:s30], $0x4000  }
0x85: {  	[sflag:s30] =	ssyncset.done $0x0  }
0x86: {  	s7 =	simm.s32 $0x200;
	[sflag:s30] =	ssyncadd.s32 $0xFFFFC000  }
0x87: {  	[tilespmem:s24], [sflag:$0x1] =	stream.indirect.gather [spmem:s3], $0x40, s7, s22, $0xb8;
	[tilespmem:$0x1FD00] =	vst v63  }
0x88: {  	s8 =	sadd.s32 $0x0, s14  }
0x89: {  	[tilespmem:s16], [sflag:$0x3] =	stream.linear.gather [hbm4b:s8+s4], $0x100, $0x38;
	[tilespmem:$0x1FD00] =	vst v63  }
0x8a: {  	_ =	swait.ge [sflag:s31], $0x4000  }
0x8b: {  	[sflag:s31] =	ssyncset.done $0x0  }
0x8c: {  	[sflag:s31] =	ssyncadd.s32 $0xFFFFC000  }
0x8d: {  	_ =	swait.ge [sflag:s1], $0x100  }
0x8e: {  	[sflag:s1] =	ssyncset.done $0x0  }
0x8f: {  	[sflag:s1] =	ssyncadd.s32 $0xFFFFFF00  }
0x90: {  	[spmem:s2] =	stream.indirect.scatter.add.f32 [tilespmem:s26], [sflag:$0x5], $0x40, s18, s22, $0xb8;
	[tilespmem:$0x1FD00] =	vst v63  }
0x91: {  	_ =	swait.ge [sflag:s30], $0x4000  }
0x92: {  	s5 =	simm.s32 $0x40;
	s9 =	simm.s32 $0x300;
	[sflag:s30] =	ssyncset.done $0x0  }
0x93: {  	s7 =	simm.s32 $0x400;
	s8 =	sadd.s32 $0x0, s15;
	[sflag:s30] =	ssyncadd.s32 $0xFFFFC000  }
0x94: {  	[tilespmem:s26], [sflag:$0x2] =	stream.indirect.gather [spmem:s3], $0x40, s9, s22, $0xb8;
	[tilespmem:$0x1FD00] =	vst v63  }
.LBB2_4:
0x95: {  	[tilespmem:s18], [sflag:$0x4] =	stream.linear.gather [hbm4b:s8+s4], $0x100, $0x38;
	[tilespmem:$0x1FD00] =	vst v63  }
0x96: {  	s8 =	smov.u32 s5  }
0x97: {  	p1 =	sne.s32 s5, $0x480;
	s5 =	sadd.s32 $0x40, s5;
	_ =	swait.ge [sflag:s28], $0x4000  }
0x98: {  	[sflag:s28] =	ssyncset.done $0x0  }
0x99: {  	[sflag:s28] =	ssyncadd.s32 $0xFFFFC000  }
0x9a: {  	_ =	swait.ge [sflag:s29], $0x100  }
0x9b: {  	[sflag:s29] =	ssyncset.done $0x0  }
0x9c: {  	[sflag:s29] =	ssyncadd.s32 $0xFFFFFF00  }
0x9d: {  	[spmem:s2] =	stream.indirect.scatter.add.f32 [tilespmem:s24], [sflag:$0x5], $0x40, s16, s22, $0xb8;
	[tilespmem:$0x1FD00] =	vst v63  }
0x9e: {  	_ =	swait.ge [sflag:s30], $0x4000  }
0x9f: {  	[sflag:s30] =	ssyncset.done $0x0  }
0xa0: {  	[sflag:s30] =	ssyncadd.s32 $0xFFFFC000  }
0xa1: {  	[tilespmem:s24], [sflag:$0x1] =	stream.indirect.gather [spmem:s3], $0x40, s7, s22, $0xb8;
	[tilespmem:$0x1FD00] =	vst v63  }
0xa2: {  	s9 =	sadd.s32 s8, s14  }
0xa3: {  	[tilespmem:s16], [sflag:$0x3] =	stream.linear.gather [hbm4b:s9+s4], $0x100, $0x38;
	[tilespmem:$0x1FD00] =	vst v63  }
0xa4: {  	_ =	swait.ge [sflag:s31], $0x4000  }
0xa5: {  	[sflag:s31] =	ssyncset.done $0x0  }
0xa6: {  	[sflag:s31] =	ssyncadd.s32 $0xFFFFC000  }
0xa7: {  	_ =	swait.ge [sflag:s1], $0x100  }
0xa8: {  	[sflag:s1] =	ssyncset.done $0x0  }
0xa9: {  	[sflag:s1] =	ssyncadd.s32 $0xFFFFFF00  }
0xaa: {  	[spmem:s2] =	stream.indirect.scatter.add.f32 [tilespmem:s26], [sflag:$0x5], $0x40, s18, s22, $0xb8;
	[tilespmem:$0x1FD00] =	vst v63  }
.Ltmp1:
0xab: {  	_ =	swait.ge [sflag:s30], $0x4000;
	(pc) =	sbr.rel @p1 .LBB2_4-.Ltmp1, $4  }
0xac: {  	[sflag:s30] =	ssyncset.done $0x0  }
0xad: {  	s9 =	sadd.s32 $0x100, s7;
	[sflag:s30] =	ssyncadd.s32 $0xFFFFC000  }
0xae: {  	[tilespmem:s26], [sflag:$0x2] =	stream.indirect.gather [spmem:s3], $0x40, s9, s22, $0xb8;
	[tilespmem:$0x1FD00] =	vst v63  }
0xaf: {  	s8 =	sadd.s32 s8, s15;
	s7 =	sadd.s32 $0x200, s7  }
0xb0: {  	[tilespmem:s18], [sflag:$0x4] =	stream.linear.gather [hbm4b:s8+s4], $0x100, $0x38;
	[tilespmem:$0x1FD00] =	vst v63  }
0xb1: {  	_ =	swait.ge [sflag:s28], $0x4000  }
0xb2: {  	[sflag:s28] =	ssyncset.done $0x0  }
0xb3: {  	[sflag:s28] =	ssyncadd.s32 $0xFFFFC000  }
0xb4: {  	_ =	swait.ge [sflag:s29], $0x100  }
0xb5: {  	[sflag:s29] =	ssyncset.done $0x0  }
0xb6: {  	[sflag:s29] =	ssyncadd.s32 $0xFFFFFF00  }
0xb7: {  	[spmem:s2] =	stream.indirect.scatter.add.f32 [tilespmem:s24], [sflag:$0x5], $0x40, s16, s22, $0xb8;
	[tilespmem:$0x1FD00] =	vst v63  }
0xb8: {  	_ =	swait.ge [sflag:s30], $0x4000  }
0xb9: {  	[sflag:s30] =	ssyncset.done $0x0  }
0xba: {  	[sflag:s30] =	ssyncadd.s32 $0xFFFFC000  }
0xbb: {  	[tilespmem:s24], [sflag:$0x1] =	stream.indirect.gather [spmem:s3], $0x40, s4, s22, $0xb8;
	[tilespmem:$0x1FD00] =	vst v63  }
0xbc: {  	_ = 	snop  }
0xbd: {  	[tilespmem:s16], [sflag:$0x3] =	stream.linear.gather [hbm4b:s6+s4], $0x100, $0x38;
	[tilespmem:$0x1FD00] =	vst v63  }
0xbe: {  	_ =	swait.ge [sflag:s31], $0x4000  }
0xbf: {  	[sflag:s31] =	ssyncset.done $0x0  }
0xc0: {  	[sflag:s31] =	ssyncadd.s32 $0xFFFFC000  }
0xc1: {  	_ =	swait.ge [sflag:s1], $0x100  }
0xc2: {  	[sflag:s1] =	ssyncset.done $0x0  }
0xc3: {  	[sflag:s1] =	ssyncadd.s32 $0xFFFFFF00  }
0xc4: {  	[spmem:s2] =	stream.indirect.scatter.add.f32 [tilespmem:s26], [sflag:$0x5], $0x40, s18, s22, $0xb8;
	[tilespmem:$0x1FD00] =	vst v63  }
0xc5: {  	_ =	swait.ge [sflag:s30], $0x4000  }
0xc6: {  	[sflag:s30] =	ssyncset.done $0x0  }
0xc7: {  	[sflag:s30] =	ssyncadd.s32 $0xFFFFC000  }
0xc8: {  	[tilespmem:s26], [sflag:$0x2] =	stream.indirect.gather [spmem:s3], $0x40, s22, s22, $0xb8;
	[tilespmem:$0x1FD00] =	vst v63  }
0xc9: {  	_ = 	snop  }
0xca: {  	[tilespmem:s18], [sflag:$0x4] =	stream.linear.gather [hbm4b:s10+s4], $0x100, $0x38;
	[tilespmem:$0x1FD00] =	vst v63  }
0xcb: {  	_ =	swait.ge [sflag:s28], $0x4000  }
0xcc: {  	[sflag:s28] =	ssyncset.done $0x0  }
0xcd: {  	[sflag:s28] =	ssyncadd.s32 $0xFFFFC000  }
0xce: {  	_ =	swait.ge [sflag:s29], $0x100  }
0xcf: {  	[sflag:s29] =	ssyncset.done $0x0  }
0xd0: {  	[sflag:s29] =	ssyncadd.s32 $0xFFFFFF00  }
0xd1: {  	_ =	swait.ge [sflag:s31], $0x4000  }
0xd2: {  	[sflag:s31] =	ssyncset.done $0x0  }
0xd3: {  	[sflag:s31] =	ssyncadd.s32 $0xFFFFC000  }
0xd4: {  	_ =	swait.ge [sflag:s1], $0x100  }
0xd5: {  	[sflag:s1] =	ssyncset.done $0x0  }
0xd6: {  	[sflag:s1] =	ssyncadd.s32 $0xFFFFFF00  }
0xd7: {  	[bflag:$0x0] =	sbarrier.arrive $0xFFFF  }
0xd8: {  	[tilespmem:s20], [sflag:$0x6] =	stream.linear.gather [spmem:s13], $0x1A00, $0x38;
	[tilespmem:$0x1FD00] =	vst v63  }
0xd9: {  	_ =	swait.ge [sflag:s12], $0x1A00  }
0xda: {  	[sflag:s12] =	ssyncset.done $0x0  }
0xdb: {  	s5 =	rddreg [dreg:$0x6];
	[sflag:s12] =	ssyncadd.s32 $0xFFFFE600  }
0xdc: {  	[hbm4b:s5+s4] =	stream.linear.scatter [tilespmem:s20], [sflag:$0x6], $0x1A00, $0x38;
	[tilespmem:$0x1FD00] =	vst v63  }
0xdd: {  	_ =	swait.ge [sflag:s12], $0x1A00  }
0xde: {  	[sflag:s12] =	ssyncset.done $0x0  }
0xdf: {  	[sflag:s12] =	ssyncadd.s32 $0xFFFFE600  }
0xe0: {  	[tilespmem:s20], [sflag:$0x6] =	stream.linear.gather [spmem:s17], $0x1A00, $0x38;
	[tilespmem:$0x1FD00] =	vst v63  }
0xe1: {  	_ =	swait.ge [sflag:s12], $0x1A00  }
0xe2: {  	[sflag:s12] =	ssyncset.done $0x0  }
0xe3: {  	s7 =	rddreg [dreg:$0x7];
	[sflag:s12] =	ssyncadd.s32 $0xFFFFE600  }
0xe4: {  	[hbm4b:s7+s4] =	stream.linear.scatter [tilespmem:s20], [sflag:$0x6], $0x1A00, $0x38;
	[tilespmem:$0x1FD00] =	vst v63  }
0xe5: {  	_ =	swait.ge [sflag:s12], $0x1A00  }
0xe6: {  	[sflag:s12] =	ssyncset.done $0x0  }
0xe7: {  	[sflag:s12] =	ssyncadd.s32 $0xFFFFE600  }
0xe8: {  	[tilespmem:s20], [sflag:$0x6] =	stream.linear.gather [spmem:s19], $0x1A00, $0x38;
	[tilespmem:$0x1FD00] =	vst v63  }
0xe9: {  	_ =	swait.ge [sflag:s12], $0x1A00  }
0xea: {  	[sflag:s12] =	ssyncset.done $0x0  }
0xeb: {  	s8 =	rddreg [dreg:$0x8];
	[sflag:s12] =	ssyncadd.s32 $0xFFFFE600  }
0xec: {  	[hbm4b:s8+s4] =	stream.linear.scatter [tilespmem:s20], [sflag:$0x6], $0x1A00, $0x38;
	[tilespmem:$0x1FD00] =	vst v63  }
0xed: {  	_ =	swait.ge [sflag:s12], $0x1A00  }
0xee: {  	[sflag:s12] =	ssyncset.done $0x0  }
0xef: {  	[sflag:s12] =	ssyncadd.s32 $0xFFFFE600  }
0xf0: {  	[tilespmem:s20], [sflag:$0x6] =	stream.linear.gather [spmem:s21], $0x1A00, $0x38;
	[tilespmem:$0x1FD00] =	vst v63  }
0xf1: {  	_ =	swait.ge [sflag:s12], $0x1A00  }
0xf2: {  	[sflag:s12] =	ssyncset.done $0x0  }
0xf3: {  	s9 =	rddreg [dreg:$0x9];
	[sflag:s12] =	ssyncadd.s32 $0xFFFFE600  }
0xf4: {  	[hbm4b:s9+s4] =	stream.linear.scatter [tilespmem:s20], [sflag:$0x6], $0x1A00, $0x38;
	[tilespmem:$0x1FD00] =	vst v63  }
0xf5: {  	_ =	swait.ge [sflag:s12], $0x1A00  }
0xf6: {  	[sflag:s12] =	ssyncset.done $0x0  }
0xf7: {  	[sflag:s12] =	ssyncadd.s32 $0xFFFFE600  }
0xf8: {  	[tilespmem:s20], [sflag:$0x6] =	stream.linear.gather [spmem:s23], $0x1A00, $0x38;
	[tilespmem:$0x1FD00] =	vst v63  }
0xf9: {  	_ =	swait.ge [sflag:s12], $0x1A00  }
0xfa: {  	[sflag:s12] =	ssyncset.done $0x0  }
0xfb: {  	s7 =	rddreg [dreg:$0xa];
	[sflag:s12] =	ssyncadd.s32 $0xFFFFE600  }
0xfc: {  	[hbm4b:s7+s4] =	stream.linear.scatter [tilespmem:s20], [sflag:$0x6], $0x1A00, $0x38;
	[tilespmem:$0x1FD00] =	vst v63  }
0xfd: {  	_ =	swait.ge [sflag:s12], $0x1A00  }
0xfe: {  	[sflag:s12] =	ssyncset.done $0x0  }
0xff: {  	[sflag:s12] =	ssyncadd.s32 $0xFFFFE600  }
0x100: {  	[tilespmem:s20], [sflag:$0x6] =	stream.linear.gather [spmem:s25], $0x1A00, $0x38;
	[tilespmem:$0x1FD00] =	vst v63  }
0x101: {  	_ =	swait.ge [sflag:s12], $0x1A00  }
0x102: {  	[sflag:s12] =	ssyncset.done $0x0  }
0x103: {  	s8 =	rddreg [dreg:$0xb];
	[sflag:s12] =	ssyncadd.s32 $0xFFFFE600  }
0x104: {  	[hbm4b:s8+s4] =	stream.linear.scatter [tilespmem:s20], [sflag:$0x6], $0x1A00, $0x38;
	[tilespmem:$0x1FD00] =	vst v63  }
0x105: {  	_ =	swait.ge [sflag:s12], $0x1A00  }
0x106: {  	[sflag:s12] =	ssyncset.done $0x0  }
0x107: {  	s5 =	simm.s32 @!p0 $0xAA00;
	s7 =	simm.s32 @!p0 $0x6;
	[sflag:s12] =	ssyncadd.s32 $0xFFFFE600  }
0x108: {  	[tilespmem:s5], [sflag:$0x6] =	stream.linear.gather @!p0 [spmem:s11], $0x400, $0x38;
	[tilespmem:$0x1FD00] =	vst v63  }
0x109: {  	_ =	swait.ge @!p0 [sflag:s7], $0x400  }
0x10a: {  	[sflag:s7] =	ssyncset.done @!p0 $0x0  }
0x10b: {  	s8 =	simm.s32 @!p0 $0x0;
	s9 =	rddreg [dreg:$0x13];
	[sflag:s7] =	ssyncadd.s32 @!p0 $0xFFFFFC00  }
0x10c: {  	[hbm4b:s9+s8] =	stream.linear.scatter @!p0 [tilespmem:s5], [sflag:$0x6], $0x400, $0x38;
	[tilespmem:$0x1FD00] =	vst v63  }
0x10d: {  	_ =	swait.ge @!p0 [sflag:s7], $0x400  }
0x10e: {  	s0 =	sadd.s32 $0x1, s0;
	s9 =	rddreg [dreg:$0x14]  }
0x10f: {  	p1 =	sne.s32 s0, s9  }
.Ltmp2:
0x110: {  	_ = 	snop;
	(pc) =	sbr.rel @p1 .LBB2_1-.Ltmp2, $3  }
0x111: {  	_ =	sdelay $0x1  }
0x112: {  	[sflag:s7] =	ssyncset.done @!p0 $0x0  }
0x113: {  	[sflag:s7] =	ssyncadd.s32 @!p0 $0xFFFFFC00  }
0x114: {  	_ =	sfence.sel $0x180000  }
0x115: {  	[bflag:$0x0] =	sbarrier.arrive $0xFFFF  }
0x116: {  	_ =	strace $0x9000004D  }
0x117: {  	s0 =	stileid.u32;
	[bflag:$0x2] =	sbarrier.arrive $0xFFFF  }
0x118: {  	p0 =	sne.s32 s0, $0x0;
	s0 =	rddreg [dreg:$0x4]  }
0x119: {  	s0 =	sadd.s32 @!p0 $0x100000, s0  }
0x11a: {  	[sflag:s0] =	ssyncadd.tile.s32 @!p0 $0x1;
	_ =	shalt  }
.Lfunc_end2:
_tile_overlayer_lowered:
.L_overlay_start_2:
0x11b: {  	(tag) =	ssettag $0x2  }
0x11c: {  	s0 =	rddreg [dreg:$0x0];
	s2 =	stileid.u32  }
0x11d: {  	s1 =	rddreg [dreg:$0x1];
	p0 =	sne.s32 s2, $0x0  }
0x11e: {  	s3 =	rddreg [dreg:$0x2];
	[bflag:$0x3] =	sbarrier.arrive $0xFFFF;
	s2 =	simm.s32 @!p0 $0x1C06  }
0x11f: {  	[timem:s3], [sflag:s2] =	dma.local @!p0 [hbm:s0], s1  }
0x120: {  	s0 =	simm.s32 @!p0 $0x6  }
0x121: {  	_ =	swait.ge @!p0 [sflag:s0], s1  }
0x122: {  	s1 =	ssub.s32 @!p0 $0x0, s1;
	[sflag:s0] =	ssyncset.done @!p0 $0x0  }
0x123: {  	[sflag:s0] =	ssyncadd.s32 @!p0 s1  }
0x124: {  	[bflag:$0x3] =	sbarrier.arrive $0xFFFF  }
0x125: {  	_ =	shalt  }

// kernel: kernel.18.cloned.1.call-start
scs
__scs_entry_jumppad:
0x0: {  	(pc) =	sbr.rel $0x88, $3  }
0x1: {  	(tag) =	ssettag $0x0;
	lr =	simm.s32 $0x1  }
0x2: {  	[smem:$0x3F9B] =	sst lr;
	_ =	strace $0xD0000000  }
0x3: {  	_ = 	snop  }
0x4: {  	_ = 	snop  }
0x5: {  	_ = 	snop  }
0x6: {  	_ = 	snop  }
0x7: {  	_ = 	snop  }
__scs_overlays_trampoline_lowered:
0x8: {  	[smem:$0x3FAA] =	sst s0  }
0x9: {  	[smem:$0x3FAB] =	sst s1  }
0xa: {  	[smem:$0x3FAC] =	sst s2  }
0xb: {  	[smem:$0x3FAD] =	sst s3  }
0xc: {  	[smem:$0x3FAE] =	sst s4  }
0xd: {  	[smem:$0x3FAF] =	sst s5  }
0xe: {  	[smem:$0x3FB0] =	sst s6  }
0xf: {  	[smem:$0x3FB1] =	sst s7  }
0x10: {  	[smem:$0x3FB2] =	sst s8  }
0x11: {  	[smem:$0x3FB3] =	sst s9;
	s0 =	simm.s32 @!p0 $0x0  }
0x12: {  	s1 =	sld [smem:$0x3F99];
	s0 =	simm.s32 @p0 $0x1  }
0x13: {  	[smem:$0x3FB4] =	sst s0;
	s0 =	simm.s32 @!p1 $0x0  }
0x14: {  	s2 =	sld [smem:$0x3F98];
	s0 =	simm.s32 @p1 $0x1  }
0x15: {  	[smem:$0x3FB5] =	sst s0;
	s0 =	simm.s32 @!p2 $0x0  }
0x16: {  	s3 =	sld [smem:$0x3FDB];
	s0 =	simm.s32 @p2 $0x1  }
0x17: {  	s4 =	simm.s32 $0x1BF5;
	[smem:$0x3FB7] =	sst s0  }
0x18: {  	s0 =	sld [smem:$0x3F9A];
	_ =	swait.ge [sflag:s4], $0x0  }
0x19: {  	s7 =	sld [smem:$0x3F9B]  }
0x1a: {  	s8 =	sadd.s32 $0xFFFFE003, lr  }
0x1b: {  	s9 =	sadd.s32 $0xFFFFFEF7, lr;
	s5 =	simm.s32 $0xFFFFFFFF;
	p2 =	slt.u32 s8, $0xFFFFF086  }
0x1c: {  	p1 =	slt.u32 s9, $0xF7A;
	s5 =	simm.s32 @!p2 $0x0  }
0x1d: {  	s5 =	simm.s32 @p1 $0x1;
	p0 =	seq.s32 s7, s2  }
0x1e: {  	s7 =	smul.u32 @!p0 $0xF7A, s2;
	p2 =	seq.s32 @!p0 s5, $0x0  }
0x1f: {  	s9 =	smul.u32 $0xF7A, s1;
	s8 =	simm.s32 @!p0 $0x1BF5;
	p2 =	por !p2, p0  }
0x20: {  	[sflag:s8] =	ssyncset.s32 @!p0 $0xFFFFF086;
	s6 =	sadd.s32 @!p0 s3, s7;
	s7 =	simm.s32 @!p0 $0x108  }
0x21: {  	s3 =	sadd.s32 s3, s9;
	s6 =	sadd.s32 @!p0 $0x88, s6;
	s7 =	simm.s32 @p2 $0x1082  }
0x22: {  	[simem:s7], [sflag:s8] =	dma.local @!p0 [hbm:s6], $0xF7A  }
0x23: {  	s9 =	sor.u32 $0xD0000000, s2;
	s6 =	simm.s32 $0x108;
	_ =	swait.ge @!p0 [sflag:s8], $0x0  }
0x24: {  	s3 =	sadd.s32 $0x88, s3;
	s6 =	simm.s32 @!p1 $0x1082;
	[sflag:s4] =	ssyncset.s32 $0xFFFFF086  }
0x25: {  	[simem:s6], [sflag:s4] =	dma.local [hbm:s3], $0xF7A  }
0x26: {  	[smem:$0x3F9B] =	sst s1;
	(tag) =	ssettag s2;
	_ =	strace s9  }
0x27: {  	s1 =	sld [smem:$0x3FAB]  }
0x28: {  	s2 =	sld [smem:$0x3FAC]  }
0x29: {  	s4 =	sld [smem:$0x3FAE]  }
0x2a: {  	p0 =	seq.s32 s5, $0x0;
	s5 =	sld [smem:$0x3FAF]  }
0x2b: {  	s6 =	sld [smem:$0x3FB0]  }
0x2c: {  	s7 =	sld [smem:$0x3FB1]  }
0x2d: {  	s3 =	simm.s32 $0x108;
	s8 =	sld [smem:$0x3FB2]  }
0x2e: {  	s3 =	simm.s32 @!p0 $0x1082;
	s9 =	sld [smem:$0x3FB3]  }
0x2f: {  	lr =	sadd.s32 s0, s3;
	s0 =	sld [smem:$0x3FAA]  }
0x30: {  	s3 =	sld [smem:$0x3FAD]  }
0x31: {  	[smem:$0x3FB6] =	sst s10  }
0x32: {  	s10 =	sld [smem:$0x3FB4];
	_ =	sdelay $0x3  }
0x33: {  	p0 =	seq.s32 s10, $0x1;
	s10 =	sld [smem:$0x3FB6];
	_ =	sdelay $0x3  }
0x34: {  	[smem:$0x3FB6] =	sst s10  }
0x35: {  	s10 =	sld [smem:$0x3FB5];
	_ =	sdelay $0x3  }
0x36: {  	p1 =	seq.s32 s10, $0x1;
	s10 =	sld [smem:$0x3FB6];
	_ =	sdelay $0x3  }
0x37: {  	[smem:$0x3FB6] =	sst s10  }
0x38: {  	s10 =	sld [smem:$0x3FB7]  }
0x39: {  	_ = 	snop;
	(pc) =	sbr.ind lr, $3  }
0x3a: {  	_ = 	snop  }
0x3b: {  	_ = 	snop  }
0x3c: {  	p2 =	seq.s32 s10, $0x1;
	s10 =	sld [smem:$0x3FB6]  }
0x3d: {  	_ =	shalt  }
0x3e: {  	_ =	shalt  }
0x3f: {  	_ =	shalt  }
0x40: {  	_ =	shalt  }
0x41: {  	_ =	shalt  }
0x42: {  	_ =	shalt  }
0x43: {  	_ =	shalt  }
0x44: {  	_ =	shalt  }
0x45: {  	_ =	shalt  }
0x46: {  	_ =	shalt  }
0x47: {  	_ =	shalt  }
0x48: {  	_ =	shalt  }
0x49: {  	_ =	shalt  }
0x4a: {  	_ =	shalt  }
0x4b: {  	_ =	shalt  }
0x4c: {  	_ =	shalt  }
0x4d: {  	_ =	shalt  }
0x4e: {  	_ =	shalt  }
0x4f: {  	_ =	shalt  }
0x50: {  	_ =	shalt  }
0x51: {  	_ =	shalt  }
0x52: {  	_ =	shalt  }
0x53: {  	_ =	shalt  }
0x54: {  	_ =	shalt  }
0x55: {  	_ =	shalt  }
0x56: {  	_ =	shalt  }
0x57: {  	_ =	shalt  }
0x58: {  	_ =	shalt  }
0x59: {  	_ =	shalt  }
0x5a: {  	_ =	shalt  }
0x5b: {  	_ =	shalt  }
0x5c: {  	_ =	shalt  }
0x5d: {  	_ =	shalt  }
0x5e: {  	_ =	shalt  }
0x5f: {  	_ =	shalt  }
0x60: {  	_ =	shalt  }
0x61: {  	_ =	shalt  }
0x62: {  	_ =	shalt  }
0x63: {  	_ =	shalt  }
0x64: {  	_ =	shalt  }
0x65: {  	_ =	shalt  }
0x66: {  	_ =	shalt  }
0x67: {  	_ =	shalt  }
0x68: {  	_ =	shalt  }
0x69: {  	_ =	shalt  }
0x6a: {  	_ =	shalt  }
0x6b: {  	_ =	shalt  }
0x6c: {  	_ =	shalt  }
0x6d: {  	_ =	shalt  }
0x6e: {  	_ =	shalt  }
0x6f: {  	_ =	shalt  }
0x70: {  	_ =	shalt  }
0x71: {  	_ =	shalt  }
0x72: {  	_ =	shalt  }
0x73: {  	_ =	shalt  }
0x74: {  	_ =	shalt  }
0x75: {  	_ =	shalt  }
0x76: {  	_ =	shalt  }
0x77: {  	_ =	shalt  }
0x78: {  	_ =	shalt  }
0x79: {  	_ =	shalt  }
0x7a: {  	_ =	shalt  }
0x7b: {  	_ =	shalt  }
0x7c: {  	_ =	shalt  }
0x7d: {  	_ =	shalt  }
0x7e: {  	_ =	shalt  }
0x7f: {  	_ =	shalt  }
0x80: {  	_ =	shalt  }
0x81: {  	_ =	shalt  }
0x82: {  	_ =	shalt  }
0x83: {  	_ =	shalt  }
0x84: {  	_ =	shalt  }
0x85: {  	_ =	shalt  }
0x86: {  	_ =	shalt  }
0x87: {  	_ =	shalt  }
.Lfunc_end0:
.L_simem_size_0:
called_computation.3_lowered:
.L_overlay_start_0:
0x88: {  	s2 =	sld [smem:$0x3FD9]  }
0x89: {  	s3 =	sld [smem:$0x3FFE];
	_ =	sdelay $0x1  }
0x8a: {  	s1 =	srdreg.scid  }
0x8b: {  	s0 =	sand.u32 $0x1, s1  }
0x8c: {  	s17 =	sshll.u32 s0, $0xA;
	s2 =	sadd.s32 s3, s2  }
0x8d: {  	s2 =	sadd.s32 s2, s17  }
0x8e: {  	[smem:$0x3FC2] =	sst s2  }
0x8f: {  	_ = 	snop  }
0x90: {  	s2 =	sld [smem:$0x3FD0];
	(tm) =	ssettm $0x1  }
0x91: {  	s18 =	sld [smem:$0x3FFB];
	_ =	sdelay $0x3  }
0x92: {  	_ =	strace s18  }
0x93: {  	s3 =	sld [smem:$0x3FFC];
	_ =	sdelay $0x3  }
0x94: {  	_ =	strace s3  }
0x95: {  	s3 =	sld [smem:$0x3FFD];
	_ =	sdelay $0x3  }
0x96: {  	_ =	strace s3  }
0x97: {  	_ =	strace $0x8FFFFFFF  }
0x98: {  	s19 =	sld [smem:$0x3FDB];
	_ =	sdelay $0x1  }
0x99: {  	s4 =	simm.s32 $_scs_section_size  }
0x9a: {  	s5 =	simm.s32 $_size__tile_overlayer_lowered;
	s6 =	simm.s32 $_tile_overlayer_lowered  }
0x9b: {  	s22 =	simm.s32 $0x1BFF;
	s21 =	sshll.u32 s6, $0x1;
	s3 =	sadd.s32 s4, s19  }
0x9c: {  	s7 =	simm.s32 $0x0;
	s20 =	sshll.u32 s5, $0x1;
	s5 =	sadd.s32 s21, s3  }
0x9d: {  	[timem:s7], [sflag:s22] =	dma.local [hbm:s5], s20  }
0x9e: {  	_ =	swait.ge [sflag:s22], s20  }
0x9f: {  	s4 =	ssub.s32 $0x0, s20;
	[sflag:s22] =	ssyncset.done $0x0  }
0xa0: {  	[sflag:s22] =	ssyncadd.s32 s4;
	_ =	sdelay $0x1  }
0xa1: {  	s23 =	simm.s32 $0x1B8B  }
0xa2: {  	_ =	swait.ge [sflag:s23], $0x1  }
0xa3: {  	[sflag:s23] =	ssyncset.done $0x0  }
0xa4: {  	s25 =	simm.s32 $0x1B8E;
	s24 =	sld [smem:$0x3FFE];
	[sflag:s23] =	ssyncadd.s32 $0xFFFFFFFF  }
0xa5: {  	s26 =	simm.s32 $execute0_lowered;
	[smem:$0x3FD2] =	sst s25  }
0xa6: {  	s5 =	sshll.u32 s26, $0x1;
	_ =	strace $0x8000004F;
	[dreg:$0x1] =	wrdreg $0xFFFFFFFF  }
0xa7: {  	s28 =	simm.s32 $_size_execute0_lowered;
	s3 =	sadd.s32 s3, s5;
	[dreg:$0x0] =	wrdreg $0x0  }
0xa8: {  	s5 =	sshll.u32 s28, $0x1;
	[dreg:$0x2] =	wrdreg s3  }
0xa9: {  	[dreg:$0x3] =	wrdreg s5  }
0xaa: {  	[dreg:$0x4] =	wrdreg $0xC0  }
0xab: {  	_ =	task [dreg:s7], $0x5FFFF  }
0xac: {  	[dreg:$0x1] =	wrdreg $0xFFFFFFFF  }
0xad: {  	[dreg:$0x0] =	wrdreg $0x60  }
0xae: {  	[dreg:$0x2] =	wrdreg s2  }
0xaf: {  	[dreg:$0x3] =	wrdreg s24  }
0xb0: {  	[dreg:$0x4] =	wrdreg $0xC4000  }
0xb1: {  	[dreg:$0x5] =	wrdreg $0x160800  }
0xb2: {  	[dreg:$0x6] =	wrdreg $0x9  }
0xb3: {  	_ =	task.clear_ibuf [dreg:s7], $0x7FFFF;
	_ =	strace $0x9000004F  }
0xb4: {  	s29 =	simm.s32 $0x9;
	_ =	strace $0x80000051  }
0xb5: {  	_ =	swait.ge [sflag:s29], $0x1  }
0xb6: {  	[sflag:s29] =	ssyncadd.s32 $0xFFFFFFFF  }
0xb7: {  	_ =	strace $0x90000051  }
0xb8: {  	_ =	sfence  }
0xb9: {  	s30 =	sld [smem:$0x0];
	_ =	sdelay $0x2  }
0xba: {  	s31 =	sshll.u32 s1, $0xD;
	s1 =	sshrl.u32 s1, $0x2  }
0xbb: {  	s3 =	sand.u32 $0x4000, s31;
	s1 =	sadd.s32 s1, s30  }
0xbc: {  	s0 =	sor.u32 s3, s0;
	s1 =	sshll.u32 s1, $0x11  }
0xbd: {  	s0 =	sor.u32 s1, s0  }
0xbe: {  	s0 =	sadd.s32 $0x8F2B, s0  }
0xbf: {  	[sflag:s0] =	ssyncadd.remote.s32 $0x1  }
0xc0: {  	_ =	sfence.sel $0xFFFF  }
0xc1: {  	[dreg:$0x0] =	wrdreg $0xFFFFFFFF;
	(pc) =	sbr.abs _section_cstart, $3  }
0xc2: {  	[dreg:$0x1] =	wrdreg $0xFFFFFFFF  }
0xc3: {  	_ =	task.clear_ibuf [dreg:s7], $0x2FFFF;
	_ =	strace $0x9FFFFFFF  }
0xc4: {  	(tm) =	ssettm $0x7FFFFFFF  }
0xc5: {  	_ =	shalt  }
tec
execute0_lowered:
.L_overlay_start_1:
0x0: {  	(tag) =	ssettag $0x1  }
0x1: {  	s0 =	rddreg [dreg:$0x0]  }
0x2: {  	s5 =	rddreg [dreg:$0x1]  }
0x3: {  	s1 =	srdreg.scid;
	s2 =	rddreg [dreg:$0x2]  }
0x4: {  	s22 =	stileid.u32;
	s3 =	rddreg [dreg:$0x3]  }
0x5: {  	s4 =	simm.s32 $0x0;
	s28 =	simm.s32 $0x1;
	s29 =	simm.s32 $0x3  }
0x6: {  	s30 =	simm.s32 $0x5;
	s31 =	simm.s32 $0x2;
	s7 =	sand.u32 $0x1, s1  }
0x7: {  	s20 =	sshll.u32 s22, $0x1;
	[smem:$0x7FF] =	sst s4;
	s11 =	smul.u32 $0x9C00, s22  }
0x8: {  	s9 =	sadd.s32 $0x20600, s5;
	s26 =	smul.u32 $0x5000, s22;
	p0 =	sne.s32 s22, $0xF  }
0x9: {  	s1 =	sor.u32 s7, s20;
	_ =	strace $0x80000050;
	s21 =	ssub.s32 $0x2, s7  }
0xa: {  	s1 =	smul.u32 $0x2800, s1;
	s10 =	sshrl.u32 s21, $0x1;
	s12 =	sadd.s32 $0x3400, s11  }
0xb: {  	s16 =	sadd.s32 $0x4E00, s11;
	s18 =	sadd.s32 $0x6800, s11;
	s20 =	sadd.s32 $0x8200, s11  }
0xc: {  	s6 =	sshrl.u32 s1, $0x3;
	s1 =	ssub.s32 s21, s10;
	s10 =	smul.u32 $0x9C400, s7  }
0xd: {  	s7 =	smul.u32 $0x2800, s7;
	s8 =	sadd.s32 s6, s5;
	s5 =	sadd.s32 $0x5B800, s5  }
0xe: {  	s6 =	sadd.s32 s9, s6;
	s8 =	sadd.s32 $0x2A600, s8;
	s13 =	sadd.s32 s11, s10  }
0xf: {  	s15 =	sadd.s32 s10, s12;
	s25 =	sadd.s32 s10, s16;
	s17 =	sadd.s32 s10, s18  }
0x10: {  	s21 =	sadd.s32 s10, s20;
	s7 =	sadd.s32 s7, s26;
	s26 =	sshrl.u32 s11, $0x3  }
0x11: {  	[dreg:$0x5] =	wrdreg s8;
	s8 =	sadd.s32 $0x1A00, s11;
	s13 =	sshrl.u32 s13, $0x3  }
0x12: {  	s24 =	sshrl.u32 s15, $0x3;
	s19 =	sshrl.u32 s17, $0x3;
	s14 =	sadd.s32 s10, s8  }
0x13: {  	s13 =	sadd.s32 s5, s13;
	s10 =	sshrl.u32 s10, $0x3;
	s17 =	sadd.s32 s8, s2  }
0x14: {  	s14 =	sshrl.u32 s14, $0x3;
	[dreg:$0x6] =	wrdreg s13;
	s13 =	sadd.s32 s5, s24  }
0x15: {  	s24 =	sor.u32 $0x200, s7;
	s7 =	sor.u32 $0x300, s7;
	s23 =	sadd.s32 s5, s14  }
0x16: {  	[dreg:$0x8] =	wrdreg s13;
	s13 =	sshrl.u32 s25, $0x3;
	s25 =	sshrl.u32 s24, $0x3  }
0x17: {  	s7 =	sshrl.u32 s7, $0x3;
	s24 =	sshrl.u32 s20, $0x3;
	[dreg:$0x7] =	wrdreg s23  }
0x18: {  	s13 =	sadd.s32 s5, s13;
	s23 =	sshrl.u32 s21, $0x3;
	s14 =	sadd.s32 s25, s9  }
0x19: {  	s15 =	sadd.s32 s7, s9;
	s7 =	sadd.s32 s11, s3;
	s9 =	sadd.s32 s0, s26  }
0x1a: {  	s21 =	sadd.s32 s16, s2;
	s25 =	sadd.s32 s20, s2;
	[dreg:$0x9] =	wrdreg s13  }
0x1b: {  	s13 =	sadd.s32 s5, s19;
	[dreg:$0xc] =	wrdreg s9;
	s19 =	sadd.s32 s12, s2  }
0x1c: {  	[dreg:$0xa] =	wrdreg s13;
	s13 =	sadd.s32 s5, s23;
	s5 =	sadd.s32 s5, s10  }
0x1d: {  	s10 =	sshrl.u32 s8, $0x3;
	s8 =	sadd.s32 s8, s3;
	s23 =	sadd.s32 s18, s2  }
0x1e: {  	[dreg:$0xb] =	wrdreg s13;
	s13 =	sadd.s32 s11, s2;
	s9 =	sadd.s32 s0, s10  }
0x1f: {  	s11 =	sshrl.u32 s12, $0x3;
	s10 =	sadd.s32 s12, s3;
	s12 =	sshrl.u32 s16, $0x3  }
0x20: {  	s26 =	sadd.s32 $0x13800, s5;
	s5 =	smax.u32 s1, $0x1;
	[dreg:$0xd] =	wrdreg s9  }
0x21: {  	s1 =	simm.s32 $0x4;
	s9 =	sadd.s32 s0, s11;
	[dreg:$0x13] =	wrdreg s26  }
0x22: {  	s11 =	sadd.s32 s0, s12;
	s12 =	sadd.s32 s18, s3;
	[dreg:$0x14] =	wrdreg s5  }
0x23: {  	[dreg:$0xe] =	wrdreg s9;
	s9 =	sadd.s32 s16, s3;
	s16 =	sshrl.u32 s18, $0x3  }
0x24: {  	[dreg:$0xf] =	wrdreg s11;
	s18 =	sshrl.u32 s8, $0x3;
	s11 =	sadd.s32 s0, s16  }
0x25: {  	s16 =	sadd.s32 s20, s3;
	[dreg:$0x16] =	wrdreg s18;
	s20 =	sshrl.u32 s10, $0x3  }
0x26: {  	s22 =	sshrl.u32 s9, $0x3;
	s10 =	sadd.s32 $0x20, s6;
	[dreg:$0x10] =	wrdreg s11  }
0x27: {  	s18 =	simm.s32 $0x2900;
	s11 =	sadd.s32 s0, s24;
	[dreg:$0x17] =	wrdreg s20  }
0x28: {  	s0 =	sadd.s32 $0x13800, s0;
	[dreg:$0x18] =	wrdreg s22;
	s24 =	sshrl.u32 s12, $0x3  }
0x29: {  	s26 =	sshrl.u32 s16, $0x3;
	s12 =	simm.s32 $0x6;
	[dreg:$0x11] =	wrdreg s11  }
0x2a: {  	s16 =	simm.s32 $0x2800;
	s20 =	simm.s32 $0xAA00;
	[dreg:$0x12] =	wrdreg s0  }
0x2b: {  	s22 =	simm.s32 $0x100;
	s11 =	sshrl.u32 s7, $0x3;
	[dreg:$0x19] =	wrdreg s24  }
0x2c: {  	s0 =	sadd.s32 $0x9C000, s3;
	[dreg:$0x1a] =	wrdreg s26;
	s24 =	simm.s32 $0x2A00  }
0x2d: {  	s26 =	simm.s32 $0x6A00;
	[dreg:$0x15] =	wrdreg s11;
	s0 =	sshrl.u32 @!p0 s0, $0x3  }
0x2e: {  	v0 =	vimm.f32 $0.0e+00;
	s11 =	sadd.s32 $0x9C000, s2;
	[dreg:$0x1b] =	wrdreg s0;
	s0 =	simm.s32 $0x0  }
.LBB2_1:
0x2f: {  	s5 =	rddreg [dreg:$0x5]  }
0x30: {  	[tilespmem:s4], [sflag:$0x6] =	stream.linear.gather [hbm4b:s5+s4], $0x2800, $0x38;
	[tilespmem:$0x1FD00] =	vst v63  }
0x31: {  	_ =	swait.ge [sflag:s12], $0x2800  }
0x32: {  	[sflag:s12] =	ssyncset.done $0x0  }
0x33: {  	[sflag:s12] =	ssyncadd.s32 $0xFFFFD800  }
0x34: {  	[tilespmem:s16], [sflag:$0x3] =	stream.linear.gather [hbm4b:s6+s4], $0x100, $0x38;
	[tilespmem:$0x1FD00] =	vst v63  }
0x35: {  	s7 =	simm.s32 $0x100;
	s5 =	simm.s32 $0x0  }
0x36: {  	[tilespmem:s18], [sflag:$0x4] =	stream.linear.gather [hbm4b:s10+s4], $0x100, $0x38;
	[tilespmem:$0x1FD00] =	vst v63  }
.LBB2_2:
0x37: {  	p1 =	sne.s32 s7, $0x6700;
	[tilespmem:s5+$0xAA30] =	vst v0;
	s8 =	smov.u32 s7;
	s7 =	sadd.s32 $0x100, s7  }
.Ltmp0:
0x38: {  	[tilespmem:s5+$0xAA20] =	vst v0;
	(pc) =	sbr.rel @p1 .LBB2_2-.Ltmp0, $3  }
0x39: {  	[tilespmem:s5+$0xAA00] =	vst v0  }
0x3a: {  	[tilespmem:s5+$0xAA10] =	vst v0;
	_ =	sdelay $0x1  }
0x3b: {  	s5 =	sshra.s32 s8, $0x2  }
0x3c: {  	[tilespmem:s5+$0xAA30] =	vst v0  }
0x3d: {  	[tilespmem:s5+$0xAA20] =	vst v0  }
0x3e: {  	[tilespmem:s5+$0xAA00] =	vst v0  }
0x3f: {  	[tilespmem:s5+$0xAA10] =	vst v0  }
0x40: {  	[spmem:s13] =	stream.linear.scatter [tilespmem:s20], [sflag:$0x6], $0x1A00, $0x38;
	[tilespmem:$0x1FD00] =	vst v63  }
0x41: {  	_ =	swait.ge [sflag:s12], $0x1A00  }
0x42: {  	[sflag:s12] =	ssyncset.done $0x0  }
0x43: {  	[sflag:s12] =	ssyncadd.s32 $0xFFFFE600  }
0x44: {  	[spmem:s17] =	stream.linear.scatter [tilespmem:s20], [sflag:$0x6], $0x1A00, $0x38;
	[tilespmem:$0x1FD00] =	vst v63  }
0x45: {  	_ =	swait.ge [sflag:s12], $0x1A00  }
0x46: {  	[sflag:s12] =	ssyncset.done $0x0  }
0x47: {  	[sflag:s12] =	ssyncadd.s32 $0xFFFFE600  }
0x48: {  	[spmem:s19] =	stream.linear.scatter [tilespmem:s20], [sflag:$0x6], $0x1A00, $0x38;
	[tilespmem:$0x1FD00] =	vst v63  }
0x49: {  	_ =	swait.ge [sflag:s12], $0x1A00  }
0x4a: {  	[sflag:s12] =	ssyncset.done $0x0  }
0x4b: {  	[sflag:s12] =	ssyncadd.s32 $0xFFFFE600  }
0x4c: {  	[spmem:s21] =	stream.linear.scatter [tilespmem:s20], [sflag:$0x6], $0x1A00, $0x38;
	[tilespmem:$0x1FD00] =	vst v63  }
0x4d: {  	_ =	swait.ge [sflag:s12], $0x1A00  }
0x4e: {  	[sflag:s12] =	ssyncset.done $0x0  }
0x4f: {  	[sflag:s12] =	ssyncadd.s32 $0xFFFFE600  }
0x50: {  	[spmem:s23] =	stream.linear.scatter [tilespmem:s20], [sflag:$0x6], $0x1A00, $0x38;
	[tilespmem:$0x1FD00] =	vst v63  }
0x51: {  	_ =	swait.ge [sflag:s12], $0x1A00  }
0x52: {  	[sflag:s12] =	ssyncset.done $0x0  }
0x53: {  	[sflag:s12] =	ssyncadd.s32 $0xFFFFE600  }
0x54: {  	[spmem:s25] =	stream.linear.scatter [tilespmem:s20], [sflag:$0x6], $0x1A00, $0x38;
	[tilespmem:$0x1FD00] =	vst v63  }
0x55: {  	_ =	swait.ge [sflag:s12], $0x1A00  }
0x56: {  	[sflag:s12] =	ssyncset.done $0x0  }
0x57: {  	s5 =	simm.s32 @!p0 $0xAA00;
	[sflag:s12] =	ssyncadd.s32 $0xFFFFE600  }
0x58: {  	[spmem:s11] =	stream.linear.scatter @!p0 [tilespmem:s5], [sflag:$0x6], $0x400, $0x38;
	[tilespmem:$0x1FD00] =	vst v63  }
0x59: {  	s5 =	simm.s32 @!p0 $0x6  }
0x5a: {  	s7 =	stileid.u32;
	_ =	swait.ge @!p0 [sflag:s5], $0x400  }
0x5b: {  	s7 =	sshll.u32 s7, $0x6;
	[sflag:s5] =	ssyncset.done @!p0 $0x0;
	s8 =	rddreg [dreg:$0xc]  }
0x5c: {  	s7 =	sor.u32 $0x1C06, s7;
	s9 =	rddreg [dreg:$0x15];
	[sflag:s5] =	ssyncadd.s32 @!p0 $0xFFFFFC00  }
0x5d: {  	[spmem:s9], [sflag:s7] =	dma.local [hbm:s8], $0x340  }
0x5e: {  	_ =	swait.ge [sflag:s12], $0x340  }
0x5f: {  	[sflag:s12] =	ssyncset.done $0x0;
	s8 =	rddreg [dreg:$0xd]  }
0x60: {  	s9 =	rddreg [dreg:$0x16];
	[sflag:s12] =	ssyncadd.s32 $0xFFFFFCC0  }
0x61: {  	[spmem:s9], [sflag:s7] =	dma.local [hbm:s8], $0x340  }
0x62: {  	_ =	swait.ge [sflag:s12], $0x340  }
0x63: {  	[sflag:s12] =	ssyncset.done $0x0;
	s8 =	rddreg [dreg:$0xe]  }
0x64: {  	s9 =	rddreg [dreg:$0x17];
	[sflag:s12] =	ssyncadd.s32 $0xFFFFFCC0  }
0x65: {  	[spmem:s9], [sflag:s7] =	dma.local [hbm:s8], $0x340  }
0x66: {  	_ =	swait.ge [sflag:s12], $0x340  }
0x67: {  	[sflag:s12] =	ssyncset.done $0x0;
	s8 =	rddreg [dreg:$0xf]  }
0x68: {  	s9 =	rddreg [dreg:$0x18];
	[sflag:s12] =	ssyncadd.s32 $0xFFFFFCC0  }
0x69: {  	[spmem:s9], [sflag:s7] =	dma.local [hbm:s8], $0x340  }
0x6a: {  	_ =	swait.ge [sflag:s12], $0x340  }
0x6b: {  	[sflag:s12] =	ssyncset.done $0x0;
	s8 =	rddreg [dreg:$0x10]  }
0x6c: {  	s9 =	rddreg [dreg:$0x19];
	[sflag:s12] =	ssyncadd.s32 $0xFFFFFCC0  }
0x6d: {  	[spmem:s9], [sflag:s7] =	dma.local [hbm:s8], $0x340  }
0x6e: {  	_ =	swait.ge [sflag:s12], $0x340  }
0x6f: {  	[sflag:s12] =	ssyncset.done $0x0;
	s8 =	rddreg [dreg:$0x11]  }
0x70: {  	s9 =	rddreg [dreg:$0x1a];
	[sflag:s12] =	ssyncadd.s32 $0xFFFFFCC0  }
0x71: {  	[spmem:s9], [sflag:s7] =	dma.local [hbm:s8], $0x340  }
0x72: {  	_ =	swait.ge [sflag:s12], $0x340  }
0x73: {  	[sflag:s12] =	ssyncset.done $0x0;
	s8 =	rddreg [dreg:$0x12]  }
0x74: {  	s9 =	rddreg [dreg:$0x1b];
	[sflag:s12] =	ssyncadd.s32 $0xFFFFFCC0  }
0x75: {  	[spmem:s9], [sflag:s7] =	dma.local @!p0 [hbm:s8], $0x80  }
0x76: {  	_ =	swait.ge @!p0 [sflag:s5], $0x80  }
0x77: {  	[sflag:s5] =	ssyncset.done @!p0 $0x0  }
0x78: {  	[sflag:s5] =	ssyncadd.s32 @!p0 $0xFFFFFF80  }
0x79: {  	s9 =	simm.s32 $0x0;
	[bflag:$0x0] =	sbarrier.arrive $0xFFFF  }
0x7a: {  	[tilespmem:s24], [sflag:$0x1] =	stream.indirect.gather [spmem:s3], $0x40, s9, s22, $0xb8;
	[tilespmem:$0x1FD00] =	vst v63  }
0x7b: {  	_ = 	snop  }
0x7c: {  	[tilespmem:s26], [sflag:$0x2] =	stream.indirect.gather [spmem:s3], $0x40, s22, s22, $0xb8;
	[tilespmem:$0x1FD00] =	vst v63  }
0x7d: {  	_ =	swait.ge [sflag:s28], $0x4000  }
0x7e: {  	[sflag:s28] =	ssyncset.done $0x0  }
0x7f: {  	[sflag:s28] =	ssyncadd.s32 $0xFFFFC000  }
0x80: {  	_ =	swait.ge [sflag:s29], $0x100  }
0x81: {  	[sflag:s29] =	ssyncset.done $0x0  }
0x82: {  	[sflag:s29] =	ssyncadd.s32 $0xFFFFFF00  }
0x83: {  	[spmem:s2] =	stream.indirect.scatter.add.f32 [tilespmem:s24], [sflag:$0x5], $0x40, s16, s22, $0xb8;
	[tilespmem:$0x1FD00] =	vst v63  }
0x84: {  	_ =	swait.ge [sflag:s30], $0x4000  }
0x85: {  	[sflag:s30] =	ssyncset.done $0x0  }
0x86: {  	s7 =	simm.s32 $0x200;
	[sflag:s30] =	ssyncadd.s32 $0xFFFFC000  }
0x87: {  	[tilespmem:s24], [sflag:$0x1] =	stream.indirect.gather [spmem:s3], $0x40, s7, s22, $0xb8;
	[tilespmem:$0x1FD00] =	vst v63  }
0x88: {  	s8 =	sadd.s32 $0x0, s14  }
0x89: {  	[tilespmem:s16], [sflag:$0x3] =	stream.linear.gather [hbm4b:s8+s4], $0x100, $0x38;
	[tilespmem:$0x1FD00] =	vst v63  }
0x8a: {  	_ =	swait.ge [sflag:s31], $0x4000  }
0x8b: {  	[sflag:s31] =	ssyncset.done $0x0  }
0x8c: {  	[sflag:s31] =	ssyncadd.s32 $0xFFFFC000  }
0x8d: {  	_ =	swait.ge [sflag:s1], $0x100  }
0x8e: {  	[sflag:s1] =	ssyncset.done $0x0  }
0x8f: {  	[sflag:s1] =	ssyncadd.s32 $0xFFFFFF00  }
0x90: {  	[spmem:s2] =	stream.indirect.scatter.add.f32 [tilespmem:s26], [sflag:$0x5], $0x40, s18, s22, $0xb8;
	[tilespmem:$0x1FD00] =	vst v63  }
0x91: {  	_ =	swait.ge [sflag:s30], $0x4000  }
0x92: {  	s5 =	simm.s32 $0x40;
	s9 =	simm.s32 $0x300;
	[sflag:s30] =	ssyncset.done $0x0  }
0x93: {  	s7 =	simm.s32 $0x400;
	s8 =	sadd.s32 $0x0, s15;
	[sflag:s30] =	ssyncadd.s32 $0xFFFFC000  }
0x94: {  	[tilespmem:s26], [sflag:$0x2] =	stream.indirect.gather [spmem:s3], $0x40, s9, s22, $0xb8;
	[tilespmem:$0x1FD00] =	vst v63  }
.LBB2_4:
0x95: {  	[tilespmem:s18], [sflag:$0x4] =	stream.linear.gather [hbm4b:s8+s4], $0x100, $0x38;
	[tilespmem:$0x1FD00] =	vst v63  }
0x96: {  	s8 =	smov.u32 s5  }
0x97: {  	p1 =	sne.s32 s5, $0x480;
	s5 =	sadd.s32 $0x40, s5;
	_ =	swait.ge [sflag:s28], $0x4000  }
0x98: {  	[sflag:s28] =	ssyncset.done $0x0  }
0x99: {  	[sflag:s28] =	ssyncadd.s32 $0xFFFFC000  }
0x9a: {  	_ =	swait.ge [sflag:s29], $0x100  }
0x9b: {  	[sflag:s29] =	ssyncset.done $0x0  }
0x9c: {  	[sflag:s29] =	ssyncadd.s32 $0xFFFFFF00  }
0x9d: {  	[spmem:s2] =	stream.indirect.scatter.add.f32 [tilespmem:s24], [sflag:$0x5], $0x40, s16, s22, $0xb8;
	[tilespmem:$0x1FD00] =	vst v63  }
0x9e: {  	_ =	swait.ge [sflag:s30], $0x4000  }
0x9f: {  	[sflag:s30] =	ssyncset.done $0x0  }
0xa0: {  	[sflag:s30] =	ssyncadd.s32 $0xFFFFC000  }
0xa1: {  	[tilespmem:s24], [sflag:$0x1] =	stream.indirect.gather [spmem:s3], $0x40, s7, s22, $0xb8;
	[tilespmem:$0x1FD00] =	vst v63  }
0xa2: {  	s9 =	sadd.s32 s8, s14  }
0xa3: {  	[tilespmem:s16], [sflag:$0x3] =	stream.linear.gather [hbm4b:s9+s4], $0x100, $0x38;
	[tilespmem:$0x1FD00] =	vst v63  }
0xa4: {  	_ =	swait.ge [sflag:s31], $0x4000  }
0xa5: {  	[sflag:s31] =	ssyncset.done $0x0  }
0xa6: {  	[sflag:s31] =	ssyncadd.s32 $0xFFFFC000  }
0xa7: {  	_ =	swait.ge [sflag:s1], $0x100  }
0xa8: {  	[sflag:s1] =	ssyncset.done $0x0  }
0xa9: {  	[sflag:s1] =	ssyncadd.s32 $0xFFFFFF00  }
0xaa: {  	[spmem:s2] =	stream.indirect.scatter.add.f32 [tilespmem:s26], [sflag:$0x5], $0x40, s18, s22, $0xb8;
	[tilespmem:$0x1FD00] =	vst v63  }
.Ltmp1:
0xab: {  	_ =	swait.ge [sflag:s30], $0x4000;
	(pc) =	sbr.rel @p1 .LBB2_4-.Ltmp1, $4  }
0xac: {  	[sflag:s30] =	ssyncset.done $0x0  }
0xad: {  	s9 =	sadd.s32 $0x100, s7;
	[sflag:s30] =	ssyncadd.s32 $0xFFFFC000  }
0xae: {  	[tilespmem:s26], [sflag:$0x2] =	stream.indirect.gather [spmem:s3], $0x40, s9, s22, $0xb8;
	[tilespmem:$0x1FD00] =	vst v63  }
0xaf: {  	s8 =	sadd.s32 s8, s15;
	s7 =	sadd.s32 $0x200, s7  }
0xb0: {  	[tilespmem:s18], [sflag:$0x4] =	stream.linear.gather [hbm4b:s8+s4], $0x100, $0x38;
	[tilespmem:$0x1FD00] =	vst v63  }
0xb1: {  	_ =	swait.ge [sflag:s28], $0x4000  }
0xb2: {  	[sflag:s28] =	ssyncset.done $0x0  }
0xb3: {  	[sflag:s28] =	ssyncadd.s32 $0xFFFFC000  }
0xb4: {  	_ =	swait.ge [sflag:s29], $0x100  }
0xb5: {  	[sflag:s29] =	ssyncset.done $0x0  }
0xb6: {  	[sflag:s29] =	ssyncadd.s32 $0xFFFFFF00  }
0xb7: {  	[spmem:s2] =	stream.indirect.scatter.add.f32 [tilespmem:s24], [sflag:$0x5], $0x40, s16, s22, $0xb8;
	[tilespmem:$0x1FD00] =	vst v63  }
0xb8: {  	_ =	swait.ge [sflag:s30], $0x4000  }
0xb9: {  	[sflag:s30] =	ssyncset.done $0x0  }
0xba: {  	[sflag:s30] =	ssyncadd.s32 $0xFFFFC000  }
0xbb: {  	[tilespmem:s24], [sflag:$0x1] =	stream.indirect.gather [spmem:s3], $0x40, s4, s22, $0xb8;
	[tilespmem:$0x1FD00] =	vst v63  }
0xbc: {  	_ = 	snop  }
0xbd: {  	[tilespmem:s16], [sflag:$0x3] =	stream.linear.gather [hbm4b:s6+s4], $0x100, $0x38;
	[tilespmem:$0x1FD00] =	vst v63  }
0xbe: {  	_ =	swait.ge [sflag:s31], $0x4000  }
0xbf: {  	[sflag:s31] =	ssyncset.done $0x0  }
0xc0: {  	[sflag:s31] =	ssyncadd.s32 $0xFFFFC000  }
0xc1: {  	_ =	swait.ge [sflag:s1], $0x100  }
0xc2: {  	[sflag:s1] =	ssyncset.done $0x0  }
0xc3: {  	[sflag:s1] =	ssyncadd.s32 $0xFFFFFF00  }
0xc4: {  	[spmem:s2] =	stream.indirect.scatter.add.f32 [tilespmem:s26], [sflag:$0x5], $0x40, s18, s22, $0xb8;
	[tilespmem:$0x1FD00] =	vst v63  }
0xc5: {  	_ =	swait.ge [sflag:s30], $0x4000  }
0xc6: {  	[sflag:s30] =	ssyncset.done $0x0  }
0xc7: {  	[sflag:s30] =	ssyncadd.s32 $0xFFFFC000  }
0xc8: {  	[tilespmem:s26], [sflag:$0x2] =	stream.indirect.gather [spmem:s3], $0x40, s22, s22, $0xb8;
	[tilespmem:$0x1FD00] =	vst v63  }
0xc9: {  	_ = 	snop  }
0xca: {  	[tilespmem:s18], [sflag:$0x4] =	stream.linear.gather [hbm4b:s10+s4], $0x100, $0x38;
	[tilespmem:$0x1FD00] =	vst v63  }
0xcb: {  	_ =	swait.ge [sflag:s28], $0x4000  }
0xcc: {  	[sflag:s28] =	ssyncset.done $0x0  }
0xcd: {  	[sflag:s28] =	ssyncadd.s32 $0xFFFFC000  }
0xce: {  	_ =	swait.ge [sflag:s29], $0x100  }
0xcf: {  	[sflag:s29] =	ssyncset.done $0x0  }
0xd0: {  	[sflag:s29] =	ssyncadd.s32 $0xFFFFFF00  }
0xd1: {  	_ =	swait.ge [sflag:s31], $0x4000  }
0xd2: {  	[sflag:s31] =	ssyncset.done $0x0  }
0xd3: {  	[sflag:s31] =	ssyncadd.s32 $0xFFFFC000  }
0xd4: {  	_ =	swait.ge [sflag:s1], $0x100  }
0xd5: {  	[sflag:s1] =	ssyncset.done $0x0  }
0xd6: {  	[sflag:s1] =	ssyncadd.s32 $0xFFFFFF00  }
0xd7: {  	[bflag:$0x0] =	sbarrier.arrive $0xFFFF  }
0xd8: {  	[tilespmem:s20], [sflag:$0x6] =	stream.linear.gather [spmem:s13], $0x1A00, $0x38;
	[tilespmem:$0x1FD00] =	vst v63  }
0xd9: {  	_ =	swait.ge [sflag:s12], $0x1A00  }
0xda: {  	[sflag:s12] =	ssyncset.done $0x0  }
0xdb: {  	s5 =	rddreg [dreg:$0x6];
	[sflag:s12] =	ssyncadd.s32 $0xFFFFE600  }
0xdc: {  	[hbm4b:s5+s4] =	stream.linear.scatter [tilespmem:s20], [sflag:$0x6], $0x1A00, $0x38;
	[tilespmem:$0x1FD00] =	vst v63  }
0xdd: {  	_ =	swait.ge [sflag:s12], $0x1A00  }
0xde: {  	[sflag:s12] =	ssyncset.done $0x0  }
0xdf: {  	[sflag:s12] =	ssyncadd.s32 $0xFFFFE600  }
0xe0: {  	[tilespmem:s20], [sflag:$0x6] =	stream.linear.gather [spmem:s17], $0x1A00, $0x38;
	[tilespmem:$0x1FD00] =	vst v63  }
0xe1: {  	_ =	swait.ge [sflag:s12], $0x1A00  }
0xe2: {  	[sflag:s12] =	ssyncset.done $0x0  }
0xe3: {  	s7 =	rddreg [dreg:$0x7];
	[sflag:s12] =	ssyncadd.s32 $0xFFFFE600  }
0xe4: {  	[hbm4b:s7+s4] =	stream.linear.scatter [tilespmem:s20], [sflag:$0x6], $0x1A00, $0x38;
	[tilespmem:$0x1FD00] =	vst v63  }
0xe5: {  	_ =	swait.ge [sflag:s12], $0x1A00  }
0xe6: {  	[sflag:s12] =	ssyncset.done $0x0  }
0xe7: {  	[sflag:s12] =	ssyncadd.s32 $0xFFFFE600  }
0xe8: {  	[tilespmem:s20], [sflag:$0x6] =	stream.linear.gather [spmem:s19], $0x1A00, $0x38;
	[tilespmem:$0x1FD00] =	vst v63  }
0xe9: {  	_ =	swait.ge [sflag:s12], $0x1A00  }
0xea: {  	[sflag:s12] =	ssyncset.done $0x0  }
0xeb: {  	s8 =	rddreg [dreg:$0x8];
	[sflag:s12] =	ssyncadd.s32 $0xFFFFE600  }
0xec: {  	[hbm4b:s8+s4] =	stream.linear.scatter [tilespmem:s20], [sflag:$0x6], $0x1A00, $0x38;
	[tilespmem:$0x1FD00] =	vst v63  }
0xed: {  	_ =	swait.ge [sflag:s12], $0x1A00  }
0xee: {  	[sflag:s12] =	ssyncset.done $0x0  }
0xef: {  	[sflag:s12] =	ssyncadd.s32 $0xFFFFE600  }
0xf0: {  	[tilespmem:s20], [sflag:$0x6] =	stream.linear.gather [spmem:s21], $0x1A00, $0x38;
	[tilespmem:$0x1FD00] =	vst v63  }
0xf1: {  	_ =	swait.ge [sflag:s12], $0x1A00  }
0xf2: {  	[sflag:s12] =	ssyncset.done $0x0  }
0xf3: {  	s9 =	rddreg [dreg:$0x9];
	[sflag:s12] =	ssyncadd.s32 $0xFFFFE600  }
0xf4: {  	[hbm4b:s9+s4] =	stream.linear.scatter [tilespmem:s20], [sflag:$0x6], $0x1A00, $0x38;
	[tilespmem:$0x1FD00] =	vst v63  }
0xf5: {  	_ =	swait.ge [sflag:s12], $0x1A00  }
0xf6: {  	[sflag:s12] =	ssyncset.done $0x0  }
0xf7: {  	[sflag:s12] =	ssyncadd.s32 $0xFFFFE600  }
0xf8: {  	[tilespmem:s20], [sflag:$0x6] =	stream.linear.gather [spmem:s23], $0x1A00, $0x38;
	[tilespmem:$0x1FD00] =	vst v63  }
0xf9: {  	_ =	swait.ge [sflag:s12], $0x1A00  }
0xfa: {  	[sflag:s12] =	ssyncset.done $0x0  }
0xfb: {  	s7 =	rddreg [dreg:$0xa];
	[sflag:s12] =	ssyncadd.s32 $0xFFFFE600  }
0xfc: {  	[hbm4b:s7+s4] =	stream.linear.scatter [tilespmem:s20], [sflag:$0x6], $0x1A00, $0x38;
	[tilespmem:$0x1FD00] =	vst v63  }
0xfd: {  	_ =	swait.ge [sflag:s12], $0x1A00  }
0xfe: {  	[sflag:s12] =	ssyncset.done $0x0  }
0xff: {  	[sflag:s12] =	ssyncadd.s32 $0xFFFFE600  }
0x100: {  	[tilespmem:s20], [sflag:$0x6] =	stream.linear.gather [spmem:s25], $0x1A00, $0x38;
	[tilespmem:$0x1FD00] =	vst v63  }
0x101: {  	_ =	swait.ge [sflag:s12], $0x1A00  }
0x102: {  	[sflag:s12] =	ssyncset.done $0x0  }
0x103: {  	s8 =	rddreg [dreg:$0xb];
	[sflag:s12] =	ssyncadd.s32 $0xFFFFE600  }
0x104: {  	[hbm4b:s8+s4] =	stream.linear.scatter [tilespmem:s20], [sflag:$0x6], $0x1A00, $0x38;
	[tilespmem:$0x1FD00] =	vst v63  }
0x105: {  	_ =	swait.ge [sflag:s12], $0x1A00  }
0x106: {  	[sflag:s12] =	ssyncset.done $0x0  }
0x107: {  	s5 =	simm.s32 @!p0 $0xAA00;
	s7 =	simm.s32 @!p0 $0x6;
	[sflag:s12] =	ssyncadd.s32 $0xFFFFE600  }
0x108: {  	[tilespmem:s5], [sflag:$0x6] =	stream.linear.gather @!p0 [spmem:s11], $0x400, $0x38;
	[tilespmem:$0x1FD00] =	vst v63  }
0x109: {  	_ =	swait.ge @!p0 [sflag:s7], $0x400  }
0x10a: {  	[sflag:s7] =	ssyncset.done @!p0 $0x0  }
0x10b: {  	s8 =	simm.s32 @!p0 $0x0;
	s9 =	rddreg [dreg:$0x13];
	[sflag:s7] =	ssyncadd.s32 @!p0 $0xFFFFFC00  }
0x10c: {  	[hbm4b:s9+s8] =	stream.linear.scatter @!p0 [tilespmem:s5], [sflag:$0x6], $0x400, $0x38;
	[tilespmem:$0x1FD00] =	vst v63  }
0x10d: {  	_ =	swait.ge @!p0 [sflag:s7], $0x400  }
0x10e: {  	s0 =	sadd.s32 $0x1, s0;
	s9 =	rddreg [dreg:$0x14]  }
0x10f: {  	p1 =	sne.s32 s0, s9  }
.Ltmp2:
0x110: {  	_ = 	snop;
	(pc) =	sbr.rel @p1 .LBB2_1-.Ltmp2, $3  }
0x111: {  	_ =	sdelay $0x1  }
0x112: {  	[sflag:s7] =	ssyncset.done @!p0 $0x0  }
0x113: {  	[sflag:s7] =	ssyncadd.s32 @!p0 $0xFFFFFC00  }
0x114: {  	_ =	sfence.sel $0x180000  }
0x115: {  	[bflag:$0x0] =	sbarrier.arrive $0xFFFF  }
0x116: {  	_ =	strace $0x90000050  }
0x117: {  	s0 =	stileid.u32;
	[bflag:$0x2] =	sbarrier.arrive $0xFFFF  }
0x118: {  	p0 =	sne.s32 s0, $0x0;
	s0 =	rddreg [dreg:$0x4]  }
0x119: {  	s0 =	sadd.s32 @!p0 $0x100000, s0  }
0x11a: {  	[sflag:s0] =	ssyncadd.tile.s32 @!p0 $0x1;
	_ =	shalt  }
.Lfunc_end2:
_tile_overlayer_lowered:
.L_overlay_start_2:
0x11b: {  	(tag) =	ssettag $0x2  }
0x11c: {  	s0 =	rddreg [dreg:$0x0];
	s2 =	stileid.u32  }
0x11d: {  	s1 =	rddreg [dreg:$0x1];
	p0 =	sne.s32 s2, $0x0  }
0x11e: {  	s3 =	rddreg [dreg:$0x2];
	[bflag:$0x3] =	sbarrier.arrive $0xFFFF;
	s2 =	simm.s32 @!p0 $0x1C06  }
0x11f: {  	[timem:s3], [sflag:s2] =	dma.local @!p0 [hbm:s0], s1  }
0x120: {  	s0 =	simm.s32 @!p0 $0x6  }
0x121: {  	_ =	swait.ge @!p0 [sflag:s0], s1  }
0x122: {  	s1 =	ssub.s32 @!p0 $0x0, s1;
	[sflag:s0] =	ssyncset.done @!p0 $0x0  }
0x123: {  	[sflag:s0] =	ssyncadd.s32 @!p0 s1  }
0x124: {  	[bflag:$0x3] =	sbarrier.arrive $0xFFFF  }
0x125: {  	_ =	shalt  }

// kernel: kernel.9.cloned.1.call-start
scs
__scs_entry_jumppad:
0x0: {  	(pc) =	sbr.rel $0x88, $3  }
0x1: {  	(tag) =	ssettag $0x0;
	lr =	simm.s32 $0x1  }
0x2: {  	[smem:$0x3F9B] =	sst lr;
	_ =	strace $0xD0000000  }
0x3: {  	_ = 	snop  }
0x4: {  	_ = 	snop  }
0x5: {  	_ = 	snop  }
0x6: {  	_ = 	snop  }
0x7: {  	_ = 	snop  }
__scs_overlays_trampoline_lowered:
0x8: {  	[smem:$0x3FAA] =	sst s0  }
0x9: {  	[smem:$0x3FAB] =	sst s1  }
0xa: {  	[smem:$0x3FAC] =	sst s2  }
0xb: {  	[smem:$0x3FAD] =	sst s3  }
0xc: {  	[smem:$0x3FAE] =	sst s4  }
0xd: {  	[smem:$0x3FAF] =	sst s5  }
0xe: {  	[smem:$0x3FB0] =	sst s6  }
0xf: {  	[smem:$0x3FB1] =	sst s7  }
0x10: {  	[smem:$0x3FB2] =	sst s8  }
0x11: {  	[smem:$0x3FB3] =	sst s9;
	s0 =	simm.s32 @!p0 $0x0  }
0x12: {  	s1 =	sld [smem:$0x3F99];
	s0 =	simm.s32 @p0 $0x1  }
0x13: {  	[smem:$0x3FB4] =	sst s0;
	s0 =	simm.s32 @!p1 $0x0  }
0x14: {  	s2 =	sld [smem:$0x3F98];
	s0 =	simm.s32 @p1 $0x1  }
0x15: {  	[smem:$0x3FB5] =	sst s0;
	s0 =	simm.s32 @!p2 $0x0  }
0x16: {  	s3 =	sld [smem:$0x3FDB];
	s0 =	simm.s32 @p2 $0x1  }
0x17: {  	s4 =	simm.s32 $0x1BF5;
	[smem:$0x3FB7] =	sst s0  }
0x18: {  	s0 =	sld [smem:$0x3F9A];
	_ =	swait.ge [sflag:s4], $0x0  }
0x19: {  	s7 =	sld [smem:$0x3F9B]  }
0x1a: {  	s8 =	sadd.s32 $0xFFFFE003, lr  }
0x1b: {  	s9 =	sadd.s32 $0xFFFFFEF7, lr;
	s5 =	simm.s32 $0xFFFFFFFF;
	p2 =	slt.u32 s8, $0xFFFFF086  }
0x1c: {  	p1 =	slt.u32 s9, $0xF7A;
	s5 =	simm.s32 @!p2 $0x0  }
0x1d: {  	s5 =	simm.s32 @p1 $0x1;
	p0 =	seq.s32 s7, s2  }
0x1e: {  	s7 =	smul.u32 @!p0 $0xF7A, s2;
	p2 =	seq.s32 @!p0 s5, $0x0  }
0x1f: {  	s9 =	smul.u32 $0xF7A, s1;
	s8 =	simm.s32 @!p0 $0x1BF5;
	p2 =	por !p2, p0  }
0x20: {  	[sflag:s8] =	ssyncset.s32 @!p0 $0xFFFFF086;
	s6 =	sadd.s32 @!p0 s3, s7;
	s7 =	simm.s32 @!p0 $0x108  }
0x21: {  	s3 =	sadd.s32 s3, s9;
	s6 =	sadd.s32 @!p0 $0x88, s6;
	s7 =	simm.s32 @p2 $0x1082  }
0x22: {  	[simem:s7], [sflag:s8] =	dma.local @!p0 [hbm:s6], $0xF7A  }
0x23: {  	s9 =	sor.u32 $0xD0000000, s2;
	s6 =	simm.s32 $0x108;
	_ =	swait.ge @!p0 [sflag:s8], $0x0  }
0x24: {  	s3 =	sadd.s32 $0x88, s3;
	s6 =	simm.s32 @!p1 $0x1082;
	[sflag:s4] =	ssyncset.s32 $0xFFFFF086  }
0x25: {  	[simem:s6], [sflag:s4] =	dma.local [hbm:s3], $0xF7A  }
0x26: {  	[smem:$0x3F9B] =	sst s1;
	(tag) =	ssettag s2;
	_ =	strace s9  }
0x27: {  	s1 =	sld [smem:$0x3FAB]  }
0x28: {  	s2 =	sld [smem:$0x3FAC]  }
0x29: {  	s4 =	sld [smem:$0x3FAE]  }
0x2a: {  	p0 =	seq.s32 s5, $0x0;
	s5 =	sld [smem:$0x3FAF]  }
0x2b: {  	s6 =	sld [smem:$0x3FB0]  }
0x2c: {  	s7 =	sld [smem:$0x3FB1]  }
0x2d: {  	s3 =	simm.s32 $0x108;
	s8 =	sld [smem:$0x3FB2]  }
0x2e: {  	s3 =	simm.s32 @!p0 $0x1082;
	s9 =	sld [smem:$0x3FB3]  }
0x2f: {  	lr =	sadd.s32 s0, s3;
	s0 =	sld [smem:$0x3FAA]  }
0x30: {  	s3 =	sld [smem:$0x3FAD]  }
0x31: {  	[smem:$0x3FB6] =	sst s10  }
0x32: {  	s10 =	sld [smem:$0x3FB4];
	_ =	sdelay $0x3  }
0x33: {  	p0 =	seq.s32 s10, $0x1;
	s10 =	sld [smem:$0x3FB6];
	_ =	sdelay $0x3  }
0x34: {  	[smem:$0x3FB6] =	sst s10  }
0x35: {  	s10 =	sld [smem:$0x3FB5];
	_ =	sdelay $0x3  }
0x36: {  	p1 =	seq.s32 s10, $0x1;
	s10 =	sld [smem:$0x3FB6];
	_ =	sdelay $0x3  }
0x37: {  	[smem:$0x3FB6] =	sst s10  }
0x38: {  	s10 =	sld [smem:$0x3FB7]  }
0x39: {  	_ = 	snop;
	(pc) =	sbr.ind lr, $3  }
0x3a: {  	_ = 	snop  }
0x3b: {  	_ = 	snop  }
0x3c: {  	p2 =	seq.s32 s10, $0x1;
	s10 =	sld [smem:$0x3FB6]  }
0x3d: {  	_ =	shalt  }
0x3e: {  	_ =	shalt  }
0x3f: {  	_ =	shalt  }
0x40: {  	_ =	shalt  }
0x41: {  	_ =	shalt  }
0x42: {  	_ =	shalt  }
0x43: {  	_ =	shalt  }
0x44: {  	_ =	shalt  }
0x45: {  	_ =	shalt  }
0x46: {  	_ =	shalt  }
0x47: {  	_ =	shalt  }
0x48: {  	_ =	shalt  }
0x49: {  	_ =	shalt  }
0x4a: {  	_ =	shalt  }
0x4b: {  	_ =	shalt  }
0x4c: {  	_ =	shalt  }
0x4d: {  	_ =	shalt  }
0x4e: {  	_ =	shalt  }
0x4f: {  	_ =	shalt  }
0x50: {  	_ =	shalt  }
0x51: {  	_ =	shalt  }
0x52: {  	_ =	shalt  }
0x53: {  	_ =	shalt  }
0x54: {  	_ =	shalt  }
0x55: {  	_ =	shalt  }
0x56: {  	_ =	shalt  }
0x57: {  	_ =	shalt  }
0x58: {  	_ =	shalt  }
0x59: {  	_ =	shalt  }
0x5a: {  	_ =	shalt  }
0x5b: {  	_ =	shalt  }
0x5c: {  	_ =	shalt  }
0x5d: {  	_ =	shalt  }
0x5e: {  	_ =	shalt  }
0x5f: {  	_ =	shalt  }
0x60: {  	_ =	shalt  }
0x61: {  	_ =	shalt  }
0x62: {  	_ =	shalt  }
0x63: {  	_ =	shalt  }
0x64: {  	_ =	shalt  }
0x65: {  	_ =	shalt  }
0x66: {  	_ =	shalt  }
0x67: {  	_ =	shalt  }
0x68: {  	_ =	shalt  }
0x69: {  	_ =	shalt  }
0x6a: {  	_ =	shalt  }
0x6b: {  	_ =	shalt  }
0x6c: {  	_ =	shalt  }
0x6d: {  	_ =	shalt  }
0x6e: {  	_ =	shalt  }
0x6f: {  	_ =	shalt  }
0x70: {  	_ =	shalt  }
0x71: {  	_ =	shalt  }
0x72: {  	_ =	shalt  }
0x73: {  	_ =	shalt  }
0x74: {  	_ =	shalt  }
0x75: {  	_ =	shalt  }
0x76: {  	_ =	shalt  }
0x77: {  	_ =	shalt  }
0x78: {  	_ =	shalt  }
0x79: {  	_ =	shalt  }
0x7a: {  	_ =	shalt  }
0x7b: {  	_ =	shalt  }
0x7c: {  	_ =	shalt  }
0x7d: {  	_ =	shalt  }
0x7e: {  	_ =	shalt  }
0x7f: {  	_ =	shalt  }
0x80: {  	_ =	shalt  }
0x81: {  	_ =	shalt  }
0x82: {  	_ =	shalt  }
0x83: {  	_ =	shalt  }
0x84: {  	_ =	shalt  }
0x85: {  	_ =	shalt  }
0x86: {  	_ =	shalt  }
0x87: {  	_ =	shalt  }
.Lfunc_end0:
.L_simem_size_0:
called_computation_lowered:
.L_overlay_start_0:
0x88: {  	s2 =	sld [smem:$0x3FD9]  }
0x89: {  	s3 =	sld [smem:$0x3FFE];
	_ =	sdelay $0x1  }
0x8a: {  	s1 =	srdreg.scid  }
0x8b: {  	s0 =	sand.u32 $0x1, s1  }
0x8c: {  	s17 =	sshll.u32 s0, $0xA;
	s2 =	sadd.s32 s3, s2  }
0x8d: {  	s2 =	sadd.s32 s2, s17  }
0x8e: {  	[smem:$0x3FC2] =	sst s2  }
0x8f: {  	_ = 	snop  }
0x90: {  	s2 =	sld [smem:$0x3FD0];
	(tm) =	ssettm $0x1  }
0x91: {  	s18 =	sld [smem:$0x3FFB];
	_ =	sdelay $0x3  }
0x92: {  	_ =	strace s18  }
0x93: {  	s3 =	sld [smem:$0x3FFC];
	_ =	sdelay $0x3  }
0x94: {  	_ =	strace s3  }
0x95: {  	s3 =	sld [smem:$0x3FFD];
	_ =	sdelay $0x3  }
0x96: {  	_ =	strace s3  }
0x97: {  	_ =	strace $0x8FFFFFFF  }
0x98: {  	s19 =	sld [smem:$0x3FDB];
	_ =	sdelay $0x1  }
0x99: {  	s4 =	simm.s32 $_scs_section_size  }
0x9a: {  	s5 =	simm.s32 $_size__tile_overlayer_lowered;
	s6 =	simm.s32 $_tile_overlayer_lowered  }
0x9b: {  	s22 =	simm.s32 $0x1BFF;
	s21 =	sshll.u32 s6, $0x1;
	s3 =	sadd.s32 s4, s19  }
0x9c: {  	s7 =	simm.s32 $0x0;
	s20 =	sshll.u32 s5, $0x1;
	s5 =	sadd.s32 s21, s3  }
0x9d: {  	[timem:s7], [sflag:s22] =	dma.local [hbm:s5], s20  }
0x9e: {  	_ =	swait.ge [sflag:s22], s20  }
0x9f: {  	s4 =	ssub.s32 $0x0, s20;
	[sflag:s22] =	ssyncset.done $0x0  }
0xa0: {  	[sflag:s22] =	ssyncadd.s32 s4;
	_ =	sdelay $0x1  }
0xa1: {  	s23 =	simm.s32 $0x1B8B  }
0xa2: {  	_ =	swait.ge [sflag:s23], $0x1  }
0xa3: {  	[sflag:s23] =	ssyncset.done $0x0  }
0xa4: {  	s25 =	simm.s32 $0x1B8E;
	s24 =	sld [smem:$0x3FFE];
	[sflag:s23] =	ssyncadd.s32 $0xFFFFFFFF  }
0xa5: {  	s26 =	simm.s32 $execute0_lowered;
	[smem:$0x3FD2] =	sst s25  }
0xa6: {  	s5 =	sshll.u32 s26, $0x1;
	_ =	strace $0x80000046;
	[dreg:$0x1] =	wrdreg $0xFFFFFFFF  }
0xa7: {  	s28 =	simm.s32 $_size_execute0_lowered;
	s3 =	sadd.s32 s3, s5;
	[dreg:$0x0] =	wrdreg $0x0  }
0xa8: {  	s5 =	sshll.u32 s28, $0x1;
	[dreg:$0x2] =	wrdreg s3  }
0xa9: {  	[dreg:$0x3] =	wrdreg s5  }
0xaa: {  	[dreg:$0x4] =	wrdreg $0xC0  }
0xab: {  	_ =	task [dreg:s7], $0x5FFFF  }
0xac: {  	[dreg:$0x1] =	wrdreg $0xFFFFFFFF  }
0xad: {  	[dreg:$0x0] =	wrdreg $0x60  }
0xae: {  	[dreg:$0x2] =	wrdreg s24  }
0xaf: {  	[dreg:$0x3] =	wrdreg s2  }
0xb0: {  	[dreg:$0x4] =	wrdreg $0x9  }
0xb1: {  	_ =	task.clear_ibuf [dreg:s7], $0x5FFFF;
	_ =	strace $0x90000046  }
0xb2: {  	s29 =	simm.s32 $0x9;
	_ =	strace $0x80000048  }
0xb3: {  	_ =	swait.ge [sflag:s29], $0x1  }
0xb4: {  	[sflag:s29] =	ssyncadd.s32 $0xFFFFFFFF  }
0xb5: {  	_ =	strace $0x90000048  }
0xb6: {  	_ =	sfence  }
0xb7: {  	s30 =	sld [smem:$0x0];
	_ =	sdelay $0x2  }
0xb8: {  	s31 =	sshll.u32 s1, $0xD;
	s1 =	sshrl.u32 s1, $0x2  }
0xb9: {  	s3 =	sand.u32 $0x4000, s31;
	s1 =	sadd.s32 s1, s30  }
0xba: {  	s0 =	sor.u32 s3, s0;
	s1 =	sshll.u32 s1, $0x11  }
0xbb: {  	s0 =	sor.u32 s1, s0  }
0xbc: {  	s0 =	sadd.s32 $0x8F2B, s0  }
0xbd: {  	[sflag:s0] =	ssyncadd.remote.s32 $0x1  }
0xbe: {  	_ =	sfence.sel $0xFFFF  }
0xbf: {  	[dreg:$0x0] =	wrdreg $0xFFFFFFFF;
	(pc) =	sbr.abs _section_cstart, $3  }
0xc0: {  	[dreg:$0x1] =	wrdreg $0xFFFFFFFF  }
0xc1: {  	_ =	task.clear_ibuf [dreg:s7], $0x2FFFF;
	_ =	strace $0x9FFFFFFF  }
0xc2: {  	(tm) =	ssettm $0x7FFFFFFF  }
0xc3: {  	_ =	shalt  }
tec
execute0_lowered:
.L_overlay_start_1:
0x0: {  	(tag) =	ssettag $0x1  }
0x1: {  	s3 =	rddreg [dreg:$0x0];
	s1 =	srdreg.scid  }
0x2: {  	s0 =	stileid.u32;
	s5 =	rddreg [dreg:$0x1];
	s10 =	simm.s32 $0x4F00  }
0x3: {  	s11 =	simm.s32 $0x7680;
	s12 =	simm.s32 $0x80;
	s13 =	simm.s32 $0x400  }
0x4: {  	s14 =	simm.s32 $0x0;
	s4 =	sand.u32 $0x1, s1;
	s2 =	sshll.u32 s0, $0x1  }
0x5: {  	s1 =	rddreg [dreg:$0x2];
	s7 =	sshrl.u32 s0, $0x2;
	s6 =	sor.u32 s4, s2  }
0x6: {  	s2 =	simm.s32 $0x0;
	s7 =	smul.u32 $0x13C00, s7;
	s8 =	sshll.u32 s6, $0x7  }
0x7: {  	s4 =	ssub.s32 $0x2, s4;
	s6 =	smul.u32 $0x4E2, s6;
	s8 =	sand.u32 $0x380, s8  }
0x8: {  	[smem:$0x7FF] =	sst s2;
	s31 =	sshrl.u32 s4, $0x1;
	s7 =	sor.u32 s7, s8  }
0x9: {  	_ =	strace $0x80000047;
	s6 =	sadd.s32 s6, s3;
	s7 =	sshrl.u32 s7, $0x3  }
0xa: {  	s8 =	ssub.s32 s4, s31;
	s4 =	sadd.s32 $0x2C00, s6;
	s9 =	sadd.s32 s7, s3  }
0xb: {  	s3 =	sadd.s32 $0xCA00, s6;
	s5 =	sadd.s32 s5, s7;
	s7 =	smax.u32 s8, $0x1  }
0xc: {  	v0 =	vimm.f32 $0.0e+00;
	s8 =	simm.s32 $0x1;
	s6 =	sadd.s32 $0x16800, s9;
	s9 =	simm.s32 $0x2780  }
.LBB2_1:
0xd: {  	[tilespmem:s2], [sflag:$0x1] =	stream.linear.gather [hbm4b:s3+s2], $0x2710, $0x38;
	[tilespmem:$0x9E00] =	vst v63  }
0xe: {  	_ =	swait.ge [sflag:s8], $0x2710  }
0xf: {  	[sflag:s8] =	ssyncset.done $0x0  }
0x10: {  	[sflag:s8] =	ssyncadd.s32 $0xFFFFD8F0  }
0x11: {  	[tilespmem:s9], [sflag:$0x1] =	stream.linear.gather [hbm4b:s4+s2], $0x2710, $0x38;
	[tilespmem:$0x9E00] =	vst v63  }
0x12: {  	_ =	swait.ge [sflag:s8], $0x2710  }
0x13: {  	[sflag:s8] =	ssyncset.done $0x0  }
0x14: {  	s15 =	simm.s32 $0x0;
	[sflag:s8] =	ssyncadd.s32 $0xFFFFD8F0  }
.LBB2_2:
0x15: {  	p0 =	sne.s32 s15, $0x9C00  }
.Ltmp0:
0x16: {  	_ = 	snop;
	(pc) =	sbr.rel @p0 .LBB2_2-.Ltmp0, $4  }
0x17: {  	_ = 	snop  }
0x18: {  	s16 =	sshra.s32 s15, $0x2  }
0x19: {  	[tilespmem:s16+$0x4F00] =	vst v0  }
0x1a: {  	s15 =	sadd.s32 $0x40, s15;
	[tilespmem:s16+$0x7680] =	vst v0  }
0x1b: {  	s16 =	simm.s32 $0x0;
	s15 =	simm.s32 $0x40  }
.LBB2_4:
0x1c: {  	p0 =	sne.s32 s15, $0x9C00;
	v1 =	vld [tilespmem:s16+$0x0];
	_ =	sdelay $0x4  }
0x1d: {  	(xrf1) =	vunique.msk.u32 $0xffff, v1;
	_ =	sdelay $0xd  }
0x1e: {  	_, v2, vm0 =	vpop (xrf1);
	_ =	sdelay $0x3  }
0x1f: {  	v2 =	vcvt.s32.f32 v2;
	_ =	sdelay $0x1  }
0x20: {  	[tilespmem:v1+s10+$0x0] =	vst.idx.add.f32.msk vm0, v2  }
0x21: {  	v1 =	vld [tilespmem:s16+$0x2780];
	_ =	sdelay $0x4  }
0x22: {  	(xrf1) =	vunique.msk.u32 $0xffff, v1;
	_ =	sdelay $0xd  }
0x23: {  	_, v2, vm0 =	vpop (xrf1);
	_ =	sdelay $0x1  }
.Ltmp1:
0x24: {  	(pc) =	sbr.rel @p0 .LBB2_4-.Ltmp1, $3  }
0x25: {  	_ = 	snop  }
0x26: {  	v2 =	vcvt.s32.f32 v2;
	_ =	sdelay $0x1  }
0x27: {  	s16 =	sshra.s32 s15, $0x2;
	s15 =	sadd.s32 $0x40, s15;
	[tilespmem:v1+s11+$0x0] =	vst.idx.add.f32.msk vm0, v2  }
0x28: {  	v1 =	vld [tilespmem:s16+$0x0];
	_ =	sdelay $0x4  }
0x29: {  	(xrf1) =	vunique.msk.u32 $0xffff, v1;
	_ =	sdelay $0xd  }
0x2a: {  	_, v2, vm0 =	vpop (xrf1);
	_ =	sdelay $0x3  }
0x2b: {  	v2 =	vcvt.s32.f32 v2;
	_ =	sdelay $0x1  }
0x2c: {  	[tilespmem:v1+s10+$0x0] =	vst.idx.add.f32.msk vm0, v2  }
0x2d: {  	v1 =	vld [tilespmem:s16+$0x2780];
	_ =	sdelay $0x4  }
0x2e: {  	(xrf1) =	vunique.msk.u32 $0xffff, v1;
	_ =	sdelay $0xd  }
0x2f: {  	_, v2, vm0 =	vpop (xrf1);
	_ =	sdelay $0x3  }
0x30: {  	v2 =	vcvt.s32.f32 v2;
	_ =	sdelay $0x1  }
0x31: {  	[tilespmem:v1+s11+$0x0] =	vst.idx.add.f32.msk vm0, v2  }
0x32: {  	[hbm4b:s5+s12] =	stream.strided.scatter [tilespmem:s10], [sflag:$0x1], $0x2780, s13, s12, $0x38;
	[tilespmem:$0x9E00] =	vst v63  }
0x33: {  	s14 =	sadd.s32 $0x1, s14;
	_ =	swait.ge [sflag:s8], $0x2780  }
0x34: {  	p0 =	sne.s32 s14, s7;
	[sflag:s8] =	ssyncset.done $0x0  }
.Ltmp2:
0x35: {  	[sflag:s8] =	ssyncadd.s32 $0xFFFFD880;
	(pc) =	sbr.rel @p0 .LBB2_1-.Ltmp2, $4  }
0x36: {  	[hbm4b:s6+s12] =	stream.strided.scatter [tilespmem:s11], [sflag:$0x1], $0x2780, s13, s12, $0x38;
	[tilespmem:$0x9E00] =	vst v63  }
0x37: {  	_ =	swait.ge [sflag:s8], $0x2780  }
0x38: {  	[sflag:s8] =	ssyncset.done $0x0  }
0x39: {  	[sflag:s8] =	ssyncadd.s32 $0xFFFFD880  }
0x3a: {  	_ =	sfence.sel $0x180000  }
0x3b: {  	[bflag:$0x0] =	sbarrier.arrive $0xFFFF  }
0x3c: {  	p0 =	sne.s32 s0, $0x0;
	_ =	strace $0x90000047  }
0x3d: {  	s0 =	sadd.s32 @!p0 $0x100000, s1;
	[bflag:$0x2] =	sbarrier.arrive $0xFFFF  }
0x3e: {  	[sflag:s0] =	ssyncadd.tile.s32 @!p0 $0x1;
	_ =	shalt  }
.Lfunc_end2:
_tile_overlayer_lowered:
.L_overlay_start_2:
0x3f: {  	(tag) =	ssettag $0x2  }
0x40: {  	s0 =	rddreg [dreg:$0x0];
	s2 =	stileid.u32  }
0x41: {  	s1 =	rddreg [dreg:$0x1];
	p0 =	sne.s32 s2, $0x0  }
0x42: {  	s3 =	rddreg [dreg:$0x2];
	[bflag:$0x3] =	sbarrier.arrive $0xFFFF;
	s2 =	simm.s32 @!p0 $0x1C01  }
0x43: {  	[timem:s3], [sflag:s2] =	dma.local @!p0 [hbm:s0], s1  }
0x44: {  	s0 =	simm.s32 @!p0 $0x1  }
0x45: {  	_ =	swait.ge @!p0 [sflag:s0], s1  }
0x46: {  	s1 =	ssub.s32 @!p0 $0x0, s1;
	[sflag:s0] =	ssyncset.done @!p0 $0x0  }
0x47: {  	[sflag:s0] =	ssyncadd.s32 @!p0 s1  }
0x48: {  	[bflag:$0x3] =	sbarrier.arrive $0xFFFF  }
0x49: {  	_ =	shalt  }

</sc_bundles>
